<compile_context>
chip_gen: v7x
topology: tpu7x:2x2x1
jax: 0.10.2.dev20260603
libtpu: 0.0.44.dev20260713+nightly
codegen_flags: <defaults>
</compile_context>

<pallas_src>
import functools

import jax
import jax.numpy as jnp
from jax import lax
from jax.experimental import pallas as pl
from jax.experimental.pallas import tpu as pltpu
from jax.experimental.pallas import tpu_sc as plsc

EMBEDDING_DIM = 32
NUM_CORES = 2
NUM_SUBCORES = 16
NUM_WORKERS = NUM_CORES * NUM_SUBCORES
CHUNK = 512
NBUF = 7


def _make_gather(num_idx: int):
  per_w = num_idx // NUM_WORKERS
  n_chunks = per_w // CHUNK
  assert per_w % CHUNK == 0 and num_idx % NUM_WORKERS == 0

  mesh = plsc.VectorSubcoreMesh(
      core_axis_name="c", subcore_axis_name="s",
      num_cores=NUM_CORES, num_subcores=NUM_SUBCORES)

  @functools.partial(
      pl.kernel,
      mesh=mesh,
      compiler_params=pltpu.CompilerParams(use_tc_tiling_on_sc=False),
      out_type=jax.ShapeDtypeStruct((num_idx, EMBEDDING_DIM), jnp.float32),
      scratch_types=[
          pltpu.VMEM((NBUF, CHUNK), jnp.int32),
          pltpu.VMEM((NBUF, CHUNK, EMBEDDING_DIM), jnp.float32),
          pltpu.SemaphoreType.DMA,
          pltpu.SemaphoreType.DMA,
      ],
  )
  def gather_kernel(idx_hbm, tab_hbm, out_hbm, idx_v, rows_v, sem_g, sem_o):
    wid = lax.axis_index("s") * NUM_CORES + lax.axis_index("c")
    base = wid * per_w

    gathers = [None] * n_chunks
    stores = [None] * n_chunks

    def store_chunk(g):
      gathers[g].wait()
      stores[g] = pltpu.async_copy(
          rows_v.at[g % NBUF], out_hbm.at[pl.ds(base + g * CHUNK, CHUNK)],
          sem_o)

    for g in range(n_chunks):
      b = g % NBUF
      if g >= NBUF:
        stores[g - NBUF].wait()
      pltpu.sync_copy(idx_hbm.at[pl.ds(base + g * CHUNK, CHUNK)],
                      idx_v.at[b])
      gathers[g] = pltpu.async_copy(tab_hbm.at[idx_v.at[b]], rows_v.at[b],
                                    sem_g)
      if g >= NBUF - 1:
        store_chunk(g - NBUF + 1)
    for g in range(max(0, n_chunks - NBUF + 1), n_chunks):
      store_chunk(g)
    for g in range(max(0, n_chunks - NBUF), n_chunks):
      stores[g].wait()

  return gather_kernel


def kernel(input, table):
  batch, fields = input.shape
  num_idx = batch * fields
  idx = input.reshape(num_idx).astype(jnp.int32)
  out = _make_gather(num_idx)(idx, table)
  return out.reshape(batch, fields, EMBEDDING_DIM)

# --- scband reference (transcript-rebuilt; emitter-appended) ---
"""Pipeline reference for scband-embeddor-52364241273034 (READ-ONLY COPY).

The authoritative reference and input builder live on the scoring server;
editing this copy changes nothing except your own understanding.
"""

import jax, jax.numpy as jnp
import numpy as np

NUM_EMBEDDINGS = 1000000
EMBEDDING_DIM = 32
BATCH = 16384
FIELDS = 26

def setup_inputs(seed: int = 0) -> dict:
    key = jax.random.key(seed)
    k_idx, k_tab = jax.random.split(key)
    indices = jax.random.randint(k_idx, (BATCH, FIELDS), 0, NUM_EMBEDDINGS, dtype=jnp.int64 if jax.config.jax_enable_x64 else jnp.int32)
    table = jax.random.normal(k_tab, (NUM_EMBEDDINGS, EMBEDDING_DIM), dtype=jnp.float32)
    return {"input": indices, "table": table}

def reference(input, table):
    # nn.Embedding forward: row gather from the embedding table
    output = jnp.take(table, input, axis=0)
    return output

if __name__ == "__main__":
    import jax
    _d = setup_inputs()
    print(jax.jit(kernel)(*tuple(_d.values())))

</pallas_src>

<mosaic_0001>
#map = affine_map<(d0, d1) -> (0)>
#map1 = affine_map<(d0, d1) -> (0, 0)>
module attributes {stable_mosaic.version = 14 : i64} {
  func.func @gather_kernel(%arg0: i32, %arg1: i32, %arg2: memref<425984xi32, #tpu.memory_space<hbm>>, %arg3: memref<1000000x32xf32, #tpu.memory_space<hbm>>, %arg4: memref<425984x32xf32, #tpu.memory_space<hbm>>, %arg5: memref<7x512xi32, #tpu.memory_space<vmem>>, %arg6: memref<7x512x32xf32, #tpu.memory_space<vmem>>, %arg7: memref<!tpu.dma_semaphore, #tpu.memory_space<semaphore_mem>>, %arg8: memref<!tpu.dma_semaphore, #tpu.memory_space<semaphore_mem>>) attributes {dimension_semantics = [#tpu.dimension_semantics<core_parallel>, #tpu.dimension_semantics<subcore_parallel>], iteration_bounds = array<i64: 2, 16>, scalar_prefetch = 0 : i64, scratch_operands = 4 : i64, tpu.core_type = #tpu.core_type<sc_vector_subcore>, window_params = [{transform_indices = #map}, {transform_indices = #map1}, {transform_indices = #map1}]} {
    %mul3A = arith.constant 2 : i32
    %mul3A_0 = arith.muli %arg1, %mul3A : i32
    %add3A = arith.addi %mul3A_0, %arg0 : i32
    %mul3A_1 = arith.constant 13312 : i32
    %mul3A_2 = arith.muli %add3A, %mul3A_1 : i32
    %add3A_3 = arith.constant 0 : i32
    %add3A_4 = arith.addi %mul3A_2, %add3A_3 : i32
    %run_scoped3A = arith.constant 0 : i32
    "tpu.region"() ({
      %run_scoped3A_1430 = tpu.sem_alloc : memref<!tpu.dma_semaphore, #tpu.memory_space<semaphore_mem>>
      %dma_start3A_1431 = arith.constant 0 : i32
      %dma_start3A_1432 = tpu.memref_slice %arg5[%run_scoped3A, %dma_start3A_1431] : memref<7x512xi32, #tpu.memory_space<vmem>> -> memref<1x512xi32, #tpu.memory_space<vmem>>
      %dma_start3A_1433 = tpu.memref_squeeze %dma_start3A_1432 : memref<1x512xi32, #tpu.memory_space<vmem>> -> memref<512xi32, #tpu.memory_space<vmem>>
      %dma_start3A_1434 = tpu.memref_slice %arg2[%add3A_4] : memref<425984xi32, #tpu.memory_space<hbm>> -> memref<512xi32, #tpu.memory_space<hbm>>
      %dma_start3A_1435 = arith.constant 0 : i32
      %dma_start3A_1436 = tpu.memref_slice %arg5[%run_scoped3A, %dma_start3A_1435] : memref<7x512xi32, #tpu.memory_space<vmem>> -> memref<1x512xi32, #tpu.memory_space<vmem>>
      %dma_start3A_1437 = tpu.memref_squeeze %dma_start3A_1436 : memref<1x512xi32, #tpu.memory_space<vmem>> -> memref<512xi32, #tpu.memory_space<vmem>>
      %dma_start3A_1438 = tpu.memref_slice %arg2[%add3A_4] : memref<425984xi32, #tpu.memory_space<hbm>> -> memref<512xi32, #tpu.memory_space<hbm>>
      tpu.enqueue_dma source(%dma_start3A_1438 : memref<512xi32, #tpu.memory_space<hbm>>) target(%dma_start3A_1437 : memref<512xi32, #tpu.memory_space<vmem>>) target_semaphore(%run_scoped3A_1430 : memref<!tpu.dma_semaphore, #tpu.memory_space<semaphore_mem>>)
      %dma_wait3A_1439 = arith.constant 0 : i32
      %dma_wait3A_1440 = tpu.memref_slice %arg5[%run_scoped3A, %dma_wait3A_1439] : memref<7x512xi32, #tpu.memory_space<vmem>> -> memref<1x512xi32, #tpu.memory_space<vmem>>
      %dma_wait3A_1441 = tpu.memref_squeeze %dma_wait3A_1440 : memref<1x512xi32, #tpu.memory_space<vmem>> -> memref<512xi32, #tpu.memory_space<vmem>>
      %dma_wait3A_1442 = tpu.memref_slice %arg2[%add3A_4] : memref<425984xi32, #tpu.memory_space<hbm>> -> memref<512xi32, #tpu.memory_space<hbm>>
      %dma_wait3A_1443 = arith.constant 0 : i32
      %dma_wait3A_1444 = tpu.memref_slice %arg5[%run_scoped3A, %dma_wait3A_1443] : memref<7x512xi32, #tpu.memory_space<vmem>> -> memref<1x512xi32, #tpu.memory_space<vmem>>
      %dma_wait3A_1445 = tpu.memref_squeeze %dma_wait3A_1444 : memref<1x512xi32, #tpu.memory_space<vmem>> -> memref<512xi32, #tpu.memory_space<vmem>>
      %dma_wait3A_1446 = tpu.memref_slice %arg2[%add3A_4] : memref<425984xi32, #tpu.memory_space<hbm>> -> memref<512xi32, #tpu.memory_space<hbm>>
      tpu.wait_dma2 semaphore(%run_scoped3A_1430 : memref<!tpu.dma_semaphore, #tpu.memory_space<semaphore_mem>>) src(%dma_wait3A_1446 : memref<512xi32, #tpu.memory_space<hbm>>) dst(%dma_wait3A_1445 : memref<512xi32, #tpu.memory_space<vmem>>)
      tpu.yield
    }) : () -> ()
    %dma_start3A = arith.constant 0 : i32
    %dma_start3A_5 = arith.constant 0 : i32
    %dma_start3A_6 = arith.constant 0 : i32
    %dma_start3A_7 = arith.constant 0 : i32
    %dma_start3A_8 = tpu.memref_slice %arg6[%dma_start3A_5, %dma_start3A_6, %dma_start3A_7] : memref<7x512x32xf32, #tpu.memory_space<vmem>> -> memref<1x512x32xf32, #tpu.memory_space<vmem>>
    %dma_start3A_9 = tpu.memref_squeeze %dma_start3A_8 : memref<1x512x32xf32, #tpu.memory_space<vmem>> -> memref<512x32xf32, #tpu.memory_space<vmem>>
    %dma_start3A_10 = arith.constant 0 : i32
    %dma_start3A_11 = tpu.memref_slice %arg5[%dma_start3A, %dma_start3A_10] : memref<7x512xi32, #tpu.memory_space<vmem>> -> memref<1x512xi32, #tpu.memory_space<vmem>>
    %dma_start3A_12 = tpu.memref_squeeze %dma_start3A_11 : memref<1x512xi32, #tpu.memory_space<vmem>> -> memref<512xi32, #tpu.memory_space<vmem>>
    %dma_start3A_13 = arith.constant 0 : i32
    %dma_start3A_14 = arith.constant 0 : i32
    %dma_start3A_15 = tpu.memref_slice %arg3[%dma_start3A_13, %dma_start3A_14] : memref<1000000x32xf32, #tpu.memory_space<hbm>> -> memref<1000000x32xf32, #tpu.memory_space<hbm>>
    tpu.enqueue_indirect_dma source(%dma_start3A_15 : memref<1000000x32xf32, #tpu.memory_space<hbm>>) target(%dma_start3A_9 : memref<512x32xf32, #tpu.memory_space<vmem>>) offsets(%dma_start3A_12 : memref<512xi32, #tpu.memory_space<vmem>>) semaphore(%arg7 : memref<!tpu.dma_semaphore, #tpu.memory_space<semaphore_mem>>)
    %add3A_16 = arith.constant 512 : i32
    %add3A_17 = arith.addi %mul3A_2, %add3A_16 : i32
    %run_scoped3A_18 = arith.constant 1 : i32
    "tpu.region"() ({
      %run_scoped3A_1430 = tpu.sem_alloc : memref<!tpu.dma_semaphore, #tpu.memory_space<semaphore_mem>>
      %dma_start3A_1431 = arith.constant 0 : i32
      %dma_start3A_1432 = tpu.memref_slice %arg5[%run_scoped3A_18, %dma_start3A_1431] : memref<7x512xi32, #tpu.memory_space<vmem>> -> memref<1x512xi32, #tpu.memory_space<vmem>>
      %dma_start3A_1433 = tpu.memref_squeeze %dma_start3A_1432 : memref<1x512xi32, #tpu.memory_space<vmem>> -> memref<512xi32, #tpu.memory_space<vmem>>
      %dma_start3A_1434 = tpu.memref_slice %arg2[%add3A_17] : memref<425984xi32, #tpu.memory_space<hbm>> -> memref<512xi32, #tpu.memory_space<hbm>>
      %dma_start3A_1435 = arith.constant 0 : i32
      %dma_start3A_1436 = tpu.memref_slice %arg5[%run_scoped3A_18, %dma_start3A_1435] : memref<7x512xi32, #tpu.memory_space<vmem>> -> memref<1x512xi32, #tpu.memory_space<vmem>>
      %dma_start3A_1437 = tpu.memref_squeeze %dma_start3A_1436 : memref<1x512xi32, #tpu.memory_space<vmem>> -> memref<512xi32, #tpu.memory_space<vmem>>
      %dma_start3A_1438 = tpu.memref_slice %arg2[%add3A_17] : memref<425984xi32, #tpu.memory_space<hbm>> -> memref<512xi32, #tpu.memory_space<hbm>>
      tpu.enqueue_dma source(%dma_start3A_1438 : memref<512xi32, #tpu.memory_space<hbm>>) target(%dma_start3A_1437 : memref<512xi32, #tpu.memory_space<vmem>>) target_semaphore(%run_scoped3A_1430 : memref<!tpu.dma_semaphore, #tpu.memory_space<semaphore_mem>>)
      %dma_wait3A_1439 = arith.constant 0 : i32
      %dma_wait3A_1440 = tpu.memref_slice %arg5[%run_scoped3A_18, %dma_wait3A_1439] : memref<7x512xi32, #tpu.memory_space<vmem>> -> memref<1x512xi32, #tpu.memory_space<vmem>>
      %dma_wait3A_1441 = tpu.memref_squeeze %dma_wait3A_1440 : memref<1x512xi32, #tpu.memory_space<vmem>> -> memref<512xi32, #tpu.memory_space<vmem>>
      %dma_wait3A_1442 = tpu.memref_slice %arg2[%add3A_17] : memref<425984xi32, #tpu.memory_space<hbm>> -> memref<512xi32, #tpu.memory_space<hbm>>
      %dma_wait3A_1443 = arith.constant 0 : i32
      %dma_wait3A_1444 = tpu.memref_slice %arg5[%run_scoped3A_18, %dma_wait3A_1443] : memref<7x512xi32, #tpu.memory_space<vmem>> -> memref<1x512xi32, #tpu.memory_space<vmem>>
      %dma_wait3A_1445 = tpu.memref_squeeze %dma_wait3A_1444 : memref<1x512xi32, #tpu.memory_space<vmem>> -> memref<512xi32, #tpu.memory_space<vmem>>
      %dma_wait3A_1446 = tpu.memref_slice %arg2[%add3A_17] : memref<425984xi32, #tpu.memory_space<hbm>> -> memref<512xi32, #tpu.memory_space<hbm>>
      tpu.wait_dma2 semaphore(%run_scoped3A_1430 : memref<!tpu.dma_semaphore, #tpu.memory_space<semaphore_mem>>) src(%dma_wait3A_1446 : memref<512xi32, #tpu.memory_space<hbm>>) dst(%dma_wait3A_1445 : memref<512xi32, #tpu.memory_space<vmem>>)
      tpu.yield
    }) : () -> ()
    %dma_start3A_19 = arith.constant 1 : i32
    %dma_start3A_20 = arith.constant 1 : i32
    %dma_start3A_21 = arith.constant 0 : i32
    %dma_start3A_22 = arith.constant 0 : i32
    %dma_start3A_23 = tpu.memref_slice %arg6[%dma_start3A_20, %dma_start3A_21, %dma_start3A_22] : memref<7x512x32xf32, #tpu.memory_space<vmem>> -> memref<1x512x32xf32, #tpu.memory_space<vmem>>
    %dma_start3A_24 = tpu.memref_squeeze %dma_start3A_23 : memref<1x512x32xf32, #tpu.memory_space<vmem>> -> memref<512x32xf32, #tpu.memory_space<vmem>>
    %dma_start3A_25 = arith.constant 0 : i32
    %dma_start3A_26 = tpu.memref_slice %arg5[%dma_start3A_19, %dma_start3A_25] : memref<7x512xi32, #tpu.memory_space<vmem>> -> memref<1x512xi32, #tpu.memory_space<vmem>>
    %dma_start3A_27 = tpu.memref_squeeze %dma_start3A_26 : memref<1x512xi32, #tpu.memory_space<vmem>> -> memref<512xi32, #tpu.memory_space<vmem>>
    %dma_start3A_28 = arith.constant 0 : i32
    %dma_start3A_29 = arith.constant 0 : i32
    %dma_start3A_30 = tpu.memref_slice %arg3[%dma_start3A_28, %dma_start3A_29] : memref<1000000x32xf32, #tpu.memory_space<hbm>> -> memref<1000000x32xf32, #tpu.memory_space<hbm>>
    tpu.enqueue_indirect_dma source(%dma_start3A_30 : memref<1000000x32xf32, #tpu.memory_space<hbm>>) target(%dma_start3A_24 : memref<512x32xf32, #tpu.memory_space<vmem>>) offsets(%dma_start3A_27 : memref<512xi32, #tpu.memory_space<vmem>>) semaphore(%arg7 : memref<!tpu.dma_semaphore, #tpu.memory_space<semaphore_mem>>)
    %add3A_31 = arith.constant 1024 : i32
    %add3A_32 = arith.addi %mul3A_2, %add3A_31 : i32
    %run_scoped3A_33 = arith.constant 2 : i32
    "tpu.region"() ({
      %run_scoped3A_1430 = tpu.sem_alloc : memref<!tpu.dma_semaphore, #tpu.memory_space<semaphore_mem>>
      %dma_start3A_1431 = arith.constant 0 : i32
      %dma_start3A_1432 = tpu.memref_slice %arg5[%run_scoped3A_33, %dma_start3A_1431] : memref<7x512xi32, #tpu.memory_space<vmem>> -> memref<1x512xi32, #tpu.memory_space<vmem>>
      %dma_start3A_1433 = tpu.memref_squeeze %dma_start3A_1432 : memref<1x512xi32, #tpu.memory_space<vmem>> -> memref<512xi32, #tpu.memory_space<vmem>>
      %dma_start3A_1434 = tpu.memref_slice %arg2[%add3A_32] : memref<425984xi32, #tpu.memory_space<hbm>> -> memref<512xi32, #tpu.memory_space<hbm>>
      %dma_start3A_1435 = arith.constant 0 : i32
      %dma_start3A_1436 = tpu.memref_slice %arg5[%run_scoped3A_33, %dma_start3A_1435] : memref<7x512xi32, #tpu.memory_space<vmem>> -> memref<1x512xi32, #tpu.memory_space<vmem>>
      %dma_start3A_1437 = tpu.memref_squeeze %dma_start3A_1436 : memref<1x512xi32, #tpu.memory_space<vmem>> -> memref<512xi32, #tpu.memory_space<vmem>>
      %dma_start3A_1438 = tpu.memref_slice %arg2[%add3A_32] : memref<425984xi32, #tpu.memory_space<hbm>> -> memref<512xi32, #tpu.memory_space<hbm>>
      tpu.enqueue_dma source(%dma_start3A_1438 : memref<512xi32, #tpu.memory_space<hbm>>) target(%dma_start3A_1437 : memref<512xi32, #tpu.memory_space<vmem>>) target_semaphore(%run_scoped3A_1430 : memref<!tpu.dma_semaphore, #tpu.memory_space<semaphore_mem>>)
      %dma_wait3A_1439 = arith.constant 0 : i32
      %dma_wait3A_1440 = tpu.memref_slice %arg5[%run_scoped3A_33, %dma_wait3A_1439] : memref<7x512xi32, #tpu.memory_space<vmem>> -> memref<1x512xi32, #tpu.memory_space<vmem>>
      %dma_wait3A_1441 = tpu.memref_squeeze %dma_wait3A_1440 : memref<1x512xi32, #tpu.memory_space<vmem>> -> memref<512xi32, #tpu.memory_space<vmem>>
      %dma_wait3A_1442 = tpu.memref_slice %arg2[%add3A_32] : memref<425984xi32, #tpu.memory_space<hbm>> -> memref<512xi32, #tpu.memory_space<hbm>>
      %dma_wait3A_1443 = arith.constant 0 : i32
      %dma_wait3A_1444 = tpu.memref_slice %arg5[%run_scoped3A_33, %dma_wait3A_1443] : memref<7x512xi32, #tpu.memory_space<vmem>> -> memref<1x512xi32, #tpu.memory_space<vmem>>
      %dma_wait3A_1445 = tpu.memref_squeeze %dma_wait3A_1444 : memref<1x512xi32, #tpu.memory_space<vmem>> -> memref<512xi32, #tpu.memory_space<vmem>>
      %dma_wait3A_1446 = tpu.memref_slice %arg2[%add3A_32] : memref<425984xi32, #tpu.memory_space<hbm>> -> memref<512xi32, #tpu.memory_space<hbm>>
      tpu.wait_dma2 semaphore(%run_scoped3A_1430 : memref<!tpu.dma_semaphore, #tpu.memory_space<semaphore_mem>>) src(%dma_wait3A_1446 : memref<512xi32, #tpu.memory_space<hbm>>) dst(%dma_wait3A_1445 : memref<512xi32, #tpu.memory_space<vmem>>)
      tpu.yield
    }) : () -> ()
    %dma_start3A_34 = arith.constant 2 : i32
    %dma_start3A_35 = arith.constant 2 : i32
    %dma_start3A_36 = arith.constant 0 : i32
    %dma_start3A_37 = arith.constant 0 : i32
    %dma_start3A_38 = tpu.memref_slice %arg6[%dma_start3A_35, %dma_start3A_36, %dma_start3A_37] : memref<7x512x32xf32, #tpu.memory_space<vmem>> -> memref<1x512x32xf32, #tpu.memory_space<vmem>>
    %dma_start3A_39 = tpu.memref_squeeze %dma_start3A_38 : memref<1x512x32xf32, #tpu.memory_space<vmem>> -> memref<512x32xf32, #tpu.memory_space<vmem>>
    %dma_start3A_40 = arith.constant 0 : i32
    %dma_start3A_41 = tpu.memref_slice %arg5[%dma_start3A_34, %dma_start3A_40] : memref<7x512xi32, #tpu.memory_space<vmem>> -> memref<1x512xi32, #tpu.memory_space<vmem>>
    %dma_start3A_42 = tpu.memref_squeeze %dma_start3A_41 : memref<1x512xi32, #tpu.memory_space<vmem>> -> memref<512xi32, #tpu.memory_space<vmem>>
    %dma_start3A_43 = arith.constant 0 : i32
    %dma_start3A_44 = arith.constant 0 : i32
    %dma_start3A_45 = tpu.memref_slice %arg3[%dma_start3A_43, %dma_start3A_44] : memref<1000000x32xf32, #tpu.memory_space<hbm>> -> memref<1000000x32xf32, #tpu.memory_space<hbm>>
    tpu.enqueue_indirect_dma source(%dma_start3A_45 : memref<1000000x32xf32, #tpu.memory_space<hbm>>) target(%dma_start3A_39 : memref<512x32xf32, #tpu.memory_space<vmem>>) offsets(%dma_start3A_42 : memref<512xi32, #tpu.memory_space<vmem>>) semaphore(%arg7 : memref<!tpu.dma_semaphore, #tpu.memory_space<semaphore_mem>>)
    %add3A_46 = arith.constant 1536 : i32
    %add3A_47 = arith.addi %mul3A_2, %add3A_46 : i32
    %run_scoped3A_48 = arith.constant 3 : i32
    "tpu.region"() ({
      %run_scoped3A_1430 = tpu.sem_alloc : memref<!tpu.dma_semaphore, #tpu.memory_space<semaphore_mem>>
      %dma_start3A_1431 = arith.constant 0 : i32
      %dma_start3A_1432 = tpu.memref_slice %arg5[%run_scoped3A_48, %dma_start3A_1431] : memref<7x512xi32, #tpu.memory_space<vmem>> -> memref<1x512xi32, #tpu.memory_space<vmem>>
      %dma_start3A_1433 = tpu.memref_squeeze %dma_start3A_1432 : memref<1x512xi32, #tpu.memory_space<vmem>> -> memref<512xi32, #tpu.memory_space<vmem>>
      %dma_start3A_1434 = tpu.memref_slice %arg2[%add3A_47] : memref<425984xi32, #tpu.memory_space<hbm>> -> memref<512xi32, #tpu.memory_space<hbm>>
      %dma_start3A_1435 = arith.constant 0 : i32
      %dma_start3A_1436 = tpu.memref_slice %arg5[%run_scoped3A_48, %dma_start3A_1435] : memref<7x512xi32, #tpu.memory_space<vmem>> -> memref<1x512xi32, #tpu.memory_space<vmem>>
      %dma_start3A_1437 = tpu.memref_squeeze %dma_start3A_1436 : memref<1x512xi32, #tpu.memory_space<vmem>> -> memref<512xi32, #tpu.memory_space<vmem>>
      %dma_start3A_1438 = tpu.memref_slice %arg2[%add3A_47] : memref<425984xi32, #tpu.memory_space<hbm>> -> memref<512xi32, #tpu.memory_space<hbm>>
      tpu.enqueue_dma source(%dma_start3A_1438 : memref<512xi32, #tpu.memory_space<hbm>>) target(%dma_start3A_1437 : memref<512xi32, #tpu.memory_space<vmem>>) target_semaphore(%run_scoped3A_1430 : memref<!tpu.dma_semaphore, #tpu.memory_space<semaphore_mem>>)
      %dma_wait3A_1439 = arith.constant 0 : i32
      %dma_wait3A_1440 = tpu.memref_slice %arg5[%run_scoped3A_48, %dma_wait3A_1439] : memref<7x512xi32, #tpu.memory_space<vmem>> -> memref<1x512xi32, #tpu.memory_space<vmem>>
      %dma_wait3A_1441 = tpu.memref_squeeze %dma_wait3A_1440 : memref<1x512xi32, #tpu.memory_space<vmem>> -> memref<512xi32, #tpu.memory_space<vmem>>
      %dma_wait3A_1442 = tpu.memref_slice %arg2[%add3A_47] : memref<425984xi32, #tpu.memory_space<hbm>> -> memref<512xi32, #tpu.memory_space<hbm>>
      %dma_wait3A_1443 = arith.constant 0 : i32
      %dma_wait3A_1444 = tpu.memref_slice %arg5[%run_scoped3A_48, %dma_wait3A_1443] : memref<7x512xi32, #tpu.memory_space<vmem>> -> memref<1x512xi32, #tpu.memory_space<vmem>>
      %dma_wait3A_1445 = tpu.memref_squeeze %dma_wait3A_1444 : memref<1x512xi32, #tpu.memory_space<vmem>> -> memref<512xi32, #tpu.memory_space<vmem>>
      %dma_wait3A_1446 = tpu.memref_slice %arg2[%add3A_47] : memref<425984xi32, #tpu.memory_space<hbm>> -> memref<512xi32, #tpu.memory_space<hbm>>
      tpu.wait_dma2 semaphore(%run_scoped3A_1430 : memref<!tpu.dma_semaphore, #tpu.memory_space<semaphore_mem>>) src(%dma_wait3A_1446 : memref<512xi32, #tpu.memory_space<hbm>>) dst(%dma_wait3A_1445 : memref<512xi32, #tpu.memory_space<vmem>>)
      tpu.yield
    }) : () -> ()
    %dma_start3A_49 = arith.constant 3 : i32
    %dma_start3A_50 = arith.constant 3 : i32
    %dma_start3A_51 = arith.constant 0 : i32
    %dma_start3A_52 = arith.constant 0 : i32
    %dma_start3A_53 = tpu.memref_slice %arg6[%dma_start3A_50, %dma_start3A_51, %dma_start3A_52] : memref<7x512x32xf32, #tpu.memory_space<vmem>> -> memref<1x512x32xf32, #tpu.memory_space<vmem>>
    %dma_start3A_54 = tpu.memref_squeeze %dma_start3A_53 : memref<1x512x32xf32, #tpu.memory_space<vmem>> -> memref<512x32xf32, #tpu.memory_space<vmem>>
    %dma_start3A_55 = arith.constant 0 : i32
    %dma_start3A_56 = tpu.memref_slice %arg5[%dma_start3A_49, %dma_start3A_55] : memref<7x512xi32, #tpu.memory_space<vmem>> -> memref<1x512xi32, #tpu.memory_space<vmem>>
    %dma_start3A_57 = tpu.memref_squeeze %dma_start3A_56 : memref<1x512xi32, #tpu.memory_space<vmem>> -> memref<512xi32, #tpu.memory_space<vmem>>
    %dma_start3A_58 = arith.constant 0 : i32
    %dma_start3A_59 = arith.constant 0 : i32
    %dma_start3A_60 = tpu.memref_slice %arg3[%dma_start3A_58, %dma_start3A_59] : memref<1000000x32xf32, #tpu.memory_space<hbm>> -> memref<1000000x32xf32, #tpu.memory_space<hbm>>
    tpu.enqueue_indirect_dma source(%dma_start3A_60 : memref<1000000x32xf32, #tpu.memory_space<hbm>>) target(%dma_start3A_54 : memref<512x32xf32, #tpu.memory_space<vmem>>) offsets(%dma_start3A_57 : memref<512xi32, #tpu.memory_space<vmem>>) semaphore(%arg7 : memref<!tpu.dma_semaphore, #tpu.memory_space<semaphore_mem>>)
    %add3A_61 = arith.constant 2048 : i32
    %add3A_62 = arith.addi %mul3A_2, %add3A_61 : i32
    %run_scoped3A_63 = arith.constant 4 : i32
    "tpu.region"() ({
      %run_scoped3A_1430 = tpu.sem_alloc : memref<!tpu.dma_semaphore, #tpu.memory_space<semaphore_mem>>
      %dma_start3A_1431 = arith.constant 0 : i32
      %dma_start3A_1432 = tpu.memref_slice %arg5[%run_scoped3A_63, %dma_start3A_1431] : memref<7x512xi32, #tpu.memory_space<vmem>> -> memref<1x512xi32, #tpu.memory_space<vmem>>
      %dma_start3A_1433 = tpu.memref_squeeze %dma_start3A_1432 : memref<1x512xi32, #tpu.memory_space<vmem>> -> memref<512xi32, #tpu.memory_space<vmem>>
      %dma_start3A_1434 = tpu.memref_slice %arg2[%add3A_62] : memref<425984xi32, #tpu.memory_space<hbm>> -> memref<512xi32, #tpu.memory_space<hbm>>
      %dma_start3A_1435 = arith.constant 0 : i32
      %dma_start3A_1436 = tpu.memref_slice %arg5[%run_scoped3A_63, %dma_start3A_1435] : memref<7x512xi32, #tpu.memory_space<vmem>> -> memref<1x512xi32, #tpu.memory_space<vmem>>
      %dma_start3A_1437 = tpu.memref_squeeze %dma_start3A_1436 : memref<1x512xi32, #tpu.memory_space<vmem>> -> memref<512xi32, #tpu.memory_space<vmem>>
      %dma_start3A_1438 = tpu.memref_slice %arg2[%add3A_62] : memref<425984xi32, #tpu.memory_space<hbm>> -> memref<512xi32, #tpu.memory_space<hbm>>
      tpu.enqueue_dma source(%dma_start3A_1438 : memref<512xi32, #tpu.memory_space<hbm>>) target(%dma_start3A_1437 : memref<512xi32, #tpu.memory_space<vmem>>) target_semaphore(%run_scoped3A_1430 : memref<!tpu.dma_semaphore, #tpu.memory_space<semaphore_mem>>)
      %dma_wait3A_1439 = arith.constant 0 : i32
      %dma_wait3A_1440 = tpu.memref_slice %arg5[%run_scoped3A_63, %dma_wait3A_1439] : memref<7x512xi32, #tpu.memory_space<vmem>> -> memref<1x512xi32, #tpu.memory_space<vmem>>
      %dma_wait3A_1441 = tpu.memref_squeeze %dma_wait3A_1440 : memref<1x512xi32, #tpu.memory_space<vmem>> -> memref<512xi32, #tpu.memory_space<vmem>>
      %dma_wait3A_1442 = tpu.memref_slice %arg2[%add3A_62] : memref<425984xi32, #tpu.memory_space<hbm>> -> memref<512xi32, #tpu.memory_space<hbm>>
      %dma_wait3A_1443 = arith.constant 0 : i32
      %dma_wait3A_1444 = tpu.memref_slice %arg5[%run_scoped3A_63, %dma_wait3A_1443] : memref<7x512xi32, #tpu.memory_space<vmem>> -> memref<1x512xi32, #tpu.memory_space<vmem>>
      %dma_wait3A_1445 = tpu.memref_squeeze %dma_wait3A_1444 : memref<1x512xi32, #tpu.memory_space<vmem>> -> memref<512xi32, #tpu.memory_space<vmem>>
      %dma_wait3A_1446 = tpu.memref_slice %arg2[%add3A_62] : memref<425984xi32, #tpu.memory_space<hbm>> -> memref<512xi32, #tpu.memory_space<hbm>>
      tpu.wait_dma2 semaphore(%run_scoped3A_1430 : memref<!tpu.dma_semaphore, #tpu.memory_space<semaphore_mem>>) src(%dma_wait3A_1446 : memref<512xi32, #tpu.memory_space<hbm>>) dst(%dma_wait3A_1445 : memref<512xi32, #tpu.memory_space<vmem>>)
      tpu.yield
    }) : () -> ()
    %dma_start3A_64 = arith.constant 4 : i32
    %dma_start3A_65 = arith.constant 4 : i32
    %dma_start3A_66 = arith.constant 0 : i32
    %dma_start3A_67 = arith.constant 0 : i32
    %dma_start3A_68 = tpu.memref_slice %arg6[%dma_start3A_65, %dma_start3A_66, %dma_start3A_67] : memref<7x512x32xf32, #tpu.memory_space<vmem>> -> memref<1x512x32xf32, #tpu.memory_space<vmem>>
    %dma_start3A_69 = tpu.memref_squeeze %dma_start3A_68 : memref<1x512x32xf32, #tpu.memory_space<vmem>> -> memref<512x32xf32, #tpu.memory_space<vmem>>
    %dma_start3A_70 = arith.constant 0 : i32
    %dma_start3A_71 = tpu.memref_slice %arg5[%dma_start3A_64, %dma_start3A_70] : memref<7x512xi32, #tpu.memory_space<vmem>> -> memref<1x512xi32, #tpu.memory_space<vmem>>
    %dma_start3A_72 = tpu.memref_squeeze %dma_start3A_71 : memref<1x512xi32, #tpu.memory_space<vmem>> -> memref<512xi32, #tpu.memory_space<vmem>>
    %dma_start3A_73 = arith.constant 0 : i32
    %dma_start3A_74 = arith.constant 0 : i32
    %dma_start3A_75 = tpu.memref_slice %arg3[%dma_start3A_73, %dma_start3A_74] : memref<1000000x32xf32, #tpu.memory_space<hbm>> -> memref<1000000x32xf32, #tpu.memory_space<hbm>>
    tpu.enqueue_indirect_dma source(%dma_start3A_75 : memref<1000000x32xf32, #tpu.memory_space<hbm>>) target(%dma_start3A_69 : memref<512x32xf32, #tpu.memory_space<vmem>>) offsets(%dma_start3A_72 : memref<512xi32, #tpu.memory_space<vmem>>) semaphore(%arg7 : memref<!tpu.dma_semaphore, #tpu.memory_space<semaphore_mem>>)
    %add3A_76 = arith.constant 2560 : i32
    %add3A_77 = arith.addi %mul3A_2, %add3A_76 : i32
    %run_scoped3A_78 = arith.constant 5 : i32
    "tpu.region"() ({
      %run_scoped3A_1430 = tpu.sem_alloc : memref<!tpu.dma_semaphore, #tpu.memory_space<semaphore_mem>>
      %dma_start3A_1431 = arith.constant 0 : i32
      %dma_start3A_1432 = tpu.memref_slice %arg5[%run_scoped3A_78, %dma_start3A_1431] : memref<7x512xi32, #tpu.memory_space<vmem>> -> memref<1x512xi32, #tpu.memory_space<vmem>>
      %dma_start3A_1433 = tpu.memref_squeeze %dma_start3A_1432 : memref<1x512xi32, #tpu.memory_space<vmem>> -> memref<512xi32, #tpu.memory_space<vmem>>
      %dma_start3A_1434 = tpu.memref_slice %arg2[%add3A_77] : memref<425984xi32, #tpu.memory_space<hbm>> -> memref<512xi32, #tpu.memory_space<hbm>>
      %dma_start3A_1435 = arith.constant 0 : i32
      %dma_start3A_1436 = tpu.memref_slice %arg5[%run_scoped3A_78, %dma_start3A_1435] : memref<7x512xi32, #tpu.memory_space<vmem>> -> memref<1x512xi32, #tpu.memory_space<vmem>>
      %dma_start3A_1437 = tpu.memref_squeeze %dma_start3A_1436 : memref<1x512xi32, #tpu.memory_space<vmem>> -> memref<512xi32, #tpu.memory_space<vmem>>
      %dma_start3A_1438 = tpu.memref_slice %arg2[%add3A_77] : memref<425984xi32, #tpu.memory_space<hbm>> -> memref<512xi32, #tpu.memory_space<hbm>>
      tpu.enqueue_dma source(%dma_start3A_1438 : memref<512xi32, #tpu.memory_space<hbm>>) target(%dma_start3A_1437 : memref<512xi32, #tpu.memory_space<vmem>>) target_semaphore(%run_scoped3A_1430 : memref<!tpu.dma_semaphore, #tpu.memory_space<semaphore_mem>>)
      %dma_wait3A_1439 = arith.constant 0 : i32
      %dma_wait3A_1440 = tpu.memref_slice %arg5[%run_scoped3A_78, %dma_wait3A_1439] : memref<7x512xi32, #tpu.memory_space<vmem>> -> memref<1x512xi32, #tpu.memory_space<vmem>>
      %dma_wait3A_1441 = tpu.memref_squeeze %dma_wait3A_1440 : memref<1x512xi32, #tpu.memory_space<vmem>> -> memref<512xi32, #tpu.memory_space<vmem>>
      %dma_wait3A_1442 = tpu.memref_slice %arg2[%add3A_77] : memref<425984xi32, #tpu.memory_space<hbm>> -> memref<512xi32, #tpu.memory_space<hbm>>
      %dma_wait3A_1443 = arith.constant 0 : i32
      %dma_wait3A_1444 = tpu.memref_slice %arg5[%run_scoped3A_78, %dma_wait3A_1443] : memref<7x512xi32, #tpu.memory_space<vmem>> -> memref<1x512xi32, #tpu.memory_space<vmem>>
      %dma_wait3A_1445 = tpu.memref_squeeze %dma_wait3A_1444 : memref<1x512xi32, #tpu.memory_space<vmem>> -> memref<512xi32, #tpu.memory_space<vmem>>
      %dma_wait3A_1446 = tpu.memref_slice %arg2[%add3A_77] : memref<425984xi32, #tpu.memory_space<hbm>> -> memref<512xi32, #tpu.memory_space<hbm>>
      tpu.wait_dma2 semaphore(%run_scoped3A_1430 : memref<!tpu.dma_semaphore, #tpu.memory_space<semaphore_mem>>) src(%dma_wait3A_1446 : memref<512xi32, #tpu.memory_space<hbm>>) dst(%dma_wait3A_1445 : memref<512xi32, #tpu.memory_space<vmem>>)
      tpu.yield
    }) : () -> ()
    %dma_start3A_79 = arith.constant 5 : i32
    %dma_start3A_80 = arith.constant 5 : i32
    %dma_start3A_81 = arith.constant 0 : i32
    %dma_start3A_82 = arith.constant 0 : i32
    %dma_start3A_83 = tpu.memref_slice %arg6[%dma_start3A_80, %dma_start3A_81, %dma_start3A_82] : memref<7x512x32xf32, #tpu.memory_space<vmem>> -> memref<1x512x32xf32, #tpu.memory_space<vmem>>
    %dma_start3A_84 = tpu.memref_squeeze %dma_start3A_83 : memref<1x512x32xf32, #tpu.memory_space<vmem>> -> memref<512x32xf32, #tpu.memory_space<vmem>>
    %dma_start3A_85 = arith.constant 0 : i32
    %dma_start3A_86 = tpu.memref_slice %arg5[%dma_start3A_79, %dma_start3A_85] : memref<7x512xi32, #tpu.memory_space<vmem>> -> memref<1x512xi32, #tpu.memory_space<vmem>>
    %dma_start3A_87 = tpu.memref_squeeze %dma_start3A_86 : memref<1x512xi32, #tpu.memory_space<vmem>> -> memref<512xi32, #tpu.memory_space<vmem>>
    %dma_start3A_88 = arith.constant 0 : i32
    %dma_start3A_89 = arith.constant 0 : i32
    %dma_start3A_90 = tpu.memref_slice %arg3[%dma_start3A_88, %dma_start3A_89] : memref<1000000x32xf32, #tpu.memory_space<hbm>> -> memref<1000000x32xf32, #tpu.memory_space<hbm>>
    tpu.enqueue_indirect_dma source(%dma_start3A_90 : memref<1000000x32xf32, #tpu.memory_space<hbm>>) target(%dma_start3A_84 : memref<512x32xf32, #tpu.memory_space<vmem>>) offsets(%dma_start3A_87 : memref<512xi32, #tpu.memory_space<vmem>>) semaphore(%arg7 : memref<!tpu.dma_semaphore, #tpu.memory_space<semaphore_mem>>)
    %add3A_91 = arith.constant 3072 : i32
    %add3A_92 = arith.addi %mul3A_2, %add3A_91 : i32
    %run_scoped3A_93 = arith.constant 6 : i32
    "tpu.region"() ({
      %run_scoped3A_1430 = tpu.sem_alloc : memref<!tpu.dma_semaphore, #tpu.memory_space<semaphore_mem>>
      %dma_start3A_1431 = arith.constant 0 : i32
      %dma_start3A_1432 = tpu.memref_slice %arg5[%run_scoped3A_93, %dma_start3A_1431] : memref<7x512xi32, #tpu.memory_space<vmem>> -> memref<1x512xi32, #tpu.memory_space<vmem>>
      %dma_start3A_1433 = tpu.memref_squeeze %dma_start3A_1432 : memref<1x512xi32, #tpu.memory_space<vmem>> -> memref<512xi32, #tpu.memory_space<vmem>>
      %dma_start3A_1434 = tpu.memref_slice %arg2[%add3A_92] : memref<425984xi32, #tpu.memory_space<hbm>> -> memref<512xi32, #tpu.memory_space<hbm>>
      %dma_start3A_1435 = arith.constant 0 : i32
      %dma_start3A_1436 = tpu.memref_slice %arg5[%run_scoped3A_93, %dma_start3A_1435] : memref<7x512xi32, #tpu.memory_space<vmem>> -> memref<1x512xi32, #tpu.memory_space<vmem>>
      %dma_start3A_1437 = tpu.memref_squeeze %dma_start3A_1436 : memref<1x512xi32, #tpu.memory_space<vmem>> -> memref<512xi32, #tpu.memory_space<vmem>>
      %dma_start3A_1438 = tpu.memref_slice %arg2[%add3A_92] : memref<425984xi32, #tpu.memory_space<hbm>> -> memref<512xi32, #tpu.memory_space<hbm>>
      tpu.enqueue_dma source(%dma_start3A_1438 : memref<512xi32, #tpu.memory_space<hbm>>) target(%dma_start3A_1437 : memref<512xi32, #tpu.memory_space<vmem>>) target_semaphore(%run_scoped3A_1430 : memref<!tpu.dma_semaphore, #tpu.memory_space<semaphore_mem>>)
      %dma_wait3A_1439 = arith.constant 0 : i32
      %dma_wait3A_1440 = tpu.memref_slice %arg5[%run_scoped3A_93, %dma_wait3A_1439] : memref<7x512xi32, #tpu.memory_space<vmem>> -> memref<1x512xi32, #tpu.memory_space<vmem>>
      %dma_wait3A_1441 = tpu.memref_squeeze %dma_wait3A_1440 : memref<1x512xi32, #tpu.memory_space<vmem>> -> memref<512xi32, #tpu.memory_space<vmem>>
      %dma_wait3A_1442 = tpu.memref_slice %arg2[%add3A_92] : memref<425984xi32, #tpu.memory_space<hbm>> -> memref<512xi32, #tpu.memory_space<hbm>>
      %dma_wait3A_1443 = arith.constant 0 : i32
      %dma_wait3A_1444 = tpu.memref_slice %arg5[%run_scoped3A_93, %dma_wait3A_1443] : memref<7x512xi32, #tpu.memory_space<vmem>> -> memref<1x512xi32, #tpu.memory_space<vmem>>
      %dma_wait3A_1445 = tpu.memref_squeeze %dma_wait3A_1444 : memref<1x512xi32, #tpu.memory_space<vmem>> -> memref<512xi32, #tpu.memory_space<vmem>>
      %dma_wait3A_1446 = tpu.memref_slice %arg2[%add3A_92] : memref<425984xi32, #tpu.memory_space<hbm>> -> memref<512xi32, #tpu.memory_space<hbm>>
      tpu.wait_dma2 semaphore(%run_scoped3A_1430 : memref<!tpu.dma_semaphore, #tpu.memory_space<semaphore_mem>>) src(%dma_wait3A_1446 : memref<512xi32, #tpu.memory_space<hbm>>) dst(%dma_wait3A_1445 : memref<512xi32, #tpu.memory_space<vmem>>)
      tpu.yield
    }) : () -> ()
    %dma_start3A_94 = arith.constant 6 : i32
    %dma_start3A_95 = arith.constant 6 : i32
    %dma_start3A_96 = arith.constant 0 : i32
    %dma_start3A_97 = arith.constant 0 : i32
    %dma_start3A_98 = tpu.memref_slice %arg6[%dma_start3A_95, %dma_start3A_96, %dma_start3A_97] : memref<7x512x32xf32, #tpu.memory_space<vmem>> -> memref<1x512x32xf32, #tpu.memory_space<vmem>>
    %dma_start3A_99 = tpu.memref_squeeze %dma_start3A_98 : memref<1x512x32xf32, #tpu.memory_space<vmem>> -> memref<512x32xf32, #tpu.memory_space<vmem>>
    %dma_start3A_100 = arith.constant 0 : i32
    %dma_start3A_101 = tpu.memref_slice %arg5[%dma_start3A_94, %dma_start3A_100] : memref<7x512xi32, #tpu.memory_space<vmem>> -> memref<1x512xi32, #tpu.memory_space<vmem>>
    %dma_start3A_102 = tpu.memref_squeeze %dma_start3A_101 : memref<1x512xi32, #tpu.memory_space<vmem>> -> memref<512xi32, #tpu.memory_space<vmem>>
    %dma_start3A_103 = arith.constant 0 : i32
    %dma_start3A_104 = arith.constant 0 : i32
    %dma_start3A_105 = tpu.memref_slice %arg3[%dma_start3A_103, %dma_start3A_104] : memref<1000000x32xf32, #tpu.memory_space<hbm>> -> memref<1000000x32xf32, #tpu.memory_space<hbm>>
    tpu.enqueue_indirect_dma source(%dma_start3A_105 : memref<1000000x32xf32, #tpu.memory_space<hbm>>) target(%dma_start3A_99 : memref<512x32xf32, #tpu.memory_space<vmem>>) offsets(%dma_start3A_102 : memref<512xi32, #tpu.memory_space<vmem>>) semaphore(%arg7 : memref<!tpu.dma_semaphore, #tpu.memory_space<semaphore_mem>>)
    %dma_wait3A = arith.constant 0 : i32
    %dma_wait3A_106 = arith.constant 0 : i32
    %dma_wait3A_107 = arith.constant 0 : i32
    %dma_wait3A_108 = arith.constant 0 : i32
    %dma_wait3A_109 = tpu.memref_slice %arg6[%dma_wait3A_106, %dma_wait3A_107, %dma_wait3A_108] : memref<7x512x32xf32, #tpu.memory_space<vmem>> -> memref<1x512x32xf32, #tpu.memory_space<vmem>>
    %dma_wait3A_110 = tpu.memref_squeeze %dma_wait3A_109 : memref<1x512x32xf32, #tpu.memory_space<vmem>> -> memref<512x32xf32, #tpu.memory_space<vmem>>
    %dma_wait3A_111 = arith.constant 0 : i32
    %dma_wait3A_112 = tpu.memref_slice %arg5[%dma_wait3A, %dma_wait3A_111] : memref<7x512xi32, #tpu.memory_space<vmem>> -> memref<1x512xi32, #tpu.memory_space<vmem>>
    %dma_wait3A_113 = tpu.memref_squeeze %dma_wait3A_112 : memref<1x512xi32, #tpu.memory_space<vmem>> -> memref<512xi32, #tpu.memory_space<vmem>>
    %dma_wait3A_114 = arith.constant 0 : i32
    %dma_wait3A_115 = arith.constant 0 : i32
    %dma_wait3A_116 = tpu.memref_slice %arg3[%dma_wait3A_114, %dma_wait3A_115] : memref<1000000x32xf32, #tpu.memory_space<hbm>> -> memref<1000000x32xf32, #tpu.memory_space<hbm>>
    tpu.wait_indirect_dma semaphore(%arg7 : memref<!tpu.dma_semaphore, #tpu.memory_space<semaphore_mem>>) src(%dma_wait3A_116 : memref<1000000x32xf32, #tpu.memory_space<hbm>>) dst(%dma_wait3A_110 : memref<512x32xf32, #tpu.memory_space<vmem>>)
    %add3A_117 = arith.constant 0 : i32
    %add3A_118 = arith.addi %mul3A_2, %add3A_117 : i32
    %dma_start3A_119 = arith.constant 0 : i32
    %dma_start3A_120 = arith.constant 0 : i32
    %dma_start3A_121 = arith.constant 0 : i32
    %dma_start3A_122 = tpu.memref_slice %arg6[%dma_start3A_119, %dma_start3A_120, %dma_start3A_121] : memref<7x512x32xf32, #tpu.memory_space<vmem>> -> memref<1x512x32xf32, #tpu.memory_space<vmem>>
    %dma_start3A_123 = tpu.memref_squeeze %dma_start3A_122 : memref<1x512x32xf32, #tpu.memory_space<vmem>> -> memref<512x32xf32, #tpu.memory_space<vmem>>
    %dma_start3A_124 = arith.constant 0 : i32
    %dma_start3A_125 = tpu.memref_slice %arg4[%add3A_118, %dma_start3A_124] : memref<425984x32xf32, #tpu.memory_space<hbm>> -> memref<512x32xf32, #tpu.memory_space<hbm>>
    %dma_start3A_126 = arith.constant 0 : i32
    %dma_start3A_127 = tpu.memref_slice %arg4[%add3A_118, %dma_start3A_126] : memref<425984x32xf32, #tpu.memory_space<hbm>> -> memref<512x32xf32, #tpu.memory_space<hbm>>
    %dma_start3A_128 = arith.constant 0 : i32
    %dma_start3A_129 = arith.constant 0 : i32
    %dma_start3A_130 = tpu.memref_slice %arg6[%dma_start3A_119, %dma_start3A_128, %dma_start3A_129] : memref<7x512x32xf32, #tpu.memory_space<vmem>> -> memref<1x512x32xf32, #tpu.memory_space<vmem>>
    %dma_start3A_131 = tpu.memref_squeeze %dma_start3A_130 : memref<1x512x32xf32, #tpu.memory_space<vmem>> -> memref<512x32xf32, #tpu.memory_space<vmem>>
    tpu.enqueue_dma source(%dma_start3A_131 : memref<512x32xf32, #tpu.memory_space<vmem>>) target(%dma_start3A_127 : memref<512x32xf32, #tpu.memory_space<hbm>>) target_semaphore(%arg8 : memref<!tpu.dma_semaphore, #tpu.memory_space<semaphore_mem>>)
    %dma_wait3A_132 = arith.constant 0 : i32
    %dma_wait3A_133 = arith.constant 0 : i32
    %dma_wait3A_134 = arith.constant 0 : i32
    %dma_wait3A_135 = tpu.memref_slice %arg6[%dma_wait3A_132, %dma_wait3A_133, %dma_wait3A_134] : memref<7x512x32xf32, #tpu.memory_space<vmem>> -> memref<1x512x32xf32, #tpu.memory_space<vmem>>
    %dma_wait3A_136 = tpu.memref_squeeze %dma_wait3A_135 : memref<1x512x32xf32, #tpu.memory_space<vmem>> -> memref<512x32xf32, #tpu.memory_space<vmem>>
    %dma_wait3A_137 = arith.constant 0 : i32
    %dma_wait3A_138 = tpu.memref_slice %arg4[%add3A_118, %dma_wait3A_137] : memref<425984x32xf32, #tpu.memory_space<hbm>> -> memref<512x32xf32, #tpu.memory_space<hbm>>
    %dma_wait3A_139 = arith.constant 0 : i32
    %dma_wait3A_140 = tpu.memref_slice %arg4[%add3A_118, %dma_wait3A_139] : memref<425984x32xf32, #tpu.memory_space<hbm>> -> memref<512x32xf32, #tpu.memory_space<hbm>>
    %dma_wait3A_141 = arith.constant 0 : i32
    %dma_wait3A_142 = arith.constant 0 : i32
    %dma_wait3A_143 = tpu.memref_slice %arg6[%dma_wait3A_132, %dma_wait3A_141, %dma_wait3A_142] : memref<7x512x32xf32, #tpu.memory_space<vmem>> -> memref<1x512x32xf32, #tpu.memory_space<vmem>>
    %dma_wait3A_144 = tpu.memref_squeeze %dma_wait3A_143 : memref<1x512x32xf32, #tpu.memory_space<vmem>> -> memref<512x32xf32, #tpu.memory_space<vmem>>
    tpu.wait_dma2 semaphore(%arg8 : memref<!tpu.dma_semaphore, #tpu.memory_space<semaphore_mem>>) src(%dma_wait3A_144 : memref<512x32xf32, #tpu.memory_space<vmem>>) dst(%dma_wait3A_140 : memref<512x32xf32, #tpu.memory_space<hbm>>)
    %add3A_145 = arith.constant 3584 : i32
    %add3A_146 = arith.addi %mul3A_2, %add3A_145 : i32
    %run_scoped3A_147 = arith.constant 0 : i32
    "tpu.region"() ({
      %run_scoped3A_1430 = tpu.sem_alloc : memref<!tpu.dma_semaphore, #tpu.memory_space<semaphore_mem>>
      %dma_start3A_1431 = arith.constant 0 : i32
      %dma_start3A_1432 = tpu.memref_slice %arg5[%run_scoped3A_147, %dma_start3A_1431] : memref<7x512xi32, #tpu.memory_space<vmem>> -> memref<1x512xi32, #tpu.memory_space<vmem>>
      %dma_start3A_1433 = tpu.memref_squeeze %dma_start3A_1432 : memref<1x512xi32, #tpu.memory_space<vmem>> -> memref<512xi32, #tpu.memory_space<vmem>>
      %dma_start3A_1434 = tpu.memref_slice %arg2[%add3A_146] : memref<425984xi32, #tpu.memory_space<hbm>> -> memref<512xi32, #tpu.memory_space<hbm>>
      %dma_start3A_1435 = arith.constant 0 : i32
      %dma_start3A_1436 = tpu.memref_slice %arg5[%run_scoped3A_147, %dma_start3A_1435] : memref<7x512xi32, #tpu.memory_space<vmem>> -> memref<1x512xi32, #tpu.memory_space<vmem>>
      %dma_start3A_1437 = tpu.memref_squeeze %dma_start3A_1436 : memref<1x512xi32, #tpu.memory_space<vmem>> -> memref<512xi32, #tpu.memory_space<vmem>>
      %dma_start3A_1438 = tpu.memref_slice %arg2[%add3A_146] : memref<425984xi32, #tpu.memory_space<hbm>> -> memref<512xi32, #tpu.memory_space<hbm>>
      tpu.enqueue_dma source(%dma_start3A_1438 : memref<512xi32, #tpu.memory_space<hbm>>) target(%dma_start3A_1437 : memref<512xi32, #tpu.memory_space<vmem>>) target_semaphore(%run_scoped3A_1430 : memref<!tpu.dma_semaphore, #tpu.memory_space<semaphore_mem>>)
      %dma_wait3A_1439 = arith.constant 0 : i32
      %dma_wait3A_1440 = tpu.memref_slice %arg5[%run_scoped3A_147, %dma_wait3A_1439] : memref<7x512xi32, #tpu.memory_space<vmem>> -> memref<1x512xi32, #tpu.memory_space<vmem>>
      %dma_wait3A_1441 = tpu.memref_squeeze %dma_wait3A_1440 : memref<1x512xi32, #tpu.memory_space<vmem>> -> memref<512xi32, #tpu.memory_space<vmem>>
      %dma_wait3A_1442 = tpu.memref_slice %arg2[%add3A_146] : memref<425984xi32, #tpu.memory_space<hbm>> -> memref<512xi32, #tpu.memory_space<hbm>>
      %dma_wait3A_1443 = arith.constant 0 : i32
      %dma_wait3A_1444 = tpu.memref_slice %arg5[%run_scoped3A_147, %dma_wait3A_1443] : memref<7x512xi32, #tpu.memory_space<vmem>> -> memref<1x512xi32, #tpu.memory_space<vmem>>
      %dma_wait3A_1445 = tpu.memref_squeeze %dma_wait3A_1444 : memref<1x512xi32, #tpu.memory_space<vmem>> -> memref<512xi32, #tpu.memory_space<vmem>>
      %dma_wait3A_1446 = tpu.memref_slice %arg2[%add3A_146] : memref<425984xi32, #tpu.memory_space<hbm>> -> memref<512xi32, #tpu.memory_space<hbm>>
      tpu.wait_dma2 semaphore(%run_scoped3A_1430 : memref<!tpu.dma_semaphore, #tpu.memory_space<semaphore_mem>>) src(%dma_wait3A_1446 : memref<512xi32, #tpu.memory_space<hbm>>) dst(%dma_wait3A_1445 : memref<512xi32, #tpu.memory_space<vmem>>)
      tpu.yield
    }) : () -> ()
    %dma_start3A_148 = arith.constant 0 : i32
    %dma_start3A_149 = arith.constant 0 : i32
    %dma_start3A_150 = arith.constant 0 : i32
    %dma_start3A_151 = arith.constant 0 : i32
    %dma_start3A_152 = tpu.memref_slice %arg6[%dma_start3A_149, %dma_start3A_150, %dma_start3A_151] : memref<7x512x32xf32, #tpu.memory_space<vmem>> -> memref<1x512x32xf32, #tpu.memory_space<vmem>>
    %dma_start3A_153 = tpu.memref_squeeze %dma_start3A_152 : memref<1x512x32xf32, #tpu.memory_space<vmem>> -> memref<512x32xf32, #tpu.memory_space<vmem>>
    %dma_start3A_154 = arith.constant 0 : i32
    %dma_start3A_155 = tpu.memref_slice %arg5[%dma_start3A_148, %dma_start3A_154] : memref<7x512xi32, #tpu.memory_space<vmem>> -> memref<1x512xi32, #tpu.memory_space<vmem>>
    %dma_start3A_156 = tpu.memref_squeeze %dma_start3A_155 : memref<1x512xi32, #tpu.memory_space<vmem>> -> memref<512xi32, #tpu.memory_space<vmem>>
    %dma_start3A_157 = arith.constant 0 : i32
    %dma_start3A_158 = arith.constant 0 : i32
    %dma_start3A_159 = tpu.memref_slice %arg3[%dma_start3A_157, %dma_start3A_158] : memref<1000000x32xf32, #tpu.memory_space<hbm>> -> memref<1000000x32xf32, #tpu.memory_space<hbm>>
    tpu.enqueue_indirect_dma source(%dma_start3A_159 : memref<1000000x32xf32, #tpu.memory_space<hbm>>) target(%dma_start3A_153 : memref<512x32xf32, #tpu.memory_space<vmem>>) offsets(%dma_start3A_156 : memref<512xi32, #tpu.memory_space<vmem>>) semaphore(%arg7 : memref<!tpu.dma_semaphore, #tpu.memory_space<semaphore_mem>>)
    %dma_wait3A_160 = arith.constant 1 : i32
    %dma_wait3A_161 = arith.constant 1 : i32
    %dma_wait3A_162 = arith.constant 0 : i32
    %dma_wait3A_163 = arith.constant 0 : i32
    %dma_wait3A_164 = tpu.memref_slice %arg6[%dma_wait3A_161, %dma_wait3A_162, %dma_wait3A_163] : memref<7x512x32xf32, #tpu.memory_space<vmem>> -> memref<1x512x32xf32, #tpu.memory_space<vmem>>
    %dma_wait3A_165 = tpu.memref_squeeze %dma_wait3A_164 : memref<1x512x32xf32, #tpu.memory_space<vmem>> -> memref<512x32xf32, #tpu.memory_space<vmem>>
    %dma_wait3A_166 = arith.constant 0 : i32
    %dma_wait3A_167 = tpu.memref_slice %arg5[%dma_wait3A_160, %dma_wait3A_166] : memref<7x512xi32, #tpu.memory_space<vmem>> -> memref<1x512xi32, #tpu.memory_space<vmem>>
    %dma_wait3A_168 = tpu.memref_squeeze %dma_wait3A_167 : memref<1x512xi32, #tpu.memory_space<vmem>> -> memref<512xi32, #tpu.memory_space<vmem>>
    %dma_wait3A_169 = arith.constant 0 : i32
    %dma_wait3A_170 = arith.constant 0 : i32
    %dma_wait3A_171 = tpu.memref_slice %arg3[%dma_wait3A_169, %dma_wait3A_170] : memref<1000000x32xf32, #tpu.memory_space<hbm>> -> memref<1000000x32xf32, #tpu.memory_space<hbm>>
    tpu.wait_indirect_dma semaphore(%arg7 : memref<!tpu.dma_semaphore, #tpu.memory_space<semaphore_mem>>) src(%dma_wait3A_171 : memref<1000000x32xf32, #tpu.memory_space<hbm>>) dst(%dma_wait3A_165 : memref<512x32xf32, #tpu.memory_space<vmem>>)
    %add3A_172 = arith.constant 512 : i32
    %add3A_173 = arith.addi %mul3A_2, %add3A_172 : i32
    %dma_start3A_174 = arith.constant 1 : i32
    %dma_start3A_175 = arith.constant 0 : i32
    %dma_start3A_176 = arith.constant 0 : i32
    %dma_start3A_177 = tpu.memref_slice %arg6[%dma_start3A_174, %dma_start3A_175, %dma_start3A_176] : memref<7x512x32xf32, #tpu.memory_space<vmem>> -> memref<1x512x32xf32, #tpu.memory_space<vmem>>
    %dma_start3A_178 = tpu.memref_squeeze %dma_start3A_177 : memref<1x512x32xf32, #tpu.memory_space<vmem>> -> memref<512x32xf32, #tpu.memory_space<vmem>>
    %dma_start3A_179 = arith.constant 0 : i32
    %dma_start3A_180 = tpu.memref_slice %arg4[%add3A_173, %dma_start3A_179] : memref<425984x32xf32, #tpu.memory_space<hbm>> -> memref<512x32xf32, #tpu.memory_space<hbm>>
    %dma_start3A_181 = arith.constant 0 : i32
    %dma_start3A_182 = tpu.memref_slice %arg4[%add3A_173, %dma_start3A_181] : memref<425984x32xf32, #tpu.memory_space<hbm>> -> memref<512x32xf32, #tpu.memory_space<hbm>>
    %dma_start3A_183 = arith.constant 0 : i32
    %dma_start3A_184 = arith.constant 0 : i32
    %dma_start3A_185 = tpu.memref_slice %arg6[%dma_start3A_174, %dma_start3A_183, %dma_start3A_184] : memref<7x512x32xf32, #tpu.memory_space<vmem>> -> memref<1x512x32xf32, #tpu.memory_space<vmem>>
    %dma_start3A_186 = tpu.memref_squeeze %dma_start3A_185 : memref<1x512x32xf32, #tpu.memory_space<vmem>> -> memref<512x32xf32, #tpu.memory_space<vmem>>
    tpu.enqueue_dma source(%dma_start3A_186 : memref<512x32xf32, #tpu.memory_space<vmem>>) target(%dma_start3A_182 : memref<512x32xf32, #tpu.memory_space<hbm>>) target_semaphore(%arg8 : memref<!tpu.dma_semaphore, #tpu.memory_space<semaphore_mem>>)
    %dma_wait3A_187 = arith.constant 1 : i32
    %dma_wait3A_188 = arith.constant 0 : i32
    %dma_wait3A_189 = arith.constant 0 : i32
    %dma_wait3A_190 = tpu.memref_slice %arg6[%dma_wait3A_187, %dma_wait3A_188, %dma_wait3A_189] : memref<7x512x32xf32, #tpu.memory_space<vmem>> -> memref<1x512x32xf32, #tpu.memory_space<vmem>>
    %dma_wait3A_191 = tpu.memref_squeeze %dma_wait3A_190 : memref<1x512x32xf32, #tpu.memory_space<vmem>> -> memref<512x32xf32, #tpu.memory_space<vmem>>
    %dma_wait3A_192 = arith.constant 0 : i32
    %dma_wait3A_193 = tpu.memref_slice %arg4[%add3A_173, %dma_wait3A_192] : memref<425984x32xf32, #tpu.memory_space<hbm>> -> memref<512x32xf32, #tpu.memory_space<hbm>>
    %dma_wait3A_194 = arith.constant 0 : i32
    %dma_wait3A_195 = tpu.memref_slice %arg4[%add3A_173, %dma_wait3A_194] : memref<425984x32xf32, #tpu.memory_space<hbm>> -> memref<512x32xf32, #tpu.memory_space<hbm>>
    %dma_wait3A_196 = arith.constant 0 : i32
    %dma_wait3A_197 = arith.constant 0 : i32
    %dma_wait3A_198 = tpu.memref_slice %arg6[%dma_wait3A_187, %dma_wait3A_196, %dma_wait3A_197] : memref<7x512x32xf32, #tpu.memory_space<vmem>> -> memref<1x512x32xf32, #tpu.memory_space<vmem>>
    %dma_wait3A_199 = tpu.memref_squeeze %dma_wait3A_198 : memref<1x512x32xf32, #tpu.memory_space<vmem>> -> memref<512x32xf32, #tpu.memory_space<vmem>>
    tpu.wait_dma2 semaphore(%arg8 : memref<!tpu.dma_semaphore, #tpu.memory_space<semaphore_mem>>) src(%dma_wait3A_199 : memref<512x32xf32, #tpu.memory_space<vmem>>) dst(%dma_wait3A_195 : memref<512x32xf32, #tpu.memory_space<hbm>>)
    %add3A_200 = arith.constant 4096 : i32
    %add3A_201 = arith.addi %mul3A_2, %add3A_200 : i32
    %run_scoped3A_202 = arith.constant 1 : i32
    "tpu.region"() ({
      %run_scoped3A_1430 = tpu.sem_alloc : memref<!tpu.dma_semaphore, #tpu.memory_space<semaphore_mem>>
      %dma_start3A_1431 = arith.constant 0 : i32
      %dma_start3A_1432 = tpu.memref_slice %arg5[%run_scoped3A_202, %dma_start3A_1431] : memref<7x512xi32, #tpu.memory_space<vmem>> -> memref<1x512xi32, #tpu.memory_space<vmem>>
      %dma_start3A_1433 = tpu.memref_squeeze %dma_start3A_1432 : memref<1x512xi32, #tpu.memory_space<vmem>> -> memref<512xi32, #tpu.memory_space<vmem>>
      %dma_start3A_1434 = tpu.memref_slice %arg2[%add3A_201] : memref<425984xi32, #tpu.memory_space<hbm>> -> memref<512xi32, #tpu.memory_space<hbm>>
      %dma_start3A_1435 = arith.constant 0 : i32
      %dma_start3A_1436 = tpu.memref_slice %arg5[%run_scoped3A_202, %dma_start3A_1435] : memref<7x512xi32, #tpu.memory_space<vmem>> -> memref<1x512xi32, #tpu.memory_space<vmem>>
      %dma_start3A_1437 = tpu.memref_squeeze %dma_start3A_1436 : memref<1x512xi32, #tpu.memory_space<vmem>> -> memref<512xi32, #tpu.memory_space<vmem>>
      %dma_start3A_1438 = tpu.memref_slice %arg2[%add3A_201] : memref<425984xi32, #tpu.memory_space<hbm>> -> memref<512xi32, #tpu.memory_space<hbm>>
      tpu.enqueue_dma source(%dma_start3A_1438 : memref<512xi32, #tpu.memory_space<hbm>>) target(%dma_start3A_1437 : memref<512xi32, #tpu.memory_space<vmem>>) target_semaphore(%run_scoped3A_1430 : memref<!tpu.dma_semaphore, #tpu.memory_space<semaphore_mem>>)
      %dma_wait3A_1439 = arith.constant 0 : i32
      %dma_wait3A_1440 = tpu.memref_slice %arg5[%run_scoped3A_202, %dma_wait3A_1439] : memref<7x512xi32, #tpu.memory_space<vmem>> -> memref<1x512xi32, #tpu.memory_space<vmem>>
      %dma_wait3A_1441 = tpu.memref_squeeze %dma_wait3A_1440 : memref<1x512xi32, #tpu.memory_space<vmem>> -> memref<512xi32, #tpu.memory_space<vmem>>
      %dma_wait3A_1442 = tpu.memref_slice %arg2[%add3A_201] : memref<425984xi32, #tpu.memory_space<hbm>> -> memref<512xi32, #tpu.memory_space<hbm>>
      %dma_wait3A_1443 = arith.constant 0 : i32
      %dma_wait3A_1444 = tpu.memref_slice %arg5[%run_scoped3A_202, %dma_wait3A_1443] : memref<7x512xi32, #tpu.memory_space<vmem>> -> memref<1x512xi32, #tpu.memory_space<vmem>>
      %dma_wait3A_1445 = tpu.memref_squeeze %dma_wait3A_1444 : memref<1x512xi32, #tpu.memory_space<vmem>> -> memref<512xi32, #tpu.memory_space<vmem>>
      %dma_wait3A_1446 = tpu.memref_slice %arg2[%add3A_201] : memref<425984xi32, #tpu.memory_space<hbm>> -> memref<512xi32, #tpu.memory_space<hbm>>
      tpu.wait_dma2 semaphore(%run_scoped3A_1430 : memref<!tpu.dma_semaphore, #tpu.memory_space<semaphore_mem>>) src(%dma_wait3A_1446 : memref<512xi32, #tpu.memory_space<hbm>>) dst(%dma_wait3A_1445 : memref<512xi32, #tpu.memory_space<vmem>>)
      tpu.yield
    }) : () -> ()
    %dma_start3A_203 = arith.constant 1 : i32
    %dma_start3A_204 = arith.constant 1 : i32
    %dma_start3A_205 = arith.constant 0 : i32
    %dma_start3A_206 = arith.constant 0 : i32
    %dma_start3A_207 = tpu.memref_slice %arg6[%dma_start3A_204, %dma_start3A_205, %dma_start3A_206] : memref<7x512x32xf32, #tpu.memory_space<vmem>> -> memref<1x512x32xf32, #tpu.memory_space<vmem>>
    %dma_start3A_208 = tpu.memref_squeeze %dma_start3A_207 : memref<1x512x32xf32, #tpu.memory_space<vmem>> -> memref<512x32xf32, #tpu.memory_space<vmem>>
    %dma_start3A_209 = arith.constant 0 : i32
    %dma_start3A_210 = tpu.memref_slice %arg5[%dma_start3A_203, %dma_start3A_209] : memref<7x512xi32, #tpu.memory_space<vmem>> -> memref<1x512xi32, #tpu.memory_space<vmem>>
    %dma_start3A_211 = tpu.memref_squeeze %dma_start3A_210 : memref<1x512xi32, #tpu.memory_space<vmem>> -> memref<512xi32, #tpu.memory_space<vmem>>
    %dma_start3A_212 = arith.constant 0 : i32
    %dma_start3A_213 = arith.constant 0 : i32
    %dma_start3A_214 = tpu.memref_slice %arg3[%dma_start3A_212, %dma_start3A_213] : memref<1000000x32xf32, #tpu.memory_space<hbm>> -> memref<1000000x32xf32, #tpu.memory_space<hbm>>
    tpu.enqueue_indirect_dma source(%dma_start3A_214 : memref<1000000x32xf32, #tpu.memory_space<hbm>>) target(%dma_start3A_208 : memref<512x32xf32, #tpu.memory_space<vmem>>) offsets(%dma_start3A_211 : memref<512xi32, #tpu.memory_space<vmem>>) semaphore(%arg7 : memref<!tpu.dma_semaphore, #tpu.memory_space<semaphore_mem>>)
    %dma_wait3A_215 = arith.constant 2 : i32
    %dma_wait3A_216 = arith.constant 2 : i32
    %dma_wait3A_217 = arith.constant 0 : i32
    %dma_wait3A_218 = arith.constant 0 : i32
    %dma_wait3A_219 = tpu.memref_slice %arg6[%dma_wait3A_216, %dma_wait3A_217, %dma_wait3A_218] : memref<7x512x32xf32, #tpu.memory_space<vmem>> -> memref<1x512x32xf32, #tpu.memory_space<vmem>>
    %dma_wait3A_220 = tpu.memref_squeeze %dma_wait3A_219 : memref<1x512x32xf32, #tpu.memory_space<vmem>> -> memref<512x32xf32, #tpu.memory_space<vmem>>
    %dma_wait3A_221 = arith.constant 0 : i32
    %dma_wait3A_222 = tpu.memref_slice %arg5[%dma_wait3A_215, %dma_wait3A_221] : memref<7x512xi32, #tpu.memory_space<vmem>> -> memref<1x512xi32, #tpu.memory_space<vmem>>
    %dma_wait3A_223 = tpu.memref_squeeze %dma_wait3A_222 : memref<1x512xi32, #tpu.memory_space<vmem>> -> memref<512xi32, #tpu.memory_space<vmem>>
    %dma_wait3A_224 = arith.constant 0 : i32
    %dma_wait3A_225 = arith.constant 0 : i32
    %dma_wait3A_226 = tpu.memref_slice %arg3[%dma_wait3A_224, %dma_wait3A_225] : memref<1000000x32xf32, #tpu.memory_space<hbm>> -> memref<1000000x32xf32, #tpu.memory_space<hbm>>
    tpu.wait_indirect_dma semaphore(%arg7 : memref<!tpu.dma_semaphore, #tpu.memory_space<semaphore_mem>>) src(%dma_wait3A_226 : memref<1000000x32xf32, #tpu.memory_space<hbm>>) dst(%dma_wait3A_220 : memref<512x32xf32, #tpu.memory_space<vmem>>)
    %add3A_227 = arith.constant 1024 : i32
    %add3A_228 = arith.addi %mul3A_2, %add3A_227 : i32
    %dma_start3A_229 = arith.constant 2 : i32
    %dma_start3A_230 = arith.constant 0 : i32
    %dma_start3A_231 = arith.constant 0 : i32
    %dma_start3A_232 = tpu.memref_slice %arg6[%dma_start3A_229, %dma_start3A_230, %dma_start3A_231] : memref<7x512x32xf32, #tpu.memory_space<vmem>> -> memref<1x512x32xf32, #tpu.memory_space<vmem>>
    %dma_start3A_233 = tpu.memref_squeeze %dma_start3A_232 : memref<1x512x32xf32, #tpu.memory_space<vmem>> -> memref<512x32xf32, #tpu.memory_space<vmem>>
    %dma_start3A_234 = arith.constant 0 : i32
    %dma_start3A_235 = tpu.memref_slice %arg4[%add3A_228, %dma_start3A_234] : memref<425984x32xf32, #tpu.memory_space<hbm>> -> memref<512x32xf32, #tpu.memory_space<hbm>>
    %dma_start3A_236 = arith.constant 0 : i32
    %dma_start3A_237 = tpu.memref_slice %arg4[%add3A_228, %dma_start3A_236] : memref<425984x32xf32, #tpu.memory_space<hbm>> -> memref<512x32xf32, #tpu.memory_space<hbm>>
    %dma_start3A_238 = arith.constant 0 : i32
    %dma_start3A_239 = arith.constant 0 : i32
    %dma_start3A_240 = tpu.memref_slice %arg6[%dma_start3A_229, %dma_start3A_238, %dma_start3A_239] : memref<7x512x32xf32, #tpu.memory_space<vmem>> -> memref<1x512x32xf32, #tpu.memory_space<vmem>>
    %dma_start3A_241 = tpu.memref_squeeze %dma_start3A_240 : memref<1x512x32xf32, #tpu.memory_space<vmem>> -> memref<512x32xf32, #tpu.memory_space<vmem>>
    tpu.enqueue_dma source(%dma_start3A_241 : memref<512x32xf32, #tpu.memory_space<vmem>>) target(%dma_start3A_237 : memref<512x32xf32, #tpu.memory_space<hbm>>) target_semaphore(%arg8 : memref<!tpu.dma_semaphore, #tpu.memory_space<semaphore_mem>>)
    %dma_wait3A_242 = arith.constant 2 : i32
    %dma_wait3A_243 = arith.constant 0 : i32
    %dma_wait3A_244 = arith.constant 0 : i32
    %dma_wait3A_245 = tpu.memref_slice %arg6[%dma_wait3A_242, %dma_wait3A_243, %dma_wait3A_244] : memref<7x512x32xf32, #tpu.memory_space<vmem>> -> memref<1x512x32xf32, #tpu.memory_space<vmem>>
    %dma_wait3A_246 = tpu.memref_squeeze %dma_wait3A_245 : memref<1x512x32xf32, #tpu.memory_space<vmem>> -> memref<512x32xf32, #tpu.memory_space<vmem>>
    %dma_wait3A_247 = arith.constant 0 : i32
    %dma_wait3A_248 = tpu.memref_slice %arg4[%add3A_228, %dma_wait3A_247] : memref<425984x32xf32, #tpu.memory_space<hbm>> -> memref<512x32xf32, #tpu.memory_space<hbm>>
    %dma_wait3A_249 = arith.constant 0 : i32
    %dma_wait3A_250 = tpu.memref_slice %arg4[%add3A_228, %dma_wait3A_249] : memref<425984x32xf32, #tpu.memory_space<hbm>> -> memref<512x32xf32, #tpu.memory_space<hbm>>
    %dma_wait3A_251 = arith.constant 0 : i32
    %dma_wait3A_252 = arith.constant 0 : i32
    %dma_wait3A_253 = tpu.memref_slice %arg6[%dma_wait3A_242, %dma_wait3A_251, %dma_wait3A_252] : memref<7x512x32xf32, #tpu.memory_space<vmem>> -> memref<1x512x32xf32, #tpu.memory_space<vmem>>
    %dma_wait3A_254 = tpu.memref_squeeze %dma_wait3A_253 : memref<1x512x32xf32, #tpu.memory_space<vmem>> -> memref<512x32xf32, #tpu.memory_space<vmem>>
    tpu.wait_dma2 semaphore(%arg8 : memref<!tpu.dma_semaphore, #tpu.memory_space<semaphore_mem>>) src(%dma_wait3A_254 : memref<512x32xf32, #tpu.memory_space<vmem>>) dst(%dma_wait3A_250 : memref<512x32xf32, #tpu.memory_space<hbm>>)
    %add3A_255 = arith.constant 4608 : i32
    %add3A_256 = arith.addi %mul3A_2, %add3A_255 : i32
    %run_scoped3A_257 = arith.constant 2 : i32
    "tpu.region"() ({
      %run_scoped3A_1430 = tpu.sem_alloc : memref<!tpu.dma_semaphore, #tpu.memory_space<semaphore_mem>>
      %dma_start3A_1431 = arith.constant 0 : i32
      %dma_start3A_1432 = tpu.memref_slice %arg5[%run_scoped3A_257, %dma_start3A_1431] : memref<7x512xi32, #tpu.memory_space<vmem>> -> memref<1x512xi32, #tpu.memory_space<vmem>>
      %dma_start3A_1433 = tpu.memref_squeeze %dma_start3A_1432 : memref<1x512xi32, #tpu.memory_space<vmem>> -> memref<512xi32, #tpu.memory_space<vmem>>
      %dma_start3A_1434 = tpu.memref_slice %arg2[%add3A_256] : memref<425984xi32, #tpu.memory_space<hbm>> -> memref<512xi32, #tpu.memory_space<hbm>>
      %dma_start3A_1435 = arith.constant 0 : i32
      %dma_start3A_1436 = tpu.memref_slice %arg5[%run_scoped3A_257, %dma_start3A_1435] : memref<7x512xi32, #tpu.memory_space<vmem>> -> memref<1x512xi32, #tpu.memory_space<vmem>>
      %dma_start3A_1437 = tpu.memref_squeeze %dma_start3A_1436 : memref<1x512xi32, #tpu.memory_space<vmem>> -> memref<512xi32, #tpu.memory_space<vmem>>
      %dma_start3A_1438 = tpu.memref_slice %arg2[%add3A_256] : memref<425984xi32, #tpu.memory_space<hbm>> -> memref<512xi32, #tpu.memory_space<hbm>>
      tpu.enqueue_dma source(%dma_start3A_1438 : memref<512xi32, #tpu.memory_space<hbm>>) target(%dma_start3A_1437 : memref<512xi32, #tpu.memory_space<vmem>>) target_semaphore(%run_scoped3A_1430 : memref<!tpu.dma_semaphore, #tpu.memory_space<semaphore_mem>>)
      %dma_wait3A_1439 = arith.constant 0 : i32
      %dma_wait3A_1440 = tpu.memref_slice %arg5[%run_scoped3A_257, %dma_wait3A_1439] : memref<7x512xi32, #tpu.memory_space<vmem>> -> memref<1x512xi32, #tpu.memory_space<vmem>>
      %dma_wait3A_1441 = tpu.memref_squeeze %dma_wait3A_1440 : memref<1x512xi32, #tpu.memory_space<vmem>> -> memref<512xi32, #tpu.memory_space<vmem>>
      %dma_wait3A_1442 = tpu.memref_slice %arg2[%add3A_256] : memref<425984xi32, #tpu.memory_space<hbm>> -> memref<512xi32, #tpu.memory_space<hbm>>
      %dma_wait3A_1443 = arith.constant 0 : i32
      %dma_wait3A_1444 = tpu.memref_slice %arg5[%run_scoped3A_257, %dma_wait3A_1443] : memref<7x512xi32, #tpu.memory_space<vmem>> -> memref<1x512xi32, #tpu.memory_space<vmem>>
      %dma_wait3A_1445 = tpu.memref_squeeze %dma_wait3A_1444 : memref<1x512xi32, #tpu.memory_space<vmem>> -> memref<512xi32, #tpu.memory_space<vmem>>
      %dma_wait3A_1446 = tpu.memref_slice %arg2[%add3A_256] : memref<425984xi32, #tpu.memory_space<hbm>> -> memref<512xi32, #tpu.memory_space<hbm>>
      tpu.wait_dma2 semaphore(%run_scoped3A_1430 : memref<!tpu.dma_semaphore, #tpu.memory_space<semaphore_mem>>) src(%dma_wait3A_1446 : memref<512xi32, #tpu.memory_space<hbm>>) dst(%dma_wait3A_1445 : memref<512xi32, #tpu.memory_space<vmem>>)
      tpu.yield
    }) : () -> ()
    %dma_start3A_258 = arith.constant 2 : i32
    %dma_start3A_259 = arith.constant 2 : i32
    %dma_start3A_260 = arith.constant 0 : i32
    %dma_start3A_261 = arith.constant 0 : i32
    %dma_start3A_262 = tpu.memref_slice %arg6[%dma_start3A_259, %dma_start3A_260, %dma_start3A_261] : memref<7x512x32xf32, #tpu.memory_space<vmem>> -> memref<1x512x32xf32, #tpu.memory_space<vmem>>
    %dma_start3A_263 = tpu.memref_squeeze %dma_start3A_262 : memref<1x512x32xf32, #tpu.memory_space<vmem>> -> memref<512x32xf32, #tpu.memory_space<vmem>>
    %dma_start3A_264 = arith.constant 0 : i32
    %dma_start3A_265 = tpu.memref_slice %arg5[%dma_start3A_258, %dma_start3A_264] : memref<7x512xi32, #tpu.memory_space<vmem>> -> memref<1x512xi32, #tpu.memory_space<vmem>>
    %dma_start3A_266 = tpu.memref_squeeze %dma_start3A_265 : memref<1x512xi32, #tpu.memory_space<vmem>> -> memref<512xi32, #tpu.memory_space<vmem>>
    %dma_start3A_267 = arith.constant 0 : i32
    %dma_start3A_268 = arith.constant 0 : i32
    %dma_start3A_269 = tpu.memref_slice %arg3[%dma_start3A_267, %dma_start3A_268] : memref<1000000x32xf32, #tpu.memory_space<hbm>> -> memref<1000000x32xf32, #tpu.memory_space<hbm>>
    tpu.enqueue_indirect_dma source(%dma_start3A_269 : memref<1000000x32xf32, #tpu.memory_space<hbm>>) target(%dma_start3A_263 : memref<512x32xf32, #tpu.memory_space<vmem>>) offsets(%dma_start3A_266 : memref<512xi32, #tpu.memory_space<vmem>>) semaphore(%arg7 : memref<!tpu.dma_semaphore, #tpu.memory_space<semaphore_mem>>)
    %dma_wait3A_270 = arith.constant 3 : i32
    %dma_wait3A_271 = arith.constant 3 : i32
    %dma_wait3A_272 = arith.constant 0 : i32
    %dma_wait3A_273 = arith.constant 0 : i32
    %dma_wait3A_274 = tpu.memref_slice %arg6[%dma_wait3A_271, %dma_wait3A_272, %dma_wait3A_273] : memref<7x512x32xf32, #tpu.memory_space<vmem>> -> memref<1x512x32xf32, #tpu.memory_space<vmem>>
    %dma_wait3A_275 = tpu.memref_squeeze %dma_wait3A_274 : memref<1x512x32xf32, #tpu.memory_space<vmem>> -> memref<512x32xf32, #tpu.memory_space<vmem>>
    %dma_wait3A_276 = arith.constant 0 : i32
    %dma_wait3A_277 = tpu.memref_slice %arg5[%dma_wait3A_270, %dma_wait3A_276] : memref<7x512xi32, #tpu.memory_space<vmem>> -> memref<1x512xi32, #tpu.memory_space<vmem>>
    %dma_wait3A_278 = tpu.memref_squeeze %dma_wait3A_277 : memref<1x512xi32, #tpu.memory_space<vmem>> -> memref<512xi32, #tpu.memory_space<vmem>>
    %dma_wait3A_279 = arith.constant 0 : i32
    %dma_wait3A_280 = arith.constant 0 : i32
    %dma_wait3A_281 = tpu.memref_slice %arg3[%dma_wait3A_279, %dma_wait3A_280] : memref<1000000x32xf32, #tpu.memory_space<hbm>> -> memref<1000000x32xf32, #tpu.memory_space<hbm>>
    tpu.wait_indirect_dma semaphore(%arg7 : memref<!tpu.dma_semaphore, #tpu.memory_space<semaphore_mem>>) src(%dma_wait3A_281 : memref<1000000x32xf32, #tpu.memory_space<hbm>>) dst(%dma_wait3A_275 : memref<512x32xf32, #tpu.memory_space<vmem>>)
    %add3A_282 = arith.constant 1536 : i32
    %add3A_283 = arith.addi %mul3A_2, %add3A_282 : i32
    %dma_start3A_284 = arith.constant 3 : i32
    %dma_start3A_285 = arith.constant 0 : i32
    %dma_start3A_286 = arith.constant 0 : i32
    %dma_start3A_287 = tpu.memref_slice %arg6[%dma_start3A_284, %dma_start3A_285, %dma_start3A_286] : memref<7x512x32xf32, #tpu.memory_space<vmem>> -> memref<1x512x32xf32, #tpu.memory_space<vmem>>
    %dma_start3A_288 = tpu.memref_squeeze %dma_start3A_287 : memref<1x512x32xf32, #tpu.memory_space<vmem>> -> memref<512x32xf32, #tpu.memory_space<vmem>>
    %dma_start3A_289 = arith.constant 0 : i32
    %dma_start3A_290 = tpu.memref_slice %arg4[%add3A_283, %dma_start3A_289] : memref<425984x32xf32, #tpu.memory_space<hbm>> -> memref<512x32xf32, #tpu.memory_space<hbm>>
    %dma_start3A_291 = arith.constant 0 : i32
    %dma_start3A_292 = tpu.memref_slice %arg4[%add3A_283, %dma_start3A_291] : memref<425984x32xf32, #tpu.memory_space<hbm>> -> memref<512x32xf32, #tpu.memory_space<hbm>>
    %dma_start3A_293 = arith.constant 0 : i32
    %dma_start3A_294 = arith.constant 0 : i32
    %dma_start3A_295 = tpu.memref_slice %arg6[%dma_start3A_284, %dma_start3A_293, %dma_start3A_294] : memref<7x512x32xf32, #tpu.memory_space<vmem>> -> memref<1x512x32xf32, #tpu.memory_space<vmem>>
    %dma_start3A_296 = tpu.memref_squeeze %dma_start3A_295 : memref<1x512x32xf32, #tpu.memory_space<vmem>> -> memref<512x32xf32, #tpu.memory_space<vmem>>
    tpu.enqueue_dma source(%dma_start3A_296 : memref<512x32xf32, #tpu.memory_space<vmem>>) target(%dma_start3A_292 : memref<512x32xf32, #tpu.memory_space<hbm>>) target_semaphore(%arg8 : memref<!tpu.dma_semaphore, #tpu.memory_space<semaphore_mem>>)
    %dma_wait3A_297 = arith.constant 3 : i32
    %dma_wait3A_298 = arith.constant 0 : i32
    %dma_wait3A_299 = arith.constant 0 : i32
    %dma_wait3A_300 = tpu.memref_slice %arg6[%dma_wait3A_297, %dma_wait3A_298, %dma_wait3A_299] : memref<7x512x32xf32, #tpu.memory_space<vmem>> -> memref<1x512x32xf32, #tpu.memory_space<vmem>>
    %dma_wait3A_301 = tpu.memref_squeeze %dma_wait3A_300 : memref<1x512x32xf32, #tpu.memory_space<vmem>> -> memref<512x32xf32, #tpu.memory_space<vmem>>
    %dma_wait3A_302 = arith.constant 0 : i32
    %dma_wait3A_303 = tpu.memref_slice %arg4[%add3A_283, %dma_wait3A_302] : memref<425984x32xf32, #tpu.memory_space<hbm>> -> memref<512x32xf32, #tpu.memory_space<hbm>>
    %dma_wait3A_304 = arith.constant 0 : i32
    %dma_wait3A_305 = tpu.memref_slice %arg4[%add3A_283, %dma_wait3A_304] : memref<425984x32xf32, #tpu.memory_space<hbm>> -> memref<512x32xf32, #tpu.memory_space<hbm>>
    %dma_wait3A_306 = arith.constant 0 : i32
    %dma_wait3A_307 = arith.constant 0 : i32
    %dma_wait3A_308 = tpu.memref_slice %arg6[%dma_wait3A_297, %dma_wait3A_306, %dma_wait3A_307] : memref<7x512x32xf32, #tpu.memory_space<vmem>> -> memref<1x512x32xf32, #tpu.memory_space<vmem>>
    %dma_wait3A_309 = tpu.memref_squeeze %dma_wait3A_308 : memref<1x512x32xf32, #tpu.memory_space<vmem>> -> memref<512x32xf32, #tpu.memory_space<vmem>>
    tpu.wait_dma2 semaphore(%arg8 : memref<!tpu.dma_semaphore, #tpu.memory_space<semaphore_mem>>) src(%dma_wait3A_309 : memref<512x32xf32, #tpu.memory_space<vmem>>) dst(%dma_wait3A_305 : memref<512x32xf32, #tpu.memory_space<hbm>>)
    %add3A_310 = arith.constant 5120 : i32
    %add3A_311 = arith.addi %mul3A_2, %add3A_310 : i32
    %run_scoped3A_312 = arith.constant 3 : i32
    "tpu.region"() ({
      %run_scoped3A_1430 = tpu.sem_alloc : memref<!tpu.dma_semaphore, #tpu.memory_space<semaphore_mem>>
      %dma_start3A_1431 = arith.constant 0 : i32
      %dma_start3A_1432 = tpu.memref_slice %arg5[%run_scoped3A_312, %dma_start3A_1431] : memref<7x512xi32, #tpu.memory_space<vmem>> -> memref<1x512xi32, #tpu.memory_space<vmem>>
      %dma_start3A_1433 = tpu.memref_squeeze %dma_start3A_1432 : memref<1x512xi32, #tpu.memory_space<vmem>> -> memref<512xi32, #tpu.memory_space<vmem>>
      %dma_start3A_1434 = tpu.memref_slice %arg2[%add3A_311] : memref<425984xi32, #tpu.memory_space<hbm>> -> memref<512xi32, #tpu.memory_space<hbm>>
      %dma_start3A_1435 = arith.constant 0 : i32
      %dma_start3A_1436 = tpu.memref_slice %arg5[%run_scoped3A_312, %dma_start3A_1435] : memref<7x512xi32, #tpu.memory_space<vmem>> -> memref<1x512xi32, #tpu.memory_space<vmem>>
      %dma_start3A_1437 = tpu.memref_squeeze %dma_start3A_1436 : memref<1x512xi32, #tpu.memory_space<vmem>> -> memref<512xi32, #tpu.memory_space<vmem>>
      %dma_start3A_1438 = tpu.memref_slice %arg2[%add3A_311] : memref<425984xi32, #tpu.memory_space<hbm>> -> memref<512xi32, #tpu.memory_space<hbm>>
      tpu.enqueue_dma source(%dma_start3A_1438 : memref<512xi32, #tpu.memory_space<hbm>>) target(%dma_start3A_1437 : memref<512xi32, #tpu.memory_space<vmem>>) target_semaphore(%run_scoped3A_1430 : memref<!tpu.dma_semaphore, #tpu.memory_space<semaphore_mem>>)
      %dma_wait3A_1439 = arith.constant 0 : i32
      %dma_wait3A_1440 = tpu.memref_slice %arg5[%run_scoped3A_312, %dma_wait3A_1439] : memref<7x512xi32, #tpu.memory_space<vmem>> -> memref<1x512xi32, #tpu.memory_space<vmem>>
      %dma_wait3A_1441 = tpu.memref_squeeze %dma_wait3A_1440 : memref<1x512xi32, #tpu.memory_space<vmem>> -> memref<512xi32, #tpu.memory_space<vmem>>
      %dma_wait3A_1442 = tpu.memref_slice %arg2[%add3A_311] : memref<425984xi32, #tpu.memory_space<hbm>> -> memref<512xi32, #tpu.memory_space<hbm>>
      %dma_wait3A_1443 = arith.constant 0 : i32
      %dma_wait3A_1444 = tpu.memref_slice %arg5[%run_scoped3A_312, %dma_wait3A_1443] : memref<7x512xi32, #tpu.memory_space<vmem>> -> memref<1x512xi32, #tpu.memory_space<vmem>>
      %dma_wait3A_1445 = tpu.memref_squeeze %dma_wait3A_1444 : memref<1x512xi32, #tpu.memory_space<vmem>> -> memref<512xi32, #tpu.memory_space<vmem>>
      %dma_wait3A_1446 = tpu.memref_slice %arg2[%add3A_311] : memref<425984xi32, #tpu.memory_space<hbm>> -> memref<512xi32, #tpu.memory_space<hbm>>
      tpu.wait_dma2 semaphore(%run_scoped3A_1430 : memref<!tpu.dma_semaphore, #tpu.memory_space<semaphore_mem>>) src(%dma_wait3A_1446 : memref<512xi32, #tpu.memory_space<hbm>>) dst(%dma_wait3A_1445 : memref<512xi32, #tpu.memory_space<vmem>>)
      tpu.yield
    }) : () -> ()
    %dma_start3A_313 = arith.constant 3 : i32
    %dma_start3A_314 = arith.constant 3 : i32
    %dma_start3A_315 = arith.constant 0 : i32
    %dma_start3A_316 = arith.constant 0 : i32
    %dma_start3A_317 = tpu.memref_slice %arg6[%dma_start3A_314, %dma_start3A_315, %dma_start3A_316] : memref<7x512x32xf32, #tpu.memory_space<vmem>> -> memref<1x512x32xf32, #tpu.memory_space<vmem>>
    %dma_start3A_318 = tpu.memref_squeeze %dma_start3A_317 : memref<1x512x32xf32, #tpu.memory_space<vmem>> -> memref<512x32xf32, #tpu.memory_space<vmem>>
    %dma_start3A_319 = arith.constant 0 : i32
    %dma_start3A_320 = tpu.memref_slice %arg5[%dma_start3A_313, %dma_start3A_319] : memref<7x512xi32, #tpu.memory_space<vmem>> -> memref<1x512xi32, #tpu.memory_space<vmem>>
    %dma_start3A_321 = tpu.memref_squeeze %dma_start3A_320 : memref<1x512xi32, #tpu.memory_space<vmem>> -> memref<512xi32, #tpu.memory_space<vmem>>
    %dma_start3A_322 = arith.constant 0 : i32
    %dma_start3A_323 = arith.constant 0 : i32
    %dma_start3A_324 = tpu.memref_slice %arg3[%dma_start3A_322, %dma_start3A_323] : memref<1000000x32xf32, #tpu.memory_space<hbm>> -> memref<1000000x32xf32, #tpu.memory_space<hbm>>
    tpu.enqueue_indirect_dma source(%dma_start3A_324 : memref<1000000x32xf32, #tpu.memory_space<hbm>>) target(%dma_start3A_318 : memref<512x32xf32, #tpu.memory_space<vmem>>) offsets(%dma_start3A_321 : memref<512xi32, #tpu.memory_space<vmem>>) semaphore(%arg7 : memref<!tpu.dma_semaphore, #tpu.memory_space<semaphore_mem>>)
    %dma_wait3A_325 = arith.constant 4 : i32
    %dma_wait3A_326 = arith.constant 4 : i32
    %dma_wait3A_327 = arith.constant 0 : i32
    %dma_wait3A_328 = arith.constant 0 : i32
    %dma_wait3A_329 = tpu.memref_slice %arg6[%dma_wait3A_326, %dma_wait3A_327, %dma_wait3A_328] : memref<7x512x32xf32, #tpu.memory_space<vmem>> -> memref<1x512x32xf32, #tpu.memory_space<vmem>>
    %dma_wait3A_330 = tpu.memref_squeeze %dma_wait3A_329 : memref<1x512x32xf32, #tpu.memory_space<vmem>> -> memref<512x32xf32, #tpu.memory_space<vmem>>
    %dma_wait3A_331 = arith.constant 0 : i32
    %dma_wait3A_332 = tpu.memref_slice %arg5[%dma_wait3A_325, %dma_wait3A_331] : memref<7x512xi32, #tpu.memory_space<vmem>> -> memref<1x512xi32, #tpu.memory_space<vmem>>
    %dma_wait3A_333 = tpu.memref_squeeze %dma_wait3A_332 : memref<1x512xi32, #tpu.memory_space<vmem>> -> memref<512xi32, #tpu.memory_space<vmem>>
    %dma_wait3A_334 = arith.constant 0 : i32
    %dma_wait3A_335 = arith.constant 0 : i32
    %dma_wait3A_336 = tpu.memref_slice %arg3[%dma_wait3A_334, %dma_wait3A_335] : memref<1000000x32xf32, #tpu.memory_space<hbm>> -> memref<1000000x32xf32, #tpu.memory_space<hbm>>
    tpu.wait_indirect_dma semaphore(%arg7 : memref<!tpu.dma_semaphore, #tpu.memory_space<semaphore_mem>>) src(%dma_wait3A_336 : memref<1000000x32xf32, #tpu.memory_space<hbm>>) dst(%dma_wait3A_330 : memref<512x32xf32, #tpu.memory_space<vmem>>)
    %add3A_337 = arith.constant 2048 : i32
    %add3A_338 = arith.addi %mul3A_2, %add3A_337 : i32
    %dma_start3A_339 = arith.constant 4 : i32
    %dma_start3A_340 = arith.constant 0 : i32
    %dma_start3A_341 = arith.constant 0 : i32
    %dma_start3A_342 = tpu.memref_slice %arg6[%dma_start3A_339, %dma_start3A_340, %dma_start3A_341] : memref<7x512x32xf32, #tpu.memory_space<vmem>> -> memref<1x512x32xf32, #tpu.memory_space<vmem>>
    %dma_start3A_343 = tpu.memref_squeeze %dma_start3A_342 : memref<1x512x32xf32, #tpu.memory_space<vmem>> -> memref<512x32xf32, #tpu.memory_space<vmem>>
    %dma_start3A_344 = arith.constant 0 : i32
    %dma_start3A_345 = tpu.memref_slice %arg4[%add3A_338, %dma_start3A_344] : memref<425984x32xf32, #tpu.memory_space<hbm>> -> memref<512x32xf32, #tpu.memory_space<hbm>>
    %dma_start3A_346 = arith.constant 0 : i32
    %dma_start3A_347 = tpu.memref_slice %arg4[%add3A_338, %dma_start3A_346] : memref<425984x32xf32, #tpu.memory_space<hbm>> -> memref<512x32xf32, #tpu.memory_space<hbm>>
    %dma_start3A_348 = arith.constant 0 : i32
    %dma_start3A_349 = arith.constant 0 : i32
    %dma_start3A_350 = tpu.memref_slice %arg6[%dma_start3A_339, %dma_start3A_348, %dma_start3A_349] : memref<7x512x32xf32, #tpu.memory_space<vmem>> -> memref<1x512x32xf32, #tpu.memory_space<vmem>>
    %dma_start3A_351 = tpu.memref_squeeze %dma_start3A_350 : memref<1x512x32xf32, #tpu.memory_space<vmem>> -> memref<512x32xf32, #tpu.memory_space<vmem>>
    tpu.enqueue_dma source(%dma_start3A_351 : memref<512x32xf32, #tpu.memory_space<vmem>>) target(%dma_start3A_347 : memref<512x32xf32, #tpu.memory_space<hbm>>) target_semaphore(%arg8 : memref<!tpu.dma_semaphore, #tpu.memory_space<semaphore_mem>>)
    %dma_wait3A_352 = arith.constant 4 : i32
    %dma_wait3A_353 = arith.constant 0 : i32
    %dma_wait3A_354 = arith.constant 0 : i32
    %dma_wait3A_355 = tpu.memref_slice %arg6[%dma_wait3A_352, %dma_wait3A_353, %dma_wait3A_354] : memref<7x512x32xf32, #tpu.memory_space<vmem>> -> memref<1x512x32xf32, #tpu.memory_space<vmem>>
    %dma_wait3A_356 = tpu.memref_squeeze %dma_wait3A_355 : memref<1x512x32xf32, #tpu.memory_space<vmem>> -> memref<512x32xf32, #tpu.memory_space<vmem>>
    %dma_wait3A_357 = arith.constant 0 : i32
    %dma_wait3A_358 = tpu.memref_slice %arg4[%add3A_338, %dma_wait3A_357] : memref<425984x32xf32, #tpu.memory_space<hbm>> -> memref<512x32xf32, #tpu.memory_space<hbm>>
    %dma_wait3A_359 = arith.constant 0 : i32
    %dma_wait3A_360 = tpu.memref_slice %arg4[%add3A_338, %dma_wait3A_359] : memref<425984x32xf32, #tpu.memory_space<hbm>> -> memref<512x32xf32, #tpu.memory_space<hbm>>
    %dma_wait3A_361 = arith.constant 0 : i32
    %dma_wait3A_362 = arith.constant 0 : i32
    %dma_wait3A_363 = tpu.memref_slice %arg6[%dma_wait3A_352, %dma_wait3A_361, %dma_wait3A_362] : memref<7x512x32xf32, #tpu.memory_space<vmem>> -> memref<1x512x32xf32, #tpu.memory_space<vmem>>
    %dma_wait3A_364 = tpu.memref_squeeze %dma_wait3A_363 : memref<1x512x32xf32, #tpu.memory_space<vmem>> -> memref<512x32xf32, #tpu.memory_space<vmem>>
    tpu.wait_dma2 semaphore(%arg8 : memref<!tpu.dma_semaphore, #tpu.memory_space<semaphore_mem>>) src(%dma_wait3A_364 : memref<512x32xf32, #tpu.memory_space<vmem>>) dst(%dma_wait3A_360 : memref<512x32xf32, #tpu.memory_space<hbm>>)
    %add3A_365 = arith.constant 5632 : i32
    %add3A_366 = arith.addi %mul3A_2, %add3A_365 : i32
    %run_scoped3A_367 = arith.constant 4 : i32
    "tpu.region"() ({
      %run_scoped3A_1430 = tpu.sem_alloc : memref<!tpu.dma_semaphore, #tpu.memory_space<semaphore_mem>>
      %dma_start3A_1431 = arith.constant 0 : i32
      %dma_start3A_1432 = tpu.memref_slice %arg5[%run_scoped3A_367, %dma_start3A_1431] : memref<7x512xi32, #tpu.memory_space<vmem>> -> memref<1x512xi32, #tpu.memory_space<vmem>>
      %dma_start3A_1433 = tpu.memref_squeeze %dma_start3A_1432 : memref<1x512xi32, #tpu.memory_space<vmem>> -> memref<512xi32, #tpu.memory_space<vmem>>
      %dma_start3A_1434 = tpu.memref_slice %arg2[%add3A_366] : memref<425984xi32, #tpu.memory_space<hbm>> -> memref<512xi32, #tpu.memory_space<hbm>>
      %dma_start3A_1435 = arith.constant 0 : i32
      %dma_start3A_1436 = tpu.memref_slice %arg5[%run_scoped3A_367, %dma_start3A_1435] : memref<7x512xi32, #tpu.memory_space<vmem>> -> memref<1x512xi32, #tpu.memory_space<vmem>>
      %dma_start3A_1437 = tpu.memref_squeeze %dma_start3A_1436 : memref<1x512xi32, #tpu.memory_space<vmem>> -> memref<512xi32, #tpu.memory_space<vmem>>
      %dma_start3A_1438 = tpu.memref_slice %arg2[%add3A_366] : memref<425984xi32, #tpu.memory_space<hbm>> -> memref<512xi32, #tpu.memory_space<hbm>>
      tpu.enqueue_dma source(%dma_start3A_1438 : memref<512xi32, #tpu.memory_space<hbm>>) target(%dma_start3A_1437 : memref<512xi32, #tpu.memory_space<vmem>>) target_semaphore(%run_scoped3A_1430 : memref<!tpu.dma_semaphore, #tpu.memory_space<semaphore_mem>>)
      %dma_wait3A_1439 = arith.constant 0 : i32
      %dma_wait3A_1440 = tpu.memref_slice %arg5[%run_scoped3A_367, %dma_wait3A_1439] : memref<7x512xi32, #tpu.memory_space<vmem>> -> memref<1x512xi32, #tpu.memory_space<vmem>>
      %dma_wait3A_1441 = tpu.memref_squeeze %dma_wait3A_1440 : memref<1x512xi32, #tpu.memory_space<vmem>> -> memref<512xi32, #tpu.memory_space<vmem>>
      %dma_wait3A_1442 = tpu.memref_slice %arg2[%add3A_366] : memref<425984xi32, #tpu.memory_space<hbm>> -> memref<512xi32, #tpu.memory_space<hbm>>
      %dma_wait3A_1443 = arith.constant 0 : i32
      %dma_wait3A_1444 = tpu.memref_slice %arg5[%run_scoped3A_367, %dma_wait3A_1443] : memref<7x512xi32, #tpu.memory_space<vmem>> -> memref<1x512xi32, #tpu.memory_space<vmem>>
      %dma_wait3A_1445 = tpu.memref_squeeze %dma_wait3A_1444 : memref<1x512xi32, #tpu.memory_space<vmem>> -> memref<512xi32, #tpu.memory_space<vmem>>
      %dma_wait3A_1446 = tpu.memref_slice %arg2[%add3A_366] : memref<425984xi32, #tpu.memory_space<hbm>> -> memref<512xi32, #tpu.memory_space<hbm>>
      tpu.wait_dma2 semaphore(%run_scoped3A_1430 : memref<!tpu.dma_semaphore, #tpu.memory_space<semaphore_mem>>) src(%dma_wait3A_1446 : memref<512xi32, #tpu.memory_space<hbm>>) dst(%dma_wait3A_1445 : memref<512xi32, #tpu.memory_space<vmem>>)
      tpu.yield
    }) : () -> ()
    %dma_start3A_368 = arith.constant 4 : i32
    %dma_start3A_369 = arith.constant 4 : i32
    %dma_start3A_370 = arith.constant 0 : i32
    %dma_start3A_371 = arith.constant 0 : i32
    %dma_start3A_372 = tpu.memref_slice %arg6[%dma_start3A_369, %dma_start3A_370, %dma_start3A_371] : memref<7x512x32xf32, #tpu.memory_space<vmem>> -> memref<1x512x32xf32, #tpu.memory_space<vmem>>
    %dma_start3A_373 = tpu.memref_squeeze %dma_start3A_372 : memref<1x512x32xf32, #tpu.memory_space<vmem>> -> memref<512x32xf32, #tpu.memory_space<vmem>>
    %dma_start3A_374 = arith.constant 0 : i32
    %dma_start3A_375 = tpu.memref_slice %arg5[%dma_start3A_368, %dma_start3A_374] : memref<7x512xi32, #tpu.memory_space<vmem>> -> memref<1x512xi32, #tpu.memory_space<vmem>>
    %dma_start3A_376 = tpu.memref_squeeze %dma_start3A_375 : memref<1x512xi32, #tpu.memory_space<vmem>> -> memref<512xi32, #tpu.memory_space<vmem>>
    %dma_start3A_377 = arith.constant 0 : i32
    %dma_start3A_378 = arith.constant 0 : i32
    %dma_start3A_379 = tpu.memref_slice %arg3[%dma_start3A_377, %dma_start3A_378] : memref<1000000x32xf32, #tpu.memory_space<hbm>> -> memref<1000000x32xf32, #tpu.memory_space<hbm>>
    tpu.enqueue_indirect_dma source(%dma_start3A_379 : memref<1000000x32xf32, #tpu.memory_space<hbm>>) target(%dma_start3A_373 : memref<512x32xf32, #tpu.memory_space<vmem>>) offsets(%dma_start3A_376 : memref<512xi32, #tpu.memory_space<vmem>>) semaphore(%arg7 : memref<!tpu.dma_semaphore, #tpu.memory_space<semaphore_mem>>)
    %dma_wait3A_380 = arith.constant 5 : i32
    %dma_wait3A_381 = arith.constant 5 : i32
    %dma_wait3A_382 = arith.constant 0 : i32
    %dma_wait3A_383 = arith.constant 0 : i32
    %dma_wait3A_384 = tpu.memref_slice %arg6[%dma_wait3A_381, %dma_wait3A_382, %dma_wait3A_383] : memref<7x512x32xf32, #tpu.memory_space<vmem>> -> memref<1x512x32xf32, #tpu.memory_space<vmem>>
    %dma_wait3A_385 = tpu.memref_squeeze %dma_wait3A_384 : memref<1x512x32xf32, #tpu.memory_space<vmem>> -> memref<512x32xf32, #tpu.memory_space<vmem>>
    %dma_wait3A_386 = arith.constant 0 : i32
    %dma_wait3A_387 = tpu.memref_slice %arg5[%dma_wait3A_380, %dma_wait3A_386] : memref<7x512xi32, #tpu.memory_space<vmem>> -> memref<1x512xi32, #tpu.memory_space<vmem>>
    %dma_wait3A_388 = tpu.memref_squeeze %dma_wait3A_387 : memref<1x512xi32, #tpu.memory_space<vmem>> -> memref<512xi32, #tpu.memory_space<vmem>>
    %dma_wait3A_389 = arith.constant 0 : i32
    %dma_wait3A_390 = arith.constant 0 : i32
    %dma_wait3A_391 = tpu.memref_slice %arg3[%dma_wait3A_389, %dma_wait3A_390] : memref<1000000x32xf32, #tpu.memory_space<hbm>> -> memref<1000000x32xf32, #tpu.memory_space<hbm>>
    tpu.wait_indirect_dma semaphore(%arg7 : memref<!tpu.dma_semaphore, #tpu.memory_space<semaphore_mem>>) src(%dma_wait3A_391 : memref<1000000x32xf32, #tpu.memory_space<hbm>>) dst(%dma_wait3A_385 : memref<512x32xf32, #tpu.memory_space<vmem>>)
    %add3A_392 = arith.constant 2560 : i32
    %add3A_393 = arith.addi %mul3A_2, %add3A_392 : i32
    %dma_start3A_394 = arith.constant 5 : i32
    %dma_start3A_395 = arith.constant 0 : i32
    %dma_start3A_396 = arith.constant 0 : i32
    %dma_start3A_397 = tpu.memref_slice %arg6[%dma_start3A_394, %dma_start3A_395, %dma_start3A_396] : memref<7x512x32xf32, #tpu.memory_space<vmem>> -> memref<1x512x32xf32, #tpu.memory_space<vmem>>
    %dma_start3A_398 = tpu.memref_squeeze %dma_start3A_397 : memref<1x512x32xf32, #tpu.memory_space<vmem>> -> memref<512x32xf32, #tpu.memory_space<vmem>>
    %dma_start3A_399 = arith.constant 0 : i32
    %dma_start3A_400 = tpu.memref_slice %arg4[%add3A_393, %dma_start3A_399] : memref<425984x32xf32, #tpu.memory_space<hbm>> -> memref<512x32xf32, #tpu.memory_space<hbm>>
    %dma_start3A_401 = arith.constant 0 : i32
    %dma_start3A_402 = tpu.memref_slice %arg4[%add3A_393, %dma_start3A_401] : memref<425984x32xf32, #tpu.memory_space<hbm>> -> memref<512x32xf32, #tpu.memory_space<hbm>>
    %dma_start3A_403 = arith.constant 0 : i32
    %dma_start3A_404 = arith.constant 0 : i32
    %dma_start3A_405 = tpu.memref_slice %arg6[%dma_start3A_394, %dma_start3A_403, %dma_start3A_404] : memref<7x512x32xf32, #tpu.memory_space<vmem>> -> memref<1x512x32xf32, #tpu.memory_space<vmem>>
    %dma_start3A_406 = tpu.memref_squeeze %dma_start3A_405 : memref<1x512x32xf32, #tpu.memory_space<vmem>> -> memref<512x32xf32, #tpu.memory_space<vmem>>
    tpu.enqueue_dma source(%dma_start3A_406 : memref<512x32xf32, #tpu.memory_space<vmem>>) target(%dma_start3A_402 : memref<512x32xf32, #tpu.memory_space<hbm>>) target_semaphore(%arg8 : memref<!tpu.dma_semaphore, #tpu.memory_space<semaphore_mem>>)
    %dma_wait3A_407 = arith.constant 5 : i32
    %dma_wait3A_408 = arith.constant 0 : i32
    %dma_wait3A_409 = arith.constant 0 : i32
    %dma_wait3A_410 = tpu.memref_slice %arg6[%dma_wait3A_407, %dma_wait3A_408, %dma_wait3A_409] : memref<7x512x32xf32, #tpu.memory_space<vmem>> -> memref<1x512x32xf32, #tpu.memory_space<vmem>>
    %dma_wait3A_411 = tpu.memref_squeeze %dma_wait3A_410 : memref<1x512x32xf32, #tpu.memory_space<vmem>> -> memref<512x32xf32, #tpu.memory_space<vmem>>
    %dma_wait3A_412 = arith.constant 0 : i32
    %dma_wait3A_413 = tpu.memref_slice %arg4[%add3A_393, %dma_wait3A_412] : memref<425984x32xf32, #tpu.memory_space<hbm>> -> memref<512x32xf32, #tpu.memory_space<hbm>>
    %dma_wait3A_414 = arith.constant 0 : i32
    %dma_wait3A_415 = tpu.memref_slice %arg4[%add3A_393, %dma_wait3A_414] : memref<425984x32xf32, #tpu.memory_space<hbm>> -> memref<512x32xf32, #tpu.memory_space<hbm>>
    %dma_wait3A_416 = arith.constant 0 : i32
    %dma_wait3A_417 = arith.constant 0 : i32
    %dma_wait3A_418 = tpu.memref_slice %arg6[%dma_wait3A_407, %dma_wait3A_416, %dma_wait3A_417] : memref<7x512x32xf32, #tpu.memory_space<vmem>> -> memref<1x512x32xf32, #tpu.memory_space<vmem>>
    %dma_wait3A_419 = tpu.memref_squeeze %dma_wait3A_418 : memref<1x512x32xf32, #tpu.memory_space<vmem>> -> memref<512x32xf32, #tpu.memory_space<vmem>>
    tpu.wait_dma2 semaphore(%arg8 : memref<!tpu.dma_semaphore, #tpu.memory_space<semaphore_mem>>) src(%dma_wait3A_419 : memref<512x32xf32, #tpu.memory_space<vmem>>) dst(%dma_wait3A_415 : memref<512x32xf32, #tpu.memory_space<hbm>>)
    %add3A_420 = arith.constant 6144 : i32
    %add3A_421 = arith.addi %mul3A_2, %add3A_420 : i32
    %run_scoped3A_422 = arith.constant 5 : i32
    "tpu.region"() ({
      %run_scoped3A_1430 = tpu.sem_alloc : memref<!tpu.dma_semaphore, #tpu.memory_space<semaphore_mem>>
      %dma_start3A_1431 = arith.constant 0 : i32
      %dma_start3A_1432 = tpu.memref_slice %arg5[%run_scoped3A_422, %dma_start3A_1431] : memref<7x512xi32, #tpu.memory_space<vmem>> -> memref<1x512xi32, #tpu.memory_space<vmem>>
      %dma_start3A_1433 = tpu.memref_squeeze %dma_start3A_1432 : memref<1x512xi32, #tpu.memory_space<vmem>> -> memref<512xi32, #tpu.memory_space<vmem>>
      %dma_start3A_1434 = tpu.memref_slice %arg2[%add3A_421] : memref<425984xi32, #tpu.memory_space<hbm>> -> memref<512xi32, #tpu.memory_space<hbm>>
      %dma_start3A_1435 = arith.constant 0 : i32
      %dma_start3A_1436 = tpu.memref_slice %arg5[%run_scoped3A_422, %dma_start3A_1435] : memref<7x512xi32, #tpu.memory_space<vmem>> -> memref<1x512xi32, #tpu.memory_space<vmem>>
      %dma_start3A_1437 = tpu.memref_squeeze %dma_start3A_1436 : memref<1x512xi32, #tpu.memory_space<vmem>> -> memref<512xi32, #tpu.memory_space<vmem>>
      %dma_start3A_1438 = tpu.memref_slice %arg2[%add3A_421] : memref<425984xi32, #tpu.memory_space<hbm>> -> memref<512xi32, #tpu.memory_space<hbm>>
      tpu.enqueue_dma source(%dma_start3A_1438 : memref<512xi32, #tpu.memory_space<hbm>>) target(%dma_start3A_1437 : memref<512xi32, #tpu.memory_space<vmem>>) target_semaphore(%run_scoped3A_1430 : memref<!tpu.dma_semaphore, #tpu.memory_space<semaphore_mem>>)
      %dma_wait3A_1439 = arith.constant 0 : i32
      %dma_wait3A_1440 = tpu.memref_slice %arg5[%run_scoped3A_422, %dma_wait3A_1439] : memref<7x512xi32, #tpu.memory_space<vmem>> -> memref<1x512xi32, #tpu.memory_space<vmem>>
      %dma_wait3A_1441 = tpu.memref_squeeze %dma_wait3A_1440 : memref<1x512xi32, #tpu.memory_space<vmem>> -> memref<512xi32, #tpu.memory_space<vmem>>
      %dma_wait3A_1442 = tpu.memref_slice %arg2[%add3A_421] : memref<425984xi32, #tpu.memory_space<hbm>> -> memref<512xi32, #tpu.memory_space<hbm>>
      %dma_wait3A_1443 = arith.constant 0 : i32
      %dma_wait3A_1444 = tpu.memref_slice %arg5[%run_scoped3A_422, %dma_wait3A_1443] : memref<7x512xi32, #tpu.memory_space<vmem>> -> memref<1x512xi32, #tpu.memory_space<vmem>>
      %dma_wait3A_1445 = tpu.memref_squeeze %dma_wait3A_1444 : memref<1x512xi32, #tpu.memory_space<vmem>> -> memref<512xi32, #tpu.memory_space<vmem>>
      %dma_wait3A_1446 = tpu.memref_slice %arg2[%add3A_421] : memref<425984xi32, #tpu.memory_space<hbm>> -> memref<512xi32, #tpu.memory_space<hbm>>
      tpu.wait_dma2 semaphore(%run_scoped3A_1430 : memref<!tpu.dma_semaphore, #tpu.memory_space<semaphore_mem>>) src(%dma_wait3A_1446 : memref<512xi32, #tpu.memory_space<hbm>>) dst(%dma_wait3A_1445 : memref<512xi32, #tpu.memory_space<vmem>>)
      tpu.yield
    }) : () -> ()
    %dma_start3A_423 = arith.constant 5 : i32
    %dma_start3A_424 = arith.constant 5 : i32
    %dma_start3A_425 = arith.constant 0 : i32
    %dma_start3A_426 = arith.constant 0 : i32
    %dma_start3A_427 = tpu.memref_slice %arg6[%dma_start3A_424, %dma_start3A_425, %dma_start3A_426] : memref<7x512x32xf32, #tpu.memory_space<vmem>> -> memref<1x512x32xf32, #tpu.memory_space<vmem>>
    %dma_start3A_428 = tpu.memref_squeeze %dma_start3A_427 : memref<1x512x32xf32, #tpu.memory_space<vmem>> -> memref<512x32xf32, #tpu.memory_space<vmem>>
    %dma_start3A_429 = arith.constant 0 : i32
    %dma_start3A_430 = tpu.memref_slice %arg5[%dma_start3A_423, %dma_start3A_429] : memref<7x512xi32, #tpu.memory_space<vmem>> -> memref<1x512xi32, #tpu.memory_space<vmem>>
    %dma_start3A_431 = tpu.memref_squeeze %dma_start3A_430 : memref<1x512xi32, #tpu.memory_space<vmem>> -> memref<512xi32, #tpu.memory_space<vmem>>
    %dma_start3A_432 = arith.constant 0 : i32
    %dma_start3A_433 = arith.constant 0 : i32
    %dma_start3A_434 = tpu.memref_slice %arg3[%dma_start3A_432, %dma_start3A_433] : memref<1000000x32xf32, #tpu.memory_space<hbm>> -> memref<1000000x32xf32, #tpu.memory_space<hbm>>
    tpu.enqueue_indirect_dma source(%dma_start3A_434 : memref<1000000x32xf32, #tpu.memory_space<hbm>>) target(%dma_start3A_428 : memref<512x32xf32, #tpu.memory_space<vmem>>) offsets(%dma_start3A_431 : memref<512xi32, #tpu.memory_space<vmem>>) semaphore(%arg7 : memref<!tpu.dma_semaphore, #tpu.memory_space<semaphore_mem>>)
    %dma_wait3A_435 = arith.constant 6 : i32
    %dma_wait3A_436 = arith.constant 6 : i32
    %dma_wait3A_437 = arith.constant 0 : i32
    %dma_wait3A_438 = arith.constant 0 : i32
    %dma_wait3A_439 = tpu.memref_slice %arg6[%dma_wait3A_436, %dma_wait3A_437, %dma_wait3A_438] : memref<7x512x32xf32, #tpu.memory_space<vmem>> -> memref<1x512x32xf32, #tpu.memory_space<vmem>>
    %dma_wait3A_440 = tpu.memref_squeeze %dma_wait3A_439 : memref<1x512x32xf32, #tpu.memory_space<vmem>> -> memref<512x32xf32, #tpu.memory_space<vmem>>
    %dma_wait3A_441 = arith.constant 0 : i32
    %dma_wait3A_442 = tpu.memref_slice %arg5[%dma_wait3A_435, %dma_wait3A_441] : memref<7x512xi32, #tpu.memory_space<vmem>> -> memref<1x512xi32, #tpu.memory_space<vmem>>
    %dma_wait3A_443 = tpu.memref_squeeze %dma_wait3A_442 : memref<1x512xi32, #tpu.memory_space<vmem>> -> memref<512xi32, #tpu.memory_space<vmem>>
    %dma_wait3A_444 = arith.constant 0 : i32
    %dma_wait3A_445 = arith.constant 0 : i32
    %dma_wait3A_446 = tpu.memref_slice %arg3[%dma_wait3A_444, %dma_wait3A_445] : memref<1000000x32xf32, #tpu.memory_space<hbm>> -> memref<1000000x32xf32, #tpu.memory_space<hbm>>
    tpu.wait_indirect_dma semaphore(%arg7 : memref<!tpu.dma_semaphore, #tpu.memory_space<semaphore_mem>>) src(%dma_wait3A_446 : memref<1000000x32xf32, #tpu.memory_space<hbm>>) dst(%dma_wait3A_440 : memref<512x32xf32, #tpu.memory_space<vmem>>)
    %add3A_447 = arith.constant 3072 : i32
    %add3A_448 = arith.addi %mul3A_2, %add3A_447 : i32
    %dma_start3A_449 = arith.constant 6 : i32
    %dma_start3A_450 = arith.constant 0 : i32
    %dma_start3A_451 = arith.constant 0 : i32
    %dma_start3A_452 = tpu.memref_slice %arg6[%dma_start3A_449, %dma_start3A_450, %dma_start3A_451] : memref<7x512x32xf32, #tpu.memory_space<vmem>> -> memref<1x512x32xf32, #tpu.memory_space<vmem>>
    %dma_start3A_453 = tpu.memref_squeeze %dma_start3A_452 : memref<1x512x32xf32, #tpu.memory_space<vmem>> -> memref<512x32xf32, #tpu.memory_space<vmem>>
    %dma_start3A_454 = arith.constant 0 : i32
    %dma_start3A_455 = tpu.memref_slice %arg4[%add3A_448, %dma_start3A_454] : memref<425984x32xf32, #tpu.memory_space<hbm>> -> memref<512x32xf32, #tpu.memory_space<hbm>>
    %dma_start3A_456 = arith.constant 0 : i32
    %dma_start3A_457 = tpu.memref_slice %arg4[%add3A_448, %dma_start3A_456] : memref<425984x32xf32, #tpu.memory_space<hbm>> -> memref<512x32xf32, #tpu.memory_space<hbm>>
    %dma_start3A_458 = arith.constant 0 : i32
    %dma_start3A_459 = arith.constant 0 : i32
    %dma_start3A_460 = tpu.memref_slice %arg6[%dma_start3A_449, %dma_start3A_458, %dma_start3A_459] : memref<7x512x32xf32, #tpu.memory_space<vmem>> -> memref<1x512x32xf32, #tpu.memory_space<vmem>>
    %dma_start3A_461 = tpu.memref_squeeze %dma_start3A_460 : memref<1x512x32xf32, #tpu.memory_space<vmem>> -> memref<512x32xf32, #tpu.memory_space<vmem>>
    tpu.enqueue_dma source(%dma_start3A_461 : memref<512x32xf32, #tpu.memory_space<vmem>>) target(%dma_start3A_457 : memref<512x32xf32, #tpu.memory_space<hbm>>) target_semaphore(%arg8 : memref<!tpu.dma_semaphore, #tpu.memory_space<semaphore_mem>>)
    %dma_wait3A_462 = arith.constant 6 : i32
    %dma_wait3A_463 = arith.constant 0 : i32
    %dma_wait3A_464 = arith.constant 0 : i32
    %dma_wait3A_465 = tpu.memref_slice %arg6[%dma_wait3A_462, %dma_wait3A_463, %dma_wait3A_464] : memref<7x512x32xf32, #tpu.memory_space<vmem>> -> memref<1x512x32xf32, #tpu.memory_space<vmem>>
    %dma_wait3A_466 = tpu.memref_squeeze %dma_wait3A_465 : memref<1x512x32xf32, #tpu.memory_space<vmem>> -> memref<512x32xf32, #tpu.memory_space<vmem>>
    %dma_wait3A_467 = arith.constant 0 : i32
    %dma_wait3A_468 = tpu.memref_slice %arg4[%add3A_448, %dma_wait3A_467] : memref<425984x32xf32, #tpu.memory_space<hbm>> -> memref<512x32xf32, #tpu.memory_space<hbm>>
    %dma_wait3A_469 = arith.constant 0 : i32
    %dma_wait3A_470 = tpu.memref_slice %arg4[%add3A_448, %dma_wait3A_469] : memref<425984x32xf32, #tpu.memory_space<hbm>> -> memref<512x32xf32, #tpu.memory_space<hbm>>
    %dma_wait3A_471 = arith.constant 0 : i32
    %dma_wait3A_472 = arith.constant 0 : i32
    %dma_wait3A_473 = tpu.memref_slice %arg6[%dma_wait3A_462, %dma_wait3A_471, %dma_wait3A_472] : memref<7x512x32xf32, #tpu.memory_space<vmem>> -> memref<1x512x32xf32, #tpu.memory_space<vmem>>
    %dma_wait3A_474 = tpu.memref_squeeze %dma_wait3A_473 : memref<1x512x32xf32, #tpu.memory_space<vmem>> -> memref<512x32xf32, #tpu.memory_space<vmem>>
    tpu.wait_dma2 semaphore(%arg8 : memref<!tpu.dma_semaphore, #tpu.memory_space<semaphore_mem>>) src(%dma_wait3A_474 : memref<512x32xf32, #tpu.memory_space<vmem>>) dst(%dma_wait3A_470 : memref<512x32xf32, #tpu.memory_space<hbm>>)
    %add3A_475 = arith.constant 6656 : i32
    %add3A_476 = arith.addi %mul3A_2, %add3A_475 : i32
    %run_scoped3A_477 = arith.constant 6 : i32
    "tpu.region"() ({
      %run_scoped3A_1430 = tpu.sem_alloc : memref<!tpu.dma_semaphore, #tpu.memory_space<semaphore_mem>>
      %dma_start3A_1431 = arith.constant 0 : i32
      %dma_start3A_1432 = tpu.memref_slice %arg5[%run_scoped3A_477, %dma_start3A_1431] : memref<7x512xi32, #tpu.memory_space<vmem>> -> memref<1x512xi32, #tpu.memory_space<vmem>>
      %dma_start3A_1433 = tpu.memref_squeeze %dma_start3A_1432 : memref<1x512xi32, #tpu.memory_space<vmem>> -> memref<512xi32, #tpu.memory_space<vmem>>
      %dma_start3A_1434 = tpu.memref_slice %arg2[%add3A_476] : memref<425984xi32, #tpu.memory_space<hbm>> -> memref<512xi32, #tpu.memory_space<hbm>>
      %dma_start3A_1435 = arith.constant 0 : i32
      %dma_start3A_1436 = tpu.memref_slice %arg5[%run_scoped3A_477, %dma_start3A_1435] : memref<7x512xi32, #tpu.memory_space<vmem>> -> memref<1x512xi32, #tpu.memory_space<vmem>>
      %dma_start3A_1437 = tpu.memref_squeeze %dma_start3A_1436 : memref<1x512xi32, #tpu.memory_space<vmem>> -> memref<512xi32, #tpu.memory_space<vmem>>
      %dma_start3A_1438 = tpu.memref_slice %arg2[%add3A_476] : memref<425984xi32, #tpu.memory_space<hbm>> -> memref<512xi32, #tpu.memory_space<hbm>>
      tpu.enqueue_dma source(%dma_start3A_1438 : memref<512xi32, #tpu.memory_space<hbm>>) target(%dma_start3A_1437 : memref<512xi32, #tpu.memory_space<vmem>>) target_semaphore(%run_scoped3A_1430 : memref<!tpu.dma_semaphore, #tpu.memory_space<semaphore_mem>>)
      %dma_wait3A_1439 = arith.constant 0 : i32
      %dma_wait3A_1440 = tpu.memref_slice %arg5[%run_scoped3A_477, %dma_wait3A_1439] : memref<7x512xi32, #tpu.memory_space<vmem>> -> memref<1x512xi32, #tpu.memory_space<vmem>>
      %dma_wait3A_1441 = tpu.memref_squeeze %dma_wait3A_1440 : memref<1x512xi32, #tpu.memory_space<vmem>> -> memref<512xi32, #tpu.memory_space<vmem>>
      %dma_wait3A_1442 = tpu.memref_slice %arg2[%add3A_476] : memref<425984xi32, #tpu.memory_space<hbm>> -> memref<512xi32, #tpu.memory_space<hbm>>
      %dma_wait3A_1443 = arith.constant 0 : i32
      %dma_wait3A_1444 = tpu.memref_slice %arg5[%run_scoped3A_477, %dma_wait3A_1443] : memref<7x512xi32, #tpu.memory_space<vmem>> -> memref<1x512xi32, #tpu.memory_space<vmem>>
      %dma_wait3A_1445 = tpu.memref_squeeze %dma_wait3A_1444 : memref<1x512xi32, #tpu.memory_space<vmem>> -> memref<512xi32, #tpu.memory_space<vmem>>
      %dma_wait3A_1446 = tpu.memref_slice %arg2[%add3A_476] : memref<425984xi32, #tpu.memory_space<hbm>> -> memref<512xi32, #tpu.memory_space<hbm>>
      tpu.wait_dma2 semaphore(%run_scoped3A_1430 : memref<!tpu.dma_semaphore, #tpu.memory_space<semaphore_mem>>) src(%dma_wait3A_1446 : memref<512xi32, #tpu.memory_space<hbm>>) dst(%dma_wait3A_1445 : memref<512xi32, #tpu.memory_space<vmem>>)
      tpu.yield
    }) : () -> ()
    %dma_start3A_478 = arith.constant 6 : i32
    %dma_start3A_479 = arith.constant 6 : i32
    %dma_start3A_480 = arith.constant 0 : i32
    %dma_start3A_481 = arith.constant 0 : i32
    %dma_start3A_482 = tpu.memref_slice %arg6[%dma_start3A_479, %dma_start3A_480, %dma_start3A_481] : memref<7x512x32xf32, #tpu.memory_space<vmem>> -> memref<1x512x32xf32, #tpu.memory_space<vmem>>
    %dma_start3A_483 = tpu.memref_squeeze %dma_start3A_482 : memref<1x512x32xf32, #tpu.memory_space<vmem>> -> memref<512x32xf32, #tpu.memory_space<vmem>>
    %dma_start3A_484 = arith.constant 0 : i32
    %dma_start3A_485 = tpu.memref_slice %arg5[%dma_start3A_478, %dma_start3A_484] : memref<7x512xi32, #tpu.memory_space<vmem>> -> memref<1x512xi32, #tpu.memory_space<vmem>>
    %dma_start3A_486 = tpu.memref_squeeze %dma_start3A_485 : memref<1x512xi32, #tpu.memory_space<vmem>> -> memref<512xi32, #tpu.memory_space<vmem>>
    %dma_start3A_487 = arith.constant 0 : i32
    %dma_start3A_488 = arith.constant 0 : i32
    %dma_start3A_489 = tpu.memref_slice %arg3[%dma_start3A_487, %dma_start3A_488] : memref<1000000x32xf32, #tpu.memory_space<hbm>> -> memref<1000000x32xf32, #tpu.memory_space<hbm>>
    tpu.enqueue_indirect_dma source(%dma_start3A_489 : memref<1000000x32xf32, #tpu.memory_space<hbm>>) target(%dma_start3A_483 : memref<512x32xf32, #tpu.memory_space<vmem>>) offsets(%dma_start3A_486 : memref<512xi32, #tpu.memory_space<vmem>>) semaphore(%arg7 : memref<!tpu.dma_semaphore, #tpu.memory_space<semaphore_mem>>)
    %dma_wait3A_490 = arith.constant 0 : i32
    %dma_wait3A_491 = arith.constant 0 : i32
    %dma_wait3A_492 = arith.constant 0 : i32
    %dma_wait3A_493 = arith.constant 0 : i32
    %dma_wait3A_494 = tpu.memref_slice %arg6[%dma_wait3A_491, %dma_wait3A_492, %dma_wait3A_493] : memref<7x512x32xf32, #tpu.memory_space<vmem>> -> memref<1x512x32xf32, #tpu.memory_space<vmem>>
    %dma_wait3A_495 = tpu.memref_squeeze %dma_wait3A_494 : memref<1x512x32xf32, #tpu.memory_space<vmem>> -> memref<512x32xf32, #tpu.memory_space<vmem>>
    %dma_wait3A_496 = arith.constant 0 : i32
    %dma_wait3A_497 = tpu.memref_slice %arg5[%dma_wait3A_490, %dma_wait3A_496] : memref<7x512xi32, #tpu.memory_space<vmem>> -> memref<1x512xi32, #tpu.memory_space<vmem>>
    %dma_wait3A_498 = tpu.memref_squeeze %dma_wait3A_497 : memref<1x512xi32, #tpu.memory_space<vmem>> -> memref<512xi32, #tpu.memory_space<vmem>>
    %dma_wait3A_499 = arith.constant 0 : i32
    %dma_wait3A_500 = arith.constant 0 : i32
    %dma_wait3A_501 = tpu.memref_slice %arg3[%dma_wait3A_499, %dma_wait3A_500] : memref<1000000x32xf32, #tpu.memory_space<hbm>> -> memref<1000000x32xf32, #tpu.memory_space<hbm>>
    tpu.wait_indirect_dma semaphore(%arg7 : memref<!tpu.dma_semaphore, #tpu.memory_space<semaphore_mem>>) src(%dma_wait3A_501 : memref<1000000x32xf32, #tpu.memory_space<hbm>>) dst(%dma_wait3A_495 : memref<512x32xf32, #tpu.memory_space<vmem>>)
    %add3A_502 = arith.constant 3584 : i32
    %add3A_503 = arith.addi %mul3A_2, %add3A_502 : i32
    %dma_start3A_504 = arith.constant 0 : i32
    %dma_start3A_505 = arith.constant 0 : i32
    %dma_start3A_506 = arith.constant 0 : i32
    %dma_start3A_507 = tpu.memref_slice %arg6[%dma_start3A_504, %dma_start3A_505, %dma_start3A_506] : memref<7x512x32xf32, #tpu.memory_space<vmem>> -> memref<1x512x32xf32, #tpu.memory_space<vmem>>
    %dma_start3A_508 = tpu.memref_squeeze %dma_start3A_507 : memref<1x512x32xf32, #tpu.memory_space<vmem>> -> memref<512x32xf32, #tpu.memory_space<vmem>>
    %dma_start3A_509 = arith.constant 0 : i32
    %dma_start3A_510 = tpu.memref_slice %arg4[%add3A_503, %dma_start3A_509] : memref<425984x32xf32, #tpu.memory_space<hbm>> -> memref<512x32xf32, #tpu.memory_space<hbm>>
    %dma_start3A_511 = arith.constant 0 : i32
    %dma_start3A_512 = tpu.memref_slice %arg4[%add3A_503, %dma_start3A_511] : memref<425984x32xf32, #tpu.memory_space<hbm>> -> memref<512x32xf32, #tpu.memory_space<hbm>>
    %dma_start3A_513 = arith.constant 0 : i32
    %dma_start3A_514 = arith.constant 0 : i32
    %dma_start3A_515 = tpu.memref_slice %arg6[%dma_start3A_504, %dma_start3A_513, %dma_start3A_514] : memref<7x512x32xf32, #tpu.memory_space<vmem>> -> memref<1x512x32xf32, #tpu.memory_space<vmem>>
    %dma_start3A_516 = tpu.memref_squeeze %dma_start3A_515 : memref<1x512x32xf32, #tpu.memory_space<vmem>> -> memref<512x32xf32, #tpu.memory_space<vmem>>
    tpu.enqueue_dma source(%dma_start3A_516 : memref<512x32xf32, #tpu.memory_space<vmem>>) target(%dma_start3A_512 : memref<512x32xf32, #tpu.memory_space<hbm>>) target_semaphore(%arg8 : memref<!tpu.dma_semaphore, #tpu.memory_space<semaphore_mem>>)
    %dma_wait3A_517 = arith.constant 0 : i32
    %dma_wait3A_518 = arith.constant 0 : i32
    %dma_wait3A_519 = arith.constant 0 : i32
    %dma_wait3A_520 = tpu.memref_slice %arg6[%dma_wait3A_517, %dma_wait3A_518, %dma_wait3A_519] : memref<7x512x32xf32, #tpu.memory_space<vmem>> -> memref<1x512x32xf32, #tpu.memory_space<vmem>>
    %dma_wait3A_521 = tpu.memref_squeeze %dma_wait3A_520 : memref<1x512x32xf32, #tpu.memory_space<vmem>> -> memref<512x32xf32, #tpu.memory_space<vmem>>
    %dma_wait3A_522 = arith.constant 0 : i32
    %dma_wait3A_523 = tpu.memref_slice %arg4[%add3A_503, %dma_wait3A_522] : memref<425984x32xf32, #tpu.memory_space<hbm>> -> memref<512x32xf32, #tpu.memory_space<hbm>>
    %dma_wait3A_524 = arith.constant 0 : i32
    %dma_wait3A_525 = tpu.memref_slice %arg4[%add3A_503, %dma_wait3A_524] : memref<425984x32xf32, #tpu.memory_space<hbm>> -> memref<512x32xf32, #tpu.memory_space<hbm>>
    %dma_wait3A_526 = arith.constant 0 : i32
    %dma_wait3A_527 = arith.constant 0 : i32
    %dma_wait3A_528 = tpu.memref_slice %arg6[%dma_wait3A_517, %dma_wait3A_526, %dma_wait3A_527] : memref<7x512x32xf32, #tpu.memory_space<vmem>> -> memref<1x512x32xf32, #tpu.memory_space<vmem>>
    %dma_wait3A_529 = tpu.memref_squeeze %dma_wait3A_528 : memref<1x512x32xf32, #tpu.memory_space<vmem>> -> memref<512x32xf32, #tpu.memory_space<vmem>>
    tpu.wait_dma2 semaphore(%arg8 : memref<!tpu.dma_semaphore, #tpu.memory_space<semaphore_mem>>) src(%dma_wait3A_529 : memref<512x32xf32, #tpu.memory_space<vmem>>) dst(%dma_wait3A_525 : memref<512x32xf32, #tpu.memory_space<hbm>>)
    %add3A_530 = arith.constant 7168 : i32
    %add3A_531 = arith.addi %mul3A_2, %add3A_530 : i32
    %run_scoped3A_532 = arith.constant 0 : i32
    "tpu.region"() ({
      %run_scoped3A_1430 = tpu.sem_alloc : memref<!tpu.dma_semaphore, #tpu.memory_space<semaphore_mem>>
      %dma_start3A_1431 = arith.constant 0 : i32
      %dma_start3A_1432 = tpu.memref_slice %arg5[%run_scoped3A_532, %dma_start3A_1431] : memref<7x512xi32, #tpu.memory_space<vmem>> -> memref<1x512xi32, #tpu.memory_space<vmem>>
      %dma_start3A_1433 = tpu.memref_squeeze %dma_start3A_1432 : memref<1x512xi32, #tpu.memory_space<vmem>> -> memref<512xi32, #tpu.memory_space<vmem>>
      %dma_start3A_1434 = tpu.memref_slice %arg2[%add3A_531] : memref<425984xi32, #tpu.memory_space<hbm>> -> memref<512xi32, #tpu.memory_space<hbm>>
      %dma_start3A_1435 = arith.constant 0 : i32
      %dma_start3A_1436 = tpu.memref_slice %arg5[%run_scoped3A_532, %dma_start3A_1435] : memref<7x512xi32, #tpu.memory_space<vmem>> -> memref<1x512xi32, #tpu.memory_space<vmem>>
      %dma_start3A_1437 = tpu.memref_squeeze %dma_start3A_1436 : memref<1x512xi32, #tpu.memory_space<vmem>> -> memref<512xi32, #tpu.memory_space<vmem>>
      %dma_start3A_1438 = tpu.memref_slice %arg2[%add3A_531] : memref<425984xi32, #tpu.memory_space<hbm>> -> memref<512xi32, #tpu.memory_space<hbm>>
      tpu.enqueue_dma source(%dma_start3A_1438 : memref<512xi32, #tpu.memory_space<hbm>>) target(%dma_start3A_1437 : memref<512xi32, #tpu.memory_space<vmem>>) target_semaphore(%run_scoped3A_1430 : memref<!tpu.dma_semaphore, #tpu.memory_space<semaphore_mem>>)
      %dma_wait3A_1439 = arith.constant 0 : i32
      %dma_wait3A_1440 = tpu.memref_slice %arg5[%run_scoped3A_532, %dma_wait3A_1439] : memref<7x512xi32, #tpu.memory_space<vmem>> -> memref<1x512xi32, #tpu.memory_space<vmem>>
      %dma_wait3A_1441 = tpu.memref_squeeze %dma_wait3A_1440 : memref<1x512xi32, #tpu.memory_space<vmem>> -> memref<512xi32, #tpu.memory_space<vmem>>
      %dma_wait3A_1442 = tpu.memref_slice %arg2[%add3A_531] : memref<425984xi32, #tpu.memory_space<hbm>> -> memref<512xi32, #tpu.memory_space<hbm>>
      %dma_wait3A_1443 = arith.constant 0 : i32
      %dma_wait3A_1444 = tpu.memref_slice %arg5[%run_scoped3A_532, %dma_wait3A_1443] : memref<7x512xi32, #tpu.memory_space<vmem>> -> memref<1x512xi32, #tpu.memory_space<vmem>>
      %dma_wait3A_1445 = tpu.memref_squeeze %dma_wait3A_1444 : memref<1x512xi32, #tpu.memory_space<vmem>> -> memref<512xi32, #tpu.memory_space<vmem>>
      %dma_wait3A_1446 = tpu.memref_slice %arg2[%add3A_531] : memref<425984xi32, #tpu.memory_space<hbm>> -> memref<512xi32, #tpu.memory_space<hbm>>
      tpu.wait_dma2 semaphore(%run_scoped3A_1430 : memref<!tpu.dma_semaphore, #tpu.memory_space<semaphore_mem>>) src(%dma_wait3A_1446 : memref<512xi32, #tpu.memory_space<hbm>>) dst(%dma_wait3A_1445 : memref<512xi32, #tpu.memory_space<vmem>>)
      tpu.yield
    }) : () -> ()
    %dma_start3A_533 = arith.constant 0 : i32
    %dma_start3A_534 = arith.constant 0 : i32
    %dma_start3A_535 = arith.constant 0 : i32
    %dma_start3A_536 = arith.constant 0 : i32
    %dma_start3A_537 = tpu.memref_slice %arg6[%dma_start3A_534, %dma_start3A_535, %dma_start3A_536] : memref<7x512x32xf32, #tpu.memory_space<vmem>> -> memref<1x512x32xf32, #tpu.memory_space<vmem>>
    %dma_start3A_538 = tpu.memref_squeeze %dma_start3A_537 : memref<1x512x32xf32, #tpu.memory_space<vmem>> -> memref<512x32xf32, #tpu.memory_space<vmem>>
    %dma_start3A_539 = arith.constant 0 : i32
    %dma_start3A_540 = tpu.memref_slice %arg5[%dma_start3A_533, %dma_start3A_539] : memref<7x512xi32, #tpu.memory_space<vmem>> -> memref<1x512xi32, #tpu.memory_space<vmem>>
    %dma_start3A_541 = tpu.memref_squeeze %dma_start3A_540 : memref<1x512xi32, #tpu.memory_space<vmem>> -> memref<512xi32, #tpu.memory_space<vmem>>
    %dma_start3A_542 = arith.constant 0 : i32
    %dma_start3A_543 = arith.constant 0 : i32
    %dma_start3A_544 = tpu.memref_slice %arg3[%dma_start3A_542, %dma_start3A_543] : memref<1000000x32xf32, #tpu.memory_space<hbm>> -> memref<1000000x32xf32, #tpu.memory_space<hbm>>
    tpu.enqueue_indirect_dma source(%dma_start3A_544 : memref<1000000x32xf32, #tpu.memory_space<hbm>>) target(%dma_start3A_538 : memref<512x32xf32, #tpu.memory_space<vmem>>) offsets(%dma_start3A_541 : memref<512xi32, #tpu.memory_space<vmem>>) semaphore(%arg7 : memref<!tpu.dma_semaphore, #tpu.memory_space<semaphore_mem>>)
    %dma_wait3A_545 = arith.constant 1 : i32
    %dma_wait3A_546 = arith.constant 1 : i32
    %dma_wait3A_547 = arith.constant 0 : i32
    %dma_wait3A_548 = arith.constant 0 : i32
    %dma_wait3A_549 = tpu.memref_slice %arg6[%dma_wait3A_546, %dma_wait3A_547, %dma_wait3A_548] : memref<7x512x32xf32, #tpu.memory_space<vmem>> -> memref<1x512x32xf32, #tpu.memory_space<vmem>>
    %dma_wait3A_550 = tpu.memref_squeeze %dma_wait3A_549 : memref<1x512x32xf32, #tpu.memory_space<vmem>> -> memref<512x32xf32, #tpu.memory_space<vmem>>
    %dma_wait3A_551 = arith.constant 0 : i32
    %dma_wait3A_552 = tpu.memref_slice %arg5[%dma_wait3A_545, %dma_wait3A_551] : memref<7x512xi32, #tpu.memory_space<vmem>> -> memref<1x512xi32, #tpu.memory_space<vmem>>
    %dma_wait3A_553 = tpu.memref_squeeze %dma_wait3A_552 : memref<1x512xi32, #tpu.memory_space<vmem>> -> memref<512xi32, #tpu.memory_space<vmem>>
    %dma_wait3A_554 = arith.constant 0 : i32
    %dma_wait3A_555 = arith.constant 0 : i32
    %dma_wait3A_556 = tpu.memref_slice %arg3[%dma_wait3A_554, %dma_wait3A_555] : memref<1000000x32xf32, #tpu.memory_space<hbm>> -> memref<1000000x32xf32, #tpu.memory_space<hbm>>
    tpu.wait_indirect_dma semaphore(%arg7 : memref<!tpu.dma_semaphore, #tpu.memory_space<semaphore_mem>>) src(%dma_wait3A_556 : memref<1000000x32xf32, #tpu.memory_space<hbm>>) dst(%dma_wait3A_550 : memref<512x32xf32, #tpu.memory_space<vmem>>)
    %add3A_557 = arith.constant 4096 : i32
    %add3A_558 = arith.addi %mul3A_2, %add3A_557 : i32
    %dma_start3A_559 = arith.constant 1 : i32
    %dma_start3A_560 = arith.constant 0 : i32
    %dma_start3A_561 = arith.constant 0 : i32
    %dma_start3A_562 = tpu.memref_slice %arg6[%dma_start3A_559, %dma_start3A_560, %dma_start3A_561] : memref<7x512x32xf32, #tpu.memory_space<vmem>> -> memref<1x512x32xf32, #tpu.memory_space<vmem>>
    %dma_start3A_563 = tpu.memref_squeeze %dma_start3A_562 : memref<1x512x32xf32, #tpu.memory_space<vmem>> -> memref<512x32xf32, #tpu.memory_space<vmem>>
    %dma_start3A_564 = arith.constant 0 : i32
    %dma_start3A_565 = tpu.memref_slice %arg4[%add3A_558, %dma_start3A_564] : memref<425984x32xf32, #tpu.memory_space<hbm>> -> memref<512x32xf32, #tpu.memory_space<hbm>>
    %dma_start3A_566 = arith.constant 0 : i32
    %dma_start3A_567 = tpu.memref_slice %arg4[%add3A_558, %dma_start3A_566] : memref<425984x32xf32, #tpu.memory_space<hbm>> -> memref<512x32xf32, #tpu.memory_space<hbm>>
    %dma_start3A_568 = arith.constant 0 : i32
    %dma_start3A_569 = arith.constant 0 : i32
    %dma_start3A_570 = tpu.memref_slice %arg6[%dma_start3A_559, %dma_start3A_568, %dma_start3A_569] : memref<7x512x32xf32, #tpu.memory_space<vmem>> -> memref<1x512x32xf32, #tpu.memory_space<vmem>>
    %dma_start3A_571 = tpu.memref_squeeze %dma_start3A_570 : memref<1x512x32xf32, #tpu.memory_space<vmem>> -> memref<512x32xf32, #tpu.memory_space<vmem>>
    tpu.enqueue_dma source(%dma_start3A_571 : memref<512x32xf32, #tpu.memory_space<vmem>>) target(%dma_start3A_567 : memref<512x32xf32, #tpu.memory_space<hbm>>) target_semaphore(%arg8 : memref<!tpu.dma_semaphore, #tpu.memory_space<semaphore_mem>>)
    %dma_wait3A_572 = arith.constant 1 : i32
    %dma_wait3A_573 = arith.constant 0 : i32
    %dma_wait3A_574 = arith.constant 0 : i32
    %dma_wait3A_575 = tpu.memref_slice %arg6[%dma_wait3A_572, %dma_wait3A_573, %dma_wait3A_574] : memref<7x512x32xf32, #tpu.memory_space<vmem>> -> memref<1x512x32xf32, #tpu.memory_space<vmem>>
    %dma_wait3A_576 = tpu.memref_squeeze %dma_wait3A_575 : memref<1x512x32xf32, #tpu.memory_space<vmem>> -> memref<512x32xf32, #tpu.memory_space<vmem>>
    %dma_wait3A_577 = arith.constant 0 : i32
    %dma_wait3A_578 = tpu.memref_slice %arg4[%add3A_558, %dma_wait3A_577] : memref<425984x32xf32, #tpu.memory_space<hbm>> -> memref<512x32xf32, #tpu.memory_space<hbm>>
    %dma_wait3A_579 = arith.constant 0 : i32
    %dma_wait3A_580 = tpu.memref_slice %arg4[%add3A_558, %dma_wait3A_579] : memref<425984x32xf32, #tpu.memory_space<hbm>> -> memref<512x32xf32, #tpu.memory_space<hbm>>
    %dma_wait3A_581 = arith.constant 0 : i32
    %dma_wait3A_582 = arith.constant 0 : i32
    %dma_wait3A_583 = tpu.memref_slice %arg6[%dma_wait3A_572, %dma_wait3A_581, %dma_wait3A_582] : memref<7x512x32xf32, #tpu.memory_space<vmem>> -> memref<1x512x32xf32, #tpu.memory_space<vmem>>
    %dma_wait3A_584 = tpu.memref_squeeze %dma_wait3A_583 : memref<1x512x32xf32, #tpu.memory_space<vmem>> -> memref<512x32xf32, #tpu.memory_space<vmem>>
    tpu.wait_dma2 semaphore(%arg8 : memref<!tpu.dma_semaphore, #tpu.memory_space<semaphore_mem>>) src(%dma_wait3A_584 : memref<512x32xf32, #tpu.memory_space<vmem>>) dst(%dma_wait3A_580 : memref<512x32xf32, #tpu.memory_space<hbm>>)
    %add3A_585 = arith.constant 7680 : i32
    %add3A_586 = arith.addi %mul3A_2, %add3A_585 : i32
    %run_scoped3A_587 = arith.constant 1 : i32
    "tpu.region"() ({
      %run_scoped3A_1430 = tpu.sem_alloc : memref<!tpu.dma_semaphore, #tpu.memory_space<semaphore_mem>>
      %dma_start3A_1431 = arith.constant 0 : i32
      %dma_start3A_1432 = tpu.memref_slice %arg5[%run_scoped3A_587, %dma_start3A_1431] : memref<7x512xi32, #tpu.memory_space<vmem>> -> memref<1x512xi32, #tpu.memory_space<vmem>>
      %dma_start3A_1433 = tpu.memref_squeeze %dma_start3A_1432 : memref<1x512xi32, #tpu.memory_space<vmem>> -> memref<512xi32, #tpu.memory_space<vmem>>
      %dma_start3A_1434 = tpu.memref_slice %arg2[%add3A_586] : memref<425984xi32, #tpu.memory_space<hbm>> -> memref<512xi32, #tpu.memory_space<hbm>>
      %dma_start3A_1435 = arith.constant 0 : i32
      %dma_start3A_1436 = tpu.memref_slice %arg5[%run_scoped3A_587, %dma_start3A_1435] : memref<7x512xi32, #tpu.memory_space<vmem>> -> memref<1x512xi32, #tpu.memory_space<vmem>>
      %dma_start3A_1437 = tpu.memref_squeeze %dma_start3A_1436 : memref<1x512xi32, #tpu.memory_space<vmem>> -> memref<512xi32, #tpu.memory_space<vmem>>
      %dma_start3A_1438 = tpu.memref_slice %arg2[%add3A_586] : memref<425984xi32, #tpu.memory_space<hbm>> -> memref<512xi32, #tpu.memory_space<hbm>>
      tpu.enqueue_dma source(%dma_start3A_1438 : memref<512xi32, #tpu.memory_space<hbm>>) target(%dma_start3A_1437 : memref<512xi32, #tpu.memory_space<vmem>>) target_semaphore(%run_scoped3A_1430 : memref<!tpu.dma_semaphore, #tpu.memory_space<semaphore_mem>>)
      %dma_wait3A_1439 = arith.constant 0 : i32
      %dma_wait3A_1440 = tpu.memref_slice %arg5[%run_scoped3A_587, %dma_wait3A_1439] : memref<7x512xi32, #tpu.memory_space<vmem>> -> memref<1x512xi32, #tpu.memory_space<vmem>>
      %dma_wait3A_1441 = tpu.memref_squeeze %dma_wait3A_1440 : memref<1x512xi32, #tpu.memory_space<vmem>> -> memref<512xi32, #tpu.memory_space<vmem>>
      %dma_wait3A_1442 = tpu.memref_slice %arg2[%add3A_586] : memref<425984xi32, #tpu.memory_space<hbm>> -> memref<512xi32, #tpu.memory_space<hbm>>
      %dma_wait3A_1443 = arith.constant 0 : i32
      %dma_wait3A_1444 = tpu.memref_slice %arg5[%run_scoped3A_587, %dma_wait3A_1443] : memref<7x512xi32, #tpu.memory_space<vmem>> -> memref<1x512xi32, #tpu.memory_space<vmem>>
      %dma_wait3A_1445 = tpu.memref_squeeze %dma_wait3A_1444 : memref<1x512xi32, #tpu.memory_space<vmem>> -> memref<512xi32, #tpu.memory_space<vmem>>
      %dma_wait3A_1446 = tpu.memref_slice %arg2[%add3A_586] : memref<425984xi32, #tpu.memory_space<hbm>> -> memref<512xi32, #tpu.memory_space<hbm>>
      tpu.wait_dma2 semaphore(%run_scoped3A_1430 : memref<!tpu.dma_semaphore, #tpu.memory_space<semaphore_mem>>) src(%dma_wait3A_1446 : memref<512xi32, #tpu.memory_space<hbm>>) dst(%dma_wait3A_1445 : memref<512xi32, #tpu.memory_space<vmem>>)
      tpu.yield
    }) : () -> ()
    %dma_start3A_588 = arith.constant 1 : i32
    %dma_start3A_589 = arith.constant 1 : i32
    %dma_start3A_590 = arith.constant 0 : i32
    %dma_start3A_591 = arith.constant 0 : i32
    %dma_start3A_592 = tpu.memref_slice %arg6[%dma_start3A_589, %dma_start3A_590, %dma_start3A_591] : memref<7x512x32xf32, #tpu.memory_space<vmem>> -> memref<1x512x32xf32, #tpu.memory_space<vmem>>
    %dma_start3A_593 = tpu.memref_squeeze %dma_start3A_592 : memref<1x512x32xf32, #tpu.memory_space<vmem>> -> memref<512x32xf32, #tpu.memory_space<vmem>>
    %dma_start3A_594 = arith.constant 0 : i32
    %dma_start3A_595 = tpu.memref_slice %arg5[%dma_start3A_588, %dma_start3A_594] : memref<7x512xi32, #tpu.memory_space<vmem>> -> memref<1x512xi32, #tpu.memory_space<vmem>>
    %dma_start3A_596 = tpu.memref_squeeze %dma_start3A_595 : memref<1x512xi32, #tpu.memory_space<vmem>> -> memref<512xi32, #tpu.memory_space<vmem>>
    %dma_start3A_597 = arith.constant 0 : i32
    %dma_start3A_598 = arith.constant 0 : i32
    %dma_start3A_599 = tpu.memref_slice %arg3[%dma_start3A_597, %dma_start3A_598] : memref<1000000x32xf32, #tpu.memory_space<hbm>> -> memref<1000000x32xf32, #tpu.memory_space<hbm>>
    tpu.enqueue_indirect_dma source(%dma_start3A_599 : memref<1000000x32xf32, #tpu.memory_space<hbm>>) target(%dma_start3A_593 : memref<512x32xf32, #tpu.memory_space<vmem>>) offsets(%dma_start3A_596 : memref<512xi32, #tpu.memory_space<vmem>>) semaphore(%arg7 : memref<!tpu.dma_semaphore, #tpu.memory_space<semaphore_mem>>)
    %dma_wait3A_600 = arith.constant 2 : i32
    %dma_wait3A_601 = arith.constant 2 : i32
    %dma_wait3A_602 = arith.constant 0 : i32
    %dma_wait3A_603 = arith.constant 0 : i32
    %dma_wait3A_604 = tpu.memref_slice %arg6[%dma_wait3A_601, %dma_wait3A_602, %dma_wait3A_603] : memref<7x512x32xf32, #tpu.memory_space<vmem>> -> memref<1x512x32xf32, #tpu.memory_space<vmem>>
    %dma_wait3A_605 = tpu.memref_squeeze %dma_wait3A_604 : memref<1x512x32xf32, #tpu.memory_space<vmem>> -> memref<512x32xf32, #tpu.memory_space<vmem>>
    %dma_wait3A_606 = arith.constant 0 : i32
    %dma_wait3A_607 = tpu.memref_slice %arg5[%dma_wait3A_600, %dma_wait3A_606] : memref<7x512xi32, #tpu.memory_space<vmem>> -> memref<1x512xi32, #tpu.memory_space<vmem>>
    %dma_wait3A_608 = tpu.memref_squeeze %dma_wait3A_607 : memref<1x512xi32, #tpu.memory_space<vmem>> -> memref<512xi32, #tpu.memory_space<vmem>>
    %dma_wait3A_609 = arith.constant 0 : i32
    %dma_wait3A_610 = arith.constant 0 : i32
    %dma_wait3A_611 = tpu.memref_slice %arg3[%dma_wait3A_609, %dma_wait3A_610] : memref<1000000x32xf32, #tpu.memory_space<hbm>> -> memref<1000000x32xf32, #tpu.memory_space<hbm>>
    tpu.wait_indirect_dma semaphore(%arg7 : memref<!tpu.dma_semaphore, #tpu.memory_space<semaphore_mem>>) src(%dma_wait3A_611 : memref<1000000x32xf32, #tpu.memory_space<hbm>>) dst(%dma_wait3A_605 : memref<512x32xf32, #tpu.memory_space<vmem>>)
    %add3A_612 = arith.constant 4608 : i32
    %add3A_613 = arith.addi %mul3A_2, %add3A_612 : i32
    %dma_start3A_614 = arith.constant 2 : i32
    %dma_start3A_615 = arith.constant 0 : i32
    %dma_start3A_616 = arith.constant 0 : i32
    %dma_start3A_617 = tpu.memref_slice %arg6[%dma_start3A_614, %dma_start3A_615, %dma_start3A_616] : memref<7x512x32xf32, #tpu.memory_space<vmem>> -> memref<1x512x32xf32, #tpu.memory_space<vmem>>
    %dma_start3A_618 = tpu.memref_squeeze %dma_start3A_617 : memref<1x512x32xf32, #tpu.memory_space<vmem>> -> memref<512x32xf32, #tpu.memory_space<vmem>>
    %dma_start3A_619 = arith.constant 0 : i32
    %dma_start3A_620 = tpu.memref_slice %arg4[%add3A_613, %dma_start3A_619] : memref<425984x32xf32, #tpu.memory_space<hbm>> -> memref<512x32xf32, #tpu.memory_space<hbm>>
    %dma_start3A_621 = arith.constant 0 : i32
    %dma_start3A_622 = tpu.memref_slice %arg4[%add3A_613, %dma_start3A_621] : memref<425984x32xf32, #tpu.memory_space<hbm>> -> memref<512x32xf32, #tpu.memory_space<hbm>>
    %dma_start3A_623 = arith.constant 0 : i32
    %dma_start3A_624 = arith.constant 0 : i32
    %dma_start3A_625 = tpu.memref_slice %arg6[%dma_start3A_614, %dma_start3A_623, %dma_start3A_624] : memref<7x512x32xf32, #tpu.memory_space<vmem>> -> memref<1x512x32xf32, #tpu.memory_space<vmem>>
    %dma_start3A_626 = tpu.memref_squeeze %dma_start3A_625 : memref<1x512x32xf32, #tpu.memory_space<vmem>> -> memref<512x32xf32, #tpu.memory_space<vmem>>
    tpu.enqueue_dma source(%dma_start3A_626 : memref<512x32xf32, #tpu.memory_space<vmem>>) target(%dma_start3A_622 : memref<512x32xf32, #tpu.memory_space<hbm>>) target_semaphore(%arg8 : memref<!tpu.dma_semaphore, #tpu.memory_space<semaphore_mem>>)
    %dma_wait3A_627 = arith.constant 2 : i32
    %dma_wait3A_628 = arith.constant 0 : i32
    %dma_wait3A_629 = arith.constant 0 : i32
    %dma_wait3A_630 = tpu.memref_slice %arg6[%dma_wait3A_627, %dma_wait3A_628, %dma_wait3A_629] : memref<7x512x32xf32, #tpu.memory_space<vmem>> -> memref<1x512x32xf32, #tpu.memory_space<vmem>>
    %dma_wait3A_631 = tpu.memref_squeeze %dma_wait3A_630 : memref<1x512x32xf32, #tpu.memory_space<vmem>> -> memref<512x32xf32, #tpu.memory_space<vmem>>
    %dma_wait3A_632 = arith.constant 0 : i32
    %dma_wait3A_633 = tpu.memref_slice %arg4[%add3A_613, %dma_wait3A_632] : memref<425984x32xf32, #tpu.memory_space<hbm>> -> memref<512x32xf32, #tpu.memory_space<hbm>>
    %dma_wait3A_634 = arith.constant 0 : i32
    %dma_wait3A_635 = tpu.memref_slice %arg4[%add3A_613, %dma_wait3A_634] : memref<425984x32xf32, #tpu.memory_space<hbm>> -> memref<512x32xf32, #tpu.memory_space<hbm>>
    %dma_wait3A_636 = arith.constant 0 : i32
    %dma_wait3A_637 = arith.constant 0 : i32
    %dma_wait3A_638 = tpu.memref_slice %arg6[%dma_wait3A_627, %dma_wait3A_636, %dma_wait3A_637] : memref<7x512x32xf32, #tpu.memory_space<vmem>> -> memref<1x512x32xf32, #tpu.memory_space<vmem>>
    %dma_wait3A_639 = tpu.memref_squeeze %dma_wait3A_638 : memref<1x512x32xf32, #tpu.memory_space<vmem>> -> memref<512x32xf32, #tpu.memory_space<vmem>>
    tpu.wait_dma2 semaphore(%arg8 : memref<!tpu.dma_semaphore, #tpu.memory_space<semaphore_mem>>) src(%dma_wait3A_639 : memref<512x32xf32, #tpu.memory_space<vmem>>) dst(%dma_wait3A_635 : memref<512x32xf32, #tpu.memory_space<hbm>>)
    %add3A_640 = arith.constant 8192 : i32
    %add3A_641 = arith.addi %mul3A_2, %add3A_640 : i32
    %run_scoped3A_642 = arith.constant 2 : i32
    "tpu.region"() ({
      %run_scoped3A_1430 = tpu.sem_alloc : memref<!tpu.dma_semaphore, #tpu.memory_space<semaphore_mem>>
      %dma_start3A_1431 = arith.constant 0 : i32
      %dma_start3A_1432 = tpu.memref_slice %arg5[%run_scoped3A_642, %dma_start3A_1431] : memref<7x512xi32, #tpu.memory_space<vmem>> -> memref<1x512xi32, #tpu.memory_space<vmem>>
      %dma_start3A_1433 = tpu.memref_squeeze %dma_start3A_1432 : memref<1x512xi32, #tpu.memory_space<vmem>> -> memref<512xi32, #tpu.memory_space<vmem>>
      %dma_start3A_1434 = tpu.memref_slice %arg2[%add3A_641] : memref<425984xi32, #tpu.memory_space<hbm>> -> memref<512xi32, #tpu.memory_space<hbm>>
      %dma_start3A_1435 = arith.constant 0 : i32
      %dma_start3A_1436 = tpu.memref_slice %arg5[%run_scoped3A_642, %dma_start3A_1435] : memref<7x512xi32, #tpu.memory_space<vmem>> -> memref<1x512xi32, #tpu.memory_space<vmem>>
      %dma_start3A_1437 = tpu.memref_squeeze %dma_start3A_1436 : memref<1x512xi32, #tpu.memory_space<vmem>> -> memref<512xi32, #tpu.memory_space<vmem>>
      %dma_start3A_1438 = tpu.memref_slice %arg2[%add3A_641] : memref<425984xi32, #tpu.memory_space<hbm>> -> memref<512xi32, #tpu.memory_space<hbm>>
      tpu.enqueue_dma source(%dma_start3A_1438 : memref<512xi32, #tpu.memory_space<hbm>>) target(%dma_start3A_1437 : memref<512xi32, #tpu.memory_space<vmem>>) target_semaphore(%run_scoped3A_1430 : memref<!tpu.dma_semaphore, #tpu.memory_space<semaphore_mem>>)
      %dma_wait3A_1439 = arith.constant 0 : i32
      %dma_wait3A_1440 = tpu.memref_slice %arg5[%run_scoped3A_642, %dma_wait3A_1439] : memref<7x512xi32, #tpu.memory_space<vmem>> -> memref<1x512xi32, #tpu.memory_space<vmem>>
      %dma_wait3A_1441 = tpu.memref_squeeze %dma_wait3A_1440 : memref<1x512xi32, #tpu.memory_space<vmem>> -> memref<512xi32, #tpu.memory_space<vmem>>
      %dma_wait3A_1442 = tpu.memref_slice %arg2[%add3A_641] : memref<425984xi32, #tpu.memory_space<hbm>> -> memref<512xi32, #tpu.memory_space<hbm>>
      %dma_wait3A_1443 = arith.constant 0 : i32
      %dma_wait3A_1444 = tpu.memref_slice %arg5[%run_scoped3A_642, %dma_wait3A_1443] : memref<7x512xi32, #tpu.memory_space<vmem>> -> memref<1x512xi32, #tpu.memory_space<vmem>>
      %dma_wait3A_1445 = tpu.memref_squeeze %dma_wait3A_1444 : memref<1x512xi32, #tpu.memory_space<vmem>> -> memref<512xi32, #tpu.memory_space<vmem>>
      %dma_wait3A_1446 = tpu.memref_slice %arg2[%add3A_641] : memref<425984xi32, #tpu.memory_space<hbm>> -> memref<512xi32, #tpu.memory_space<hbm>>
      tpu.wait_dma2 semaphore(%run_scoped3A_1430 : memref<!tpu.dma_semaphore, #tpu.memory_space<semaphore_mem>>) src(%dma_wait3A_1446 : memref<512xi32, #tpu.memory_space<hbm>>) dst(%dma_wait3A_1445 : memref<512xi32, #tpu.memory_space<vmem>>)
      tpu.yield
    }) : () -> ()
    %dma_start3A_643 = arith.constant 2 : i32
    %dma_start3A_644 = arith.constant 2 : i32
    %dma_start3A_645 = arith.constant 0 : i32
    %dma_start3A_646 = arith.constant 0 : i32
    %dma_start3A_647 = tpu.memref_slice %arg6[%dma_start3A_644, %dma_start3A_645, %dma_start3A_646] : memref<7x512x32xf32, #tpu.memory_space<vmem>> -> memref<1x512x32xf32, #tpu.memory_space<vmem>>
    %dma_start3A_648 = tpu.memref_squeeze %dma_start3A_647 : memref<1x512x32xf32, #tpu.memory_space<vmem>> -> memref<512x32xf32, #tpu.memory_space<vmem>>
    %dma_start3A_649 = arith.constant 0 : i32
    %dma_start3A_650 = tpu.memref_slice %arg5[%dma_start3A_643, %dma_start3A_649] : memref<7x512xi32, #tpu.memory_space<vmem>> -> memref<1x512xi32, #tpu.memory_space<vmem>>
    %dma_start3A_651 = tpu.memref_squeeze %dma_start3A_650 : memref<1x512xi32, #tpu.memory_space<vmem>> -> memref<512xi32, #tpu.memory_space<vmem>>
    %dma_start3A_652 = arith.constant 0 : i32
    %dma_start3A_653 = arith.constant 0 : i32
    %dma_start3A_654 = tpu.memref_slice %arg3[%dma_start3A_652, %dma_start3A_653] : memref<1000000x32xf32, #tpu.memory_space<hbm>> -> memref<1000000x32xf32, #tpu.memory_space<hbm>>
    tpu.enqueue_indirect_dma source(%dma_start3A_654 : memref<1000000x32xf32, #tpu.memory_space<hbm>>) target(%dma_start3A_648 : memref<512x32xf32, #tpu.memory_space<vmem>>) offsets(%dma_start3A_651 : memref<512xi32, #tpu.memory_space<vmem>>) semaphore(%arg7 : memref<!tpu.dma_semaphore, #tpu.memory_space<semaphore_mem>>)
    %dma_wait3A_655 = arith.constant 3 : i32
    %dma_wait3A_656 = arith.constant 3 : i32
    %dma_wait3A_657 = arith.constant 0 : i32
    %dma_wait3A_658 = arith.constant 0 : i32
    %dma_wait3A_659 = tpu.memref_slice %arg6[%dma_wait3A_656, %dma_wait3A_657, %dma_wait3A_658] : memref<7x512x32xf32, #tpu.memory_space<vmem>> -> memref<1x512x32xf32, #tpu.memory_space<vmem>>
    %dma_wait3A_660 = tpu.memref_squeeze %dma_wait3A_659 : memref<1x512x32xf32, #tpu.memory_space<vmem>> -> memref<512x32xf32, #tpu.memory_space<vmem>>
    %dma_wait3A_661 = arith.constant 0 : i32
    %dma_wait3A_662 = tpu.memref_slice %arg5[%dma_wait3A_655, %dma_wait3A_661] : memref<7x512xi32, #tpu.memory_space<vmem>> -> memref<1x512xi32, #tpu.memory_space<vmem>>
    %dma_wait3A_663 = tpu.memref_squeeze %dma_wait3A_662 : memref<1x512xi32, #tpu.memory_space<vmem>> -> memref<512xi32, #tpu.memory_space<vmem>>
    %dma_wait3A_664 = arith.constant 0 : i32
    %dma_wait3A_665 = arith.constant 0 : i32
    %dma_wait3A_666 = tpu.memref_slice %arg3[%dma_wait3A_664, %dma_wait3A_665] : memref<1000000x32xf32, #tpu.memory_space<hbm>> -> memref<1000000x32xf32, #tpu.memory_space<hbm>>
    tpu.wait_indirect_dma semaphore(%arg7 : memref<!tpu.dma_semaphore, #tpu.memory_space<semaphore_mem>>) src(%dma_wait3A_666 : memref<1000000x32xf32, #tpu.memory_space<hbm>>) dst(%dma_wait3A_660 : memref<512x32xf32, #tpu.memory_space<vmem>>)
    %add3A_667 = arith.constant 5120 : i32
    %add3A_668 = arith.addi %mul3A_2, %add3A_667 : i32
    %dma_start3A_669 = arith.constant 3 : i32
    %dma_start3A_670 = arith.constant 0 : i32
    %dma_start3A_671 = arith.constant 0 : i32
    %dma_start3A_672 = tpu.memref_slice %arg6[%dma_start3A_669, %dma_start3A_670, %dma_start3A_671] : memref<7x512x32xf32, #tpu.memory_space<vmem>> -> memref<1x512x32xf32, #tpu.memory_space<vmem>>
    %dma_start3A_673 = tpu.memref_squeeze %dma_start3A_672 : memref<1x512x32xf32, #tpu.memory_space<vmem>> -> memref<512x32xf32, #tpu.memory_space<vmem>>
    %dma_start3A_674 = arith.constant 0 : i32
    %dma_start3A_675 = tpu.memref_slice %arg4[%add3A_668, %dma_start3A_674] : memref<425984x32xf32, #tpu.memory_space<hbm>> -> memref<512x32xf32, #tpu.memory_space<hbm>>
    %dma_start3A_676 = arith.constant 0 : i32
    %dma_start3A_677 = tpu.memref_slice %arg4[%add3A_668, %dma_start3A_676] : memref<425984x32xf32, #tpu.memory_space<hbm>> -> memref<512x32xf32, #tpu.memory_space<hbm>>
    %dma_start3A_678 = arith.constant 0 : i32
    %dma_start3A_679 = arith.constant 0 : i32
    %dma_start3A_680 = tpu.memref_slice %arg6[%dma_start3A_669, %dma_start3A_678, %dma_start3A_679] : memref<7x512x32xf32, #tpu.memory_space<vmem>> -> memref<1x512x32xf32, #tpu.memory_space<vmem>>
    %dma_start3A_681 = tpu.memref_squeeze %dma_start3A_680 : memref<1x512x32xf32, #tpu.memory_space<vmem>> -> memref<512x32xf32, #tpu.memory_space<vmem>>
    tpu.enqueue_dma source(%dma_start3A_681 : memref<512x32xf32, #tpu.memory_space<vmem>>) target(%dma_start3A_677 : memref<512x32xf32, #tpu.memory_space<hbm>>) target_semaphore(%arg8 : memref<!tpu.dma_semaphore, #tpu.memory_space<semaphore_mem>>)
    %dma_wait3A_682 = arith.constant 3 : i32
    %dma_wait3A_683 = arith.constant 0 : i32
    %dma_wait3A_684 = arith.constant 0 : i32
    %dma_wait3A_685 = tpu.memref_slice %arg6[%dma_wait3A_682, %dma_wait3A_683, %dma_wait3A_684] : memref<7x512x32xf32, #tpu.memory_space<vmem>> -> memref<1x512x32xf32, #tpu.memory_space<vmem>>
    %dma_wait3A_686 = tpu.memref_squeeze %dma_wait3A_685 : memref<1x512x32xf32, #tpu.memory_space<vmem>> -> memref<512x32xf32, #tpu.memory_space<vmem>>
    %dma_wait3A_687 = arith.constant 0 : i32
    %dma_wait3A_688 = tpu.memref_slice %arg4[%add3A_668, %dma_wait3A_687] : memref<425984x32xf32, #tpu.memory_space<hbm>> -> memref<512x32xf32, #tpu.memory_space<hbm>>
    %dma_wait3A_689 = arith.constant 0 : i32
    %dma_wait3A_690 = tpu.memref_slice %arg4[%add3A_668, %dma_wait3A_689] : memref<425984x32xf32, #tpu.memory_space<hbm>> -> memref<512x32xf32, #tpu.memory_space<hbm>>
    %dma_wait3A_691 = arith.constant 0 : i32
    %dma_wait3A_692 = arith.constant 0 : i32
    %dma_wait3A_693 = tpu.memref_slice %arg6[%dma_wait3A_682, %dma_wait3A_691, %dma_wait3A_692] : memref<7x512x32xf32, #tpu.memory_space<vmem>> -> memref<1x512x32xf32, #tpu.memory_space<vmem>>
    %dma_wait3A_694 = tpu.memref_squeeze %dma_wait3A_693 : memref<1x512x32xf32, #tpu.memory_space<vmem>> -> memref<512x32xf32, #tpu.memory_space<vmem>>
    tpu.wait_dma2 semaphore(%arg8 : memref<!tpu.dma_semaphore, #tpu.memory_space<semaphore_mem>>) src(%dma_wait3A_694 : memref<512x32xf32, #tpu.memory_space<vmem>>) dst(%dma_wait3A_690 : memref<512x32xf32, #tpu.memory_space<hbm>>)
    %add3A_695 = arith.constant 8704 : i32
    %add3A_696 = arith.addi %mul3A_2, %add3A_695 : i32
    %run_scoped3A_697 = arith.constant 3 : i32
    "tpu.region"() ({
      %run_scoped3A_1430 = tpu.sem_alloc : memref<!tpu.dma_semaphore, #tpu.memory_space<semaphore_mem>>
      %dma_start3A_1431 = arith.constant 0 : i32
      %dma_start3A_1432 = tpu.memref_slice %arg5[%run_scoped3A_697, %dma_start3A_1431] : memref<7x512xi32, #tpu.memory_space<vmem>> -> memref<1x512xi32, #tpu.memory_space<vmem>>
      %dma_start3A_1433 = tpu.memref_squeeze %dma_start3A_1432 : memref<1x512xi32, #tpu.memory_space<vmem>> -> memref<512xi32, #tpu.memory_space<vmem>>
      %dma_start3A_1434 = tpu.memref_slice %arg2[%add3A_696] : memref<425984xi32, #tpu.memory_space<hbm>> -> memref<512xi32, #tpu.memory_space<hbm>>
      %dma_start3A_1435 = arith.constant 0 : i32
      %dma_start3A_1436 = tpu.memref_slice %arg5[%run_scoped3A_697, %dma_start3A_1435] : memref<7x512xi32, #tpu.memory_space<vmem>> -> memref<1x512xi32, #tpu.memory_space<vmem>>
      %dma_start3A_1437 = tpu.memref_squeeze %dma_start3A_1436 : memref<1x512xi32, #tpu.memory_space<vmem>> -> memref<512xi32, #tpu.memory_space<vmem>>
      %dma_start3A_1438 = tpu.memref_slice %arg2[%add3A_696] : memref<425984xi32, #tpu.memory_space<hbm>> -> memref<512xi32, #tpu.memory_space<hbm>>
      tpu.enqueue_dma source(%dma_start3A_1438 : memref<512xi32, #tpu.memory_space<hbm>>) target(%dma_start3A_1437 : memref<512xi32, #tpu.memory_space<vmem>>) target_semaphore(%run_scoped3A_1430 : memref<!tpu.dma_semaphore, #tpu.memory_space<semaphore_mem>>)
      %dma_wait3A_1439 = arith.constant 0 : i32
      %dma_wait3A_1440 = tpu.memref_slice %arg5[%run_scoped3A_697, %dma_wait3A_1439] : memref<7x512xi32, #tpu.memory_space<vmem>> -> memref<1x512xi32, #tpu.memory_space<vmem>>
      %dma_wait3A_1441 = tpu.memref_squeeze %dma_wait3A_1440 : memref<1x512xi32, #tpu.memory_space<vmem>> -> memref<512xi32, #tpu.memory_space<vmem>>
      %dma_wait3A_1442 = tpu.memref_slice %arg2[%add3A_696] : memref<425984xi32, #tpu.memory_space<hbm>> -> memref<512xi32, #tpu.memory_space<hbm>>
      %dma_wait3A_1443 = arith.constant 0 : i32
      %dma_wait3A_1444 = tpu.memref_slice %arg5[%run_scoped3A_697, %dma_wait3A_1443] : memref<7x512xi32, #tpu.memory_space<vmem>> -> memref<1x512xi32, #tpu.memory_space<vmem>>
      %dma_wait3A_1445 = tpu.memref_squeeze %dma_wait3A_1444 : memref<1x512xi32, #tpu.memory_space<vmem>> -> memref<512xi32, #tpu.memory_space<vmem>>
      %dma_wait3A_1446 = tpu.memref_slice %arg2[%add3A_696] : memref<425984xi32, #tpu.memory_space<hbm>> -> memref<512xi32, #tpu.memory_space<hbm>>
      tpu.wait_dma2 semaphore(%run_scoped3A_1430 : memref<!tpu.dma_semaphore, #tpu.memory_space<semaphore_mem>>) src(%dma_wait3A_1446 : memref<512xi32, #tpu.memory_space<hbm>>) dst(%dma_wait3A_1445 : memref<512xi32, #tpu.memory_space<vmem>>)
      tpu.yield
    }) : () -> ()
    %dma_start3A_698 = arith.constant 3 : i32
    %dma_start3A_699 = arith.constant 3 : i32
    %dma_start3A_700 = arith.constant 0 : i32
    %dma_start3A_701 = arith.constant 0 : i32
    %dma_start3A_702 = tpu.memref_slice %arg6[%dma_start3A_699, %dma_start3A_700, %dma_start3A_701] : memref<7x512x32xf32, #tpu.memory_space<vmem>> -> memref<1x512x32xf32, #tpu.memory_space<vmem>>
    %dma_start3A_703 = tpu.memref_squeeze %dma_start3A_702 : memref<1x512x32xf32, #tpu.memory_space<vmem>> -> memref<512x32xf32, #tpu.memory_space<vmem>>
    %dma_start3A_704 = arith.constant 0 : i32
    %dma_start3A_705 = tpu.memref_slice %arg5[%dma_start3A_698, %dma_start3A_704] : memref<7x512xi32, #tpu.memory_space<vmem>> -> memref<1x512xi32, #tpu.memory_space<vmem>>
    %dma_start3A_706 = tpu.memref_squeeze %dma_start3A_705 : memref<1x512xi32, #tpu.memory_space<vmem>> -> memref<512xi32, #tpu.memory_space<vmem>>
    %dma_start3A_707 = arith.constant 0 : i32
    %dma_start3A_708 = arith.constant 0 : i32
    %dma_start3A_709 = tpu.memref_slice %arg3[%dma_start3A_707, %dma_start3A_708] : memref<1000000x32xf32, #tpu.memory_space<hbm>> -> memref<1000000x32xf32, #tpu.memory_space<hbm>>
    tpu.enqueue_indirect_dma source(%dma_start3A_709 : memref<1000000x32xf32, #tpu.memory_space<hbm>>) target(%dma_start3A_703 : memref<512x32xf32, #tpu.memory_space<vmem>>) offsets(%dma_start3A_706 : memref<512xi32, #tpu.memory_space<vmem>>) semaphore(%arg7 : memref<!tpu.dma_semaphore, #tpu.memory_space<semaphore_mem>>)
    %dma_wait3A_710 = arith.constant 4 : i32
    %dma_wait3A_711 = arith.constant 4 : i32
    %dma_wait3A_712 = arith.constant 0 : i32
    %dma_wait3A_713 = arith.constant 0 : i32
    %dma_wait3A_714 = tpu.memref_slice %arg6[%dma_wait3A_711, %dma_wait3A_712, %dma_wait3A_713] : memref<7x512x32xf32, #tpu.memory_space<vmem>> -> memref<1x512x32xf32, #tpu.memory_space<vmem>>
    %dma_wait3A_715 = tpu.memref_squeeze %dma_wait3A_714 : memref<1x512x32xf32, #tpu.memory_space<vmem>> -> memref<512x32xf32, #tpu.memory_space<vmem>>
    %dma_wait3A_716 = arith.constant 0 : i32
    %dma_wait3A_717 = tpu.memref_slice %arg5[%dma_wait3A_710, %dma_wait3A_716] : memref<7x512xi32, #tpu.memory_space<vmem>> -> memref<1x512xi32, #tpu.memory_space<vmem>>
    %dma_wait3A_718 = tpu.memref_squeeze %dma_wait3A_717 : memref<1x512xi32, #tpu.memory_space<vmem>> -> memref<512xi32, #tpu.memory_space<vmem>>
    %dma_wait3A_719 = arith.constant 0 : i32
    %dma_wait3A_720 = arith.constant 0 : i32
    %dma_wait3A_721 = tpu.memref_slice %arg3[%dma_wait3A_719, %dma_wait3A_720] : memref<1000000x32xf32, #tpu.memory_space<hbm>> -> memref<1000000x32xf32, #tpu.memory_space<hbm>>
    tpu.wait_indirect_dma semaphore(%arg7 : memref<!tpu.dma_semaphore, #tpu.memory_space<semaphore_mem>>) src(%dma_wait3A_721 : memref<1000000x32xf32, #tpu.memory_space<hbm>>) dst(%dma_wait3A_715 : memref<512x32xf32, #tpu.memory_space<vmem>>)
    %add3A_722 = arith.constant 5632 : i32
    %add3A_723 = arith.addi %mul3A_2, %add3A_722 : i32
    %dma_start3A_724 = arith.constant 4 : i32
    %dma_start3A_725 = arith.constant 0 : i32
    %dma_start3A_726 = arith.constant 0 : i32
    %dma_start3A_727 = tpu.memref_slice %arg6[%dma_start3A_724, %dma_start3A_725, %dma_start3A_726] : memref<7x512x32xf32, #tpu.memory_space<vmem>> -> memref<1x512x32xf32, #tpu.memory_space<vmem>>
    %dma_start3A_728 = tpu.memref_squeeze %dma_start3A_727 : memref<1x512x32xf32, #tpu.memory_space<vmem>> -> memref<512x32xf32, #tpu.memory_space<vmem>>
    %dma_start3A_729 = arith.constant 0 : i32
    %dma_start3A_730 = tpu.memref_slice %arg4[%add3A_723, %dma_start3A_729] : memref<425984x32xf32, #tpu.memory_space<hbm>> -> memref<512x32xf32, #tpu.memory_space<hbm>>
    %dma_start3A_731 = arith.constant 0 : i32
    %dma_start3A_732 = tpu.memref_slice %arg4[%add3A_723, %dma_start3A_731] : memref<425984x32xf32, #tpu.memory_space<hbm>> -> memref<512x32xf32, #tpu.memory_space<hbm>>
    %dma_start3A_733 = arith.constant 0 : i32
    %dma_start3A_734 = arith.constant 0 : i32
    %dma_start3A_735 = tpu.memref_slice %arg6[%dma_start3A_724, %dma_start3A_733, %dma_start3A_734] : memref<7x512x32xf32, #tpu.memory_space<vmem>> -> memref<1x512x32xf32, #tpu.memory_space<vmem>>
    %dma_start3A_736 = tpu.memref_squeeze %dma_start3A_735 : memref<1x512x32xf32, #tpu.memory_space<vmem>> -> memref<512x32xf32, #tpu.memory_space<vmem>>
    tpu.enqueue_dma source(%dma_start3A_736 : memref<512x32xf32, #tpu.memory_space<vmem>>) target(%dma_start3A_732 : memref<512x32xf32, #tpu.memory_space<hbm>>) target_semaphore(%arg8 : memref<!tpu.dma_semaphore, #tpu.memory_space<semaphore_mem>>)
    %dma_wait3A_737 = arith.constant 4 : i32
    %dma_wait3A_738 = arith.constant 0 : i32
    %dma_wait3A_739 = arith.constant 0 : i32
    %dma_wait3A_740 = tpu.memref_slice %arg6[%dma_wait3A_737, %dma_wait3A_738, %dma_wait3A_739] : memref<7x512x32xf32, #tpu.memory_space<vmem>> -> memref<1x512x32xf32, #tpu.memory_space<vmem>>
    %dma_wait3A_741 = tpu.memref_squeeze %dma_wait3A_740 : memref<1x512x32xf32, #tpu.memory_space<vmem>> -> memref<512x32xf32, #tpu.memory_space<vmem>>
    %dma_wait3A_742 = arith.constant 0 : i32
    %dma_wait3A_743 = tpu.memref_slice %arg4[%add3A_723, %dma_wait3A_742] : memref<425984x32xf32, #tpu.memory_space<hbm>> -> memref<512x32xf32, #tpu.memory_space<hbm>>
    %dma_wait3A_744 = arith.constant 0 : i32
    %dma_wait3A_745 = tpu.memref_slice %arg4[%add3A_723, %dma_wait3A_744] : memref<425984x32xf32, #tpu.memory_space<hbm>> -> memref<512x32xf32, #tpu.memory_space<hbm>>
    %dma_wait3A_746 = arith.constant 0 : i32
    %dma_wait3A_747 = arith.constant 0 : i32
    %dma_wait3A_748 = tpu.memref_slice %arg6[%dma_wait3A_737, %dma_wait3A_746, %dma_wait3A_747] : memref<7x512x32xf32, #tpu.memory_space<vmem>> -> memref<1x512x32xf32, #tpu.memory_space<vmem>>
    %dma_wait3A_749 = tpu.memref_squeeze %dma_wait3A_748 : memref<1x512x32xf32, #tpu.memory_space<vmem>> -> memref<512x32xf32, #tpu.memory_space<vmem>>
    tpu.wait_dma2 semaphore(%arg8 : memref<!tpu.dma_semaphore, #tpu.memory_space<semaphore_mem>>) src(%dma_wait3A_749 : memref<512x32xf32, #tpu.memory_space<vmem>>) dst(%dma_wait3A_745 : memref<512x32xf32, #tpu.memory_space<hbm>>)
    %add3A_750 = arith.constant 9216 : i32
    %add3A_751 = arith.addi %mul3A_2, %add3A_750 : i32
    %run_scoped3A_752 = arith.constant 4 : i32
    "tpu.region"() ({
      %run_scoped3A_1430 = tpu.sem_alloc : memref<!tpu.dma_semaphore, #tpu.memory_space<semaphore_mem>>
      %dma_start3A_1431 = arith.constant 0 : i32
      %dma_start3A_1432 = tpu.memref_slice %arg5[%run_scoped3A_752, %dma_start3A_1431] : memref<7x512xi32, #tpu.memory_space<vmem>> -> memref<1x512xi32, #tpu.memory_space<vmem>>
      %dma_start3A_1433 = tpu.memref_squeeze %dma_start3A_1432 : memref<1x512xi32, #tpu.memory_space<vmem>> -> memref<512xi32, #tpu.memory_space<vmem>>
      %dma_start3A_1434 = tpu.memref_slice %arg2[%add3A_751] : memref<425984xi32, #tpu.memory_space<hbm>> -> memref<512xi32, #tpu.memory_space<hbm>>
      %dma_start3A_1435 = arith.constant 0 : i32
      %dma_start3A_1436 = tpu.memref_slice %arg5[%run_scoped3A_752, %dma_start3A_1435] : memref<7x512xi32, #tpu.memory_space<vmem>> -> memref<1x512xi32, #tpu.memory_space<vmem>>
      %dma_start3A_1437 = tpu.memref_squeeze %dma_start3A_1436 : memref<1x512xi32, #tpu.memory_space<vmem>> -> memref<512xi32, #tpu.memory_space<vmem>>
      %dma_start3A_1438 = tpu.memref_slice %arg2[%add3A_751] : memref<425984xi32, #tpu.memory_space<hbm>> -> memref<512xi32, #tpu.memory_space<hbm>>
      tpu.enqueue_dma source(%dma_start3A_1438 : memref<512xi32, #tpu.memory_space<hbm>>) target(%dma_start3A_1437 : memref<512xi32, #tpu.memory_space<vmem>>) target_semaphore(%run_scoped3A_1430 : memref<!tpu.dma_semaphore, #tpu.memory_space<semaphore_mem>>)
      %dma_wait3A_1439 = arith.constant 0 : i32
      %dma_wait3A_1440 = tpu.memref_slice %arg5[%run_scoped3A_752, %dma_wait3A_1439] : memref<7x512xi32, #tpu.memory_space<vmem>> -> memref<1x512xi32, #tpu.memory_space<vmem>>
      %dma_wait3A_1441 = tpu.memref_squeeze %dma_wait3A_1440 : memref<1x512xi32, #tpu.memory_space<vmem>> -> memref<512xi32, #tpu.memory_space<vmem>>
      %dma_wait3A_1442 = tpu.memref_slice %arg2[%add3A_751] : memref<425984xi32, #tpu.memory_space<hbm>> -> memref<512xi32, #tpu.memory_space<hbm>>
      %dma_wait3A_1443 = arith.constant 0 : i32
      %dma_wait3A_1444 = tpu.memref_slice %arg5[%run_scoped3A_752, %dma_wait3A_1443] : memref<7x512xi32, #tpu.memory_space<vmem>> -> memref<1x512xi32, #tpu.memory_space<vmem>>
      %dma_wait3A_1445 = tpu.memref_squeeze %dma_wait3A_1444 : memref<1x512xi32, #tpu.memory_space<vmem>> -> memref<512xi32, #tpu.memory_space<vmem>>
      %dma_wait3A_1446 = tpu.memref_slice %arg2[%add3A_751] : memref<425984xi32, #tpu.memory_space<hbm>> -> memref<512xi32, #tpu.memory_space<hbm>>
      tpu.wait_dma2 semaphore(%run_scoped3A_1430 : memref<!tpu.dma_semaphore, #tpu.memory_space<semaphore_mem>>) src(%dma_wait3A_1446 : memref<512xi32, #tpu.memory_space<hbm>>) dst(%dma_wait3A_1445 : memref<512xi32, #tpu.memory_space<vmem>>)
      tpu.yield
    }) : () -> ()
    %dma_start3A_753 = arith.constant 4 : i32
    %dma_start3A_754 = arith.constant 4 : i32
    %dma_start3A_755 = arith.constant 0 : i32
    %dma_start3A_756 = arith.constant 0 : i32
    %dma_start3A_757 = tpu.memref_slice %arg6[%dma_start3A_754, %dma_start3A_755, %dma_start3A_756] : memref<7x512x32xf32, #tpu.memory_space<vmem>> -> memref<1x512x32xf32, #tpu.memory_space<vmem>>
    %dma_start3A_758 = tpu.memref_squeeze %dma_start3A_757 : memref<1x512x32xf32, #tpu.memory_space<vmem>> -> memref<512x32xf32, #tpu.memory_space<vmem>>
    %dma_start3A_759 = arith.constant 0 : i32
    %dma_start3A_760 = tpu.memref_slice %arg5[%dma_start3A_753, %dma_start3A_759] : memref<7x512xi32, #tpu.memory_space<vmem>> -> memref<1x512xi32, #tpu.memory_space<vmem>>
    %dma_start3A_761 = tpu.memref_squeeze %dma_start3A_760 : memref<1x512xi32, #tpu.memory_space<vmem>> -> memref<512xi32, #tpu.memory_space<vmem>>
    %dma_start3A_762 = arith.constant 0 : i32
    %dma_start3A_763 = arith.constant 0 : i32
    %dma_start3A_764 = tpu.memref_slice %arg3[%dma_start3A_762, %dma_start3A_763] : memref<1000000x32xf32, #tpu.memory_space<hbm>> -> memref<1000000x32xf32, #tpu.memory_space<hbm>>
    tpu.enqueue_indirect_dma source(%dma_start3A_764 : memref<1000000x32xf32, #tpu.memory_space<hbm>>) target(%dma_start3A_758 : memref<512x32xf32, #tpu.memory_space<vmem>>) offsets(%dma_start3A_761 : memref<512xi32, #tpu.memory_space<vmem>>) semaphore(%arg7 : memref<!tpu.dma_semaphore, #tpu.memory_space<semaphore_mem>>)
    %dma_wait3A_765 = arith.constant 5 : i32
    %dma_wait3A_766 = arith.constant 5 : i32
    %dma_wait3A_767 = arith.constant 0 : i32
    %dma_wait3A_768 = arith.constant 0 : i32
    %dma_wait3A_769 = tpu.memref_slice %arg6[%dma_wait3A_766, %dma_wait3A_767, %dma_wait3A_768] : memref<7x512x32xf32, #tpu.memory_space<vmem>> -> memref<1x512x32xf32, #tpu.memory_space<vmem>>
    %dma_wait3A_770 = tpu.memref_squeeze %dma_wait3A_769 : memref<1x512x32xf32, #tpu.memory_space<vmem>> -> memref<512x32xf32, #tpu.memory_space<vmem>>
    %dma_wait3A_771 = arith.constant 0 : i32
    %dma_wait3A_772 = tpu.memref_slice %arg5[%dma_wait3A_765, %dma_wait3A_771] : memref<7x512xi32, #tpu.memory_space<vmem>> -> memref<1x512xi32, #tpu.memory_space<vmem>>
    %dma_wait3A_773 = tpu.memref_squeeze %dma_wait3A_772 : memref<1x512xi32, #tpu.memory_space<vmem>> -> memref<512xi32, #tpu.memory_space<vmem>>
    %dma_wait3A_774 = arith.constant 0 : i32
    %dma_wait3A_775 = arith.constant 0 : i32
    %dma_wait3A_776 = tpu.memref_slice %arg3[%dma_wait3A_774, %dma_wait3A_775] : memref<1000000x32xf32, #tpu.memory_space<hbm>> -> memref<1000000x32xf32, #tpu.memory_space<hbm>>
    tpu.wait_indirect_dma semaphore(%arg7 : memref<!tpu.dma_semaphore, #tpu.memory_space<semaphore_mem>>) src(%dma_wait3A_776 : memref<1000000x32xf32, #tpu.memory_space<hbm>>) dst(%dma_wait3A_770 : memref<512x32xf32, #tpu.memory_space<vmem>>)
    %add3A_777 = arith.constant 6144 : i32
    %add3A_778 = arith.addi %mul3A_2, %add3A_777 : i32
    %dma_start3A_779 = arith.constant 5 : i32
    %dma_start3A_780 = arith.constant 0 : i32
    %dma_start3A_781 = arith.constant 0 : i32
    %dma_start3A_782 = tpu.memref_slice %arg6[%dma_start3A_779, %dma_start3A_780, %dma_start3A_781] : memref<7x512x32xf32, #tpu.memory_space<vmem>> -> memref<1x512x32xf32, #tpu.memory_space<vmem>>
    %dma_start3A_783 = tpu.memref_squeeze %dma_start3A_782 : memref<1x512x32xf32, #tpu.memory_space<vmem>> -> memref<512x32xf32, #tpu.memory_space<vmem>>
    %dma_start3A_784 = arith.constant 0 : i32
    %dma_start3A_785 = tpu.memref_slice %arg4[%add3A_778, %dma_start3A_784] : memref<425984x32xf32, #tpu.memory_space<hbm>> -> memref<512x32xf32, #tpu.memory_space<hbm>>
    %dma_start3A_786 = arith.constant 0 : i32
    %dma_start3A_787 = tpu.memref_slice %arg4[%add3A_778, %dma_start3A_786] : memref<425984x32xf32, #tpu.memory_space<hbm>> -> memref<512x32xf32, #tpu.memory_space<hbm>>
    %dma_start3A_788 = arith.constant 0 : i32
    %dma_start3A_789 = arith.constant 0 : i32
    %dma_start3A_790 = tpu.memref_slice %arg6[%dma_start3A_779, %dma_start3A_788, %dma_start3A_789] : memref<7x512x32xf32, #tpu.memory_space<vmem>> -> memref<1x512x32xf32, #tpu.memory_space<vmem>>
    %dma_start3A_791 = tpu.memref_squeeze %dma_start3A_790 : memref<1x512x32xf32, #tpu.memory_space<vmem>> -> memref<512x32xf32, #tpu.memory_space<vmem>>
    tpu.enqueue_dma source(%dma_start3A_791 : memref<512x32xf32, #tpu.memory_space<vmem>>) target(%dma_start3A_787 : memref<512x32xf32, #tpu.memory_space<hbm>>) target_semaphore(%arg8 : memref<!tpu.dma_semaphore, #tpu.memory_space<semaphore_mem>>)
    %dma_wait3A_792 = arith.constant 5 : i32
    %dma_wait3A_793 = arith.constant 0 : i32
    %dma_wait3A_794 = arith.constant 0 : i32
    %dma_wait3A_795 = tpu.memref_slice %arg6[%dma_wait3A_792, %dma_wait3A_793, %dma_wait3A_794] : memref<7x512x32xf32, #tpu.memory_space<vmem>> -> memref<1x512x32xf32, #tpu.memory_space<vmem>>
    %dma_wait3A_796 = tpu.memref_squeeze %dma_wait3A_795 : memref<1x512x32xf32, #tpu.memory_space<vmem>> -> memref<512x32xf32, #tpu.memory_space<vmem>>
    %dma_wait3A_797 = arith.constant 0 : i32
    %dma_wait3A_798 = tpu.memref_slice %arg4[%add3A_778, %dma_wait3A_797] : memref<425984x32xf32, #tpu.memory_space<hbm>> -> memref<512x32xf32, #tpu.memory_space<hbm>>
    %dma_wait3A_799 = arith.constant 0 : i32
    %dma_wait3A_800 = tpu.memref_slice %arg4[%add3A_778, %dma_wait3A_799] : memref<425984x32xf32, #tpu.memory_space<hbm>> -> memref<512x32xf32, #tpu.memory_space<hbm>>
    %dma_wait3A_801 = arith.constant 0 : i32
    %dma_wait3A_802 = arith.constant 0 : i32
    %dma_wait3A_803 = tpu.memref_slice %arg6[%dma_wait3A_792, %dma_wait3A_801, %dma_wait3A_802] : memref<7x512x32xf32, #tpu.memory_space<vmem>> -> memref<1x512x32xf32, #tpu.memory_space<vmem>>
    %dma_wait3A_804 = tpu.memref_squeeze %dma_wait3A_803 : memref<1x512x32xf32, #tpu.memory_space<vmem>> -> memref<512x32xf32, #tpu.memory_space<vmem>>
    tpu.wait_dma2 semaphore(%arg8 : memref<!tpu.dma_semaphore, #tpu.memory_space<semaphore_mem>>) src(%dma_wait3A_804 : memref<512x32xf32, #tpu.memory_space<vmem>>) dst(%dma_wait3A_800 : memref<512x32xf32, #tpu.memory_space<hbm>>)
    %add3A_805 = arith.constant 9728 : i32
    %add3A_806 = arith.addi %mul3A_2, %add3A_805 : i32
    %run_scoped3A_807 = arith.constant 5 : i32
    "tpu.region"() ({
      %run_scoped3A_1430 = tpu.sem_alloc : memref<!tpu.dma_semaphore, #tpu.memory_space<semaphore_mem>>
      %dma_start3A_1431 = arith.constant 0 : i32
      %dma_start3A_1432 = tpu.memref_slice %arg5[%run_scoped3A_807, %dma_start3A_1431] : memref<7x512xi32, #tpu.memory_space<vmem>> -> memref<1x512xi32, #tpu.memory_space<vmem>>
      %dma_start3A_1433 = tpu.memref_squeeze %dma_start3A_1432 : memref<1x512xi32, #tpu.memory_space<vmem>> -> memref<512xi32, #tpu.memory_space<vmem>>
      %dma_start3A_1434 = tpu.memref_slice %arg2[%add3A_806] : memref<425984xi32, #tpu.memory_space<hbm>> -> memref<512xi32, #tpu.memory_space<hbm>>
      %dma_start3A_1435 = arith.constant 0 : i32
      %dma_start3A_1436 = tpu.memref_slice %arg5[%run_scoped3A_807, %dma_start3A_1435] : memref<7x512xi32, #tpu.memory_space<vmem>> -> memref<1x512xi32, #tpu.memory_space<vmem>>
      %dma_start3A_1437 = tpu.memref_squeeze %dma_start3A_1436 : memref<1x512xi32, #tpu.memory_space<vmem>> -> memref<512xi32, #tpu.memory_space<vmem>>
      %dma_start3A_1438 = tpu.memref_slice %arg2[%add3A_806] : memref<425984xi32, #tpu.memory_space<hbm>> -> memref<512xi32, #tpu.memory_space<hbm>>
      tpu.enqueue_dma source(%dma_start3A_1438 : memref<512xi32, #tpu.memory_space<hbm>>) target(%dma_start3A_1437 : memref<512xi32, #tpu.memory_space<vmem>>) target_semaphore(%run_scoped3A_1430 : memref<!tpu.dma_semaphore, #tpu.memory_space<semaphore_mem>>)
      %dma_wait3A_1439 = arith.constant 0 : i32
      %dma_wait3A_1440 = tpu.memref_slice %arg5[%run_scoped3A_807, %dma_wait3A_1439] : memref<7x512xi32, #tpu.memory_space<vmem>> -> memref<1x512xi32, #tpu.memory_space<vmem>>
      %dma_wait3A_1441 = tpu.memref_squeeze %dma_wait3A_1440 : memref<1x512xi32, #tpu.memory_space<vmem>> -> memref<512xi32, #tpu.memory_space<vmem>>
      %dma_wait3A_1442 = tpu.memref_slice %arg2[%add3A_806] : memref<425984xi32, #tpu.memory_space<hbm>> -> memref<512xi32, #tpu.memory_space<hbm>>
      %dma_wait3A_1443 = arith.constant 0 : i32
      %dma_wait3A_1444 = tpu.memref_slice %arg5[%run_scoped3A_807, %dma_wait3A_1443] : memref<7x512xi32, #tpu.memory_space<vmem>> -> memref<1x512xi32, #tpu.memory_space<vmem>>
      %dma_wait3A_1445 = tpu.memref_squeeze %dma_wait3A_1444 : memref<1x512xi32, #tpu.memory_space<vmem>> -> memref<512xi32, #tpu.memory_space<vmem>>
      %dma_wait3A_1446 = tpu.memref_slice %arg2[%add3A_806] : memref<425984xi32, #tpu.memory_space<hbm>> -> memref<512xi32, #tpu.memory_space<hbm>>
      tpu.wait_dma2 semaphore(%run_scoped3A_1430 : memref<!tpu.dma_semaphore, #tpu.memory_space<semaphore_mem>>) src(%dma_wait3A_1446 : memref<512xi32, #tpu.memory_space<hbm>>) dst(%dma_wait3A_1445 : memref<512xi32, #tpu.memory_space<vmem>>)
      tpu.yield
    }) : () -> ()
    %dma_start3A_808 = arith.constant 5 : i32
    %dma_start3A_809 = arith.constant 5 : i32
    %dma_start3A_810 = arith.constant 0 : i32
    %dma_start3A_811 = arith.constant 0 : i32
    %dma_start3A_812 = tpu.memref_slice %arg6[%dma_start3A_809, %dma_start3A_810, %dma_start3A_811] : memref<7x512x32xf32, #tpu.memory_space<vmem>> -> memref<1x512x32xf32, #tpu.memory_space<vmem>>
    %dma_start3A_813 = tpu.memref_squeeze %dma_start3A_812 : memref<1x512x32xf32, #tpu.memory_space<vmem>> -> memref<512x32xf32, #tpu.memory_space<vmem>>
    %dma_start3A_814 = arith.constant 0 : i32
    %dma_start3A_815 = tpu.memref_slice %arg5[%dma_start3A_808, %dma_start3A_814] : memref<7x512xi32, #tpu.memory_space<vmem>> -> memref<1x512xi32, #tpu.memory_space<vmem>>
    %dma_start3A_816 = tpu.memref_squeeze %dma_start3A_815 : memref<1x512xi32, #tpu.memory_space<vmem>> -> memref<512xi32, #tpu.memory_space<vmem>>
    %dma_start3A_817 = arith.constant 0 : i32
    %dma_start3A_818 = arith.constant 0 : i32
    %dma_start3A_819 = tpu.memref_slice %arg3[%dma_start3A_817, %dma_start3A_818] : memref<1000000x32xf32, #tpu.memory_space<hbm>> -> memref<1000000x32xf32, #tpu.memory_space<hbm>>
    tpu.enqueue_indirect_dma source(%dma_start3A_819 : memref<1000000x32xf32, #tpu.memory_space<hbm>>) target(%dma_start3A_813 : memref<512x32xf32, #tpu.memory_space<vmem>>) offsets(%dma_start3A_816 : memref<512xi32, #tpu.memory_space<vmem>>) semaphore(%arg7 : memref<!tpu.dma_semaphore, #tpu.memory_space<semaphore_mem>>)
    %dma_wait3A_820 = arith.constant 6 : i32
    %dma_wait3A_821 = arith.constant 6 : i32
    %dma_wait3A_822 = arith.constant 0 : i32
    %dma_wait3A_823 = arith.constant 0 : i32
    %dma_wait3A_824 = tpu.memref_slice %arg6[%dma_wait3A_821, %dma_wait3A_822, %dma_wait3A_823] : memref<7x512x32xf32, #tpu.memory_space<vmem>> -> memref<1x512x32xf32, #tpu.memory_space<vmem>>
    %dma_wait3A_825 = tpu.memref_squeeze %dma_wait3A_824 : memref<1x512x32xf32, #tpu.memory_space<vmem>> -> memref<512x32xf32, #tpu.memory_space<vmem>>
    %dma_wait3A_826 = arith.constant 0 : i32
    %dma_wait3A_827 = tpu.memref_slice %arg5[%dma_wait3A_820, %dma_wait3A_826] : memref<7x512xi32, #tpu.memory_space<vmem>> -> memref<1x512xi32, #tpu.memory_space<vmem>>
    %dma_wait3A_828 = tpu.memref_squeeze %dma_wait3A_827 : memref<1x512xi32, #tpu.memory_space<vmem>> -> memref<512xi32, #tpu.memory_space<vmem>>
    %dma_wait3A_829 = arith.constant 0 : i32
    %dma_wait3A_830 = arith.constant 0 : i32
    %dma_wait3A_831 = tpu.memref_slice %arg3[%dma_wait3A_829, %dma_wait3A_830] : memref<1000000x32xf32, #tpu.memory_space<hbm>> -> memref<1000000x32xf32, #tpu.memory_space<hbm>>
    tpu.wait_indirect_dma semaphore(%arg7 : memref<!tpu.dma_semaphore, #tpu.memory_space<semaphore_mem>>) src(%dma_wait3A_831 : memref<1000000x32xf32, #tpu.memory_space<hbm>>) dst(%dma_wait3A_825 : memref<512x32xf32, #tpu.memory_space<vmem>>)
    %add3A_832 = arith.constant 6656 : i32
    %add3A_833 = arith.addi %mul3A_2, %add3A_832 : i32
    %dma_start3A_834 = arith.constant 6 : i32
    %dma_start3A_835 = arith.constant 0 : i32
    %dma_start3A_836 = arith.constant 0 : i32
    %dma_start3A_837 = tpu.memref_slice %arg6[%dma_start3A_834, %dma_start3A_835, %dma_start3A_836] : memref<7x512x32xf32, #tpu.memory_space<vmem>> -> memref<1x512x32xf32, #tpu.memory_space<vmem>>
    %dma_start3A_838 = tpu.memref_squeeze %dma_start3A_837 : memref<1x512x32xf32, #tpu.memory_space<vmem>> -> memref<512x32xf32, #tpu.memory_space<vmem>>
    %dma_start3A_839 = arith.constant 0 : i32
    %dma_start3A_840 = tpu.memref_slice %arg4[%add3A_833, %dma_start3A_839] : memref<425984x32xf32, #tpu.memory_space<hbm>> -> memref<512x32xf32, #tpu.memory_space<hbm>>
    %dma_start3A_841 = arith.constant 0 : i32
    %dma_start3A_842 = tpu.memref_slice %arg4[%add3A_833, %dma_start3A_841] : memref<425984x32xf32, #tpu.memory_space<hbm>> -> memref<512x32xf32, #tpu.memory_space<hbm>>
    %dma_start3A_843 = arith.constant 0 : i32
    %dma_start3A_844 = arith.constant 0 : i32
    %dma_start3A_845 = tpu.memref_slice %arg6[%dma_start3A_834, %dma_start3A_843, %dma_start3A_844] : memref<7x512x32xf32, #tpu.memory_space<vmem>> -> memref<1x512x32xf32, #tpu.memory_space<vmem>>
    %dma_start3A_846 = tpu.memref_squeeze %dma_start3A_845 : memref<1x512x32xf32, #tpu.memory_space<vmem>> -> memref<512x32xf32, #tpu.memory_space<vmem>>
    tpu.enqueue_dma source(%dma_start3A_846 : memref<512x32xf32, #tpu.memory_space<vmem>>) target(%dma_start3A_842 : memref<512x32xf32, #tpu.memory_space<hbm>>) target_semaphore(%arg8 : memref<!tpu.dma_semaphore, #tpu.memory_space<semaphore_mem>>)
    %dma_wait3A_847 = arith.constant 6 : i32
    %dma_wait3A_848 = arith.constant 0 : i32
    %dma_wait3A_849 = arith.constant 0 : i32
    %dma_wait3A_850 = tpu.memref_slice %arg6[%dma_wait3A_847, %dma_wait3A_848, %dma_wait3A_849] : memref<7x512x32xf32, #tpu.memory_space<vmem>> -> memref<1x512x32xf32, #tpu.memory_space<vmem>>
    %dma_wait3A_851 = tpu.memref_squeeze %dma_wait3A_850 : memref<1x512x32xf32, #tpu.memory_space<vmem>> -> memref<512x32xf32, #tpu.memory_space<vmem>>
    %dma_wait3A_852 = arith.constant 0 : i32
    %dma_wait3A_853 = tpu.memref_slice %arg4[%add3A_833, %dma_wait3A_852] : memref<425984x32xf32, #tpu.memory_space<hbm>> -> memref<512x32xf32, #tpu.memory_space<hbm>>
    %dma_wait3A_854 = arith.constant 0 : i32
    %dma_wait3A_855 = tpu.memref_slice %arg4[%add3A_833, %dma_wait3A_854] : memref<425984x32xf32, #tpu.memory_space<hbm>> -> memref<512x32xf32, #tpu.memory_space<hbm>>
    %dma_wait3A_856 = arith.constant 0 : i32
    %dma_wait3A_857 = arith.constant 0 : i32
    %dma_wait3A_858 = tpu.memref_slice %arg6[%dma_wait3A_847, %dma_wait3A_856, %dma_wait3A_857] : memref<7x512x32xf32, #tpu.memory_space<vmem>> -> memref<1x512x32xf32, #tpu.memory_space<vmem>>
    %dma_wait3A_859 = tpu.memref_squeeze %dma_wait3A_858 : memref<1x512x32xf32, #tpu.memory_space<vmem>> -> memref<512x32xf32, #tpu.memory_space<vmem>>
    tpu.wait_dma2 semaphore(%arg8 : memref<!tpu.dma_semaphore, #tpu.memory_space<semaphore_mem>>) src(%dma_wait3A_859 : memref<512x32xf32, #tpu.memory_space<vmem>>) dst(%dma_wait3A_855 : memref<512x32xf32, #tpu.memory_space<hbm>>)
    %add3A_860 = arith.constant 10240 : i32
    %add3A_861 = arith.addi %mul3A_2, %add3A_860 : i32
    %run_scoped3A_862 = arith.constant 6 : i32
    "tpu.region"() ({
      %run_scoped3A_1430 = tpu.sem_alloc : memref<!tpu.dma_semaphore, #tpu.memory_space<semaphore_mem>>
      %dma_start3A_1431 = arith.constant 0 : i32
      %dma_start3A_1432 = tpu.memref_slice %arg5[%run_scoped3A_862, %dma_start3A_1431] : memref<7x512xi32, #tpu.memory_space<vmem>> -> memref<1x512xi32, #tpu.memory_space<vmem>>
      %dma_start3A_1433 = tpu.memref_squeeze %dma_start3A_1432 : memref<1x512xi32, #tpu.memory_space<vmem>> -> memref<512xi32, #tpu.memory_space<vmem>>
      %dma_start3A_1434 = tpu.memref_slice %arg2[%add3A_861] : memref<425984xi32, #tpu.memory_space<hbm>> -> memref<512xi32, #tpu.memory_space<hbm>>
      %dma_start3A_1435 = arith.constant 0 : i32
      %dma_start3A_1436 = tpu.memref_slice %arg5[%run_scoped3A_862, %dma_start3A_1435] : memref<7x512xi32, #tpu.memory_space<vmem>> -> memref<1x512xi32, #tpu.memory_space<vmem>>
      %dma_start3A_1437 = tpu.memref_squeeze %dma_start3A_1436 : memref<1x512xi32, #tpu.memory_space<vmem>> -> memref<512xi32, #tpu.memory_space<vmem>>
      %dma_start3A_1438 = tpu.memref_slice %arg2[%add3A_861] : memref<425984xi32, #tpu.memory_space<hbm>> -> memref<512xi32, #tpu.memory_space<hbm>>
      tpu.enqueue_dma source(%dma_start3A_1438 : memref<512xi32, #tpu.memory_space<hbm>>) target(%dma_start3A_1437 : memref<512xi32, #tpu.memory_space<vmem>>) target_semaphore(%run_scoped3A_1430 : memref<!tpu.dma_semaphore, #tpu.memory_space<semaphore_mem>>)
      %dma_wait3A_1439 = arith.constant 0 : i32
      %dma_wait3A_1440 = tpu.memref_slice %arg5[%run_scoped3A_862, %dma_wait3A_1439] : memref<7x512xi32, #tpu.memory_space<vmem>> -> memref<1x512xi32, #tpu.memory_space<vmem>>
      %dma_wait3A_1441 = tpu.memref_squeeze %dma_wait3A_1440 : memref<1x512xi32, #tpu.memory_space<vmem>> -> memref<512xi32, #tpu.memory_space<vmem>>
      %dma_wait3A_1442 = tpu.memref_slice %arg2[%add3A_861] : memref<425984xi32, #tpu.memory_space<hbm>> -> memref<512xi32, #tpu.memory_space<hbm>>
      %dma_wait3A_1443 = arith.constant 0 : i32
      %dma_wait3A_1444 = tpu.memref_slice %arg5[%run_scoped3A_862, %dma_wait3A_1443] : memref<7x512xi32, #tpu.memory_space<vmem>> -> memref<1x512xi32, #tpu.memory_space<vmem>>
      %dma_wait3A_1445 = tpu.memref_squeeze %dma_wait3A_1444 : memref<1x512xi32, #tpu.memory_space<vmem>> -> memref<512xi32, #tpu.memory_space<vmem>>
      %dma_wait3A_1446 = tpu.memref_slice %arg2[%add3A_861] : memref<425984xi32, #tpu.memory_space<hbm>> -> memref<512xi32, #tpu.memory_space<hbm>>
      tpu.wait_dma2 semaphore(%run_scoped3A_1430 : memref<!tpu.dma_semaphore, #tpu.memory_space<semaphore_mem>>) src(%dma_wait3A_1446 : memref<512xi32, #tpu.memory_space<hbm>>) dst(%dma_wait3A_1445 : memref<512xi32, #tpu.memory_space<vmem>>)
      tpu.yield
    }) : () -> ()
    %dma_start3A_863 = arith.constant 6 : i32
    %dma_start3A_864 = arith.constant 6 : i32
    %dma_start3A_865 = arith.constant 0 : i32
    %dma_start3A_866 = arith.constant 0 : i32
    %dma_start3A_867 = tpu.memref_slice %arg6[%dma_start3A_864, %dma_start3A_865, %dma_start3A_866] : memref<7x512x32xf32, #tpu.memory_space<vmem>> -> memref<1x512x32xf32, #tpu.memory_space<vmem>>
    %dma_start3A_868 = tpu.memref_squeeze %dma_start3A_867 : memref<1x512x32xf32, #tpu.memory_space<vmem>> -> memref<512x32xf32, #tpu.memory_space<vmem>>
    %dma_start3A_869 = arith.constant 0 : i32
    %dma_start3A_870 = tpu.memref_slice %arg5[%dma_start3A_863, %dma_start3A_869] : memref<7x512xi32, #tpu.memory_space<vmem>> -> memref<1x512xi32, #tpu.memory_space<vmem>>
    %dma_start3A_871 = tpu.memref_squeeze %dma_start3A_870 : memref<1x512xi32, #tpu.memory_space<vmem>> -> memref<512xi32, #tpu.memory_space<vmem>>
    %dma_start3A_872 = arith.constant 0 : i32
    %dma_start3A_873 = arith.constant 0 : i32
    %dma_start3A_874 = tpu.memref_slice %arg3[%dma_start3A_872, %dma_start3A_873] : memref<1000000x32xf32, #tpu.memory_space<hbm>> -> memref<1000000x32xf32, #tpu.memory_space<hbm>>
    tpu.enqueue_indirect_dma source(%dma_start3A_874 : memref<1000000x32xf32, #tpu.memory_space<hbm>>) target(%dma_start3A_868 : memref<512x32xf32, #tpu.memory_space<vmem>>) offsets(%dma_start3A_871 : memref<512xi32, #tpu.memory_space<vmem>>) semaphore(%arg7 : memref<!tpu.dma_semaphore, #tpu.memory_space<semaphore_mem>>)
    %dma_wait3A_875 = arith.constant 0 : i32
    %dma_wait3A_876 = arith.constant 0 : i32
    %dma_wait3A_877 = arith.constant 0 : i32
    %dma_wait3A_878 = arith.constant 0 : i32
    %dma_wait3A_879 = tpu.memref_slice %arg6[%dma_wait3A_876, %dma_wait3A_877, %dma_wait3A_878] : memref<7x512x32xf32, #tpu.memory_space<vmem>> -> memref<1x512x32xf32, #tpu.memory_space<vmem>>
    %dma_wait3A_880 = tpu.memref_squeeze %dma_wait3A_879 : memref<1x512x32xf32, #tpu.memory_space<vmem>> -> memref<512x32xf32, #tpu.memory_space<vmem>>
    %dma_wait3A_881 = arith.constant 0 : i32
    %dma_wait3A_882 = tpu.memref_slice %arg5[%dma_wait3A_875, %dma_wait3A_881] : memref<7x512xi32, #tpu.memory_space<vmem>> -> memref<1x512xi32, #tpu.memory_space<vmem>>
    %dma_wait3A_883 = tpu.memref_squeeze %dma_wait3A_882 : memref<1x512xi32, #tpu.memory_space<vmem>> -> memref<512xi32, #tpu.memory_space<vmem>>
    %dma_wait3A_884 = arith.constant 0 : i32
    %dma_wait3A_885 = arith.constant 0 : i32
    %dma_wait3A_886 = tpu.memref_slice %arg3[%dma_wait3A_884, %dma_wait3A_885] : memref<1000000x32xf32, #tpu.memory_space<hbm>> -> memref<1000000x32xf32, #tpu.memory_space<hbm>>
    tpu.wait_indirect_dma semaphore(%arg7 : memref<!tpu.dma_semaphore, #tpu.memory_space<semaphore_mem>>) src(%dma_wait3A_886 : memref<1000000x32xf32, #tpu.memory_space<hbm>>) dst(%dma_wait3A_880 : memref<512x32xf32, #tpu.memory_space<vmem>>)
    %add3A_887 = arith.constant 7168 : i32
    %add3A_888 = arith.addi %mul3A_2, %add3A_887 : i32
    %dma_start3A_889 = arith.constant 0 : i32
    %dma_start3A_890 = arith.constant 0 : i32
    %dma_start3A_891 = arith.constant 0 : i32
    %dma_start3A_892 = tpu.memref_slice %arg6[%dma_start3A_889, %dma_start3A_890, %dma_start3A_891] : memref<7x512x32xf32, #tpu.memory_space<vmem>> -> memref<1x512x32xf32, #tpu.memory_space<vmem>>
    %dma_start3A_893 = tpu.memref_squeeze %dma_start3A_892 : memref<1x512x32xf32, #tpu.memory_space<vmem>> -> memref<512x32xf32, #tpu.memory_space<vmem>>
    %dma_start3A_894 = arith.constant 0 : i32
    %dma_start3A_895 = tpu.memref_slice %arg4[%add3A_888, %dma_start3A_894] : memref<425984x32xf32, #tpu.memory_space<hbm>> -> memref<512x32xf32, #tpu.memory_space<hbm>>
    %dma_start3A_896 = arith.constant 0 : i32
    %dma_start3A_897 = tpu.memref_slice %arg4[%add3A_888, %dma_start3A_896] : memref<425984x32xf32, #tpu.memory_space<hbm>> -> memref<512x32xf32, #tpu.memory_space<hbm>>
    %dma_start3A_898 = arith.constant 0 : i32
    %dma_start3A_899 = arith.constant 0 : i32
    %dma_start3A_900 = tpu.memref_slice %arg6[%dma_start3A_889, %dma_start3A_898, %dma_start3A_899] : memref<7x512x32xf32, #tpu.memory_space<vmem>> -> memref<1x512x32xf32, #tpu.memory_space<vmem>>
    %dma_start3A_901 = tpu.memref_squeeze %dma_start3A_900 : memref<1x512x32xf32, #tpu.memory_space<vmem>> -> memref<512x32xf32, #tpu.memory_space<vmem>>
    tpu.enqueue_dma source(%dma_start3A_901 : memref<512x32xf32, #tpu.memory_space<vmem>>) target(%dma_start3A_897 : memref<512x32xf32, #tpu.memory_space<hbm>>) target_semaphore(%arg8 : memref<!tpu.dma_semaphore, #tpu.memory_space<semaphore_mem>>)
    %dma_wait3A_902 = arith.constant 0 : i32
    %dma_wait3A_903 = arith.constant 0 : i32
    %dma_wait3A_904 = arith.constant 0 : i32
    %dma_wait3A_905 = tpu.memref_slice %arg6[%dma_wait3A_902, %dma_wait3A_903, %dma_wait3A_904] : memref<7x512x32xf32, #tpu.memory_space<vmem>> -> memref<1x512x32xf32, #tpu.memory_space<vmem>>
    %dma_wait3A_906 = tpu.memref_squeeze %dma_wait3A_905 : memref<1x512x32xf32, #tpu.memory_space<vmem>> -> memref<512x32xf32, #tpu.memory_space<vmem>>
    %dma_wait3A_907 = arith.constant 0 : i32
    %dma_wait3A_908 = tpu.memref_slice %arg4[%add3A_888, %dma_wait3A_907] : memref<425984x32xf32, #tpu.memory_space<hbm>> -> memref<512x32xf32, #tpu.memory_space<hbm>>
    %dma_wait3A_909 = arith.constant 0 : i32
    %dma_wait3A_910 = tpu.memref_slice %arg4[%add3A_888, %dma_wait3A_909] : memref<425984x32xf32, #tpu.memory_space<hbm>> -> memref<512x32xf32, #tpu.memory_space<hbm>>
    %dma_wait3A_911 = arith.constant 0 : i32
    %dma_wait3A_912 = arith.constant 0 : i32
    %dma_wait3A_913 = tpu.memref_slice %arg6[%dma_wait3A_902, %dma_wait3A_911, %dma_wait3A_912] : memref<7x512x32xf32, #tpu.memory_space<vmem>> -> memref<1x512x32xf32, #tpu.memory_space<vmem>>
    %dma_wait3A_914 = tpu.memref_squeeze %dma_wait3A_913 : memref<1x512x32xf32, #tpu.memory_space<vmem>> -> memref<512x32xf32, #tpu.memory_space<vmem>>
    tpu.wait_dma2 semaphore(%arg8 : memref<!tpu.dma_semaphore, #tpu.memory_space<semaphore_mem>>) src(%dma_wait3A_914 : memref<512x32xf32, #tpu.memory_space<vmem>>) dst(%dma_wait3A_910 : memref<512x32xf32, #tpu.memory_space<hbm>>)
    %add3A_915 = arith.constant 10752 : i32
    %add3A_916 = arith.addi %mul3A_2, %add3A_915 : i32
    %run_scoped3A_917 = arith.constant 0 : i32
    "tpu.region"() ({
      %run_scoped3A_1430 = tpu.sem_alloc : memref<!tpu.dma_semaphore, #tpu.memory_space<semaphore_mem>>
      %dma_start3A_1431 = arith.constant 0 : i32
      %dma_start3A_1432 = tpu.memref_slice %arg5[%run_scoped3A_917, %dma_start3A_1431] : memref<7x512xi32, #tpu.memory_space<vmem>> -> memref<1x512xi32, #tpu.memory_space<vmem>>
      %dma_start3A_1433 = tpu.memref_squeeze %dma_start3A_1432 : memref<1x512xi32, #tpu.memory_space<vmem>> -> memref<512xi32, #tpu.memory_space<vmem>>
      %dma_start3A_1434 = tpu.memref_slice %arg2[%add3A_916] : memref<425984xi32, #tpu.memory_space<hbm>> -> memref<512xi32, #tpu.memory_space<hbm>>
      %dma_start3A_1435 = arith.constant 0 : i32
      %dma_start3A_1436 = tpu.memref_slice %arg5[%run_scoped3A_917, %dma_start3A_1435] : memref<7x512xi32, #tpu.memory_space<vmem>> -> memref<1x512xi32, #tpu.memory_space<vmem>>
      %dma_start3A_1437 = tpu.memref_squeeze %dma_start3A_1436 : memref<1x512xi32, #tpu.memory_space<vmem>> -> memref<512xi32, #tpu.memory_space<vmem>>
      %dma_start3A_1438 = tpu.memref_slice %arg2[%add3A_916] : memref<425984xi32, #tpu.memory_space<hbm>> -> memref<512xi32, #tpu.memory_space<hbm>>
      tpu.enqueue_dma source(%dma_start3A_1438 : memref<512xi32, #tpu.memory_space<hbm>>) target(%dma_start3A_1437 : memref<512xi32, #tpu.memory_space<vmem>>) target_semaphore(%run_scoped3A_1430 : memref<!tpu.dma_semaphore, #tpu.memory_space<semaphore_mem>>)
      %dma_wait3A_1439 = arith.constant 0 : i32
      %dma_wait3A_1440 = tpu.memref_slice %arg5[%run_scoped3A_917, %dma_wait3A_1439] : memref<7x512xi32, #tpu.memory_space<vmem>> -> memref<1x512xi32, #tpu.memory_space<vmem>>
      %dma_wait3A_1441 = tpu.memref_squeeze %dma_wait3A_1440 : memref<1x512xi32, #tpu.memory_space<vmem>> -> memref<512xi32, #tpu.memory_space<vmem>>
      %dma_wait3A_1442 = tpu.memref_slice %arg2[%add3A_916] : memref<425984xi32, #tpu.memory_space<hbm>> -> memref<512xi32, #tpu.memory_space<hbm>>
      %dma_wait3A_1443 = arith.constant 0 : i32
      %dma_wait3A_1444 = tpu.memref_slice %arg5[%run_scoped3A_917, %dma_wait3A_1443] : memref<7x512xi32, #tpu.memory_space<vmem>> -> memref<1x512xi32, #tpu.memory_space<vmem>>
      %dma_wait3A_1445 = tpu.memref_squeeze %dma_wait3A_1444 : memref<1x512xi32, #tpu.memory_space<vmem>> -> memref<512xi32, #tpu.memory_space<vmem>>
      %dma_wait3A_1446 = tpu.memref_slice %arg2[%add3A_916] : memref<425984xi32, #tpu.memory_space<hbm>> -> memref<512xi32, #tpu.memory_space<hbm>>
      tpu.wait_dma2 semaphore(%run_scoped3A_1430 : memref<!tpu.dma_semaphore, #tpu.memory_space<semaphore_mem>>) src(%dma_wait3A_1446 : memref<512xi32, #tpu.memory_space<hbm>>) dst(%dma_wait3A_1445 : memref<512xi32, #tpu.memory_space<vmem>>)
      tpu.yield
    }) : () -> ()
    %dma_start3A_918 = arith.constant 0 : i32
    %dma_start3A_919 = arith.constant 0 : i32
    %dma_start3A_920 = arith.constant 0 : i32
    %dma_start3A_921 = arith.constant 0 : i32
    %dma_start3A_922 = tpu.memref_slice %arg6[%dma_start3A_919, %dma_start3A_920, %dma_start3A_921] : memref<7x512x32xf32, #tpu.memory_space<vmem>> -> memref<1x512x32xf32, #tpu.memory_space<vmem>>
    %dma_start3A_923 = tpu.memref_squeeze %dma_start3A_922 : memref<1x512x32xf32, #tpu.memory_space<vmem>> -> memref<512x32xf32, #tpu.memory_space<vmem>>
    %dma_start3A_924 = arith.constant 0 : i32
    %dma_start3A_925 = tpu.memref_slice %arg5[%dma_start3A_918, %dma_start3A_924] : memref<7x512xi32, #tpu.memory_space<vmem>> -> memref<1x512xi32, #tpu.memory_space<vmem>>
    %dma_start3A_926 = tpu.memref_squeeze %dma_start3A_925 : memref<1x512xi32, #tpu.memory_space<vmem>> -> memref<512xi32, #tpu.memory_space<vmem>>
    %dma_start3A_927 = arith.constant 0 : i32
    %dma_start3A_928 = arith.constant 0 : i32
    %dma_start3A_929 = tpu.memref_slice %arg3[%dma_start3A_927, %dma_start3A_928] : memref<1000000x32xf32, #tpu.memory_space<hbm>> -> memref<1000000x32xf32, #tpu.memory_space<hbm>>
    tpu.enqueue_indirect_dma source(%dma_start3A_929 : memref<1000000x32xf32, #tpu.memory_space<hbm>>) target(%dma_start3A_923 : memref<512x32xf32, #tpu.memory_space<vmem>>) offsets(%dma_start3A_926 : memref<512xi32, #tpu.memory_space<vmem>>) semaphore(%arg7 : memref<!tpu.dma_semaphore, #tpu.memory_space<semaphore_mem>>)
    %dma_wait3A_930 = arith.constant 1 : i32
    %dma_wait3A_931 = arith.constant 1 : i32
    %dma_wait3A_932 = arith.constant 0 : i32
    %dma_wait3A_933 = arith.constant 0 : i32
    %dma_wait3A_934 = tpu.memref_slice %arg6[%dma_wait3A_931, %dma_wait3A_932, %dma_wait3A_933] : memref<7x512x32xf32, #tpu.memory_space<vmem>> -> memref<1x512x32xf32, #tpu.memory_space<vmem>>
    %dma_wait3A_935 = tpu.memref_squeeze %dma_wait3A_934 : memref<1x512x32xf32, #tpu.memory_space<vmem>> -> memref<512x32xf32, #tpu.memory_space<vmem>>
    %dma_wait3A_936 = arith.constant 0 : i32
    %dma_wait3A_937 = tpu.memref_slice %arg5[%dma_wait3A_930, %dma_wait3A_936] : memref<7x512xi32, #tpu.memory_space<vmem>> -> memref<1x512xi32, #tpu.memory_space<vmem>>
    %dma_wait3A_938 = tpu.memref_squeeze %dma_wait3A_937 : memref<1x512xi32, #tpu.memory_space<vmem>> -> memref<512xi32, #tpu.memory_space<vmem>>
    %dma_wait3A_939 = arith.constant 0 : i32
    %dma_wait3A_940 = arith.constant 0 : i32
    %dma_wait3A_941 = tpu.memref_slice %arg3[%dma_wait3A_939, %dma_wait3A_940] : memref<1000000x32xf32, #tpu.memory_space<hbm>> -> memref<1000000x32xf32, #tpu.memory_space<hbm>>
    tpu.wait_indirect_dma semaphore(%arg7 : memref<!tpu.dma_semaphore, #tpu.memory_space<semaphore_mem>>) src(%dma_wait3A_941 : memref<1000000x32xf32, #tpu.memory_space<hbm>>) dst(%dma_wait3A_935 : memref<512x32xf32, #tpu.memory_space<vmem>>)
    %add3A_942 = arith.constant 7680 : i32
    %add3A_943 = arith.addi %mul3A_2, %add3A_942 : i32
    %dma_start3A_944 = arith.constant 1 : i32
    %dma_start3A_945 = arith.constant 0 : i32
    %dma_start3A_946 = arith.constant 0 : i32
    %dma_start3A_947 = tpu.memref_slice %arg6[%dma_start3A_944, %dma_start3A_945, %dma_start3A_946] : memref<7x512x32xf32, #tpu.memory_space<vmem>> -> memref<1x512x32xf32, #tpu.memory_space<vmem>>
    %dma_start3A_948 = tpu.memref_squeeze %dma_start3A_947 : memref<1x512x32xf32, #tpu.memory_space<vmem>> -> memref<512x32xf32, #tpu.memory_space<vmem>>
    %dma_start3A_949 = arith.constant 0 : i32
    %dma_start3A_950 = tpu.memref_slice %arg4[%add3A_943, %dma_start3A_949] : memref<425984x32xf32, #tpu.memory_space<hbm>> -> memref<512x32xf32, #tpu.memory_space<hbm>>
    %dma_start3A_951 = arith.constant 0 : i32
    %dma_start3A_952 = tpu.memref_slice %arg4[%add3A_943, %dma_start3A_951] : memref<425984x32xf32, #tpu.memory_space<hbm>> -> memref<512x32xf32, #tpu.memory_space<hbm>>
    %dma_start3A_953 = arith.constant 0 : i32
    %dma_start3A_954 = arith.constant 0 : i32
    %dma_start3A_955 = tpu.memref_slice %arg6[%dma_start3A_944, %dma_start3A_953, %dma_start3A_954] : memref<7x512x32xf32, #tpu.memory_space<vmem>> -> memref<1x512x32xf32, #tpu.memory_space<vmem>>
    %dma_start3A_956 = tpu.memref_squeeze %dma_start3A_955 : memref<1x512x32xf32, #tpu.memory_space<vmem>> -> memref<512x32xf32, #tpu.memory_space<vmem>>
    tpu.enqueue_dma source(%dma_start3A_956 : memref<512x32xf32, #tpu.memory_space<vmem>>) target(%dma_start3A_952 : memref<512x32xf32, #tpu.memory_space<hbm>>) target_semaphore(%arg8 : memref<!tpu.dma_semaphore, #tpu.memory_space<semaphore_mem>>)
    %dma_wait3A_957 = arith.constant 1 : i32
    %dma_wait3A_958 = arith.constant 0 : i32
    %dma_wait3A_959 = arith.constant 0 : i32
    %dma_wait3A_960 = tpu.memref_slice %arg6[%dma_wait3A_957, %dma_wait3A_958, %dma_wait3A_959] : memref<7x512x32xf32, #tpu.memory_space<vmem>> -> memref<1x512x32xf32, #tpu.memory_space<vmem>>
    %dma_wait3A_961 = tpu.memref_squeeze %dma_wait3A_960 : memref<1x512x32xf32, #tpu.memory_space<vmem>> -> memref<512x32xf32, #tpu.memory_space<vmem>>
    %dma_wait3A_962 = arith.constant 0 : i32
    %dma_wait3A_963 = tpu.memref_slice %arg4[%add3A_943, %dma_wait3A_962] : memref<425984x32xf32, #tpu.memory_space<hbm>> -> memref<512x32xf32, #tpu.memory_space<hbm>>
    %dma_wait3A_964 = arith.constant 0 : i32
    %dma_wait3A_965 = tpu.memref_slice %arg4[%add3A_943, %dma_wait3A_964] : memref<425984x32xf32, #tpu.memory_space<hbm>> -> memref<512x32xf32, #tpu.memory_space<hbm>>
    %dma_wait3A_966 = arith.constant 0 : i32
    %dma_wait3A_967 = arith.constant 0 : i32
    %dma_wait3A_968 = tpu.memref_slice %arg6[%dma_wait3A_957, %dma_wait3A_966, %dma_wait3A_967] : memref<7x512x32xf32, #tpu.memory_space<vmem>> -> memref<1x512x32xf32, #tpu.memory_space<vmem>>
    %dma_wait3A_969 = tpu.memref_squeeze %dma_wait3A_968 : memref<1x512x32xf32, #tpu.memory_space<vmem>> -> memref<512x32xf32, #tpu.memory_space<vmem>>
    tpu.wait_dma2 semaphore(%arg8 : memref<!tpu.dma_semaphore, #tpu.memory_space<semaphore_mem>>) src(%dma_wait3A_969 : memref<512x32xf32, #tpu.memory_space<vmem>>) dst(%dma_wait3A_965 : memref<512x32xf32, #tpu.memory_space<hbm>>)
    %add3A_970 = arith.constant 11264 : i32
    %add3A_971 = arith.addi %mul3A_2, %add3A_970 : i32
    %run_scoped3A_972 = arith.constant 1 : i32
    "tpu.region"() ({
      %run_scoped3A_1430 = tpu.sem_alloc : memref<!tpu.dma_semaphore, #tpu.memory_space<semaphore_mem>>
      %dma_start3A_1431 = arith.constant 0 : i32
      %dma_start3A_1432 = tpu.memref_slice %arg5[%run_scoped3A_972, %dma_start3A_1431] : memref<7x512xi32, #tpu.memory_space<vmem>> -> memref<1x512xi32, #tpu.memory_space<vmem>>
      %dma_start3A_1433 = tpu.memref_squeeze %dma_start3A_1432 : memref<1x512xi32, #tpu.memory_space<vmem>> -> memref<512xi32, #tpu.memory_space<vmem>>
      %dma_start3A_1434 = tpu.memref_slice %arg2[%add3A_971] : memref<425984xi32, #tpu.memory_space<hbm>> -> memref<512xi32, #tpu.memory_space<hbm>>
      %dma_start3A_1435 = arith.constant 0 : i32
      %dma_start3A_1436 = tpu.memref_slice %arg5[%run_scoped3A_972, %dma_start3A_1435] : memref<7x512xi32, #tpu.memory_space<vmem>> -> memref<1x512xi32, #tpu.memory_space<vmem>>
      %dma_start3A_1437 = tpu.memref_squeeze %dma_start3A_1436 : memref<1x512xi32, #tpu.memory_space<vmem>> -> memref<512xi32, #tpu.memory_space<vmem>>
      %dma_start3A_1438 = tpu.memref_slice %arg2[%add3A_971] : memref<425984xi32, #tpu.memory_space<hbm>> -> memref<512xi32, #tpu.memory_space<hbm>>
      tpu.enqueue_dma source(%dma_start3A_1438 : memref<512xi32, #tpu.memory_space<hbm>>) target(%dma_start3A_1437 : memref<512xi32, #tpu.memory_space<vmem>>) target_semaphore(%run_scoped3A_1430 : memref<!tpu.dma_semaphore, #tpu.memory_space<semaphore_mem>>)
      %dma_wait3A_1439 = arith.constant 0 : i32
      %dma_wait3A_1440 = tpu.memref_slice %arg5[%run_scoped3A_972, %dma_wait3A_1439] : memref<7x512xi32, #tpu.memory_space<vmem>> -> memref<1x512xi32, #tpu.memory_space<vmem>>
      %dma_wait3A_1441 = tpu.memref_squeeze %dma_wait3A_1440 : memref<1x512xi32, #tpu.memory_space<vmem>> -> memref<512xi32, #tpu.memory_space<vmem>>
      %dma_wait3A_1442 = tpu.memref_slice %arg2[%add3A_971] : memref<425984xi32, #tpu.memory_space<hbm>> -> memref<512xi32, #tpu.memory_space<hbm>>
      %dma_wait3A_1443 = arith.constant 0 : i32
      %dma_wait3A_1444 = tpu.memref_slice %arg5[%run_scoped3A_972, %dma_wait3A_1443] : memref<7x512xi32, #tpu.memory_space<vmem>> -> memref<1x512xi32, #tpu.memory_space<vmem>>
      %dma_wait3A_1445 = tpu.memref_squeeze %dma_wait3A_1444 : memref<1x512xi32, #tpu.memory_space<vmem>> -> memref<512xi32, #tpu.memory_space<vmem>>
      %dma_wait3A_1446 = tpu.memref_slice %arg2[%add3A_971] : memref<425984xi32, #tpu.memory_space<hbm>> -> memref<512xi32, #tpu.memory_space<hbm>>
      tpu.wait_dma2 semaphore(%run_scoped3A_1430 : memref<!tpu.dma_semaphore, #tpu.memory_space<semaphore_mem>>) src(%dma_wait3A_1446 : memref<512xi32, #tpu.memory_space<hbm>>) dst(%dma_wait3A_1445 : memref<512xi32, #tpu.memory_space<vmem>>)
      tpu.yield
    }) : () -> ()
    %dma_start3A_973 = arith.constant 1 : i32
    %dma_start3A_974 = arith.constant 1 : i32
    %dma_start3A_975 = arith.constant 0 : i32
    %dma_start3A_976 = arith.constant 0 : i32
    %dma_start3A_977 = tpu.memref_slice %arg6[%dma_start3A_974, %dma_start3A_975, %dma_start3A_976] : memref<7x512x32xf32, #tpu.memory_space<vmem>> -> memref<1x512x32xf32, #tpu.memory_space<vmem>>
    %dma_start3A_978 = tpu.memref_squeeze %dma_start3A_977 : memref<1x512x32xf32, #tpu.memory_space<vmem>> -> memref<512x32xf32, #tpu.memory_space<vmem>>
    %dma_start3A_979 = arith.constant 0 : i32
    %dma_start3A_980 = tpu.memref_slice %arg5[%dma_start3A_973, %dma_start3A_979] : memref<7x512xi32, #tpu.memory_space<vmem>> -> memref<1x512xi32, #tpu.memory_space<vmem>>
    %dma_start3A_981 = tpu.memref_squeeze %dma_start3A_980 : memref<1x512xi32, #tpu.memory_space<vmem>> -> memref<512xi32, #tpu.memory_space<vmem>>
    %dma_start3A_982 = arith.constant 0 : i32
    %dma_start3A_983 = arith.constant 0 : i32
    %dma_start3A_984 = tpu.memref_slice %arg3[%dma_start3A_982, %dma_start3A_983] : memref<1000000x32xf32, #tpu.memory_space<hbm>> -> memref<1000000x32xf32, #tpu.memory_space<hbm>>
    tpu.enqueue_indirect_dma source(%dma_start3A_984 : memref<1000000x32xf32, #tpu.memory_space<hbm>>) target(%dma_start3A_978 : memref<512x32xf32, #tpu.memory_space<vmem>>) offsets(%dma_start3A_981 : memref<512xi32, #tpu.memory_space<vmem>>) semaphore(%arg7 : memref<!tpu.dma_semaphore, #tpu.memory_space<semaphore_mem>>)
    %dma_wait3A_985 = arith.constant 2 : i32
    %dma_wait3A_986 = arith.constant 2 : i32
    %dma_wait3A_987 = arith.constant 0 : i32
    %dma_wait3A_988 = arith.constant 0 : i32
    %dma_wait3A_989 = tpu.memref_slice %arg6[%dma_wait3A_986, %dma_wait3A_987, %dma_wait3A_988] : memref<7x512x32xf32, #tpu.memory_space<vmem>> -> memref<1x512x32xf32, #tpu.memory_space<vmem>>
    %dma_wait3A_990 = tpu.memref_squeeze %dma_wait3A_989 : memref<1x512x32xf32, #tpu.memory_space<vmem>> -> memref<512x32xf32, #tpu.memory_space<vmem>>
    %dma_wait3A_991 = arith.constant 0 : i32
    %dma_wait3A_992 = tpu.memref_slice %arg5[%dma_wait3A_985, %dma_wait3A_991] : memref<7x512xi32, #tpu.memory_space<vmem>> -> memref<1x512xi32, #tpu.memory_space<vmem>>
    %dma_wait3A_993 = tpu.memref_squeeze %dma_wait3A_992 : memref<1x512xi32, #tpu.memory_space<vmem>> -> memref<512xi32, #tpu.memory_space<vmem>>
    %dma_wait3A_994 = arith.constant 0 : i32
    %dma_wait3A_995 = arith.constant 0 : i32
    %dma_wait3A_996 = tpu.memref_slice %arg3[%dma_wait3A_994, %dma_wait3A_995] : memref<1000000x32xf32, #tpu.memory_space<hbm>> -> memref<1000000x32xf32, #tpu.memory_space<hbm>>
    tpu.wait_indirect_dma semaphore(%arg7 : memref<!tpu.dma_semaphore, #tpu.memory_space<semaphore_mem>>) src(%dma_wait3A_996 : memref<1000000x32xf32, #tpu.memory_space<hbm>>) dst(%dma_wait3A_990 : memref<512x32xf32, #tpu.memory_space<vmem>>)
    %add3A_997 = arith.constant 8192 : i32
    %add3A_998 = arith.addi %mul3A_2, %add3A_997 : i32
    %dma_start3A_999 = arith.constant 2 : i32
    %dma_start3A_1000 = arith.constant 0 : i32
    %dma_start3A_1001 = arith.constant 0 : i32
    %dma_start3A_1002 = tpu.memref_slice %arg6[%dma_start3A_999, %dma_start3A_1000, %dma_start3A_1001] : memref<7x512x32xf32, #tpu.memory_space<vmem>> -> memref<1x512x32xf32, #tpu.memory_space<vmem>>
    %dma_start3A_1003 = tpu.memref_squeeze %dma_start3A_1002 : memref<1x512x32xf32, #tpu.memory_space<vmem>> -> memref<512x32xf32, #tpu.memory_space<vmem>>
    %dma_start3A_1004 = arith.constant 0 : i32
    %dma_start3A_1005 = tpu.memref_slice %arg4[%add3A_998, %dma_start3A_1004] : memref<425984x32xf32, #tpu.memory_space<hbm>> -> memref<512x32xf32, #tpu.memory_space<hbm>>
    %dma_start3A_1006 = arith.constant 0 : i32
    %dma_start3A_1007 = tpu.memref_slice %arg4[%add3A_998, %dma_start3A_1006] : memref<425984x32xf32, #tpu.memory_space<hbm>> -> memref<512x32xf32, #tpu.memory_space<hbm>>
    %dma_start3A_1008 = arith.constant 0 : i32
    %dma_start3A_1009 = arith.constant 0 : i32
    %dma_start3A_1010 = tpu.memref_slice %arg6[%dma_start3A_999, %dma_start3A_1008, %dma_start3A_1009] : memref<7x512x32xf32, #tpu.memory_space<vmem>> -> memref<1x512x32xf32, #tpu.memory_space<vmem>>
    %dma_start3A_1011 = tpu.memref_squeeze %dma_start3A_1010 : memref<1x512x32xf32, #tpu.memory_space<vmem>> -> memref<512x32xf32, #tpu.memory_space<vmem>>
    tpu.enqueue_dma source(%dma_start3A_1011 : memref<512x32xf32, #tpu.memory_space<vmem>>) target(%dma_start3A_1007 : memref<512x32xf32, #tpu.memory_space<hbm>>) target_semaphore(%arg8 : memref<!tpu.dma_semaphore, #tpu.memory_space<semaphore_mem>>)
    %dma_wait3A_1012 = arith.constant 2 : i32
    %dma_wait3A_1013 = arith.constant 0 : i32
    %dma_wait3A_1014 = arith.constant 0 : i32
    %dma_wait3A_1015 = tpu.memref_slice %arg6[%dma_wait3A_1012, %dma_wait3A_1013, %dma_wait3A_1014] : memref<7x512x32xf32, #tpu.memory_space<vmem>> -> memref<1x512x32xf32, #tpu.memory_space<vmem>>
    %dma_wait3A_1016 = tpu.memref_squeeze %dma_wait3A_1015 : memref<1x512x32xf32, #tpu.memory_space<vmem>> -> memref<512x32xf32, #tpu.memory_space<vmem>>
    %dma_wait3A_1017 = arith.constant 0 : i32
    %dma_wait3A_1018 = tpu.memref_slice %arg4[%add3A_998, %dma_wait3A_1017] : memref<425984x32xf32, #tpu.memory_space<hbm>> -> memref<512x32xf32, #tpu.memory_space<hbm>>
    %dma_wait3A_1019 = arith.constant 0 : i32
    %dma_wait3A_1020 = tpu.memref_slice %arg4[%add3A_998, %dma_wait3A_1019] : memref<425984x32xf32, #tpu.memory_space<hbm>> -> memref<512x32xf32, #tpu.memory_space<hbm>>
    %dma_wait3A_1021 = arith.constant 0 : i32
    %dma_wait3A_1022 = arith.constant 0 : i32
    %dma_wait3A_1023 = tpu.memref_slice %arg6[%dma_wait3A_1012, %dma_wait3A_1021, %dma_wait3A_1022] : memref<7x512x32xf32, #tpu.memory_space<vmem>> -> memref<1x512x32xf32, #tpu.memory_space<vmem>>
    %dma_wait3A_1024 = tpu.memref_squeeze %dma_wait3A_1023 : memref<1x512x32xf32, #tpu.memory_space<vmem>> -> memref<512x32xf32, #tpu.memory_space<vmem>>
    tpu.wait_dma2 semaphore(%arg8 : memref<!tpu.dma_semaphore, #tpu.memory_space<semaphore_mem>>) src(%dma_wait3A_1024 : memref<512x32xf32, #tpu.memory_space<vmem>>) dst(%dma_wait3A_1020 : memref<512x32xf32, #tpu.memory_space<hbm>>)
    %add3A_1025 = arith.constant 11776 : i32
    %add3A_1026 = arith.addi %mul3A_2, %add3A_1025 : i32
    %run_scoped3A_1027 = arith.constant 2 : i32
    "tpu.region"() ({
      %run_scoped3A_1430 = tpu.sem_alloc : memref<!tpu.dma_semaphore, #tpu.memory_space<semaphore_mem>>
      %dma_start3A_1431 = arith.constant 0 : i32
      %dma_start3A_1432 = tpu.memref_slice %arg5[%run_scoped3A_1027, %dma_start3A_1431] : memref<7x512xi32, #tpu.memory_space<vmem>> -> memref<1x512xi32, #tpu.memory_space<vmem>>
      %dma_start3A_1433 = tpu.memref_squeeze %dma_start3A_1432 : memref<1x512xi32, #tpu.memory_space<vmem>> -> memref<512xi32, #tpu.memory_space<vmem>>
      %dma_start3A_1434 = tpu.memref_slice %arg2[%add3A_1026] : memref<425984xi32, #tpu.memory_space<hbm>> -> memref<512xi32, #tpu.memory_space<hbm>>
      %dma_start3A_1435 = arith.constant 0 : i32
      %dma_start3A_1436 = tpu.memref_slice %arg5[%run_scoped3A_1027, %dma_start3A_1435] : memref<7x512xi32, #tpu.memory_space<vmem>> -> memref<1x512xi32, #tpu.memory_space<vmem>>
      %dma_start3A_1437 = tpu.memref_squeeze %dma_start3A_1436 : memref<1x512xi32, #tpu.memory_space<vmem>> -> memref<512xi32, #tpu.memory_space<vmem>>
      %dma_start3A_1438 = tpu.memref_slice %arg2[%add3A_1026] : memref<425984xi32, #tpu.memory_space<hbm>> -> memref<512xi32, #tpu.memory_space<hbm>>
      tpu.enqueue_dma source(%dma_start3A_1438 : memref<512xi32, #tpu.memory_space<hbm>>) target(%dma_start3A_1437 : memref<512xi32, #tpu.memory_space<vmem>>) target_semaphore(%run_scoped3A_1430 : memref<!tpu.dma_semaphore, #tpu.memory_space<semaphore_mem>>)
      %dma_wait3A_1439 = arith.constant 0 : i32
      %dma_wait3A_1440 = tpu.memref_slice %arg5[%run_scoped3A_1027, %dma_wait3A_1439] : memref<7x512xi32, #tpu.memory_space<vmem>> -> memref<1x512xi32, #tpu.memory_space<vmem>>
      %dma_wait3A_1441 = tpu.memref_squeeze %dma_wait3A_1440 : memref<1x512xi32, #tpu.memory_space<vmem>> -> memref<512xi32, #tpu.memory_space<vmem>>
      %dma_wait3A_1442 = tpu.memref_slice %arg2[%add3A_1026] : memref<425984xi32, #tpu.memory_space<hbm>> -> memref<512xi32, #tpu.memory_space<hbm>>
      %dma_wait3A_1443 = arith.constant 0 : i32
      %dma_wait3A_1444 = tpu.memref_slice %arg5[%run_scoped3A_1027, %dma_wait3A_1443] : memref<7x512xi32, #tpu.memory_space<vmem>> -> memref<1x512xi32, #tpu.memory_space<vmem>>
      %dma_wait3A_1445 = tpu.memref_squeeze %dma_wait3A_1444 : memref<1x512xi32, #tpu.memory_space<vmem>> -> memref<512xi32, #tpu.memory_space<vmem>>
      %dma_wait3A_1446 = tpu.memref_slice %arg2[%add3A_1026] : memref<425984xi32, #tpu.memory_space<hbm>> -> memref<512xi32, #tpu.memory_space<hbm>>
      tpu.wait_dma2 semaphore(%run_scoped3A_1430 : memref<!tpu.dma_semaphore, #tpu.memory_space<semaphore_mem>>) src(%dma_wait3A_1446 : memref<512xi32, #tpu.memory_space<hbm>>) dst(%dma_wait3A_1445 : memref<512xi32, #tpu.memory_space<vmem>>)
      tpu.yield
    }) : () -> ()
    %dma_start3A_1028 = arith.constant 2 : i32
    %dma_start3A_1029 = arith.constant 2 : i32
    %dma_start3A_1030 = arith.constant 0 : i32
    %dma_start3A_1031 = arith.constant 0 : i32
    %dma_start3A_1032 = tpu.memref_slice %arg6[%dma_start3A_1029, %dma_start3A_1030, %dma_start3A_1031] : memref<7x512x32xf32, #tpu.memory_space<vmem>> -> memref<1x512x32xf32, #tpu.memory_space<vmem>>
    %dma_start3A_1033 = tpu.memref_squeeze %dma_start3A_1032 : memref<1x512x32xf32, #tpu.memory_space<vmem>> -> memref<512x32xf32, #tpu.memory_space<vmem>>
    %dma_start3A_1034 = arith.constant 0 : i32
    %dma_start3A_1035 = tpu.memref_slice %arg5[%dma_start3A_1028, %dma_start3A_1034] : memref<7x512xi32, #tpu.memory_space<vmem>> -> memref<1x512xi32, #tpu.memory_space<vmem>>
    %dma_start3A_1036 = tpu.memref_squeeze %dma_start3A_1035 : memref<1x512xi32, #tpu.memory_space<vmem>> -> memref<512xi32, #tpu.memory_space<vmem>>
    %dma_start3A_1037 = arith.constant 0 : i32
    %dma_start3A_1038 = arith.constant 0 : i32
    %dma_start3A_1039 = tpu.memref_slice %arg3[%dma_start3A_1037, %dma_start3A_1038] : memref<1000000x32xf32, #tpu.memory_space<hbm>> -> memref<1000000x32xf32, #tpu.memory_space<hbm>>
    tpu.enqueue_indirect_dma source(%dma_start3A_1039 : memref<1000000x32xf32, #tpu.memory_space<hbm>>) target(%dma_start3A_1033 : memref<512x32xf32, #tpu.memory_space<vmem>>) offsets(%dma_start3A_1036 : memref<512xi32, #tpu.memory_space<vmem>>) semaphore(%arg7 : memref<!tpu.dma_semaphore, #tpu.memory_space<semaphore_mem>>)
    %dma_wait3A_1040 = arith.constant 3 : i32
    %dma_wait3A_1041 = arith.constant 3 : i32
    %dma_wait3A_1042 = arith.constant 0 : i32
    %dma_wait3A_1043 = arith.constant 0 : i32
    %dma_wait3A_1044 = tpu.memref_slice %arg6[%dma_wait3A_1041, %dma_wait3A_1042, %dma_wait3A_1043] : memref<7x512x32xf32, #tpu.memory_space<vmem>> -> memref<1x512x32xf32, #tpu.memory_space<vmem>>
    %dma_wait3A_1045 = tpu.memref_squeeze %dma_wait3A_1044 : memref<1x512x32xf32, #tpu.memory_space<vmem>> -> memref<512x32xf32, #tpu.memory_space<vmem>>
    %dma_wait3A_1046 = arith.constant 0 : i32
    %dma_wait3A_1047 = tpu.memref_slice %arg5[%dma_wait3A_1040, %dma_wait3A_1046] : memref<7x512xi32, #tpu.memory_space<vmem>> -> memref<1x512xi32, #tpu.memory_space<vmem>>
    %dma_wait3A_1048 = tpu.memref_squeeze %dma_wait3A_1047 : memref<1x512xi32, #tpu.memory_space<vmem>> -> memref<512xi32, #tpu.memory_space<vmem>>
    %dma_wait3A_1049 = arith.constant 0 : i32
    %dma_wait3A_1050 = arith.constant 0 : i32
    %dma_wait3A_1051 = tpu.memref_slice %arg3[%dma_wait3A_1049, %dma_wait3A_1050] : memref<1000000x32xf32, #tpu.memory_space<hbm>> -> memref<1000000x32xf32, #tpu.memory_space<hbm>>
    tpu.wait_indirect_dma semaphore(%arg7 : memref<!tpu.dma_semaphore, #tpu.memory_space<semaphore_mem>>) src(%dma_wait3A_1051 : memref<1000000x32xf32, #tpu.memory_space<hbm>>) dst(%dma_wait3A_1045 : memref<512x32xf32, #tpu.memory_space<vmem>>)
    %add3A_1052 = arith.constant 8704 : i32
    %add3A_1053 = arith.addi %mul3A_2, %add3A_1052 : i32
    %dma_start3A_1054 = arith.constant 3 : i32
    %dma_start3A_1055 = arith.constant 0 : i32
    %dma_start3A_1056 = arith.constant 0 : i32
    %dma_start3A_1057 = tpu.memref_slice %arg6[%dma_start3A_1054, %dma_start3A_1055, %dma_start3A_1056] : memref<7x512x32xf32, #tpu.memory_space<vmem>> -> memref<1x512x32xf32, #tpu.memory_space<vmem>>
    %dma_start3A_1058 = tpu.memref_squeeze %dma_start3A_1057 : memref<1x512x32xf32, #tpu.memory_space<vmem>> -> memref<512x32xf32, #tpu.memory_space<vmem>>
    %dma_start3A_1059 = arith.constant 0 : i32
    %dma_start3A_1060 = tpu.memref_slice %arg4[%add3A_1053, %dma_start3A_1059] : memref<425984x32xf32, #tpu.memory_space<hbm>> -> memref<512x32xf32, #tpu.memory_space<hbm>>
    %dma_start3A_1061 = arith.constant 0 : i32
    %dma_start3A_1062 = tpu.memref_slice %arg4[%add3A_1053, %dma_start3A_1061] : memref<425984x32xf32, #tpu.memory_space<hbm>> -> memref<512x32xf32, #tpu.memory_space<hbm>>
    %dma_start3A_1063 = arith.constant 0 : i32
    %dma_start3A_1064 = arith.constant 0 : i32
    %dma_start3A_1065 = tpu.memref_slice %arg6[%dma_start3A_1054, %dma_start3A_1063, %dma_start3A_1064] : memref<7x512x32xf32, #tpu.memory_space<vmem>> -> memref<1x512x32xf32, #tpu.memory_space<vmem>>
    %dma_start3A_1066 = tpu.memref_squeeze %dma_start3A_1065 : memref<1x512x32xf32, #tpu.memory_space<vmem>> -> memref<512x32xf32, #tpu.memory_space<vmem>>
    tpu.enqueue_dma source(%dma_start3A_1066 : memref<512x32xf32, #tpu.memory_space<vmem>>) target(%dma_start3A_1062 : memref<512x32xf32, #tpu.memory_space<hbm>>) target_semaphore(%arg8 : memref<!tpu.dma_semaphore, #tpu.memory_space<semaphore_mem>>)
    %dma_wait3A_1067 = arith.constant 3 : i32
    %dma_wait3A_1068 = arith.constant 0 : i32
    %dma_wait3A_1069 = arith.constant 0 : i32
    %dma_wait3A_1070 = tpu.memref_slice %arg6[%dma_wait3A_1067, %dma_wait3A_1068, %dma_wait3A_1069] : memref<7x512x32xf32, #tpu.memory_space<vmem>> -> memref<1x512x32xf32, #tpu.memory_space<vmem>>
    %dma_wait3A_1071 = tpu.memref_squeeze %dma_wait3A_1070 : memref<1x512x32xf32, #tpu.memory_space<vmem>> -> memref<512x32xf32, #tpu.memory_space<vmem>>
    %dma_wait3A_1072 = arith.constant 0 : i32
    %dma_wait3A_1073 = tpu.memref_slice %arg4[%add3A_1053, %dma_wait3A_1072] : memref<425984x32xf32, #tpu.memory_space<hbm>> -> memref<512x32xf32, #tpu.memory_space<hbm>>
    %dma_wait3A_1074 = arith.constant 0 : i32
    %dma_wait3A_1075 = tpu.memref_slice %arg4[%add3A_1053, %dma_wait3A_1074] : memref<425984x32xf32, #tpu.memory_space<hbm>> -> memref<512x32xf32, #tpu.memory_space<hbm>>
    %dma_wait3A_1076 = arith.constant 0 : i32
    %dma_wait3A_1077 = arith.constant 0 : i32
    %dma_wait3A_1078 = tpu.memref_slice %arg6[%dma_wait3A_1067, %dma_wait3A_1076, %dma_wait3A_1077] : memref<7x512x32xf32, #tpu.memory_space<vmem>> -> memref<1x512x32xf32, #tpu.memory_space<vmem>>
    %dma_wait3A_1079 = tpu.memref_squeeze %dma_wait3A_1078 : memref<1x512x32xf32, #tpu.memory_space<vmem>> -> memref<512x32xf32, #tpu.memory_space<vmem>>
    tpu.wait_dma2 semaphore(%arg8 : memref<!tpu.dma_semaphore, #tpu.memory_space<semaphore_mem>>) src(%dma_wait3A_1079 : memref<512x32xf32, #tpu.memory_space<vmem>>) dst(%dma_wait3A_1075 : memref<512x32xf32, #tpu.memory_space<hbm>>)
    %add3A_1080 = arith.constant 12288 : i32
    %add3A_1081 = arith.addi %mul3A_2, %add3A_1080 : i32
    %run_scoped3A_1082 = arith.constant 3 : i32
    "tpu.region"() ({
      %run_scoped3A_1430 = tpu.sem_alloc : memref<!tpu.dma_semaphore, #tpu.memory_space<semaphore_mem>>
      %dma_start3A_1431 = arith.constant 0 : i32
      %dma_start3A_1432 = tpu.memref_slice %arg5[%run_scoped3A_1082, %dma_start3A_1431] : memref<7x512xi32, #tpu.memory_space<vmem>> -> memref<1x512xi32, #tpu.memory_space<vmem>>
      %dma_start3A_1433 = tpu.memref_squeeze %dma_start3A_1432 : memref<1x512xi32, #tpu.memory_space<vmem>> -> memref<512xi32, #tpu.memory_space<vmem>>
      %dma_start3A_1434 = tpu.memref_slice %arg2[%add3A_1081] : memref<425984xi32, #tpu.memory_space<hbm>> -> memref<512xi32, #tpu.memory_space<hbm>>
      %dma_start3A_1435 = arith.constant 0 : i32
      %dma_start3A_1436 = tpu.memref_slice %arg5[%run_scoped3A_1082, %dma_start3A_1435] : memref<7x512xi32, #tpu.memory_space<vmem>> -> memref<1x512xi32, #tpu.memory_space<vmem>>
      %dma_start3A_1437 = tpu.memref_squeeze %dma_start3A_1436 : memref<1x512xi32, #tpu.memory_space<vmem>> -> memref<512xi32, #tpu.memory_space<vmem>>
      %dma_start3A_1438 = tpu.memref_slice %arg2[%add3A_1081] : memref<425984xi32, #tpu.memory_space<hbm>> -> memref<512xi32, #tpu.memory_space<hbm>>
      tpu.enqueue_dma source(%dma_start3A_1438 : memref<512xi32, #tpu.memory_space<hbm>>) target(%dma_start3A_1437 : memref<512xi32, #tpu.memory_space<vmem>>) target_semaphore(%run_scoped3A_1430 : memref<!tpu.dma_semaphore, #tpu.memory_space<semaphore_mem>>)
      %dma_wait3A_1439 = arith.constant 0 : i32
      %dma_wait3A_1440 = tpu.memref_slice %arg5[%run_scoped3A_1082, %dma_wait3A_1439] : memref<7x512xi32, #tpu.memory_space<vmem>> -> memref<1x512xi32, #tpu.memory_space<vmem>>
      %dma_wait3A_1441 = tpu.memref_squeeze %dma_wait3A_1440 : memref<1x512xi32, #tpu.memory_space<vmem>> -> memref<512xi32, #tpu.memory_space<vmem>>
      %dma_wait3A_1442 = tpu.memref_slice %arg2[%add3A_1081] : memref<425984xi32, #tpu.memory_space<hbm>> -> memref<512xi32, #tpu.memory_space<hbm>>
      %dma_wait3A_1443 = arith.constant 0 : i32
      %dma_wait3A_1444 = tpu.memref_slice %arg5[%run_scoped3A_1082, %dma_wait3A_1443] : memref<7x512xi32, #tpu.memory_space<vmem>> -> memref<1x512xi32, #tpu.memory_space<vmem>>
      %dma_wait3A_1445 = tpu.memref_squeeze %dma_wait3A_1444 : memref<1x512xi32, #tpu.memory_space<vmem>> -> memref<512xi32, #tpu.memory_space<vmem>>
      %dma_wait3A_1446 = tpu.memref_slice %arg2[%add3A_1081] : memref<425984xi32, #tpu.memory_space<hbm>> -> memref<512xi32, #tpu.memory_space<hbm>>
      tpu.wait_dma2 semaphore(%run_scoped3A_1430 : memref<!tpu.dma_semaphore, #tpu.memory_space<semaphore_mem>>) src(%dma_wait3A_1446 : memref<512xi32, #tpu.memory_space<hbm>>) dst(%dma_wait3A_1445 : memref<512xi32, #tpu.memory_space<vmem>>)
      tpu.yield
    }) : () -> ()
    %dma_start3A_1083 = arith.constant 3 : i32
    %dma_start3A_1084 = arith.constant 3 : i32
    %dma_start3A_1085 = arith.constant 0 : i32
    %dma_start3A_1086 = arith.constant 0 : i32
    %dma_start3A_1087 = tpu.memref_slice %arg6[%dma_start3A_1084, %dma_start3A_1085, %dma_start3A_1086] : memref<7x512x32xf32, #tpu.memory_space<vmem>> -> memref<1x512x32xf32, #tpu.memory_space<vmem>>
    %dma_start3A_1088 = tpu.memref_squeeze %dma_start3A_1087 : memref<1x512x32xf32, #tpu.memory_space<vmem>> -> memref<512x32xf32, #tpu.memory_space<vmem>>
    %dma_start3A_1089 = arith.constant 0 : i32
    %dma_start3A_1090 = tpu.memref_slice %arg5[%dma_start3A_1083, %dma_start3A_1089] : memref<7x512xi32, #tpu.memory_space<vmem>> -> memref<1x512xi32, #tpu.memory_space<vmem>>
    %dma_start3A_1091 = tpu.memref_squeeze %dma_start3A_1090 : memref<1x512xi32, #tpu.memory_space<vmem>> -> memref<512xi32, #tpu.memory_space<vmem>>
    %dma_start3A_1092 = arith.constant 0 : i32
    %dma_start3A_1093 = arith.constant 0 : i32
    %dma_start3A_1094 = tpu.memref_slice %arg3[%dma_start3A_1092, %dma_start3A_1093] : memref<1000000x32xf32, #tpu.memory_space<hbm>> -> memref<1000000x32xf32, #tpu.memory_space<hbm>>
    tpu.enqueue_indirect_dma source(%dma_start3A_1094 : memref<1000000x32xf32, #tpu.memory_space<hbm>>) target(%dma_start3A_1088 : memref<512x32xf32, #tpu.memory_space<vmem>>) offsets(%dma_start3A_1091 : memref<512xi32, #tpu.memory_space<vmem>>) semaphore(%arg7 : memref<!tpu.dma_semaphore, #tpu.memory_space<semaphore_mem>>)
    %dma_wait3A_1095 = arith.constant 4 : i32
    %dma_wait3A_1096 = arith.constant 4 : i32
    %dma_wait3A_1097 = arith.constant 0 : i32
    %dma_wait3A_1098 = arith.constant 0 : i32
    %dma_wait3A_1099 = tpu.memref_slice %arg6[%dma_wait3A_1096, %dma_wait3A_1097, %dma_wait3A_1098] : memref<7x512x32xf32, #tpu.memory_space<vmem>> -> memref<1x512x32xf32, #tpu.memory_space<vmem>>
    %dma_wait3A_1100 = tpu.memref_squeeze %dma_wait3A_1099 : memref<1x512x32xf32, #tpu.memory_space<vmem>> -> memref<512x32xf32, #tpu.memory_space<vmem>>
    %dma_wait3A_1101 = arith.constant 0 : i32
    %dma_wait3A_1102 = tpu.memref_slice %arg5[%dma_wait3A_1095, %dma_wait3A_1101] : memref<7x512xi32, #tpu.memory_space<vmem>> -> memref<1x512xi32, #tpu.memory_space<vmem>>
    %dma_wait3A_1103 = tpu.memref_squeeze %dma_wait3A_1102 : memref<1x512xi32, #tpu.memory_space<vmem>> -> memref<512xi32, #tpu.memory_space<vmem>>
    %dma_wait3A_1104 = arith.constant 0 : i32
    %dma_wait3A_1105 = arith.constant 0 : i32
    %dma_wait3A_1106 = tpu.memref_slice %arg3[%dma_wait3A_1104, %dma_wait3A_1105] : memref<1000000x32xf32, #tpu.memory_space<hbm>> -> memref<1000000x32xf32, #tpu.memory_space<hbm>>
    tpu.wait_indirect_dma semaphore(%arg7 : memref<!tpu.dma_semaphore, #tpu.memory_space<semaphore_mem>>) src(%dma_wait3A_1106 : memref<1000000x32xf32, #tpu.memory_space<hbm>>) dst(%dma_wait3A_1100 : memref<512x32xf32, #tpu.memory_space<vmem>>)
    %add3A_1107 = arith.constant 9216 : i32
    %add3A_1108 = arith.addi %mul3A_2, %add3A_1107 : i32
    %dma_start3A_1109 = arith.constant 4 : i32
    %dma_start3A_1110 = arith.constant 0 : i32
    %dma_start3A_1111 = arith.constant 0 : i32
    %dma_start3A_1112 = tpu.memref_slice %arg6[%dma_start3A_1109, %dma_start3A_1110, %dma_start3A_1111] : memref<7x512x32xf32, #tpu.memory_space<vmem>> -> memref<1x512x32xf32, #tpu.memory_space<vmem>>
    %dma_start3A_1113 = tpu.memref_squeeze %dma_start3A_1112 : memref<1x512x32xf32, #tpu.memory_space<vmem>> -> memref<512x32xf32, #tpu.memory_space<vmem>>
    %dma_start3A_1114 = arith.constant 0 : i32
    %dma_start3A_1115 = tpu.memref_slice %arg4[%add3A_1108, %dma_start3A_1114] : memref<425984x32xf32, #tpu.memory_space<hbm>> -> memref<512x32xf32, #tpu.memory_space<hbm>>
    %dma_start3A_1116 = arith.constant 0 : i32
    %dma_start3A_1117 = tpu.memref_slice %arg4[%add3A_1108, %dma_start3A_1116] : memref<425984x32xf32, #tpu.memory_space<hbm>> -> memref<512x32xf32, #tpu.memory_space<hbm>>
    %dma_start3A_1118 = arith.constant 0 : i32
    %dma_start3A_1119 = arith.constant 0 : i32
    %dma_start3A_1120 = tpu.memref_slice %arg6[%dma_start3A_1109, %dma_start3A_1118, %dma_start3A_1119] : memref<7x512x32xf32, #tpu.memory_space<vmem>> -> memref<1x512x32xf32, #tpu.memory_space<vmem>>
    %dma_start3A_1121 = tpu.memref_squeeze %dma_start3A_1120 : memref<1x512x32xf32, #tpu.memory_space<vmem>> -> memref<512x32xf32, #tpu.memory_space<vmem>>
    tpu.enqueue_dma source(%dma_start3A_1121 : memref<512x32xf32, #tpu.memory_space<vmem>>) target(%dma_start3A_1117 : memref<512x32xf32, #tpu.memory_space<hbm>>) target_semaphore(%arg8 : memref<!tpu.dma_semaphore, #tpu.memory_space<semaphore_mem>>)
    %dma_wait3A_1122 = arith.constant 4 : i32
    %dma_wait3A_1123 = arith.constant 0 : i32
    %dma_wait3A_1124 = arith.constant 0 : i32
    %dma_wait3A_1125 = tpu.memref_slice %arg6[%dma_wait3A_1122, %dma_wait3A_1123, %dma_wait3A_1124] : memref<7x512x32xf32, #tpu.memory_space<vmem>> -> memref<1x512x32xf32, #tpu.memory_space<vmem>>
    %dma_wait3A_1126 = tpu.memref_squeeze %dma_wait3A_1125 : memref<1x512x32xf32, #tpu.memory_space<vmem>> -> memref<512x32xf32, #tpu.memory_space<vmem>>
    %dma_wait3A_1127 = arith.constant 0 : i32
    %dma_wait3A_1128 = tpu.memref_slice %arg4[%add3A_1108, %dma_wait3A_1127] : memref<425984x32xf32, #tpu.memory_space<hbm>> -> memref<512x32xf32, #tpu.memory_space<hbm>>
    %dma_wait3A_1129 = arith.constant 0 : i32
    %dma_wait3A_1130 = tpu.memref_slice %arg4[%add3A_1108, %dma_wait3A_1129] : memref<425984x32xf32, #tpu.memory_space<hbm>> -> memref<512x32xf32, #tpu.memory_space<hbm>>
    %dma_wait3A_1131 = arith.constant 0 : i32
    %dma_wait3A_1132 = arith.constant 0 : i32
    %dma_wait3A_1133 = tpu.memref_slice %arg6[%dma_wait3A_1122, %dma_wait3A_1131, %dma_wait3A_1132] : memref<7x512x32xf32, #tpu.memory_space<vmem>> -> memref<1x512x32xf32, #tpu.memory_space<vmem>>
    %dma_wait3A_1134 = tpu.memref_squeeze %dma_wait3A_1133 : memref<1x512x32xf32, #tpu.memory_space<vmem>> -> memref<512x32xf32, #tpu.memory_space<vmem>>
    tpu.wait_dma2 semaphore(%arg8 : memref<!tpu.dma_semaphore, #tpu.memory_space<semaphore_mem>>) src(%dma_wait3A_1134 : memref<512x32xf32, #tpu.memory_space<vmem>>) dst(%dma_wait3A_1130 : memref<512x32xf32, #tpu.memory_space<hbm>>)
    %add3A_1135 = arith.constant 12800 : i32
    %add3A_1136 = arith.addi %mul3A_2, %add3A_1135 : i32
    %run_scoped3A_1137 = arith.constant 4 : i32
    "tpu.region"() ({
      %run_scoped3A_1430 = tpu.sem_alloc : memref<!tpu.dma_semaphore, #tpu.memory_space<semaphore_mem>>
      %dma_start3A_1431 = arith.constant 0 : i32
      %dma_start3A_1432 = tpu.memref_slice %arg5[%run_scoped3A_1137, %dma_start3A_1431] : memref<7x512xi32, #tpu.memory_space<vmem>> -> memref<1x512xi32, #tpu.memory_space<vmem>>
      %dma_start3A_1433 = tpu.memref_squeeze %dma_start3A_1432 : memref<1x512xi32, #tpu.memory_space<vmem>> -> memref<512xi32, #tpu.memory_space<vmem>>
      %dma_start3A_1434 = tpu.memref_slice %arg2[%add3A_1136] : memref<425984xi32, #tpu.memory_space<hbm>> -> memref<512xi32, #tpu.memory_space<hbm>>
      %dma_start3A_1435 = arith.constant 0 : i32
      %dma_start3A_1436 = tpu.memref_slice %arg5[%run_scoped3A_1137, %dma_start3A_1435] : memref<7x512xi32, #tpu.memory_space<vmem>> -> memref<1x512xi32, #tpu.memory_space<vmem>>
      %dma_start3A_1437 = tpu.memref_squeeze %dma_start3A_1436 : memref<1x512xi32, #tpu.memory_space<vmem>> -> memref<512xi32, #tpu.memory_space<vmem>>
      %dma_start3A_1438 = tpu.memref_slice %arg2[%add3A_1136] : memref<425984xi32, #tpu.memory_space<hbm>> -> memref<512xi32, #tpu.memory_space<hbm>>
      tpu.enqueue_dma source(%dma_start3A_1438 : memref<512xi32, #tpu.memory_space<hbm>>) target(%dma_start3A_1437 : memref<512xi32, #tpu.memory_space<vmem>>) target_semaphore(%run_scoped3A_1430 : memref<!tpu.dma_semaphore, #tpu.memory_space<semaphore_mem>>)
      %dma_wait3A_1439 = arith.constant 0 : i32
      %dma_wait3A_1440 = tpu.memref_slice %arg5[%run_scoped3A_1137, %dma_wait3A_1439] : memref<7x512xi32, #tpu.memory_space<vmem>> -> memref<1x512xi32, #tpu.memory_space<vmem>>
      %dma_wait3A_1441 = tpu.memref_squeeze %dma_wait3A_1440 : memref<1x512xi32, #tpu.memory_space<vmem>> -> memref<512xi32, #tpu.memory_space<vmem>>
      %dma_wait3A_1442 = tpu.memref_slice %arg2[%add3A_1136] : memref<425984xi32, #tpu.memory_space<hbm>> -> memref<512xi32, #tpu.memory_space<hbm>>
      %dma_wait3A_1443 = arith.constant 0 : i32
      %dma_wait3A_1444 = tpu.memref_slice %arg5[%run_scoped3A_1137, %dma_wait3A_1443] : memref<7x512xi32, #tpu.memory_space<vmem>> -> memref<1x512xi32, #tpu.memory_space<vmem>>
      %dma_wait3A_1445 = tpu.memref_squeeze %dma_wait3A_1444 : memref<1x512xi32, #tpu.memory_space<vmem>> -> memref<512xi32, #tpu.memory_space<vmem>>
      %dma_wait3A_1446 = tpu.memref_slice %arg2[%add3A_1136] : memref<425984xi32, #tpu.memory_space<hbm>> -> memref<512xi32, #tpu.memory_space<hbm>>
      tpu.wait_dma2 semaphore(%run_scoped3A_1430 : memref<!tpu.dma_semaphore, #tpu.memory_space<semaphore_mem>>) src(%dma_wait3A_1446 : memref<512xi32, #tpu.memory_space<hbm>>) dst(%dma_wait3A_1445 : memref<512xi32, #tpu.memory_space<vmem>>)
      tpu.yield
    }) : () -> ()
    %dma_start3A_1138 = arith.constant 4 : i32
    %dma_start3A_1139 = arith.constant 4 : i32
    %dma_start3A_1140 = arith.constant 0 : i32
    %dma_start3A_1141 = arith.constant 0 : i32
    %dma_start3A_1142 = tpu.memref_slice %arg6[%dma_start3A_1139, %dma_start3A_1140, %dma_start3A_1141] : memref<7x512x32xf32, #tpu.memory_space<vmem>> -> memref<1x512x32xf32, #tpu.memory_space<vmem>>
    %dma_start3A_1143 = tpu.memref_squeeze %dma_start3A_1142 : memref<1x512x32xf32, #tpu.memory_space<vmem>> -> memref<512x32xf32, #tpu.memory_space<vmem>>
    %dma_start3A_1144 = arith.constant 0 : i32
    %dma_start3A_1145 = tpu.memref_slice %arg5[%dma_start3A_1138, %dma_start3A_1144] : memref<7x512xi32, #tpu.memory_space<vmem>> -> memref<1x512xi32, #tpu.memory_space<vmem>>
    %dma_start3A_1146 = tpu.memref_squeeze %dma_start3A_1145 : memref<1x512xi32, #tpu.memory_space<vmem>> -> memref<512xi32, #tpu.memory_space<vmem>>
    %dma_start3A_1147 = arith.constant 0 : i32
    %dma_start3A_1148 = arith.constant 0 : i32
    %dma_start3A_1149 = tpu.memref_slice %arg3[%dma_start3A_1147, %dma_start3A_1148] : memref<1000000x32xf32, #tpu.memory_space<hbm>> -> memref<1000000x32xf32, #tpu.memory_space<hbm>>
    tpu.enqueue_indirect_dma source(%dma_start3A_1149 : memref<1000000x32xf32, #tpu.memory_space<hbm>>) target(%dma_start3A_1143 : memref<512x32xf32, #tpu.memory_space<vmem>>) offsets(%dma_start3A_1146 : memref<512xi32, #tpu.memory_space<vmem>>) semaphore(%arg7 : memref<!tpu.dma_semaphore, #tpu.memory_space<semaphore_mem>>)
    %dma_wait3A_1150 = arith.constant 5 : i32
    %dma_wait3A_1151 = arith.constant 5 : i32
    %dma_wait3A_1152 = arith.constant 0 : i32
    %dma_wait3A_1153 = arith.constant 0 : i32
    %dma_wait3A_1154 = tpu.memref_slice %arg6[%dma_wait3A_1151, %dma_wait3A_1152, %dma_wait3A_1153] : memref<7x512x32xf32, #tpu.memory_space<vmem>> -> memref<1x512x32xf32, #tpu.memory_space<vmem>>
    %dma_wait3A_1155 = tpu.memref_squeeze %dma_wait3A_1154 : memref<1x512x32xf32, #tpu.memory_space<vmem>> -> memref<512x32xf32, #tpu.memory_space<vmem>>
    %dma_wait3A_1156 = arith.constant 0 : i32
    %dma_wait3A_1157 = tpu.memref_slice %arg5[%dma_wait3A_1150, %dma_wait3A_1156] : memref<7x512xi32, #tpu.memory_space<vmem>> -> memref<1x512xi32, #tpu.memory_space<vmem>>
    %dma_wait3A_1158 = tpu.memref_squeeze %dma_wait3A_1157 : memref<1x512xi32, #tpu.memory_space<vmem>> -> memref<512xi32, #tpu.memory_space<vmem>>
    %dma_wait3A_1159 = arith.constant 0 : i32
    %dma_wait3A_1160 = arith.constant 0 : i32
    %dma_wait3A_1161 = tpu.memref_slice %arg3[%dma_wait3A_1159, %dma_wait3A_1160] : memref<1000000x32xf32, #tpu.memory_space<hbm>> -> memref<1000000x32xf32, #tpu.memory_space<hbm>>
    tpu.wait_indirect_dma semaphore(%arg7 : memref<!tpu.dma_semaphore, #tpu.memory_space<semaphore_mem>>) src(%dma_wait3A_1161 : memref<1000000x32xf32, #tpu.memory_space<hbm>>) dst(%dma_wait3A_1155 : memref<512x32xf32, #tpu.memory_space<vmem>>)
    %add3A_1162 = arith.constant 9728 : i32
    %add3A_1163 = arith.addi %mul3A_2, %add3A_1162 : i32
    %dma_start3A_1164 = arith.constant 5 : i32
    %dma_start3A_1165 = arith.constant 0 : i32
    %dma_start3A_1166 = arith.constant 0 : i32
    %dma_start3A_1167 = tpu.memref_slice %arg6[%dma_start3A_1164, %dma_start3A_1165, %dma_start3A_1166] : memref<7x512x32xf32, #tpu.memory_space<vmem>> -> memref<1x512x32xf32, #tpu.memory_space<vmem>>
    %dma_start3A_1168 = tpu.memref_squeeze %dma_start3A_1167 : memref<1x512x32xf32, #tpu.memory_space<vmem>> -> memref<512x32xf32, #tpu.memory_space<vmem>>
    %dma_start3A_1169 = arith.constant 0 : i32
    %dma_start3A_1170 = tpu.memref_slice %arg4[%add3A_1163, %dma_start3A_1169] : memref<425984x32xf32, #tpu.memory_space<hbm>> -> memref<512x32xf32, #tpu.memory_space<hbm>>
    %dma_start3A_1171 = arith.constant 0 : i32
    %dma_start3A_1172 = tpu.memref_slice %arg4[%add3A_1163, %dma_start3A_1171] : memref<425984x32xf32, #tpu.memory_space<hbm>> -> memref<512x32xf32, #tpu.memory_space<hbm>>
    %dma_start3A_1173 = arith.constant 0 : i32
    %dma_start3A_1174 = arith.constant 0 : i32
    %dma_start3A_1175 = tpu.memref_slice %arg6[%dma_start3A_1164, %dma_start3A_1173, %dma_start3A_1174] : memref<7x512x32xf32, #tpu.memory_space<vmem>> -> memref<1x512x32xf32, #tpu.memory_space<vmem>>
    %dma_start3A_1176 = tpu.memref_squeeze %dma_start3A_1175 : memref<1x512x32xf32, #tpu.memory_space<vmem>> -> memref<512x32xf32, #tpu.memory_space<vmem>>
    tpu.enqueue_dma source(%dma_start3A_1176 : memref<512x32xf32, #tpu.memory_space<vmem>>) target(%dma_start3A_1172 : memref<512x32xf32, #tpu.memory_space<hbm>>) target_semaphore(%arg8 : memref<!tpu.dma_semaphore, #tpu.memory_space<semaphore_mem>>)
    %dma_wait3A_1177 = arith.constant 6 : i32
    %dma_wait3A_1178 = arith.constant 6 : i32
    %dma_wait3A_1179 = arith.constant 0 : i32
    %dma_wait3A_1180 = arith.constant 0 : i32
    %dma_wait3A_1181 = tpu.memref_slice %arg6[%dma_wait3A_1178, %dma_wait3A_1179, %dma_wait3A_1180] : memref<7x512x32xf32, #tpu.memory_space<vmem>> -> memref<1x512x32xf32, #tpu.memory_space<vmem>>
    %dma_wait3A_1182 = tpu.memref_squeeze %dma_wait3A_1181 : memref<1x512x32xf32, #tpu.memory_space<vmem>> -> memref<512x32xf32, #tpu.memory_space<vmem>>
    %dma_wait3A_1183 = arith.constant 0 : i32
    %dma_wait3A_1184 = tpu.memref_slice %arg5[%dma_wait3A_1177, %dma_wait3A_1183] : memref<7x512xi32, #tpu.memory_space<vmem>> -> memref<1x512xi32, #tpu.memory_space<vmem>>
    %dma_wait3A_1185 = tpu.memref_squeeze %dma_wait3A_1184 : memref<1x512xi32, #tpu.memory_space<vmem>> -> memref<512xi32, #tpu.memory_space<vmem>>
    %dma_wait3A_1186 = arith.constant 0 : i32
    %dma_wait3A_1187 = arith.constant 0 : i32
    %dma_wait3A_1188 = tpu.memref_slice %arg3[%dma_wait3A_1186, %dma_wait3A_1187] : memref<1000000x32xf32, #tpu.memory_space<hbm>> -> memref<1000000x32xf32, #tpu.memory_space<hbm>>
    tpu.wait_indirect_dma semaphore(%arg7 : memref<!tpu.dma_semaphore, #tpu.memory_space<semaphore_mem>>) src(%dma_wait3A_1188 : memref<1000000x32xf32, #tpu.memory_space<hbm>>) dst(%dma_wait3A_1182 : memref<512x32xf32, #tpu.memory_space<vmem>>)
    %add3A_1189 = arith.constant 10240 : i32
    %add3A_1190 = arith.addi %mul3A_2, %add3A_1189 : i32
    %dma_start3A_1191 = arith.constant 6 : i32
    %dma_start3A_1192 = arith.constant 0 : i32
    %dma_start3A_1193 = arith.constant 0 : i32
    %dma_start3A_1194 = tpu.memref_slice %arg6[%dma_start3A_1191, %dma_start3A_1192, %dma_start3A_1193] : memref<7x512x32xf32, #tpu.memory_space<vmem>> -> memref<1x512x32xf32, #tpu.memory_space<vmem>>
    %dma_start3A_1195 = tpu.memref_squeeze %dma_start3A_1194 : memref<1x512x32xf32, #tpu.memory_space<vmem>> -> memref<512x32xf32, #tpu.memory_space<vmem>>
    %dma_start3A_1196 = arith.constant 0 : i32
    %dma_start3A_1197 = tpu.memref_slice %arg4[%add3A_1190, %dma_start3A_1196] : memref<425984x32xf32, #tpu.memory_space<hbm>> -> memref<512x32xf32, #tpu.memory_space<hbm>>
    %dma_start3A_1198 = arith.constant 0 : i32
    %dma_start3A_1199 = tpu.memref_slice %arg4[%add3A_1190, %dma_start3A_1198] : memref<425984x32xf32, #tpu.memory_space<hbm>> -> memref<512x32xf32, #tpu.memory_space<hbm>>
    %dma_start3A_1200 = arith.constant 0 : i32
    %dma_start3A_1201 = arith.constant 0 : i32
    %dma_start3A_1202 = tpu.memref_slice %arg6[%dma_start3A_1191, %dma_start3A_1200, %dma_start3A_1201] : memref<7x512x32xf32, #tpu.memory_space<vmem>> -> memref<1x512x32xf32, #tpu.memory_space<vmem>>
    %dma_start3A_1203 = tpu.memref_squeeze %dma_start3A_1202 : memref<1x512x32xf32, #tpu.memory_space<vmem>> -> memref<512x32xf32, #tpu.memory_space<vmem>>
    tpu.enqueue_dma source(%dma_start3A_1203 : memref<512x32xf32, #tpu.memory_space<vmem>>) target(%dma_start3A_1199 : memref<512x32xf32, #tpu.memory_space<hbm>>) target_semaphore(%arg8 : memref<!tpu.dma_semaphore, #tpu.memory_space<semaphore_mem>>)
    %dma_wait3A_1204 = arith.constant 0 : i32
    %dma_wait3A_1205 = arith.constant 0 : i32
    %dma_wait3A_1206 = arith.constant 0 : i32
    %dma_wait3A_1207 = arith.constant 0 : i32
    %dma_wait3A_1208 = tpu.memref_slice %arg6[%dma_wait3A_1205, %dma_wait3A_1206, %dma_wait3A_1207] : memref<7x512x32xf32, #tpu.memory_space<vmem>> -> memref<1x512x32xf32, #tpu.memory_space<vmem>>
    %dma_wait3A_1209 = tpu.memref_squeeze %dma_wait3A_1208 : memref<1x512x32xf32, #tpu.memory_space<vmem>> -> memref<512x32xf32, #tpu.memory_space<vmem>>
    %dma_wait3A_1210 = arith.constant 0 : i32
    %dma_wait3A_1211 = tpu.memref_slice %arg5[%dma_wait3A_1204, %dma_wait3A_1210] : memref<7x512xi32, #tpu.memory_space<vmem>> -> memref<1x512xi32, #tpu.memory_space<vmem>>
    %dma_wait3A_1212 = tpu.memref_squeeze %dma_wait3A_1211 : memref<1x512xi32, #tpu.memory_space<vmem>> -> memref<512xi32, #tpu.memory_space<vmem>>
    %dma_wait3A_1213 = arith.constant 0 : i32
    %dma_wait3A_1214 = arith.constant 0 : i32
    %dma_wait3A_1215 = tpu.memref_slice %arg3[%dma_wait3A_1213, %dma_wait3A_1214] : memref<1000000x32xf32, #tpu.memory_space<hbm>> -> memref<1000000x32xf32, #tpu.memory_space<hbm>>
    tpu.wait_indirect_dma semaphore(%arg7 : memref<!tpu.dma_semaphore, #tpu.memory_space<semaphore_mem>>) src(%dma_wait3A_1215 : memref<1000000x32xf32, #tpu.memory_space<hbm>>) dst(%dma_wait3A_1209 : memref<512x32xf32, #tpu.memory_space<vmem>>)
    %add3A_1216 = arith.constant 10752 : i32
    %add3A_1217 = arith.addi %mul3A_2, %add3A_1216 : i32
    %dma_start3A_1218 = arith.constant 0 : i32
    %dma_start3A_1219 = arith.constant 0 : i32
    %dma_start3A_1220 = arith.constant 0 : i32
    %dma_start3A_1221 = tpu.memref_slice %arg6[%dma_start3A_1218, %dma_start3A_1219, %dma_start3A_1220] : memref<7x512x32xf32, #tpu.memory_space<vmem>> -> memref<1x512x32xf32, #tpu.memory_space<vmem>>
    %dma_start3A_1222 = tpu.memref_squeeze %dma_start3A_1221 : memref<1x512x32xf32, #tpu.memory_space<vmem>> -> memref<512x32xf32, #tpu.memory_space<vmem>>
    %dma_start3A_1223 = arith.constant 0 : i32
    %dma_start3A_1224 = tpu.memref_slice %arg4[%add3A_1217, %dma_start3A_1223] : memref<425984x32xf32, #tpu.memory_space<hbm>> -> memref<512x32xf32, #tpu.memory_space<hbm>>
    %dma_start3A_1225 = arith.constant 0 : i32
    %dma_start3A_1226 = tpu.memref_slice %arg4[%add3A_1217, %dma_start3A_1225] : memref<425984x32xf32, #tpu.memory_space<hbm>> -> memref<512x32xf32, #tpu.memory_space<hbm>>
    %dma_start3A_1227 = arith.constant 0 : i32
    %dma_start3A_1228 = arith.constant 0 : i32
    %dma_start3A_1229 = tpu.memref_slice %arg6[%dma_start3A_1218, %dma_start3A_1227, %dma_start3A_1228] : memref<7x512x32xf32, #tpu.memory_space<vmem>> -> memref<1x512x32xf32, #tpu.memory_space<vmem>>
    %dma_start3A_1230 = tpu.memref_squeeze %dma_start3A_1229 : memref<1x512x32xf32, #tpu.memory_space<vmem>> -> memref<512x32xf32, #tpu.memory_space<vmem>>
    tpu.enqueue_dma source(%dma_start3A_1230 : memref<512x32xf32, #tpu.memory_space<vmem>>) target(%dma_start3A_1226 : memref<512x32xf32, #tpu.memory_space<hbm>>) target_semaphore(%arg8 : memref<!tpu.dma_semaphore, #tpu.memory_space<semaphore_mem>>)
    %dma_wait3A_1231 = arith.constant 1 : i32
    %dma_wait3A_1232 = arith.constant 1 : i32
    %dma_wait3A_1233 = arith.constant 0 : i32
    %dma_wait3A_1234 = arith.constant 0 : i32
    %dma_wait3A_1235 = tpu.memref_slice %arg6[%dma_wait3A_1232, %dma_wait3A_1233, %dma_wait3A_1234] : memref<7x512x32xf32, #tpu.memory_space<vmem>> -> memref<1x512x32xf32, #tpu.memory_space<vmem>>
    %dma_wait3A_1236 = tpu.memref_squeeze %dma_wait3A_1235 : memref<1x512x32xf32, #tpu.memory_space<vmem>> -> memref<512x32xf32, #tpu.memory_space<vmem>>
    %dma_wait3A_1237 = arith.constant 0 : i32
    %dma_wait3A_1238 = tpu.memref_slice %arg5[%dma_wait3A_1231, %dma_wait3A_1237] : memref<7x512xi32, #tpu.memory_space<vmem>> -> memref<1x512xi32, #tpu.memory_space<vmem>>
    %dma_wait3A_1239 = tpu.memref_squeeze %dma_wait3A_1238 : memref<1x512xi32, #tpu.memory_space<vmem>> -> memref<512xi32, #tpu.memory_space<vmem>>
    %dma_wait3A_1240 = arith.constant 0 : i32
    %dma_wait3A_1241 = arith.constant 0 : i32
    %dma_wait3A_1242 = tpu.memref_slice %arg3[%dma_wait3A_1240, %dma_wait3A_1241] : memref<1000000x32xf32, #tpu.memory_space<hbm>> -> memref<1000000x32xf32, #tpu.memory_space<hbm>>
    tpu.wait_indirect_dma semaphore(%arg7 : memref<!tpu.dma_semaphore, #tpu.memory_space<semaphore_mem>>) src(%dma_wait3A_1242 : memref<1000000x32xf32, #tpu.memory_space<hbm>>) dst(%dma_wait3A_1236 : memref<512x32xf32, #tpu.memory_space<vmem>>)
    %add3A_1243 = arith.constant 11264 : i32
    %add3A_1244 = arith.addi %mul3A_2, %add3A_1243 : i32
    %dma_start3A_1245 = arith.constant 1 : i32
    %dma_start3A_1246 = arith.constant 0 : i32
    %dma_start3A_1247 = arith.constant 0 : i32
    %dma_start3A_1248 = tpu.memref_slice %arg6[%dma_start3A_1245, %dma_start3A_1246, %dma_start3A_1247] : memref<7x512x32xf32, #tpu.memory_space<vmem>> -> memref<1x512x32xf32, #tpu.memory_space<vmem>>
    %dma_start3A_1249 = tpu.memref_squeeze %dma_start3A_1248 : memref<1x512x32xf32, #tpu.memory_space<vmem>> -> memref<512x32xf32, #tpu.memory_space<vmem>>
    %dma_start3A_1250 = arith.constant 0 : i32
    %dma_start3A_1251 = tpu.memref_slice %arg4[%add3A_1244, %dma_start3A_1250] : memref<425984x32xf32, #tpu.memory_space<hbm>> -> memref<512x32xf32, #tpu.memory_space<hbm>>
    %dma_start3A_1252 = arith.constant 0 : i32
    %dma_start3A_1253 = tpu.memref_slice %arg4[%add3A_1244, %dma_start3A_1252] : memref<425984x32xf32, #tpu.memory_space<hbm>> -> memref<512x32xf32, #tpu.memory_space<hbm>>
    %dma_start3A_1254 = arith.constant 0 : i32
    %dma_start3A_1255 = arith.constant 0 : i32
    %dma_start3A_1256 = tpu.memref_slice %arg6[%dma_start3A_1245, %dma_start3A_1254, %dma_start3A_1255] : memref<7x512x32xf32, #tpu.memory_space<vmem>> -> memref<1x512x32xf32, #tpu.memory_space<vmem>>
    %dma_start3A_1257 = tpu.memref_squeeze %dma_start3A_1256 : memref<1x512x32xf32, #tpu.memory_space<vmem>> -> memref<512x32xf32, #tpu.memory_space<vmem>>
    tpu.enqueue_dma source(%dma_start3A_1257 : memref<512x32xf32, #tpu.memory_space<vmem>>) target(%dma_start3A_1253 : memref<512x32xf32, #tpu.memory_space<hbm>>) target_semaphore(%arg8 : memref<!tpu.dma_semaphore, #tpu.memory_space<semaphore_mem>>)
    %dma_wait3A_1258 = arith.constant 2 : i32
    %dma_wait3A_1259 = arith.constant 2 : i32
    %dma_wait3A_1260 = arith.constant 0 : i32
    %dma_wait3A_1261 = arith.constant 0 : i32
    %dma_wait3A_1262 = tpu.memref_slice %arg6[%dma_wait3A_1259, %dma_wait3A_1260, %dma_wait3A_1261] : memref<7x512x32xf32, #tpu.memory_space<vmem>> -> memref<1x512x32xf32, #tpu.memory_space<vmem>>
    %dma_wait3A_1263 = tpu.memref_squeeze %dma_wait3A_1262 : memref<1x512x32xf32, #tpu.memory_space<vmem>> -> memref<512x32xf32, #tpu.memory_space<vmem>>
    %dma_wait3A_1264 = arith.constant 0 : i32
    %dma_wait3A_1265 = tpu.memref_slice %arg5[%dma_wait3A_1258, %dma_wait3A_1264] : memref<7x512xi32, #tpu.memory_space<vmem>> -> memref<1x512xi32, #tpu.memory_space<vmem>>
    %dma_wait3A_1266 = tpu.memref_squeeze %dma_wait3A_1265 : memref<1x512xi32, #tpu.memory_space<vmem>> -> memref<512xi32, #tpu.memory_space<vmem>>
    %dma_wait3A_1267 = arith.constant 0 : i32
    %dma_wait3A_1268 = arith.constant 0 : i32
    %dma_wait3A_1269 = tpu.memref_slice %arg3[%dma_wait3A_1267, %dma_wait3A_1268] : memref<1000000x32xf32, #tpu.memory_space<hbm>> -> memref<1000000x32xf32, #tpu.memory_space<hbm>>
    tpu.wait_indirect_dma semaphore(%arg7 : memref<!tpu.dma_semaphore, #tpu.memory_space<semaphore_mem>>) src(%dma_wait3A_1269 : memref<1000000x32xf32, #tpu.memory_space<hbm>>) dst(%dma_wait3A_1263 : memref<512x32xf32, #tpu.memory_space<vmem>>)
    %add3A_1270 = arith.constant 11776 : i32
    %add3A_1271 = arith.addi %mul3A_2, %add3A_1270 : i32
    %dma_start3A_1272 = arith.constant 2 : i32
    %dma_start3A_1273 = arith.constant 0 : i32
    %dma_start3A_1274 = arith.constant 0 : i32
    %dma_start3A_1275 = tpu.memref_slice %arg6[%dma_start3A_1272, %dma_start3A_1273, %dma_start3A_1274] : memref<7x512x32xf32, #tpu.memory_space<vmem>> -> memref<1x512x32xf32, #tpu.memory_space<vmem>>
    %dma_start3A_1276 = tpu.memref_squeeze %dma_start3A_1275 : memref<1x512x32xf32, #tpu.memory_space<vmem>> -> memref<512x32xf32, #tpu.memory_space<vmem>>
    %dma_start3A_1277 = arith.constant 0 : i32
    %dma_start3A_1278 = tpu.memref_slice %arg4[%add3A_1271, %dma_start3A_1277] : memref<425984x32xf32, #tpu.memory_space<hbm>> -> memref<512x32xf32, #tpu.memory_space<hbm>>
    %dma_start3A_1279 = arith.constant 0 : i32
    %dma_start3A_1280 = tpu.memref_slice %arg4[%add3A_1271, %dma_start3A_1279] : memref<425984x32xf32, #tpu.memory_space<hbm>> -> memref<512x32xf32, #tpu.memory_space<hbm>>
    %dma_start3A_1281 = arith.constant 0 : i32
    %dma_start3A_1282 = arith.constant 0 : i32
    %dma_start3A_1283 = tpu.memref_slice %arg6[%dma_start3A_1272, %dma_start3A_1281, %dma_start3A_1282] : memref<7x512x32xf32, #tpu.memory_space<vmem>> -> memref<1x512x32xf32, #tpu.memory_space<vmem>>
    %dma_start3A_1284 = tpu.memref_squeeze %dma_start3A_1283 : memref<1x512x32xf32, #tpu.memory_space<vmem>> -> memref<512x32xf32, #tpu.memory_space<vmem>>
    tpu.enqueue_dma source(%dma_start3A_1284 : memref<512x32xf32, #tpu.memory_space<vmem>>) target(%dma_start3A_1280 : memref<512x32xf32, #tpu.memory_space<hbm>>) target_semaphore(%arg8 : memref<!tpu.dma_semaphore, #tpu.memory_space<semaphore_mem>>)
    %dma_wait3A_1285 = arith.constant 3 : i32
    %dma_wait3A_1286 = arith.constant 3 : i32
    %dma_wait3A_1287 = arith.constant 0 : i32
    %dma_wait3A_1288 = arith.constant 0 : i32
    %dma_wait3A_1289 = tpu.memref_slice %arg6[%dma_wait3A_1286, %dma_wait3A_1287, %dma_wait3A_1288] : memref<7x512x32xf32, #tpu.memory_space<vmem>> -> memref<1x512x32xf32, #tpu.memory_space<vmem>>
    %dma_wait3A_1290 = tpu.memref_squeeze %dma_wait3A_1289 : memref<1x512x32xf32, #tpu.memory_space<vmem>> -> memref<512x32xf32, #tpu.memory_space<vmem>>
    %dma_wait3A_1291 = arith.constant 0 : i32
    %dma_wait3A_1292 = tpu.memref_slice %arg5[%dma_wait3A_1285, %dma_wait3A_1291] : memref<7x512xi32, #tpu.memory_space<vmem>> -> memref<1x512xi32, #tpu.memory_space<vmem>>
    %dma_wait3A_1293 = tpu.memref_squeeze %dma_wait3A_1292 : memref<1x512xi32, #tpu.memory_space<vmem>> -> memref<512xi32, #tpu.memory_space<vmem>>
    %dma_wait3A_1294 = arith.constant 0 : i32
    %dma_wait3A_1295 = arith.constant 0 : i32
    %dma_wait3A_1296 = tpu.memref_slice %arg3[%dma_wait3A_1294, %dma_wait3A_1295] : memref<1000000x32xf32, #tpu.memory_space<hbm>> -> memref<1000000x32xf32, #tpu.memory_space<hbm>>
    tpu.wait_indirect_dma semaphore(%arg7 : memref<!tpu.dma_semaphore, #tpu.memory_space<semaphore_mem>>) src(%dma_wait3A_1296 : memref<1000000x32xf32, #tpu.memory_space<hbm>>) dst(%dma_wait3A_1290 : memref<512x32xf32, #tpu.memory_space<vmem>>)
    %add3A_1297 = arith.constant 12288 : i32
    %add3A_1298 = arith.addi %mul3A_2, %add3A_1297 : i32
    %dma_start3A_1299 = arith.constant 3 : i32
    %dma_start3A_1300 = arith.constant 0 : i32
    %dma_start3A_1301 = arith.constant 0 : i32
    %dma_start3A_1302 = tpu.memref_slice %arg6[%dma_start3A_1299, %dma_start3A_1300, %dma_start3A_1301] : memref<7x512x32xf32, #tpu.memory_space<vmem>> -> memref<1x512x32xf32, #tpu.memory_space<vmem>>
    %dma_start3A_1303 = tpu.memref_squeeze %dma_start3A_1302 : memref<1x512x32xf32, #tpu.memory_space<vmem>> -> memref<512x32xf32, #tpu.memory_space<vmem>>
    %dma_start3A_1304 = arith.constant 0 : i32
    %dma_start3A_1305 = tpu.memref_slice %arg4[%add3A_1298, %dma_start3A_1304] : memref<425984x32xf32, #tpu.memory_space<hbm>> -> memref<512x32xf32, #tpu.memory_space<hbm>>
    %dma_start3A_1306 = arith.constant 0 : i32
    %dma_start3A_1307 = tpu.memref_slice %arg4[%add3A_1298, %dma_start3A_1306] : memref<425984x32xf32, #tpu.memory_space<hbm>> -> memref<512x32xf32, #tpu.memory_space<hbm>>
    %dma_start3A_1308 = arith.constant 0 : i32
    %dma_start3A_1309 = arith.constant 0 : i32
    %dma_start3A_1310 = tpu.memref_slice %arg6[%dma_start3A_1299, %dma_start3A_1308, %dma_start3A_1309] : memref<7x512x32xf32, #tpu.memory_space<vmem>> -> memref<1x512x32xf32, #tpu.memory_space<vmem>>
    %dma_start3A_1311 = tpu.memref_squeeze %dma_start3A_1310 : memref<1x512x32xf32, #tpu.memory_space<vmem>> -> memref<512x32xf32, #tpu.memory_space<vmem>>
    tpu.enqueue_dma source(%dma_start3A_1311 : memref<512x32xf32, #tpu.memory_space<vmem>>) target(%dma_start3A_1307 : memref<512x32xf32, #tpu.memory_space<hbm>>) target_semaphore(%arg8 : memref<!tpu.dma_semaphore, #tpu.memory_space<semaphore_mem>>)
    %dma_wait3A_1312 = arith.constant 4 : i32
    %dma_wait3A_1313 = arith.constant 4 : i32
    %dma_wait3A_1314 = arith.constant 0 : i32
    %dma_wait3A_1315 = arith.constant 0 : i32
    %dma_wait3A_1316 = tpu.memref_slice %arg6[%dma_wait3A_1313, %dma_wait3A_1314, %dma_wait3A_1315] : memref<7x512x32xf32, #tpu.memory_space<vmem>> -> memref<1x512x32xf32, #tpu.memory_space<vmem>>
    %dma_wait3A_1317 = tpu.memref_squeeze %dma_wait3A_1316 : memref<1x512x32xf32, #tpu.memory_space<vmem>> -> memref<512x32xf32, #tpu.memory_space<vmem>>
    %dma_wait3A_1318 = arith.constant 0 : i32
    %dma_wait3A_1319 = tpu.memref_slice %arg5[%dma_wait3A_1312, %dma_wait3A_1318] : memref<7x512xi32, #tpu.memory_space<vmem>> -> memref<1x512xi32, #tpu.memory_space<vmem>>
    %dma_wait3A_1320 = tpu.memref_squeeze %dma_wait3A_1319 : memref<1x512xi32, #tpu.memory_space<vmem>> -> memref<512xi32, #tpu.memory_space<vmem>>
    %dma_wait3A_1321 = arith.constant 0 : i32
    %dma_wait3A_1322 = arith.constant 0 : i32
    %dma_wait3A_1323 = tpu.memref_slice %arg3[%dma_wait3A_1321, %dma_wait3A_1322] : memref<1000000x32xf32, #tpu.memory_space<hbm>> -> memref<1000000x32xf32, #tpu.memory_space<hbm>>
    tpu.wait_indirect_dma semaphore(%arg7 : memref<!tpu.dma_semaphore, #tpu.memory_space<semaphore_mem>>) src(%dma_wait3A_1323 : memref<1000000x32xf32, #tpu.memory_space<hbm>>) dst(%dma_wait3A_1317 : memref<512x32xf32, #tpu.memory_space<vmem>>)
    %add3A_1324 = arith.constant 12800 : i32
    %add3A_1325 = arith.addi %mul3A_2, %add3A_1324 : i32
    %dma_start3A_1326 = arith.constant 4 : i32
    %dma_start3A_1327 = arith.constant 0 : i32
    %dma_start3A_1328 = arith.constant 0 : i32
    %dma_start3A_1329 = tpu.memref_slice %arg6[%dma_start3A_1326, %dma_start3A_1327, %dma_start3A_1328] : memref<7x512x32xf32, #tpu.memory_space<vmem>> -> memref<1x512x32xf32, #tpu.memory_space<vmem>>
    %dma_start3A_1330 = tpu.memref_squeeze %dma_start3A_1329 : memref<1x512x32xf32, #tpu.memory_space<vmem>> -> memref<512x32xf32, #tpu.memory_space<vmem>>
    %dma_start3A_1331 = arith.constant 0 : i32
    %dma_start3A_1332 = tpu.memref_slice %arg4[%add3A_1325, %dma_start3A_1331] : memref<425984x32xf32, #tpu.memory_space<hbm>> -> memref<512x32xf32, #tpu.memory_space<hbm>>
    %dma_start3A_1333 = arith.constant 0 : i32
    %dma_start3A_1334 = tpu.memref_slice %arg4[%add3A_1325, %dma_start3A_1333] : memref<425984x32xf32, #tpu.memory_space<hbm>> -> memref<512x32xf32, #tpu.memory_space<hbm>>
    %dma_start3A_1335 = arith.constant 0 : i32
    %dma_start3A_1336 = arith.constant 0 : i32
    %dma_start3A_1337 = tpu.memref_slice %arg6[%dma_start3A_1326, %dma_start3A_1335, %dma_start3A_1336] : memref<7x512x32xf32, #tpu.memory_space<vmem>> -> memref<1x512x32xf32, #tpu.memory_space<vmem>>
    %dma_start3A_1338 = tpu.memref_squeeze %dma_start3A_1337 : memref<1x512x32xf32, #tpu.memory_space<vmem>> -> memref<512x32xf32, #tpu.memory_space<vmem>>
    tpu.enqueue_dma source(%dma_start3A_1338 : memref<512x32xf32, #tpu.memory_space<vmem>>) target(%dma_start3A_1334 : memref<512x32xf32, #tpu.memory_space<hbm>>) target_semaphore(%arg8 : memref<!tpu.dma_semaphore, #tpu.memory_space<semaphore_mem>>)
    %dma_wait3A_1339 = arith.constant 5 : i32
    %dma_wait3A_1340 = arith.constant 0 : i32
    %dma_wait3A_1341 = arith.constant 0 : i32
    %dma_wait3A_1342 = tpu.memref_slice %arg6[%dma_wait3A_1339, %dma_wait3A_1340, %dma_wait3A_1341] : memref<7x512x32xf32, #tpu.memory_space<vmem>> -> memref<1x512x32xf32, #tpu.memory_space<vmem>>
    %dma_wait3A_1343 = tpu.memref_squeeze %dma_wait3A_1342 : memref<1x512x32xf32, #tpu.memory_space<vmem>> -> memref<512x32xf32, #tpu.memory_space<vmem>>
    %dma_wait3A_1344 = arith.constant 0 : i32
    %dma_wait3A_1345 = tpu.memref_slice %arg4[%add3A_1163, %dma_wait3A_1344] : memref<425984x32xf32, #tpu.memory_space<hbm>> -> memref<512x32xf32, #tpu.memory_space<hbm>>
    %dma_wait3A_1346 = arith.constant 0 : i32
    %dma_wait3A_1347 = tpu.memref_slice %arg4[%add3A_1163, %dma_wait3A_1346] : memref<425984x32xf32, #tpu.memory_space<hbm>> -> memref<512x32xf32, #tpu.memory_space<hbm>>
    %dma_wait3A_1348 = arith.constant 0 : i32
    %dma_wait3A_1349 = arith.constant 0 : i32
    %dma_wait3A_1350 = tpu.memref_slice %arg6[%dma_wait3A_1339, %dma_wait3A_1348, %dma_wait3A_1349] : memref<7x512x32xf32, #tpu.memory_space<vmem>> -> memref<1x512x32xf32, #tpu.memory_space<vmem>>
    %dma_wait3A_1351 = tpu.memref_squeeze %dma_wait3A_1350 : memref<1x512x32xf32, #tpu.memory_space<vmem>> -> memref<512x32xf32, #tpu.memory_space<vmem>>
    tpu.wait_dma2 semaphore(%arg8 : memref<!tpu.dma_semaphore, #tpu.memory_space<semaphore_mem>>) src(%dma_wait3A_1351 : memref<512x32xf32, #tpu.memory_space<vmem>>) dst(%dma_wait3A_1347 : memref<512x32xf32, #tpu.memory_space<hbm>>)
    %dma_wait3A_1352 = arith.constant 6 : i32
    %dma_wait3A_1353 = arith.constant 0 : i32
    %dma_wait3A_1354 = arith.constant 0 : i32
    %dma_wait3A_1355 = tpu.memref_slice %arg6[%dma_wait3A_1352, %dma_wait3A_1353, %dma_wait3A_1354] : memref<7x512x32xf32, #tpu.memory_space<vmem>> -> memref<1x512x32xf32, #tpu.memory_space<vmem>>
    %dma_wait3A_1356 = tpu.memref_squeeze %dma_wait3A_1355 : memref<1x512x32xf32, #tpu.memory_space<vmem>> -> memref<512x32xf32, #tpu.memory_space<vmem>>
    %dma_wait3A_1357 = arith.constant 0 : i32
    %dma_wait3A_1358 = tpu.memref_slice %arg4[%add3A_1190, %dma_wait3A_1357] : memref<425984x32xf32, #tpu.memory_space<hbm>> -> memref<512x32xf32, #tpu.memory_space<hbm>>
    %dma_wait3A_1359 = arith.constant 0 : i32
    %dma_wait3A_1360 = tpu.memref_slice %arg4[%add3A_1190, %dma_wait3A_1359] : memref<425984x32xf32, #tpu.memory_space<hbm>> -> memref<512x32xf32, #tpu.memory_space<hbm>>
    %dma_wait3A_1361 = arith.constant 0 : i32
    %dma_wait3A_1362 = arith.constant 0 : i32
    %dma_wait3A_1363 = tpu.memref_slice %arg6[%dma_wait3A_1352, %dma_wait3A_1361, %dma_wait3A_1362] : memref<7x512x32xf32, #tpu.memory_space<vmem>> -> memref<1x512x32xf32, #tpu.memory_space<vmem>>
    %dma_wait3A_1364 = tpu.memref_squeeze %dma_wait3A_1363 : memref<1x512x32xf32, #tpu.memory_space<vmem>> -> memref<512x32xf32, #tpu.memory_space<vmem>>
    tpu.wait_dma2 semaphore(%arg8 : memref<!tpu.dma_semaphore, #tpu.memory_space<semaphore_mem>>) src(%dma_wait3A_1364 : memref<512x32xf32, #tpu.memory_space<vmem>>) dst(%dma_wait3A_1360 : memref<512x32xf32, #tpu.memory_space<hbm>>)
    %dma_wait3A_1365 = arith.constant 0 : i32
    %dma_wait3A_1366 = arith.constant 0 : i32
    %dma_wait3A_1367 = arith.constant 0 : i32
    %dma_wait3A_1368 = tpu.memref_slice %arg6[%dma_wait3A_1365, %dma_wait3A_1366, %dma_wait3A_1367] : memref<7x512x32xf32, #tpu.memory_space<vmem>> -> memref<1x512x32xf32, #tpu.memory_space<vmem>>
    %dma_wait3A_1369 = tpu.memref_squeeze %dma_wait3A_1368 : memref<1x512x32xf32, #tpu.memory_space<vmem>> -> memref<512x32xf32, #tpu.memory_space<vmem>>
    %dma_wait3A_1370 = arith.constant 0 : i32
    %dma_wait3A_1371 = tpu.memref_slice %arg4[%add3A_1217, %dma_wait3A_1370] : memref<425984x32xf32, #tpu.memory_space<hbm>> -> memref<512x32xf32, #tpu.memory_space<hbm>>
    %dma_wait3A_1372 = arith.constant 0 : i32
    %dma_wait3A_1373 = tpu.memref_slice %arg4[%add3A_1217, %dma_wait3A_1372] : memref<425984x32xf32, #tpu.memory_space<hbm>> -> memref<512x32xf32, #tpu.memory_space<hbm>>
    %dma_wait3A_1374 = arith.constant 0 : i32
    %dma_wait3A_1375 = arith.constant 0 : i32
    %dma_wait3A_1376 = tpu.memref_slice %arg6[%dma_wait3A_1365, %dma_wait3A_1374, %dma_wait3A_1375] : memref<7x512x32xf32, #tpu.memory_space<vmem>> -> memref<1x512x32xf32, #tpu.memory_space<vmem>>
    %dma_wait3A_1377 = tpu.memref_squeeze %dma_wait3A_1376 : memref<1x512x32xf32, #tpu.memory_space<vmem>> -> memref<512x32xf32, #tpu.memory_space<vmem>>
    tpu.wait_dma2 semaphore(%arg8 : memref<!tpu.dma_semaphore, #tpu.memory_space<semaphore_mem>>) src(%dma_wait3A_1377 : memref<512x32xf32, #tpu.memory_space<vmem>>) dst(%dma_wait3A_1373 : memref<512x32xf32, #tpu.memory_space<hbm>>)
    %dma_wait3A_1378 = arith.constant 1 : i32
    %dma_wait3A_1379 = arith.constant 0 : i32
    %dma_wait3A_1380 = arith.constant 0 : i32
    %dma_wait3A_1381 = tpu.memref_slice %arg6[%dma_wait3A_1378, %dma_wait3A_1379, %dma_wait3A_1380] : memref<7x512x32xf32, #tpu.memory_space<vmem>> -> memref<1x512x32xf32, #tpu.memory_space<vmem>>
    %dma_wait3A_1382 = tpu.memref_squeeze %dma_wait3A_1381 : memref<1x512x32xf32, #tpu.memory_space<vmem>> -> memref<512x32xf32, #tpu.memory_space<vmem>>
    %dma_wait3A_1383 = arith.constant 0 : i32
    %dma_wait3A_1384 = tpu.memref_slice %arg4[%add3A_1244, %dma_wait3A_1383] : memref<425984x32xf32, #tpu.memory_space<hbm>> -> memref<512x32xf32, #tpu.memory_space<hbm>>
    %dma_wait3A_1385 = arith.constant 0 : i32
    %dma_wait3A_1386 = tpu.memref_slice %arg4[%add3A_1244, %dma_wait3A_1385] : memref<425984x32xf32, #tpu.memory_space<hbm>> -> memref<512x32xf32, #tpu.memory_space<hbm>>
    %dma_wait3A_1387 = arith.constant 0 : i32
    %dma_wait3A_1388 = arith.constant 0 : i32
    %dma_wait3A_1389 = tpu.memref_slice %arg6[%dma_wait3A_1378, %dma_wait3A_1387, %dma_wait3A_1388] : memref<7x512x32xf32, #tpu.memory_space<vmem>> -> memref<1x512x32xf32, #tpu.memory_space<vmem>>
    %dma_wait3A_1390 = tpu.memref_squeeze %dma_wait3A_1389 : memref<1x512x32xf32, #tpu.memory_space<vmem>> -> memref<512x32xf32, #tpu.memory_space<vmem>>
    tpu.wait_dma2 semaphore(%arg8 : memref<!tpu.dma_semaphore, #tpu.memory_space<semaphore_mem>>) src(%dma_wait3A_1390 : memref<512x32xf32, #tpu.memory_space<vmem>>) dst(%dma_wait3A_1386 : memref<512x32xf32, #tpu.memory_space<hbm>>)
    %dma_wait3A_1391 = arith.constant 2 : i32
    %dma_wait3A_1392 = arith.constant 0 : i32
    %dma_wait3A_1393 = arith.constant 0 : i32
    %dma_wait3A_1394 = tpu.memref_slice %arg6[%dma_wait3A_1391, %dma_wait3A_1392, %dma_wait3A_1393] : memref<7x512x32xf32, #tpu.memory_space<vmem>> -> memref<1x512x32xf32, #tpu.memory_space<vmem>>
    %dma_wait3A_1395 = tpu.memref_squeeze %dma_wait3A_1394 : memref<1x512x32xf32, #tpu.memory_space<vmem>> -> memref<512x32xf32, #tpu.memory_space<vmem>>
    %dma_wait3A_1396 = arith.constant 0 : i32
    %dma_wait3A_1397 = tpu.memref_slice %arg4[%add3A_1271, %dma_wait3A_1396] : memref<425984x32xf32, #tpu.memory_space<hbm>> -> memref<512x32xf32, #tpu.memory_space<hbm>>
    %dma_wait3A_1398 = arith.constant 0 : i32
    %dma_wait3A_1399 = tpu.memref_slice %arg4[%add3A_1271, %dma_wait3A_1398] : memref<425984x32xf32, #tpu.memory_space<hbm>> -> memref<512x32xf32, #tpu.memory_space<hbm>>
    %dma_wait3A_1400 = arith.constant 0 : i32
    %dma_wait3A_1401 = arith.constant 0 : i32
    %dma_wait3A_1402 = tpu.memref_slice %arg6[%dma_wait3A_1391, %dma_wait3A_1400, %dma_wait3A_1401] : memref<7x512x32xf32, #tpu.memory_space<vmem>> -> memref<1x512x32xf32, #tpu.memory_space<vmem>>
    %dma_wait3A_1403 = tpu.memref_squeeze %dma_wait3A_1402 : memref<1x512x32xf32, #tpu.memory_space<vmem>> -> memref<512x32xf32, #tpu.memory_space<vmem>>
    tpu.wait_dma2 semaphore(%arg8 : memref<!tpu.dma_semaphore, #tpu.memory_space<semaphore_mem>>) src(%dma_wait3A_1403 : memref<512x32xf32, #tpu.memory_space<vmem>>) dst(%dma_wait3A_1399 : memref<512x32xf32, #tpu.memory_space<hbm>>)
    %dma_wait3A_1404 = arith.constant 3 : i32
    %dma_wait3A_1405 = arith.constant 0 : i32
    %dma_wait3A_1406 = arith.constant 0 : i32
    %dma_wait3A_1407 = tpu.memref_slice %arg6[%dma_wait3A_1404, %dma_wait3A_1405, %dma_wait3A_1406] : memref<7x512x32xf32, #tpu.memory_space<vmem>> -> memref<1x512x32xf32, #tpu.memory_space<vmem>>
    %dma_wait3A_1408 = tpu.memref_squeeze %dma_wait3A_1407 : memref<1x512x32xf32, #tpu.memory_space<vmem>> -> memref<512x32xf32, #tpu.memory_space<vmem>>
    %dma_wait3A_1409 = arith.constant 0 : i32
    %dma_wait3A_1410 = tpu.memref_slice %arg4[%add3A_1298, %dma_wait3A_1409] : memref<425984x32xf32, #tpu.memory_space<hbm>> -> memref<512x32xf32, #tpu.memory_space<hbm>>
    %dma_wait3A_1411 = arith.constant 0 : i32
    %dma_wait3A_1412 = tpu.memref_slice %arg4[%add3A_1298, %dma_wait3A_1411] : memref<425984x32xf32, #tpu.memory_space<hbm>> -> memref<512x32xf32, #tpu.memory_space<hbm>>
    %dma_wait3A_1413 = arith.constant 0 : i32
    %dma_wait3A_1414 = arith.constant 0 : i32
    %dma_wait3A_1415 = tpu.memref_slice %arg6[%dma_wait3A_1404, %dma_wait3A_1413, %dma_wait3A_1414] : memref<7x512x32xf32, #tpu.memory_space<vmem>> -> memref<1x512x32xf32, #tpu.memory_space<vmem>>
    %dma_wait3A_1416 = tpu.memref_squeeze %dma_wait3A_1415 : memref<1x512x32xf32, #tpu.memory_space<vmem>> -> memref<512x32xf32, #tpu.memory_space<vmem>>
    tpu.wait_dma2 semaphore(%arg8 : memref<!tpu.dma_semaphore, #tpu.memory_space<semaphore_mem>>) src(%dma_wait3A_1416 : memref<512x32xf32, #tpu.memory_space<vmem>>) dst(%dma_wait3A_1412 : memref<512x32xf32, #tpu.memory_space<hbm>>)
    %dma_wait3A_1417 = arith.constant 4 : i32
    %dma_wait3A_1418 = arith.constant 0 : i32
    %dma_wait3A_1419 = arith.constant 0 : i32
    %dma_wait3A_1420 = tpu.memref_slice %arg6[%dma_wait3A_1417, %dma_wait3A_1418, %dma_wait3A_1419] : memref<7x512x32xf32, #tpu.memory_space<vmem>> -> memref<1x512x32xf32, #tpu.memory_space<vmem>>
    %dma_wait3A_1421 = tpu.memref_squeeze %dma_wait3A_1420 : memref<1x512x32xf32, #tpu.memory_space<vmem>> -> memref<512x32xf32, #tpu.memory_space<vmem>>
    %dma_wait3A_1422 = arith.constant 0 : i32
    %dma_wait3A_1423 = tpu.memref_slice %arg4[%add3A_1325, %dma_wait3A_1422] : memref<425984x32xf32, #tpu.memory_space<hbm>> -> memref<512x32xf32, #tpu.memory_space<hbm>>
    %dma_wait3A_1424 = arith.constant 0 : i32
    %dma_wait3A_1425 = tpu.memref_slice %arg4[%add3A_1325, %dma_wait3A_1424] : memref<425984x32xf32, #tpu.memory_space<hbm>> -> memref<512x32xf32, #tpu.memory_space<hbm>>
    %dma_wait3A_1426 = arith.constant 0 : i32
    %dma_wait3A_1427 = arith.constant 0 : i32
    %dma_wait3A_1428 = tpu.memref_slice %arg6[%dma_wait3A_1417, %dma_wait3A_1426, %dma_wait3A_1427] : memref<7x512x32xf32, #tpu.memory_space<vmem>> -> memref<1x512x32xf32, #tpu.memory_space<vmem>>
    %dma_wait3A_1429 = tpu.memref_squeeze %dma_wait3A_1428 : memref<1x512x32xf32, #tpu.memory_space<vmem>> -> memref<512x32xf32, #tpu.memory_space<vmem>>
    tpu.wait_dma2 semaphore(%arg8 : memref<!tpu.dma_semaphore, #tpu.memory_space<semaphore_mem>>) src(%dma_wait3A_1429 : memref<512x32xf32, #tpu.memory_space<vmem>>) dst(%dma_wait3A_1425 : memref<512x32xf32, #tpu.memory_space<hbm>>)
    return
  }
}

</mosaic_0001>

<sc_bundles>
// kernel: kernel.3.cloned.1.call-start
scs
__scs_entry_jumppad:
0x0: {  	(pc) =	sbr.rel $0x88, $3  }
0x1: {  	(tag) =	ssettag $0x0;
	lr =	simm.s32 $0x1  }
0x2: {  	[smem:$0x3F9F] =	sst lr;
	_ =	strace $0xD0000000  }
0x3: {  	_ = 	snop  }
0x4: {  	_ = 	snop  }
0x5: {  	_ = 	snop  }
0x6: {  	_ = 	snop  }
0x7: {  	_ = 	snop  }
__scs_overlays_trampoline_lowered:
0x8: {  	[smem:$0x3FAE] =	sst s0  }
0x9: {  	[smem:$0x3FAF] =	sst s1  }
0xa: {  	[smem:$0x3FB0] =	sst s2  }
0xb: {  	[smem:$0x3FB1] =	sst s3  }
0xc: {  	[smem:$0x3FB2] =	sst s4  }
0xd: {  	[smem:$0x3FB3] =	sst s5  }
0xe: {  	[smem:$0x3FB4] =	sst s6  }
0xf: {  	[smem:$0x3FB5] =	sst s7  }
0x10: {  	[smem:$0x3FB6] =	sst s8  }
0x11: {  	[smem:$0x3FB7] =	sst s9;
	s0 =	simm.s32 @!p0 $0x0  }
0x12: {  	s1 =	sld [smem:$0x3F9D];
	s0 =	simm.s32 @p0 $0x1  }
0x13: {  	[smem:$0x3FB8] =	sst s0;
	s0 =	simm.s32 @!p1 $0x0  }
0x14: {  	s2 =	sld [smem:$0x3F9C];
	s0 =	simm.s32 @p1 $0x1  }
0x15: {  	[smem:$0x3FB9] =	sst s0;
	s0 =	simm.s32 @!p2 $0x0  }
0x16: {  	s3 =	sld [smem:$0x3FDB];
	s0 =	simm.s32 @p2 $0x1  }
0x17: {  	s4 =	simm.s32 $0x1BF5;
	[smem:$0x3FBB] =	sst s0  }
0x18: {  	s0 =	sld [smem:$0x3F9E];
	_ =	swait.ge [sflag:s4], $0x0  }
0x19: {  	s7 =	sld [smem:$0x3F9F]  }
0x1a: {  	s8 =	sadd.s32 $0xFFFFE003, lr  }
0x1b: {  	s9 =	sadd.s32 $0xFFFFFEF7, lr;
	s5 =	simm.s32 $0xFFFFFFFF;
	p2 =	slt.u32 s8, $0xFFFFF086  }
0x1c: {  	p1 =	slt.u32 s9, $0xF7A;
	s5 =	simm.s32 @!p2 $0x0  }
0x1d: {  	s5 =	simm.s32 @p1 $0x1;
	p0 =	seq.s32 s7, s2  }
0x1e: {  	s7 =	smul.u32 @!p0 $0xF7A, s2;
	p2 =	seq.s32 @!p0 s5, $0x0  }
0x1f: {  	s9 =	smul.u32 $0xF7A, s1;
	s8 =	simm.s32 @!p0 $0x1BF5;
	p2 =	por !p2, p0  }
0x20: {  	[sflag:s8] =	ssyncset.s32 @!p0 $0xFFFFF086;
	s6 =	sadd.s32 @!p0 s3, s7;
	s7 =	simm.s32 @!p0 $0x108  }
0x21: {  	s3 =	sadd.s32 s3, s9;
	s6 =	sadd.s32 @!p0 $0x88, s6;
	s7 =	simm.s32 @p2 $0x1082  }
0x22: {  	[simem:s7], [sflag:s8] =	dma.local @!p0 [hbm:s6], $0xF7A  }
0x23: {  	s9 =	sor.u32 $0xD0000000, s2;
	s6 =	simm.s32 $0x108;
	_ =	swait.ge @!p0 [sflag:s8], $0x0  }
0x24: {  	s3 =	sadd.s32 $0x88, s3;
	s6 =	simm.s32 @!p1 $0x1082;
	[sflag:s4] =	ssyncset.s32 $0xFFFFF086  }
0x25: {  	[simem:s6], [sflag:s4] =	dma.local [hbm:s3], $0xF7A  }
0x26: {  	[smem:$0x3F9F] =	sst s1;
	(tag) =	ssettag s2;
	_ =	strace s9  }
0x27: {  	s1 =	sld [smem:$0x3FAF]  }
0x28: {  	s2 =	sld [smem:$0x3FB0]  }
0x29: {  	s4 =	sld [smem:$0x3FB2]  }
0x2a: {  	p0 =	seq.s32 s5, $0x0;
	s5 =	sld [smem:$0x3FB3]  }
0x2b: {  	s6 =	sld [smem:$0x3FB4]  }
0x2c: {  	s7 =	sld [smem:$0x3FB5]  }
0x2d: {  	s3 =	simm.s32 $0x108;
	s8 =	sld [smem:$0x3FB6]  }
0x2e: {  	s3 =	simm.s32 @!p0 $0x1082;
	s9 =	sld [smem:$0x3FB7]  }
0x2f: {  	lr =	sadd.s32 s0, s3;
	s0 =	sld [smem:$0x3FAE]  }
0x30: {  	s3 =	sld [smem:$0x3FB1]  }
0x31: {  	[smem:$0x3FBA] =	sst s10  }
0x32: {  	s10 =	sld [smem:$0x3FB8];
	_ =	sdelay $0x3  }
0x33: {  	p0 =	seq.s32 s10, $0x1;
	s10 =	sld [smem:$0x3FBA];
	_ =	sdelay $0x3  }
0x34: {  	[smem:$0x3FBA] =	sst s10  }
0x35: {  	s10 =	sld [smem:$0x3FB9];
	_ =	sdelay $0x3  }
0x36: {  	p1 =	seq.s32 s10, $0x1;
	s10 =	sld [smem:$0x3FBA];
	_ =	sdelay $0x3  }
0x37: {  	[smem:$0x3FBA] =	sst s10  }
0x38: {  	s10 =	sld [smem:$0x3FBB]  }
0x39: {  	_ = 	snop;
	(pc) =	sbr.ind lr, $3  }
0x3a: {  	_ = 	snop  }
0x3b: {  	_ = 	snop  }
0x3c: {  	p2 =	seq.s32 s10, $0x1;
	s10 =	sld [smem:$0x3FBA]  }
0x3d: {  	_ =	shalt  }
0x3e: {  	_ =	shalt  }
0x3f: {  	_ =	shalt  }
0x40: {  	_ =	shalt  }
0x41: {  	_ =	shalt  }
0x42: {  	_ =	shalt  }
0x43: {  	_ =	shalt  }
0x44: {  	_ =	shalt  }
0x45: {  	_ =	shalt  }
0x46: {  	_ =	shalt  }
0x47: {  	_ =	shalt  }
0x48: {  	_ =	shalt  }
0x49: {  	_ =	shalt  }
0x4a: {  	_ =	shalt  }
0x4b: {  	_ =	shalt  }
0x4c: {  	_ =	shalt  }
0x4d: {  	_ =	shalt  }
0x4e: {  	_ =	shalt  }
0x4f: {  	_ =	shalt  }
0x50: {  	_ =	shalt  }
0x51: {  	_ =	shalt  }
0x52: {  	_ =	shalt  }
0x53: {  	_ =	shalt  }
0x54: {  	_ =	shalt  }
0x55: {  	_ =	shalt  }
0x56: {  	_ =	shalt  }
0x57: {  	_ =	shalt  }
0x58: {  	_ =	shalt  }
0x59: {  	_ =	shalt  }
0x5a: {  	_ =	shalt  }
0x5b: {  	_ =	shalt  }
0x5c: {  	_ =	shalt  }
0x5d: {  	_ =	shalt  }
0x5e: {  	_ =	shalt  }
0x5f: {  	_ =	shalt  }
0x60: {  	_ =	shalt  }
0x61: {  	_ =	shalt  }
0x62: {  	_ =	shalt  }
0x63: {  	_ =	shalt  }
0x64: {  	_ =	shalt  }
0x65: {  	_ =	shalt  }
0x66: {  	_ =	shalt  }
0x67: {  	_ =	shalt  }
0x68: {  	_ =	shalt  }
0x69: {  	_ =	shalt  }
0x6a: {  	_ =	shalt  }
0x6b: {  	_ =	shalt  }
0x6c: {  	_ =	shalt  }
0x6d: {  	_ =	shalt  }
0x6e: {  	_ =	shalt  }
0x6f: {  	_ =	shalt  }
0x70: {  	_ =	shalt  }
0x71: {  	_ =	shalt  }
0x72: {  	_ =	shalt  }
0x73: {  	_ =	shalt  }
0x74: {  	_ =	shalt  }
0x75: {  	_ =	shalt  }
0x76: {  	_ =	shalt  }
0x77: {  	_ =	shalt  }
0x78: {  	_ =	shalt  }
0x79: {  	_ =	shalt  }
0x7a: {  	_ =	shalt  }
0x7b: {  	_ =	shalt  }
0x7c: {  	_ =	shalt  }
0x7d: {  	_ =	shalt  }
0x7e: {  	_ =	shalt  }
0x7f: {  	_ =	shalt  }
0x80: {  	_ =	shalt  }
0x81: {  	_ =	shalt  }
0x82: {  	_ =	shalt  }
0x83: {  	_ =	shalt  }
0x84: {  	_ =	shalt  }
0x85: {  	_ =	shalt  }
0x86: {  	_ =	shalt  }
0x87: {  	_ =	shalt  }
.Lfunc_end0:
.L_simem_size_0:
called_computation.1_lowered:
.L_overlay_start_0:
0x88: {  	s2 =	sld [smem:$0x3FD9]  }
0x89: {  	s3 =	sld [smem:$0x3FFE];
	_ =	sdelay $0x1  }
0x8a: {  	s1 =	srdreg.scid  }
0x8b: {  	s0 =	sand.u32 $0x1, s1  }
0x8c: {  	s17 =	sshll.u32 s0, $0xA;
	s2 =	sadd.s32 s3, s2  }
0x8d: {  	s2 =	sadd.s32 s2, s17  }
0x8e: {  	[smem:$0x3FC6] =	sst s2  }
0x8f: {  	_ = 	snop  }
0x90: {  	s2 =	sld [smem:$0x3FD0];
	(tm) =	ssettm $0x1  }
0x91: {  	s18 =	sld [smem:$0x3FFB];
	_ =	sdelay $0x3  }
0x92: {  	_ =	strace s18  }
0x93: {  	s3 =	sld [smem:$0x3FFC];
	_ =	sdelay $0x3  }
0x94: {  	_ =	strace s3  }
0x95: {  	s3 =	sld [smem:$0x3FFD];
	_ =	sdelay $0x3  }
0x96: {  	_ =	strace s3  }
0x97: {  	_ =	strace $0x8FFFFFFF  }
0x98: {  	s19 =	sld [smem:$0x3FDB];
	_ =	sdelay $0x1  }
0x99: {  	s4 =	simm.s32 $_scs_section_size  }
0x9a: {  	s5 =	simm.s32 $_size__tile_overlayer_lowered;
	s6 =	simm.s32 $_tile_overlayer_lowered  }
0x9b: {  	s22 =	simm.s32 $0x1BFF;
	s21 =	sshll.u32 s6, $0x1;
	s3 =	sadd.s32 s4, s19  }
0x9c: {  	s7 =	simm.s32 $0x0;
	s20 =	sshll.u32 s5, $0x1;
	s5 =	sadd.s32 s21, s3  }
0x9d: {  	[timem:s7], [sflag:s22] =	dma.local [hbm:s5], s20  }
0x9e: {  	_ =	swait.ge [sflag:s22], s20  }
0x9f: {  	s4 =	ssub.s32 $0x0, s20;
	[sflag:s22] =	ssyncset.done $0x0  }
0xa0: {  	[sflag:s22] =	ssyncadd.s32 s4;
	_ =	sdelay $0x1  }
0xa1: {  	s23 =	simm.s32 $0x1B8B  }
0xa2: {  	_ =	swait.ge [sflag:s23], $0x1  }
0xa3: {  	[sflag:s23] =	ssyncset.done $0x0  }
0xa4: {  	s25 =	simm.s32 $0x1B8E;
	s24 =	sld [smem:$0x3FFE];
	[sflag:s23] =	ssyncadd.s32 $0xFFFFFFFF  }
0xa5: {  	s26 =	simm.s32 $execute0_lowered;
	[smem:$0x3FD2] =	sst s25  }
0xa6: {  	s5 =	sshll.u32 s26, $0x1;
	_ =	strace $0x80000046;
	[dreg:$0x1] =	wrdreg $0xFFFFFFFF  }
0xa7: {  	s28 =	simm.s32 $_size_execute0_lowered;
	s3 =	sadd.s32 s3, s5;
	[dreg:$0x0] =	wrdreg $0x0  }
0xa8: {  	s5 =	sshll.u32 s28, $0x1;
	[dreg:$0x2] =	wrdreg s3  }
0xa9: {  	[dreg:$0x3] =	wrdreg s5  }
0xaa: {  	[dreg:$0x4] =	wrdreg $0xC0  }
0xab: {  	_ =	task [dreg:s7], $0x5FFFF  }
0xac: {  	[dreg:$0x1] =	wrdreg $0xFFFFFFFF  }
0xad: {  	[dreg:$0x0] =	wrdreg $0x60  }
0xae: {  	[dreg:$0x2] =	wrdreg s24  }
0xaf: {  	[dreg:$0x3] =	wrdreg s2  }
0xb0: {  	[dreg:$0x4] =	wrdreg $0x9  }
0xb1: {  	_ =	task.clear_ibuf [dreg:s7], $0x5FFFF;
	_ =	strace $0x90000046  }
0xb2: {  	s29 =	simm.s32 $0x9;
	_ =	strace $0x80000048  }
0xb3: {  	_ =	swait.ge [sflag:s29], $0x1  }
0xb4: {  	[sflag:s29] =	ssyncadd.s32 $0xFFFFFFFF  }
0xb5: {  	_ =	strace $0x90000048  }
0xb6: {  	_ =	sfence  }
0xb7: {  	s30 =	sld [smem:$0x0];
	_ =	sdelay $0x2  }
0xb8: {  	s31 =	sshll.u32 s1, $0xD;
	s1 =	sshrl.u32 s1, $0x2  }
0xb9: {  	s3 =	sand.u32 $0x4000, s31;
	s1 =	sadd.s32 s1, s30  }
0xba: {  	s0 =	sor.u32 s3, s0;
	s1 =	sshll.u32 s1, $0x11  }
0xbb: {  	s0 =	sor.u32 s1, s0  }
0xbc: {  	s0 =	sadd.s32 $0x8F2B, s0  }
0xbd: {  	[sflag:s0] =	ssyncadd.remote.s32 $0x1  }
0xbe: {  	_ =	sfence.sel $0xFFFF  }
0xbf: {  	[dreg:$0x0] =	wrdreg $0xFFFFFFFF;
	(pc) =	sbr.abs _section_cstart, $3  }
0xc0: {  	[dreg:$0x1] =	wrdreg $0xFFFFFFFF  }
0xc1: {  	_ =	task.clear_ibuf [dreg:s7], $0x2FFFF;
	_ =	strace $0x9FFFFFFF  }
0xc2: {  	(tm) =	ssettm $0x7FFFFFFF  }
0xc3: {  	_ =	shalt  }
tec
execute0_lowered:
.L_overlay_start_1:
0x0: {  	(tag) =	ssettag $0x1  }
0x1: {  	s0 =	srdreg.scid  }
0x2: {  	s1 =	stileid.u32;
	s3 =	rddreg [dreg:$0x0];
	s2 =	simm.s32 $0x0  }
0x3: {  	s29 =	simm.s32 $0x400;
	s28 =	simm.s32 $0x600;
	p0 =	por $0x0, $0x0  }
0x4: {  	s31 =	simm.s32 $0xA00;
	s6 =	sand.u32 $0x1, s0;
	s24 =	sshll.u32 s1, $0x1  }
0x5: {  	s30 =	simm.s32 $0xC00;
	s1 =	rddreg [dreg:$0x1];
	s0 =	sor.u32 s6, s24  }
0x6: {  	[smem:$0x7FF] =	sst s2;
	s4 =	sadd.s32 $0xA00, s3;
	s5 =	smul.u32 $0x3400, s0  }
0x7: {  	s3 =	sadd.s32 $0xF42E00, s3;
	_ =	strace $0x80000047;
	s6 =	ssub.s32 $0x2, s6  }
0x8: {  	s0 =	smul.u32 $0xD000, s0;
	s7 =	sshrl.u32 s5, $0x3;
	s8 =	sor.u32 $0x200, s5  }
0x9: {  	s26 =	sadd.s32 $0x400, s5;
	s10 =	sadd.s32 $0x600, s5;
	s12 =	sadd.s32 $0x800, s5  }
0xa: {  	s0 =	sadd.s32 s1, s0;
	s7 =	sadd.s32 s4, s7;
	s9 =	sshrl.u32 s8, $0x3  }
0xb: {  	s13 =	sshrl.u32 s26, $0x3;
	s11 =	sshrl.u32 s10, $0x3;
	s15 =	sshrl.u32 s12, $0x3  }
0xc: {  	[dreg:$0xa] =	wrdreg s0;
	s21 =	sshll.u32 s8, $0x2;
	s24 =	sshll.u32 s26, $0x2  }
0xd: {  	s10 =	sshll.u32 s10, $0x2;
	[dreg:$0x3] =	wrdreg s7;
	s25 =	sadd.s32 s4, s9  }
0xe: {  	s7 =	sadd.s32 s4, s13;
	s14 =	sadd.s32 s4, s11;
	s16 =	sadd.s32 s4, s15  }
0xf: {  	s11 =	sadd.s32 $0xA00, s5;
	s13 =	sadd.s32 $0xC00, s5;
	[dreg:$0x4] =	wrdreg s25  }
0x10: {  	s22 =	sadd.s32 s1, s21;
	s9 =	sadd.s32 $0x1200, s5;
	[dreg:$0x5] =	wrdreg s7  }
0x11: {  	s15 =	sadd.s32 s1, s10;
	s10 =	sadd.s32 $0x1800, s5;
	[dreg:$0x6] =	wrdreg s14  }
0x12: {  	[dreg:$0x7] =	wrdreg s16;
	s17 =	sshrl.u32 s11, $0x3;
	s14 =	sshrl.u32 s13, $0x3  }
0x13: {  	[dreg:$0xc] =	wrdreg s22;
	s25 =	sadd.s32 s1, s24;
	s26 =	sshrl.u32 s9, $0x3  }
0x14: {  	[dreg:$0x10] =	wrdreg s15;
	s21 =	sshll.u32 s11, $0x2;
	s24 =	sshll.u32 s13, $0x2  }
0x15: {  	s13 =	sadd.s32 $0x1A00, s5;
	s11 =	sadd.s32 $0x1C00, s5;
	s7 =	sadd.s32 s4, s17  }
0x16: {  	s18 =	sadd.s32 s4, s14;
	s14 =	sadd.s32 $0xE00, s5;
	[dreg:$0xe] =	wrdreg s25  }
0x17: {  	s8 =	sadd.s32 s4, s26;
	s17 =	sshll.u32 s12, $0x2;
	[dreg:$0x8] =	wrdreg s7  }
0x18: {  	s12 =	sadd.s32 $0x1600, s5;
	s22 =	sadd.s32 s1, s21;
	[dreg:$0x9] =	wrdreg s18  }
0x19: {  	s25 =	sadd.s32 s1, s24;
	s26 =	sshrl.u32 s13, $0x3;
	[dreg:$0xf] =	wrdreg s8  }
0x1a: {  	s19 =	sshrl.u32 s14, $0x3;
	s7 =	sadd.s32 $0x1000, s5;
	[dreg:$0x14] =	wrdreg s22  }
0x1b: {  	s8 =	sadd.s32 $0x1400, s5;
	s18 =	sadd.s32 s1, s17;
	[dreg:$0x16] =	wrdreg s25  }
0x1c: {  	s15 =	sadd.s32 s4, s26;
	s22 =	sshll.u32 s9, $0x2;
	s9 =	sadd.s32 $0x2200, s5  }
0x1d: {  	s20 =	sadd.s32 s4, s19;
	s23 =	sshrl.u32 s7, $0x3;
	[dreg:$0x12] =	wrdreg s18  }
0x1e: {  	s16 =	sshrl.u32 s8, $0x3;
	s19 =	sshrl.u32 s12, $0x3;
	[dreg:$0x17] =	wrdreg s15  }
0x1f: {  	s18 =	sshrl.u32 s11, $0x3;
	s7 =	sshll.u32 s7, $0x2;
	s8 =	sshll.u32 s8, $0x2  }
0x20: {  	s26 =	sshrl.u32 s9, $0x3;
	s15 =	sshll.u32 s12, $0x2;
	s12 =	sadd.s32 $0x2600, s5  }
0x21: {  	s11 =	sshll.u32 s11, $0x2;
	[dreg:$0xb] =	wrdreg s20;
	s0 =	sadd.s32 s4, s23  }
0x22: {  	s20 =	sadd.s32 s4, s19;
	s23 =	sshrl.u32 s10, $0x3;
	s19 =	sadd.s32 s1, s7  }
0x23: {  	s7 =	sadd.s32 $0x2000, s5;
	s25 =	sadd.s32 s1, s8;
	[dreg:$0xd] =	wrdreg s0  }
0x24: {  	s8 =	sadd.s32 s4, s26;
	s10 =	sshll.u32 s10, $0x2;
	[dreg:$0x13] =	wrdreg s20  }
0x25: {  	s0 =	sadd.s32 s4, s16;
	s16 =	sshll.u32 s14, $0x2;
	[dreg:$0x1a] =	wrdreg s19  }
0x26: {  	s14 =	sadd.s32 $0x1E00, s5;
	s24 =	sshrl.u32 s7, $0x3;
	[dreg:$0x1e] =	wrdreg s25  }
0x27: {  	[dreg:$0x1f] =	wrdreg s8;
	s8 =	sadd.s32 $0x2400, s5;
	s19 =	sshrl.u32 s12, $0x3  }
0x28: {  	s25 =	sadd.s32 s1, s11;
	s12 =	sshll.u32 s12, $0x2;
	[dreg:$0x11] =	wrdreg s0  }
0x29: {  	s0 =	sadd.s32 s4, s23;
	s17 =	sadd.s32 s1, s16;
	[smem:$0x7F8] =	sst s25  }
0x2a: {  	s20 =	sshrl.u32 s14, $0x3;
	s23 =	sadd.s32 s1, s22;
	[dreg:$0x15] =	wrdreg s0  }
0x2b: {  	s16 =	sadd.s32 s1, s15;
	s15 =	sadd.s32 $0x2A00, s5;
	[dreg:$0x18] =	wrdreg s17  }
0x2c: {  	s0 =	sadd.s32 s4, s18;
	s21 =	sadd.s32 s4, s20;
	[dreg:$0x1c] =	wrdreg s23  }
0x2d: {  	[smem:$0x7F2] =	sst s16;
	s17 =	sshrl.u32 s8, $0x3;
	s18 =	sadd.s32 s1, s10  }
0x2e: {  	s20 =	sadd.s32 s4, s19;
	s10 =	sadd.s32 $0x2800, s5;
	[dreg:$0x19] =	wrdreg s0  }
0x2f: {  	s23 =	sshrl.u32 s6, $0x1;
	s26 =	sshrl.u32 s15, $0x3;
	[dreg:$0x1b] =	wrdreg s21  }
0x30: {  	s0 =	sadd.s32 s4, s24;
	[smem:$0x7F4] =	sst s18;
	s21 =	sshll.u32 s13, $0x2  }
0x31: {  	[smem:$0x7F5] =	sst s20;
	s24 =	sshrl.u32 s10, $0x3;
	s16 =	sadd.s32 s4, s26  }
0x32: {  	s13 =	ssub.s32 s6, s23;
	s20 =	sshll.u32 s7, $0x2;
	s6 =	sadd.s32 $0x3000, s5  }
0x33: {  	s26 =	sadd.s32 $0x3200, s5;
	[dreg:$0x1d] =	wrdreg s0;
	s0 =	sadd.s32 s4, s17  }
0x34: {  	s22 =	sadd.s32 s1, s21;
	s17 =	sshll.u32 s14, $0x2;
	[smem:$0x7F9] =	sst s16  }
0x35: {  	s14 =	sadd.s32 $0x2C00, s5;
	s21 =	sadd.s32 s1, s20;
	[smem:$0x7F3] =	sst s0  }
0x36: {  	s25 =	sshrl.u32 s6, $0x3;
	s11 =	sshrl.u32 s26, $0x3;
	[smem:$0x7F6] =	sst s22  }
0x37: {  	s0 =	sadd.s32 s4, s24;
	s18 =	sadd.s32 s1, s17;
	s19 =	sshrl.u32 s14, $0x3  }
0x38: {  	s17 =	sadd.s32 $0x2E00, s5;
	[smem:$0x7FC] =	sst s21;
	s24 =	sshll.u32 s9, $0x2  }
0x39: {  	s20 =	sadd.s32 s4, s25;
	s9 =	sshll.u32 s8, $0x2;
	s16 =	sadd.s32 s4, s11  }
0x3a: {  	s11 =	sadd.s32 s1, s12;
	s25 =	sshll.u32 s6, $0x2;
	[smem:$0x7F7] =	sst s0  }
0x3b: {  	[smem:$0x7FA] =	sst s18;
	s0 =	sadd.s32 s4, s19;
	s22 =	sshrl.u32 s17, $0x3  }
0x3c: {  	s21 =	sadd.s32 s1, s24;
	s19 =	sadd.s32 s1, s9;
	s18 =	sshll.u32 s10, $0x2  }
0x3d: {  	s24 =	sshll.u32 s17, $0x2;
	s6 =	sadd.s32 s1, s25;
	s17 =	simm.s32 $0xE00  }
0x3e: {  	s10 =	simm.s32 $0x10E00;
	s25 =	simm.s32 $0x18E00;
	[smem:$0x7FB] =	sst s0  }
0x3f: {  	s23 =	sadd.s32 s4, s22;
	s22 =	sshll.u32 s15, $0x2;
	s12 =	sadd.s32 s1, s18  }
0x40: {  	s0 =	sshll.u32 s26, $0x2;
	s8 =	sadd.s32 s1, s24;
	s26 =	smax.u32 s13, $0x1  }
0x41: {  	s15 =	simm.s32 $0x4E00;
	s13 =	simm.s32 $0xCE00;
	p1 =	sne.s32 s26, $0x1  }
.Ltmp0:
0x42: {  	s24 =	simm.s32 $0x800;
	s18 =	simm.s32 $0x1;
	(pc) =	sbr.rel @!p1 .LBB2_3-.Ltmp0, $4  }
0x43: {  	s4 =	simm.s32 $0x2;
	[smem:$0x7FD] =	sst s23;
	s23 =	sshll.u32 s14, $0x2  }
0x44: {  	s9 =	sadd.s32 s1, s22;
	s5 =	sadd.s32 s1, s0;
	s22 =	simm.s32 $0x3  }
0x45: {  	s14 =	simm.s32 $0x8E00;
	s0 =	rddreg [dreg:$0x3];
	s7 =	sadd.s32 s1, s23  }
0x46: {  	s23 =	simm.s32 $0x200;
	s1 =	sadd.s32 $0xFFFFFFFF, s26;
	s26 =	simm.s32 $0x14E00  }
0x47: {  	[tilespmem:s2], [sflag:$0x3] =	stream.linear.gather [hbm4b:s0+s2], $0x200, $0x38;
	[tilespmem:$0x1CE00] =	vst v63  }
0x48: {  	_ =	swait.ge [sflag:s22], $0x200  }
0x49: {  	[sflag:s22] =	ssyncset.done $0x0  }
0x4a: {  	[sflag:s22] =	ssyncadd.s32 $0xFFFFFE00  }
0x4b: {  	[tilespmem:s17], [sflag:$0x1] =	stream.indirect.gather [hbm4b:s3+s23], $0x20, s2, s23, $0xb8;
	[tilespmem:$0x1CE00] =	vst v63  }
0x4c: {  	s0 =	rddreg [dreg:$0x4]  }
0x4d: {  	[tilespmem:s23], [sflag:$0x3] =	stream.linear.gather [hbm4b:s0+s2], $0x200, $0x38;
	[tilespmem:$0x1CE00] =	vst v63  }
0x4e: {  	_ =	swait.ge [sflag:s22], $0x200  }
0x4f: {  	[sflag:s22] =	ssyncset.done $0x0  }
0x50: {  	[sflag:s22] =	ssyncadd.s32 $0xFFFFFE00  }
0x51: {  	[tilespmem:s15], [sflag:$0x1] =	stream.indirect.gather [hbm4b:s3+s23], $0x20, s23, s23, $0xb8;
	[tilespmem:$0x1CE00] =	vst v63  }
0x52: {  	s0 =	rddreg [dreg:$0x5]  }
0x53: {  	[tilespmem:s29], [sflag:$0x3] =	stream.linear.gather [hbm4b:s0+s2], $0x200, $0x38;
	[tilespmem:$0x1CE00] =	vst v63  }
0x54: {  	_ =	swait.ge [sflag:s22], $0x200  }
0x55: {  	[sflag:s22] =	ssyncset.done $0x0  }
0x56: {  	[sflag:s22] =	ssyncadd.s32 $0xFFFFFE00  }
0x57: {  	[tilespmem:s14], [sflag:$0x1] =	stream.indirect.gather [hbm4b:s3+s23], $0x20, s29, s23, $0xb8;
	[tilespmem:$0x1CE00] =	vst v63  }
0x58: {  	s0 =	rddreg [dreg:$0x6]  }
0x59: {  	[tilespmem:s28], [sflag:$0x3] =	stream.linear.gather [hbm4b:s0+s2], $0x200, $0x38;
	[tilespmem:$0x1CE00] =	vst v63  }
0x5a: {  	_ =	swait.ge [sflag:s22], $0x200  }
0x5b: {  	[sflag:s22] =	ssyncset.done $0x0  }
0x5c: {  	[sflag:s22] =	ssyncadd.s32 $0xFFFFFE00  }
0x5d: {  	[tilespmem:s13], [sflag:$0x1] =	stream.indirect.gather [hbm4b:s3+s23], $0x20, s28, s23, $0xb8;
	[tilespmem:$0x1CE00] =	vst v63  }
0x5e: {  	s0 =	rddreg [dreg:$0x7]  }
0x5f: {  	[tilespmem:s24], [sflag:$0x3] =	stream.linear.gather [hbm4b:s0+s2], $0x200, $0x38;
	[tilespmem:$0x1CE00] =	vst v63  }
0x60: {  	_ =	swait.ge [sflag:s22], $0x200  }
0x61: {  	[sflag:s22] =	ssyncset.done $0x0  }
0x62: {  	[sflag:s22] =	ssyncadd.s32 $0xFFFFFE00  }
0x63: {  	[tilespmem:s10], [sflag:$0x1] =	stream.indirect.gather [hbm4b:s3+s23], $0x20, s24, s23, $0xb8;
	[tilespmem:$0x1CE00] =	vst v63  }
0x64: {  	s0 =	rddreg [dreg:$0x8]  }
0x65: {  	[tilespmem:s31], [sflag:$0x3] =	stream.linear.gather [hbm4b:s0+s2], $0x200, $0x38;
	[tilespmem:$0x1CE00] =	vst v63  }
0x66: {  	_ =	swait.ge [sflag:s22], $0x200  }
0x67: {  	[sflag:s22] =	ssyncset.done $0x0  }
0x68: {  	[sflag:s22] =	ssyncadd.s32 $0xFFFFFE00  }
0x69: {  	[tilespmem:s26], [sflag:$0x1] =	stream.indirect.gather [hbm4b:s3+s23], $0x20, s31, s23, $0xb8;
	[tilespmem:$0x1CE00] =	vst v63  }
0x6a: {  	s0 =	rddreg [dreg:$0x9]  }
0x6b: {  	[tilespmem:s30], [sflag:$0x3] =	stream.linear.gather [hbm4b:s0+s2], $0x200, $0x38;
	[tilespmem:$0x1CE00] =	vst v63  }
0x6c: {  	_ =	swait.ge [sflag:s22], $0x200  }
0x6d: {  	[sflag:s22] =	ssyncset.done $0x0  }
0x6e: {  	[sflag:s22] =	ssyncadd.s32 $0xFFFFFE00  }
0x6f: {  	[tilespmem:s25], [sflag:$0x1] =	stream.indirect.gather [hbm4b:s3+s23], $0x20, s30, s23, $0xb8;
	[tilespmem:$0x1CE00] =	vst v63  }
0x70: {  	_ =	swait.ge [sflag:s18], $0x4000  }
0x71: {  	[sflag:s18] =	ssyncset.done $0x0  }
0x72: {  	s0 =	rddreg [dreg:$0xa];
	[sflag:s18] =	ssyncadd.s32 $0xFFFFC000  }
0x73: {  	[hbm4b:s0+s2] =	stream.linear.scatter [tilespmem:s17], [sflag:$0x2], $0x4000, $0x38;
	[tilespmem:$0x1CE00] =	vst v63  }
0x74: {  	_ =	swait.ge [sflag:s4], $0x4000  }
0x75: {  	[sflag:s4] =	ssyncset.done $0x0  }
0x76: {  	s0 =	rddreg [dreg:$0xb];
	[sflag:s4] =	ssyncadd.s32 $0xFFFFC000  }
0x77: {  	[tilespmem:s2], [sflag:$0x3] =	stream.linear.gather [hbm4b:s0+s2], $0x200, $0x38;
	[tilespmem:$0x1CE00] =	vst v63  }
0x78: {  	_ =	swait.ge [sflag:s22], $0x200  }
0x79: {  	[sflag:s22] =	ssyncset.done $0x0  }
0x7a: {  	[sflag:s22] =	ssyncadd.s32 $0xFFFFFE00  }
0x7b: {  	[tilespmem:s17], [sflag:$0x1] =	stream.indirect.gather [hbm4b:s3+s23], $0x20, s2, s23, $0xb8;
	[tilespmem:$0x1CE00] =	vst v63  }
0x7c: {  	_ =	swait.ge [sflag:s18], $0x4000  }
0x7d: {  	[sflag:s18] =	ssyncset.done $0x0  }
0x7e: {  	s0 =	rddreg [dreg:$0xc];
	[sflag:s18] =	ssyncadd.s32 $0xFFFFC000  }
0x7f: {  	[hbm4b:s0+s2] =	stream.linear.scatter [tilespmem:s15], [sflag:$0x2], $0x4000, $0x38;
	[tilespmem:$0x1CE00] =	vst v63  }
0x80: {  	_ =	swait.ge [sflag:s4], $0x4000  }
0x81: {  	[sflag:s4] =	ssyncset.done $0x0  }
0x82: {  	s0 =	rddreg [dreg:$0xd];
	[sflag:s4] =	ssyncadd.s32 $0xFFFFC000  }
0x83: {  	[tilespmem:s23], [sflag:$0x3] =	stream.linear.gather [hbm4b:s0+s2], $0x200, $0x38;
	[tilespmem:$0x1CE00] =	vst v63  }
0x84: {  	_ =	swait.ge [sflag:s22], $0x200  }
0x85: {  	[sflag:s22] =	ssyncset.done $0x0  }
0x86: {  	[sflag:s22] =	ssyncadd.s32 $0xFFFFFE00  }
0x87: {  	[tilespmem:s15], [sflag:$0x1] =	stream.indirect.gather [hbm4b:s3+s23], $0x20, s23, s23, $0xb8;
	[tilespmem:$0x1CE00] =	vst v63  }
0x88: {  	_ =	swait.ge [sflag:s18], $0x4000  }
0x89: {  	[sflag:s18] =	ssyncset.done $0x0  }
0x8a: {  	s0 =	rddreg [dreg:$0xe];
	[sflag:s18] =	ssyncadd.s32 $0xFFFFC000  }
0x8b: {  	[hbm4b:s0+s2] =	stream.linear.scatter [tilespmem:s14], [sflag:$0x2], $0x4000, $0x38;
	[tilespmem:$0x1CE00] =	vst v63  }
0x8c: {  	_ =	swait.ge [sflag:s4], $0x4000  }
0x8d: {  	[sflag:s4] =	ssyncset.done $0x0  }
0x8e: {  	s0 =	rddreg [dreg:$0xf];
	[sflag:s4] =	ssyncadd.s32 $0xFFFFC000  }
0x8f: {  	[tilespmem:s29], [sflag:$0x3] =	stream.linear.gather [hbm4b:s0+s2], $0x200, $0x38;
	[tilespmem:$0x1CE00] =	vst v63  }
0x90: {  	_ =	swait.ge [sflag:s22], $0x200  }
0x91: {  	[sflag:s22] =	ssyncset.done $0x0  }
0x92: {  	[sflag:s22] =	ssyncadd.s32 $0xFFFFFE00  }
0x93: {  	[tilespmem:s14], [sflag:$0x1] =	stream.indirect.gather [hbm4b:s3+s23], $0x20, s29, s23, $0xb8;
	[tilespmem:$0x1CE00] =	vst v63  }
0x94: {  	_ =	swait.ge [sflag:s18], $0x4000  }
0x95: {  	[sflag:s18] =	ssyncset.done $0x0  }
0x96: {  	s0 =	rddreg [dreg:$0x10];
	[sflag:s18] =	ssyncadd.s32 $0xFFFFC000  }
0x97: {  	[hbm4b:s0+s2] =	stream.linear.scatter [tilespmem:s13], [sflag:$0x2], $0x4000, $0x38;
	[tilespmem:$0x1CE00] =	vst v63  }
0x98: {  	_ =	swait.ge [sflag:s4], $0x4000  }
0x99: {  	[sflag:s4] =	ssyncset.done $0x0  }
0x9a: {  	s0 =	rddreg [dreg:$0x11];
	[sflag:s4] =	ssyncadd.s32 $0xFFFFC000  }
0x9b: {  	[tilespmem:s28], [sflag:$0x3] =	stream.linear.gather [hbm4b:s0+s2], $0x200, $0x38;
	[tilespmem:$0x1CE00] =	vst v63  }
0x9c: {  	_ =	swait.ge [sflag:s22], $0x200  }
0x9d: {  	[sflag:s22] =	ssyncset.done $0x0  }
0x9e: {  	[sflag:s22] =	ssyncadd.s32 $0xFFFFFE00  }
0x9f: {  	[tilespmem:s13], [sflag:$0x1] =	stream.indirect.gather [hbm4b:s3+s23], $0x20, s28, s23, $0xb8;
	[tilespmem:$0x1CE00] =	vst v63  }
0xa0: {  	_ =	swait.ge [sflag:s18], $0x4000  }
0xa1: {  	[sflag:s18] =	ssyncset.done $0x0  }
0xa2: {  	s0 =	rddreg [dreg:$0x12];
	[sflag:s18] =	ssyncadd.s32 $0xFFFFC000  }
0xa3: {  	[hbm4b:s0+s2] =	stream.linear.scatter [tilespmem:s10], [sflag:$0x2], $0x4000, $0x38;
	[tilespmem:$0x1CE00] =	vst v63  }
0xa4: {  	_ =	swait.ge [sflag:s4], $0x4000  }
0xa5: {  	[sflag:s4] =	ssyncset.done $0x0  }
0xa6: {  	s0 =	rddreg [dreg:$0x13];
	[sflag:s4] =	ssyncadd.s32 $0xFFFFC000  }
0xa7: {  	[tilespmem:s24], [sflag:$0x3] =	stream.linear.gather [hbm4b:s0+s2], $0x200, $0x38;
	[tilespmem:$0x1CE00] =	vst v63  }
0xa8: {  	_ =	swait.ge [sflag:s22], $0x200  }
0xa9: {  	[sflag:s22] =	ssyncset.done $0x0  }
0xaa: {  	[sflag:s22] =	ssyncadd.s32 $0xFFFFFE00  }
0xab: {  	[tilespmem:s10], [sflag:$0x1] =	stream.indirect.gather [hbm4b:s3+s23], $0x20, s24, s23, $0xb8;
	[tilespmem:$0x1CE00] =	vst v63  }
0xac: {  	_ =	swait.ge [sflag:s18], $0x4000  }
0xad: {  	[sflag:s18] =	ssyncset.done $0x0  }
0xae: {  	s0 =	rddreg [dreg:$0x14];
	[sflag:s18] =	ssyncadd.s32 $0xFFFFC000  }
0xaf: {  	[hbm4b:s0+s2] =	stream.linear.scatter [tilespmem:s26], [sflag:$0x2], $0x4000, $0x38;
	[tilespmem:$0x1CE00] =	vst v63  }
0xb0: {  	_ =	swait.ge [sflag:s4], $0x4000  }
0xb1: {  	[sflag:s4] =	ssyncset.done $0x0  }
0xb2: {  	s0 =	rddreg [dreg:$0x15];
	[sflag:s4] =	ssyncadd.s32 $0xFFFFC000  }
0xb3: {  	[tilespmem:s31], [sflag:$0x3] =	stream.linear.gather [hbm4b:s0+s2], $0x200, $0x38;
	[tilespmem:$0x1CE00] =	vst v63  }
0xb4: {  	_ =	swait.ge [sflag:s22], $0x200  }
0xb5: {  	[sflag:s22] =	ssyncset.done $0x0  }
0xb6: {  	[sflag:s22] =	ssyncadd.s32 $0xFFFFFE00  }
0xb7: {  	[tilespmem:s26], [sflag:$0x1] =	stream.indirect.gather [hbm4b:s3+s23], $0x20, s31, s23, $0xb8;
	[tilespmem:$0x1CE00] =	vst v63  }
0xb8: {  	_ =	swait.ge [sflag:s18], $0x4000  }
0xb9: {  	[sflag:s18] =	ssyncset.done $0x0  }
0xba: {  	s0 =	rddreg [dreg:$0x16];
	[sflag:s18] =	ssyncadd.s32 $0xFFFFC000  }
0xbb: {  	[hbm4b:s0+s2] =	stream.linear.scatter [tilespmem:s25], [sflag:$0x2], $0x4000, $0x38;
	[tilespmem:$0x1CE00] =	vst v63  }
0xbc: {  	_ =	swait.ge [sflag:s4], $0x4000  }
0xbd: {  	[sflag:s4] =	ssyncset.done $0x0  }
0xbe: {  	s0 =	rddreg [dreg:$0x17];
	[sflag:s4] =	ssyncadd.s32 $0xFFFFC000  }
0xbf: {  	[tilespmem:s30], [sflag:$0x3] =	stream.linear.gather [hbm4b:s0+s2], $0x200, $0x38;
	[tilespmem:$0x1CE00] =	vst v63  }
0xc0: {  	_ =	swait.ge [sflag:s22], $0x200  }
0xc1: {  	[sflag:s22] =	ssyncset.done $0x0  }
0xc2: {  	[sflag:s22] =	ssyncadd.s32 $0xFFFFFE00  }
0xc3: {  	[tilespmem:s25], [sflag:$0x1] =	stream.indirect.gather [hbm4b:s3+s23], $0x20, s30, s23, $0xb8;
	[tilespmem:$0x1CE00] =	vst v63  }
0xc4: {  	_ =	swait.ge [sflag:s18], $0x4000  }
0xc5: {  	[sflag:s18] =	ssyncset.done $0x0  }
0xc6: {  	s0 =	rddreg [dreg:$0x18];
	[sflag:s18] =	ssyncadd.s32 $0xFFFFC000  }
0xc7: {  	[hbm4b:s0+s2] =	stream.linear.scatter [tilespmem:s17], [sflag:$0x2], $0x4000, $0x38;
	[tilespmem:$0x1CE00] =	vst v63  }
0xc8: {  	_ =	swait.ge [sflag:s4], $0x4000  }
0xc9: {  	[sflag:s4] =	ssyncset.done $0x0  }
0xca: {  	s0 =	rddreg [dreg:$0x19];
	[sflag:s4] =	ssyncadd.s32 $0xFFFFC000  }
0xcb: {  	[tilespmem:s2], [sflag:$0x3] =	stream.linear.gather [hbm4b:s0+s2], $0x200, $0x38;
	[tilespmem:$0x1CE00] =	vst v63  }
0xcc: {  	_ =	swait.ge [sflag:s22], $0x200  }
0xcd: {  	[sflag:s22] =	ssyncset.done $0x0  }
0xce: {  	[sflag:s22] =	ssyncadd.s32 $0xFFFFFE00  }
0xcf: {  	[tilespmem:s17], [sflag:$0x1] =	stream.indirect.gather [hbm4b:s3+s23], $0x20, s2, s23, $0xb8;
	[tilespmem:$0x1CE00] =	vst v63  }
0xd0: {  	_ =	swait.ge [sflag:s18], $0x4000  }
0xd1: {  	[sflag:s18] =	ssyncset.done $0x0  }
0xd2: {  	s0 =	rddreg [dreg:$0x1a];
	[sflag:s18] =	ssyncadd.s32 $0xFFFFC000  }
0xd3: {  	[hbm4b:s0+s2] =	stream.linear.scatter [tilespmem:s15], [sflag:$0x2], $0x4000, $0x38;
	[tilespmem:$0x1CE00] =	vst v63  }
0xd4: {  	_ =	swait.ge [sflag:s4], $0x4000  }
0xd5: {  	[sflag:s4] =	ssyncset.done $0x0  }
0xd6: {  	s0 =	rddreg [dreg:$0x1b];
	[sflag:s4] =	ssyncadd.s32 $0xFFFFC000  }
0xd7: {  	[tilespmem:s23], [sflag:$0x3] =	stream.linear.gather [hbm4b:s0+s2], $0x200, $0x38;
	[tilespmem:$0x1CE00] =	vst v63  }
0xd8: {  	_ =	swait.ge [sflag:s22], $0x200  }
0xd9: {  	[sflag:s22] =	ssyncset.done $0x0  }
0xda: {  	[sflag:s22] =	ssyncadd.s32 $0xFFFFFE00  }
0xdb: {  	[tilespmem:s15], [sflag:$0x1] =	stream.indirect.gather [hbm4b:s3+s23], $0x20, s23, s23, $0xb8;
	[tilespmem:$0x1CE00] =	vst v63  }
0xdc: {  	_ =	swait.ge [sflag:s18], $0x4000  }
0xdd: {  	[sflag:s18] =	ssyncset.done $0x0  }
0xde: {  	s0 =	rddreg [dreg:$0x1c];
	[sflag:s18] =	ssyncadd.s32 $0xFFFFC000  }
0xdf: {  	[hbm4b:s0+s2] =	stream.linear.scatter [tilespmem:s14], [sflag:$0x2], $0x4000, $0x38;
	[tilespmem:$0x1CE00] =	vst v63  }
0xe0: {  	_ =	swait.ge [sflag:s4], $0x4000  }
0xe1: {  	[sflag:s4] =	ssyncset.done $0x0  }
0xe2: {  	s0 =	rddreg [dreg:$0x1d];
	[sflag:s4] =	ssyncadd.s32 $0xFFFFC000  }
0xe3: {  	[tilespmem:s29], [sflag:$0x3] =	stream.linear.gather [hbm4b:s0+s2], $0x200, $0x38;
	[tilespmem:$0x1CE00] =	vst v63  }
0xe4: {  	_ =	swait.ge [sflag:s22], $0x200  }
0xe5: {  	[sflag:s22] =	ssyncset.done $0x0  }
0xe6: {  	[sflag:s22] =	ssyncadd.s32 $0xFFFFFE00  }
0xe7: {  	[tilespmem:s14], [sflag:$0x1] =	stream.indirect.gather [hbm4b:s3+s23], $0x20, s29, s23, $0xb8;
	[tilespmem:$0x1CE00] =	vst v63  }
0xe8: {  	_ =	swait.ge [sflag:s18], $0x4000  }
0xe9: {  	[sflag:s18] =	ssyncset.done $0x0  }
0xea: {  	s0 =	rddreg [dreg:$0x1e];
	[sflag:s18] =	ssyncadd.s32 $0xFFFFC000  }
0xeb: {  	[hbm4b:s0+s2] =	stream.linear.scatter [tilespmem:s13], [sflag:$0x2], $0x4000, $0x38;
	[tilespmem:$0x1CE00] =	vst v63  }
0xec: {  	_ =	swait.ge [sflag:s4], $0x4000  }
0xed: {  	[sflag:s4] =	ssyncset.done $0x0  }
0xee: {  	s0 =	rddreg [dreg:$0x1f];
	[sflag:s4] =	ssyncadd.s32 $0xFFFFC000  }
0xef: {  	[tilespmem:s28], [sflag:$0x3] =	stream.linear.gather [hbm4b:s0+s2], $0x200, $0x38;
	[tilespmem:$0x1CE00] =	vst v63  }
0xf0: {  	_ =	swait.ge [sflag:s22], $0x200  }
0xf1: {  	[sflag:s22] =	ssyncset.done $0x0  }
0xf2: {  	[sflag:s22] =	ssyncadd.s32 $0xFFFFFE00  }
0xf3: {  	[tilespmem:s13], [sflag:$0x1] =	stream.indirect.gather [hbm4b:s3+s23], $0x20, s28, s23, $0xb8;
	[tilespmem:$0x1CE00] =	vst v63  }
0xf4: {  	_ =	swait.ge [sflag:s18], $0x4000  }
0xf5: {  	s0 =	sld [smem:$0x7F2]  }
0xf6: {  	[sflag:s18] =	ssyncset.done $0x0  }
0xf7: {  	[sflag:s18] =	ssyncadd.s32 $0xFFFFC000  }
0xf8: {  	[hbm4b:s0+s2] =	stream.linear.scatter [tilespmem:s10], [sflag:$0x2], $0x4000, $0x38;
	[tilespmem:$0x1CE00] =	vst v63  }
0xf9: {  	_ =	swait.ge [sflag:s4], $0x4000  }
0xfa: {  	s0 =	sld [smem:$0x7F3]  }
0xfb: {  	[sflag:s4] =	ssyncset.done $0x0  }
0xfc: {  	[sflag:s4] =	ssyncadd.s32 $0xFFFFC000  }
0xfd: {  	[tilespmem:s24], [sflag:$0x3] =	stream.linear.gather [hbm4b:s0+s2], $0x200, $0x38;
	[tilespmem:$0x1CE00] =	vst v63  }
0xfe: {  	_ =	swait.ge [sflag:s22], $0x200  }
0xff: {  	[sflag:s22] =	ssyncset.done $0x0  }
0x100: {  	[sflag:s22] =	ssyncadd.s32 $0xFFFFFE00  }
0x101: {  	[tilespmem:s10], [sflag:$0x1] =	stream.indirect.gather [hbm4b:s3+s23], $0x20, s24, s23, $0xb8;
	[tilespmem:$0x1CE00] =	vst v63  }
0x102: {  	_ =	swait.ge [sflag:s18], $0x4000  }
0x103: {  	s0 =	sld [smem:$0x7F4]  }
0x104: {  	[sflag:s18] =	ssyncset.done $0x0  }
0x105: {  	[sflag:s18] =	ssyncadd.s32 $0xFFFFC000  }
0x106: {  	[hbm4b:s0+s2] =	stream.linear.scatter [tilespmem:s26], [sflag:$0x2], $0x4000, $0x38;
	[tilespmem:$0x1CE00] =	vst v63  }
0x107: {  	_ =	swait.ge [sflag:s4], $0x4000  }
0x108: {  	s0 =	sld [smem:$0x7F5]  }
0x109: {  	[sflag:s4] =	ssyncset.done $0x0  }
0x10a: {  	[sflag:s4] =	ssyncadd.s32 $0xFFFFC000  }
0x10b: {  	[tilespmem:s31], [sflag:$0x3] =	stream.linear.gather [hbm4b:s0+s2], $0x200, $0x38;
	[tilespmem:$0x1CE00] =	vst v63  }
0x10c: {  	_ =	swait.ge [sflag:s22], $0x200  }
0x10d: {  	[sflag:s22] =	ssyncset.done $0x0  }
0x10e: {  	[sflag:s22] =	ssyncadd.s32 $0xFFFFFE00  }
0x10f: {  	[tilespmem:s26], [sflag:$0x1] =	stream.indirect.gather [hbm4b:s3+s23], $0x20, s31, s23, $0xb8;
	[tilespmem:$0x1CE00] =	vst v63  }
0x110: {  	_ =	swait.ge [sflag:s18], $0x4000  }
0x111: {  	s0 =	sld [smem:$0x7F6]  }
0x112: {  	[sflag:s18] =	ssyncset.done $0x0  }
0x113: {  	[sflag:s18] =	ssyncadd.s32 $0xFFFFC000  }
0x114: {  	[hbm4b:s0+s2] =	stream.linear.scatter [tilespmem:s25], [sflag:$0x2], $0x4000, $0x38;
	[tilespmem:$0x1CE00] =	vst v63  }
0x115: {  	_ =	swait.ge [sflag:s4], $0x4000  }
0x116: {  	s0 =	sld [smem:$0x7F7]  }
0x117: {  	[sflag:s4] =	ssyncset.done $0x0  }
0x118: {  	[sflag:s4] =	ssyncadd.s32 $0xFFFFC000  }
0x119: {  	[tilespmem:s30], [sflag:$0x3] =	stream.linear.gather [hbm4b:s0+s2], $0x200, $0x38;
	[tilespmem:$0x1CE00] =	vst v63  }
0x11a: {  	_ =	swait.ge [sflag:s22], $0x200  }
0x11b: {  	[sflag:s22] =	ssyncset.done $0x0  }
0x11c: {  	[sflag:s22] =	ssyncadd.s32 $0xFFFFFE00  }
0x11d: {  	[tilespmem:s25], [sflag:$0x1] =	stream.indirect.gather [hbm4b:s3+s23], $0x20, s30, s23, $0xb8;
	[tilespmem:$0x1CE00] =	vst v63  }
0x11e: {  	_ =	swait.ge [sflag:s18], $0x4000  }
0x11f: {  	s0 =	sld [smem:$0x7F8]  }
0x120: {  	[sflag:s18] =	ssyncset.done $0x0  }
0x121: {  	[sflag:s18] =	ssyncadd.s32 $0xFFFFC000  }
0x122: {  	[hbm4b:s0+s2] =	stream.linear.scatter [tilespmem:s17], [sflag:$0x2], $0x4000, $0x38;
	[tilespmem:$0x1CE00] =	vst v63  }
0x123: {  	_ =	swait.ge [sflag:s4], $0x4000  }
0x124: {  	s0 =	sld [smem:$0x7F9]  }
0x125: {  	[sflag:s4] =	ssyncset.done $0x0  }
0x126: {  	[sflag:s4] =	ssyncadd.s32 $0xFFFFC000  }
0x127: {  	[tilespmem:s2], [sflag:$0x3] =	stream.linear.gather [hbm4b:s0+s2], $0x200, $0x38;
	[tilespmem:$0x1CE00] =	vst v63  }
0x128: {  	_ =	swait.ge [sflag:s22], $0x200  }
0x129: {  	[sflag:s22] =	ssyncset.done $0x0  }
0x12a: {  	[sflag:s22] =	ssyncadd.s32 $0xFFFFFE00  }
0x12b: {  	[tilespmem:s17], [sflag:$0x1] =	stream.indirect.gather [hbm4b:s3+s23], $0x20, s2, s23, $0xb8;
	[tilespmem:$0x1CE00] =	vst v63  }
0x12c: {  	_ =	swait.ge [sflag:s18], $0x4000  }
0x12d: {  	s0 =	sld [smem:$0x7FA]  }
0x12e: {  	[sflag:s18] =	ssyncset.done $0x0  }
0x12f: {  	[sflag:s18] =	ssyncadd.s32 $0xFFFFC000  }
0x130: {  	[hbm4b:s0+s2] =	stream.linear.scatter [tilespmem:s15], [sflag:$0x2], $0x4000, $0x38;
	[tilespmem:$0x1CE00] =	vst v63  }
0x131: {  	_ =	swait.ge [sflag:s4], $0x4000  }
0x132: {  	s0 =	sld [smem:$0x7FB]  }
0x133: {  	[sflag:s4] =	ssyncset.done $0x0  }
0x134: {  	[sflag:s4] =	ssyncadd.s32 $0xFFFFC000  }
0x135: {  	[tilespmem:s23], [sflag:$0x3] =	stream.linear.gather [hbm4b:s0+s2], $0x200, $0x38;
	[tilespmem:$0x1CE00] =	vst v63  }
0x136: {  	_ =	swait.ge [sflag:s22], $0x200  }
0x137: {  	[sflag:s22] =	ssyncset.done $0x0  }
0x138: {  	[sflag:s22] =	ssyncadd.s32 $0xFFFFFE00  }
0x139: {  	[tilespmem:s15], [sflag:$0x1] =	stream.indirect.gather [hbm4b:s3+s23], $0x20, s23, s23, $0xb8;
	[tilespmem:$0x1CE00] =	vst v63  }
0x13a: {  	_ =	swait.ge [sflag:s18], $0x4000  }
0x13b: {  	s0 =	sld [smem:$0x7FC]  }
0x13c: {  	[sflag:s18] =	ssyncset.done $0x0  }
0x13d: {  	[sflag:s18] =	ssyncadd.s32 $0xFFFFC000  }
0x13e: {  	[hbm4b:s0+s2] =	stream.linear.scatter [tilespmem:s14], [sflag:$0x2], $0x4000, $0x38;
	[tilespmem:$0x1CE00] =	vst v63  }
0x13f: {  	_ =	swait.ge [sflag:s4], $0x4000  }
0x140: {  	s0 =	sld [smem:$0x7FD]  }
0x141: {  	[sflag:s4] =	ssyncset.done $0x0  }
0x142: {  	[sflag:s4] =	ssyncadd.s32 $0xFFFFC000  }
0x143: {  	[tilespmem:s29], [sflag:$0x3] =	stream.linear.gather [hbm4b:s0+s2], $0x200, $0x38;
	[tilespmem:$0x1CE00] =	vst v63  }
0x144: {  	_ =	swait.ge [sflag:s22], $0x200  }
0x145: {  	[sflag:s22] =	ssyncset.done $0x0  }
0x146: {  	[sflag:s22] =	ssyncadd.s32 $0xFFFFFE00  }
0x147: {  	[tilespmem:s14], [sflag:$0x1] =	stream.indirect.gather [hbm4b:s3+s23], $0x20, s29, s23, $0xb8;
	[tilespmem:$0x1CE00] =	vst v63  }
0x148: {  	_ =	swait.ge [sflag:s18], $0x4000  }
0x149: {  	[sflag:s18] =	ssyncset.done $0x0  }
0x14a: {  	[sflag:s18] =	ssyncadd.s32 $0xFFFFC000  }
0x14b: {  	[hbm4b:s21+s2] =	stream.linear.scatter [tilespmem:s13], [sflag:$0x2], $0x4000, $0x38;
	[tilespmem:$0x1CE00] =	vst v63  }
0x14c: {  	_ =	swait.ge [sflag:s4], $0x4000  }
0x14d: {  	[sflag:s4] =	ssyncset.done $0x0  }
0x14e: {  	[sflag:s4] =	ssyncadd.s32 $0xFFFFC000  }
0x14f: {  	[tilespmem:s28], [sflag:$0x3] =	stream.linear.gather [hbm4b:s20+s2], $0x200, $0x38;
	[tilespmem:$0x1CE00] =	vst v63  }
0x150: {  	_ =	swait.ge [sflag:s22], $0x200  }
0x151: {  	[sflag:s22] =	ssyncset.done $0x0  }
0x152: {  	[sflag:s22] =	ssyncadd.s32 $0xFFFFFE00  }
0x153: {  	[tilespmem:s13], [sflag:$0x1] =	stream.indirect.gather [hbm4b:s3+s23], $0x20, s28, s23, $0xb8;
	[tilespmem:$0x1CE00] =	vst v63  }
0x154: {  	_ =	swait.ge [sflag:s18], $0x4000  }
0x155: {  	[sflag:s18] =	ssyncset.done $0x0  }
0x156: {  	[sflag:s18] =	ssyncadd.s32 $0xFFFFC000  }
0x157: {  	[hbm4b:s19+s2] =	stream.linear.scatter [tilespmem:s10], [sflag:$0x2], $0x4000, $0x38;
	[tilespmem:$0x1CE00] =	vst v63  }
0x158: {  	_ =	swait.ge [sflag:s4], $0x4000  }
0x159: {  	[sflag:s4] =	ssyncset.done $0x0  }
0x15a: {  	[sflag:s4] =	ssyncadd.s32 $0xFFFFC000  }
0x15b: {  	[tilespmem:s24], [sflag:$0x3] =	stream.linear.gather [hbm4b:s16+s2], $0x200, $0x38;
	[tilespmem:$0x1CE00] =	vst v63  }
0x15c: {  	_ =	swait.ge [sflag:s22], $0x200  }
0x15d: {  	[sflag:s22] =	ssyncset.done $0x0  }
0x15e: {  	[sflag:s22] =	ssyncadd.s32 $0xFFFFFE00  }
0x15f: {  	[tilespmem:s10], [sflag:$0x1] =	stream.indirect.gather [hbm4b:s3+s23], $0x20, s24, s23, $0xb8;
	[tilespmem:$0x1CE00] =	vst v63  }
0x160: {  	_ =	swait.ge [sflag:s18], $0x4000  }
0x161: {  	[sflag:s18] =	ssyncset.done $0x0  }
0x162: {  	[sflag:s18] =	ssyncadd.s32 $0xFFFFC000  }
0x163: {  	[hbm4b:s11+s2] =	stream.linear.scatter [tilespmem:s26], [sflag:$0x2], $0x4000, $0x38;
	[tilespmem:$0x1CE00] =	vst v63  }
0x164: {  	_ =	swait.ge [sflag:s18], $0x4000  }
0x165: {  	[sflag:s18] =	ssyncset.done $0x0  }
0x166: {  	[sflag:s18] =	ssyncadd.s32 $0xFFFFC000  }
0x167: {  	[hbm4b:s12+s2] =	stream.linear.scatter [tilespmem:s25], [sflag:$0x2], $0x4000, $0x38;
	[tilespmem:$0x1CE00] =	vst v63  }
0x168: {  	_ =	swait.ge [sflag:s18], $0x4000  }
0x169: {  	[sflag:s18] =	ssyncset.done $0x0  }
0x16a: {  	[sflag:s18] =	ssyncadd.s32 $0xFFFFC000  }
0x16b: {  	[hbm4b:s9+s2] =	stream.linear.scatter [tilespmem:s17], [sflag:$0x2], $0x4000, $0x38;
	[tilespmem:$0x1CE00] =	vst v63  }
0x16c: {  	_ =	swait.ge [sflag:s18], $0x4000  }
0x16d: {  	[sflag:s18] =	ssyncset.done $0x0  }
0x16e: {  	[sflag:s18] =	ssyncadd.s32 $0xFFFFC000  }
0x16f: {  	[hbm4b:s7+s2] =	stream.linear.scatter [tilespmem:s15], [sflag:$0x2], $0x4000, $0x38;
	[tilespmem:$0x1CE00] =	vst v63  }
0x170: {  	_ =	swait.ge [sflag:s18], $0x4000  }
0x171: {  	[sflag:s18] =	ssyncset.done $0x0  }
0x172: {  	[sflag:s18] =	ssyncadd.s32 $0xFFFFC000  }
0x173: {  	[hbm4b:s8+s2] =	stream.linear.scatter [tilespmem:s14], [sflag:$0x2], $0x4000, $0x38;
	[tilespmem:$0x1CE00] =	vst v63  }
0x174: {  	_ =	swait.ge [sflag:s18], $0x4000  }
0x175: {  	[sflag:s18] =	ssyncset.done $0x0  }
0x176: {  	[sflag:s18] =	ssyncadd.s32 $0xFFFFC000  }
0x177: {  	[hbm4b:s6+s2] =	stream.linear.scatter [tilespmem:s13], [sflag:$0x2], $0x4000, $0x38;
	[tilespmem:$0x1CE00] =	vst v63  }
0x178: {  	_ =	swait.ge [sflag:s18], $0x4000  }
0x179: {  	[sflag:s18] =	ssyncset.done $0x0  }
0x17a: {  	[sflag:s18] =	ssyncadd.s32 $0xFFFFC000  }
0x17b: {  	[hbm4b:s5+s2] =	stream.linear.scatter [tilespmem:s10], [sflag:$0x2], $0x4000, $0x38;
	[tilespmem:$0x1CE00] =	vst v63  }
0x17c: {  	_ =	swait.ge [sflag:s4], $0x4000  }
0x17d: {  	[sflag:s4] =	ssyncset.done $0x0  }
0x17e: {  	[sflag:s4] =	ssyncadd.s32 $0xFFFFC000  }
0x17f: {  	_ =	swait.ge [sflag:s4], $0x4000  }
0x180: {  	[sflag:s4] =	ssyncset.done $0x0  }
0x181: {  	[sflag:s4] =	ssyncadd.s32 $0xFFFFC000  }
0x182: {  	_ =	swait.ge [sflag:s4], $0x4000  }
0x183: {  	[sflag:s4] =	ssyncset.done $0x0  }
0x184: {  	[sflag:s4] =	ssyncadd.s32 $0xFFFFC000  }
0x185: {  	_ =	swait.ge [sflag:s4], $0x4000  }
0x186: {  	[sflag:s4] =	ssyncset.done $0x0  }
0x187: {  	[sflag:s4] =	ssyncadd.s32 $0xFFFFC000  }
0x188: {  	_ =	swait.ge [sflag:s4], $0x4000  }
0x189: {  	[sflag:s4] =	ssyncset.done $0x0  }
0x18a: {  	p1 =	sne.s32 s1, $0x1;
	[sflag:s4] =	ssyncadd.s32 $0xFFFFC000  }
.Ltmp1:
0x18b: {  	_ =	swait.ge [sflag:s4], $0x4000;
	(pc) =	sbr.rel @!p1 .LBB2_3-.Ltmp1, $4  }
0x18c: {  	[sflag:s4] =	ssyncset.done $0x0  }
0x18d: {  	[sflag:s4] =	ssyncadd.s32 $0xFFFFC000  }
0x18e: {  	s1 =	sadd.s32 $0xFFFFFFFF, s1;
	_ =	swait.ge [sflag:s4], $0x4000  }
0x18f: {  	p0 =	por $0x1, $0x1;
	s0 =	rddreg [dreg:$0x3];
	[sflag:s4] =	ssyncset.done $0x0  }
.LBB2_2:
0x190: {  	[sflag:s4] =	ssyncadd.s32 $0xFFFFC000  }
0x191: {  	[tilespmem:s2], [sflag:$0x3] =	stream.linear.gather [hbm4b:s0+s2], $0x200, $0x38;
	[tilespmem:$0x1CE00] =	vst v63  }
0x192: {  	_ =	swait.ge [sflag:s22], $0x200  }
0x193: {  	[sflag:s22] =	ssyncset.done $0x0  }
0x194: {  	[sflag:s22] =	ssyncadd.s32 $0xFFFFFE00  }
0x195: {  	[tilespmem:s17], [sflag:$0x1] =	stream.indirect.gather [hbm4b:s3+s23], $0x20, s2, s23, $0xb8;
	[tilespmem:$0x1CE00] =	vst v63  }
0x196: {  	s0 =	rddreg [dreg:$0x4]  }
0x197: {  	[tilespmem:s23], [sflag:$0x3] =	stream.linear.gather [hbm4b:s0+s2], $0x200, $0x38;
	[tilespmem:$0x1CE00] =	vst v63  }
0x198: {  	_ =	swait.ge [sflag:s22], $0x200  }
0x199: {  	[sflag:s22] =	ssyncset.done $0x0  }
0x19a: {  	[sflag:s22] =	ssyncadd.s32 $0xFFFFFE00  }
0x19b: {  	[tilespmem:s15], [sflag:$0x1] =	stream.indirect.gather [hbm4b:s3+s23], $0x20, s23, s23, $0xb8;
	[tilespmem:$0x1CE00] =	vst v63  }
0x19c: {  	s0 =	rddreg [dreg:$0x5]  }
0x19d: {  	[tilespmem:s29], [sflag:$0x3] =	stream.linear.gather [hbm4b:s0+s2], $0x200, $0x38;
	[tilespmem:$0x1CE00] =	vst v63  }
0x19e: {  	_ =	swait.ge [sflag:s22], $0x200  }
0x19f: {  	[sflag:s22] =	ssyncset.done $0x0  }
0x1a0: {  	[sflag:s22] =	ssyncadd.s32 $0xFFFFFE00  }
0x1a1: {  	[tilespmem:s14], [sflag:$0x1] =	stream.indirect.gather [hbm4b:s3+s23], $0x20, s29, s23, $0xb8;
	[tilespmem:$0x1CE00] =	vst v63  }
0x1a2: {  	s0 =	rddreg [dreg:$0x6]  }
0x1a3: {  	[tilespmem:s28], [sflag:$0x3] =	stream.linear.gather [hbm4b:s0+s2], $0x200, $0x38;
	[tilespmem:$0x1CE00] =	vst v63  }
0x1a4: {  	_ =	swait.ge [sflag:s22], $0x200  }
0x1a5: {  	[sflag:s22] =	ssyncset.done $0x0  }
0x1a6: {  	[sflag:s22] =	ssyncadd.s32 $0xFFFFFE00  }
0x1a7: {  	[tilespmem:s13], [sflag:$0x1] =	stream.indirect.gather [hbm4b:s3+s23], $0x20, s28, s23, $0xb8;
	[tilespmem:$0x1CE00] =	vst v63  }
0x1a8: {  	s0 =	rddreg [dreg:$0x7]  }
0x1a9: {  	[tilespmem:s24], [sflag:$0x3] =	stream.linear.gather [hbm4b:s0+s2], $0x200, $0x38;
	[tilespmem:$0x1CE00] =	vst v63  }
0x1aa: {  	_ =	swait.ge [sflag:s22], $0x200  }
0x1ab: {  	[sflag:s22] =	ssyncset.done $0x0  }
0x1ac: {  	[sflag:s22] =	ssyncadd.s32 $0xFFFFFE00  }
0x1ad: {  	[tilespmem:s10], [sflag:$0x1] =	stream.indirect.gather [hbm4b:s3+s23], $0x20, s24, s23, $0xb8;
	[tilespmem:$0x1CE00] =	vst v63  }
0x1ae: {  	s0 =	rddreg [dreg:$0x8]  }
0x1af: {  	[tilespmem:s31], [sflag:$0x3] =	stream.linear.gather [hbm4b:s0+s2], $0x200, $0x38;
	[tilespmem:$0x1CE00] =	vst v63  }
0x1b0: {  	_ =	swait.ge [sflag:s22], $0x200  }
0x1b1: {  	[sflag:s22] =	ssyncset.done $0x0  }
0x1b2: {  	[sflag:s22] =	ssyncadd.s32 $0xFFFFFE00  }
0x1b3: {  	[tilespmem:s26], [sflag:$0x1] =	stream.indirect.gather [hbm4b:s3+s23], $0x20, s31, s23, $0xb8;
	[tilespmem:$0x1CE00] =	vst v63  }
0x1b4: {  	s0 =	rddreg [dreg:$0x9]  }
0x1b5: {  	[tilespmem:s30], [sflag:$0x3] =	stream.linear.gather [hbm4b:s0+s2], $0x200, $0x38;
	[tilespmem:$0x1CE00] =	vst v63  }
0x1b6: {  	_ =	swait.ge [sflag:s22], $0x200  }
0x1b7: {  	[sflag:s22] =	ssyncset.done $0x0  }
0x1b8: {  	[sflag:s22] =	ssyncadd.s32 $0xFFFFFE00  }
0x1b9: {  	[tilespmem:s25], [sflag:$0x1] =	stream.indirect.gather [hbm4b:s3+s23], $0x20, s30, s23, $0xb8;
	[tilespmem:$0x1CE00] =	vst v63  }
0x1ba: {  	_ =	swait.ge [sflag:s18], $0x4000  }
0x1bb: {  	[sflag:s18] =	ssyncset.done $0x0  }
0x1bc: {  	s0 =	rddreg [dreg:$0xa];
	[sflag:s18] =	ssyncadd.s32 $0xFFFFC000  }
0x1bd: {  	[hbm4b:s0+s2] =	stream.linear.scatter [tilespmem:s17], [sflag:$0x2], $0x4000, $0x38;
	[tilespmem:$0x1CE00] =	vst v63  }
0x1be: {  	_ =	swait.ge [sflag:s4], $0x4000  }
0x1bf: {  	[sflag:s4] =	ssyncset.done $0x0  }
0x1c0: {  	s0 =	rddreg [dreg:$0xb];
	[sflag:s4] =	ssyncadd.s32 $0xFFFFC000  }
0x1c1: {  	[tilespmem:s2], [sflag:$0x3] =	stream.linear.gather [hbm4b:s0+s2], $0x200, $0x38;
	[tilespmem:$0x1CE00] =	vst v63  }
0x1c2: {  	_ =	swait.ge [sflag:s22], $0x200  }
0x1c3: {  	[sflag:s22] =	ssyncset.done $0x0  }
0x1c4: {  	[sflag:s22] =	ssyncadd.s32 $0xFFFFFE00  }
0x1c5: {  	[tilespmem:s17], [sflag:$0x1] =	stream.indirect.gather [hbm4b:s3+s23], $0x20, s2, s23, $0xb8;
	[tilespmem:$0x1CE00] =	vst v63  }
0x1c6: {  	_ =	swait.ge [sflag:s18], $0x4000  }
0x1c7: {  	[sflag:s18] =	ssyncset.done $0x0  }
0x1c8: {  	s0 =	rddreg [dreg:$0xc];
	[sflag:s18] =	ssyncadd.s32 $0xFFFFC000  }
0x1c9: {  	[hbm4b:s0+s2] =	stream.linear.scatter [tilespmem:s15], [sflag:$0x2], $0x4000, $0x38;
	[tilespmem:$0x1CE00] =	vst v63  }
0x1ca: {  	_ =	swait.ge [sflag:s4], $0x4000  }
0x1cb: {  	[sflag:s4] =	ssyncset.done $0x0  }
0x1cc: {  	s0 =	rddreg [dreg:$0xd];
	[sflag:s4] =	ssyncadd.s32 $0xFFFFC000  }
0x1cd: {  	[tilespmem:s23], [sflag:$0x3] =	stream.linear.gather [hbm4b:s0+s2], $0x200, $0x38;
	[tilespmem:$0x1CE00] =	vst v63  }
0x1ce: {  	_ =	swait.ge [sflag:s22], $0x200  }
0x1cf: {  	[sflag:s22] =	ssyncset.done $0x0  }
0x1d0: {  	[sflag:s22] =	ssyncadd.s32 $0xFFFFFE00  }
0x1d1: {  	[tilespmem:s15], [sflag:$0x1] =	stream.indirect.gather [hbm4b:s3+s23], $0x20, s23, s23, $0xb8;
	[tilespmem:$0x1CE00] =	vst v63  }
0x1d2: {  	_ =	swait.ge [sflag:s18], $0x4000  }
0x1d3: {  	[sflag:s18] =	ssyncset.done $0x0  }
0x1d4: {  	s0 =	rddreg [dreg:$0xe];
	[sflag:s18] =	ssyncadd.s32 $0xFFFFC000  }
0x1d5: {  	[hbm4b:s0+s2] =	stream.linear.scatter [tilespmem:s14], [sflag:$0x2], $0x4000, $0x38;
	[tilespmem:$0x1CE00] =	vst v63  }
0x1d6: {  	_ =	swait.ge [sflag:s4], $0x4000  }
0x1d7: {  	[sflag:s4] =	ssyncset.done $0x0  }
0x1d8: {  	s0 =	rddreg [dreg:$0xf];
	[sflag:s4] =	ssyncadd.s32 $0xFFFFC000  }
0x1d9: {  	[tilespmem:s29], [sflag:$0x3] =	stream.linear.gather [hbm4b:s0+s2], $0x200, $0x38;
	[tilespmem:$0x1CE00] =	vst v63  }
0x1da: {  	_ =	swait.ge [sflag:s22], $0x200  }
0x1db: {  	[sflag:s22] =	ssyncset.done $0x0  }
0x1dc: {  	[sflag:s22] =	ssyncadd.s32 $0xFFFFFE00  }
0x1dd: {  	[tilespmem:s14], [sflag:$0x1] =	stream.indirect.gather [hbm4b:s3+s23], $0x20, s29, s23, $0xb8;
	[tilespmem:$0x1CE00] =	vst v63  }
0x1de: {  	_ =	swait.ge [sflag:s18], $0x4000  }
0x1df: {  	[sflag:s18] =	ssyncset.done $0x0  }
0x1e0: {  	s0 =	rddreg [dreg:$0x10];
	[sflag:s18] =	ssyncadd.s32 $0xFFFFC000  }
0x1e1: {  	[hbm4b:s0+s2] =	stream.linear.scatter [tilespmem:s13], [sflag:$0x2], $0x4000, $0x38;
	[tilespmem:$0x1CE00] =	vst v63  }
0x1e2: {  	_ =	swait.ge [sflag:s4], $0x4000  }
0x1e3: {  	[sflag:s4] =	ssyncset.done $0x0  }
0x1e4: {  	s0 =	rddreg [dreg:$0x11];
	[sflag:s4] =	ssyncadd.s32 $0xFFFFC000  }
0x1e5: {  	[tilespmem:s28], [sflag:$0x3] =	stream.linear.gather [hbm4b:s0+s2], $0x200, $0x38;
	[tilespmem:$0x1CE00] =	vst v63  }
0x1e6: {  	_ =	swait.ge [sflag:s22], $0x200  }
0x1e7: {  	[sflag:s22] =	ssyncset.done $0x0  }
0x1e8: {  	[sflag:s22] =	ssyncadd.s32 $0xFFFFFE00  }
0x1e9: {  	[tilespmem:s13], [sflag:$0x1] =	stream.indirect.gather [hbm4b:s3+s23], $0x20, s28, s23, $0xb8;
	[tilespmem:$0x1CE00] =	vst v63  }
0x1ea: {  	_ =	swait.ge [sflag:s18], $0x4000  }
0x1eb: {  	[sflag:s18] =	ssyncset.done $0x0  }
0x1ec: {  	s0 =	rddreg [dreg:$0x12];
	[sflag:s18] =	ssyncadd.s32 $0xFFFFC000  }
0x1ed: {  	[hbm4b:s0+s2] =	stream.linear.scatter [tilespmem:s10], [sflag:$0x2], $0x4000, $0x38;
	[tilespmem:$0x1CE00] =	vst v63  }
0x1ee: {  	_ =	swait.ge [sflag:s4], $0x4000  }
0x1ef: {  	[sflag:s4] =	ssyncset.done $0x0  }
0x1f0: {  	s0 =	rddreg [dreg:$0x13];
	[sflag:s4] =	ssyncadd.s32 $0xFFFFC000  }
0x1f1: {  	[tilespmem:s24], [sflag:$0x3] =	stream.linear.gather [hbm4b:s0+s2], $0x200, $0x38;
	[tilespmem:$0x1CE00] =	vst v63  }
0x1f2: {  	_ =	swait.ge [sflag:s22], $0x200  }
0x1f3: {  	[sflag:s22] =	ssyncset.done $0x0  }
0x1f4: {  	[sflag:s22] =	ssyncadd.s32 $0xFFFFFE00  }
0x1f5: {  	[tilespmem:s10], [sflag:$0x1] =	stream.indirect.gather [hbm4b:s3+s23], $0x20, s24, s23, $0xb8;
	[tilespmem:$0x1CE00] =	vst v63  }
0x1f6: {  	_ =	swait.ge [sflag:s18], $0x4000  }
0x1f7: {  	[sflag:s18] =	ssyncset.done $0x0  }
0x1f8: {  	s0 =	rddreg [dreg:$0x14];
	[sflag:s18] =	ssyncadd.s32 $0xFFFFC000  }
0x1f9: {  	[hbm4b:s0+s2] =	stream.linear.scatter [tilespmem:s26], [sflag:$0x2], $0x4000, $0x38;
	[tilespmem:$0x1CE00] =	vst v63  }
0x1fa: {  	_ =	swait.ge [sflag:s4], $0x4000  }
0x1fb: {  	[sflag:s4] =	ssyncset.done $0x0  }
0x1fc: {  	s0 =	rddreg [dreg:$0x15];
	[sflag:s4] =	ssyncadd.s32 $0xFFFFC000  }
0x1fd: {  	[tilespmem:s31], [sflag:$0x3] =	stream.linear.gather [hbm4b:s0+s2], $0x200, $0x38;
	[tilespmem:$0x1CE00] =	vst v63  }
0x1fe: {  	_ =	swait.ge [sflag:s22], $0x200  }
0x1ff: {  	[sflag:s22] =	ssyncset.done $0x0  }
0x200: {  	[sflag:s22] =	ssyncadd.s32 $0xFFFFFE00  }
0x201: {  	[tilespmem:s26], [sflag:$0x1] =	stream.indirect.gather [hbm4b:s3+s23], $0x20, s31, s23, $0xb8;
	[tilespmem:$0x1CE00] =	vst v63  }
0x202: {  	_ =	swait.ge [sflag:s18], $0x4000  }
0x203: {  	[sflag:s18] =	ssyncset.done $0x0  }
0x204: {  	s0 =	rddreg [dreg:$0x16];
	[sflag:s18] =	ssyncadd.s32 $0xFFFFC000  }
0x205: {  	[hbm4b:s0+s2] =	stream.linear.scatter [tilespmem:s25], [sflag:$0x2], $0x4000, $0x38;
	[tilespmem:$0x1CE00] =	vst v63  }
0x206: {  	_ =	swait.ge [sflag:s4], $0x4000  }
0x207: {  	[sflag:s4] =	ssyncset.done $0x0  }
0x208: {  	s0 =	rddreg [dreg:$0x17];
	[sflag:s4] =	ssyncadd.s32 $0xFFFFC000  }
0x209: {  	[tilespmem:s30], [sflag:$0x3] =	stream.linear.gather [hbm4b:s0+s2], $0x200, $0x38;
	[tilespmem:$0x1CE00] =	vst v63  }
0x20a: {  	_ =	swait.ge [sflag:s22], $0x200  }
0x20b: {  	[sflag:s22] =	ssyncset.done $0x0  }
0x20c: {  	[sflag:s22] =	ssyncadd.s32 $0xFFFFFE00  }
0x20d: {  	[tilespmem:s25], [sflag:$0x1] =	stream.indirect.gather [hbm4b:s3+s23], $0x20, s30, s23, $0xb8;
	[tilespmem:$0x1CE00] =	vst v63  }
0x20e: {  	_ =	swait.ge [sflag:s18], $0x4000  }
0x20f: {  	[sflag:s18] =	ssyncset.done $0x0  }
0x210: {  	s0 =	rddreg [dreg:$0x18];
	[sflag:s18] =	ssyncadd.s32 $0xFFFFC000  }
0x211: {  	[hbm4b:s0+s2] =	stream.linear.scatter [tilespmem:s17], [sflag:$0x2], $0x4000, $0x38;
	[tilespmem:$0x1CE00] =	vst v63  }
0x212: {  	_ =	swait.ge [sflag:s4], $0x4000  }
0x213: {  	[sflag:s4] =	ssyncset.done $0x0  }
0x214: {  	s0 =	rddreg [dreg:$0x19];
	[sflag:s4] =	ssyncadd.s32 $0xFFFFC000  }
0x215: {  	[tilespmem:s2], [sflag:$0x3] =	stream.linear.gather [hbm4b:s0+s2], $0x200, $0x38;
	[tilespmem:$0x1CE00] =	vst v63  }
0x216: {  	_ =	swait.ge [sflag:s22], $0x200  }
0x217: {  	[sflag:s22] =	ssyncset.done $0x0  }
0x218: {  	[sflag:s22] =	ssyncadd.s32 $0xFFFFFE00  }
0x219: {  	[tilespmem:s17], [sflag:$0x1] =	stream.indirect.gather [hbm4b:s3+s23], $0x20, s2, s23, $0xb8;
	[tilespmem:$0x1CE00] =	vst v63  }
0x21a: {  	_ =	swait.ge [sflag:s18], $0x4000  }
0x21b: {  	[sflag:s18] =	ssyncset.done $0x0  }
0x21c: {  	s0 =	rddreg [dreg:$0x1a];
	[sflag:s18] =	ssyncadd.s32 $0xFFFFC000  }
0x21d: {  	[hbm4b:s0+s2] =	stream.linear.scatter [tilespmem:s15], [sflag:$0x2], $0x4000, $0x38;
	[tilespmem:$0x1CE00] =	vst v63  }
0x21e: {  	_ =	swait.ge [sflag:s4], $0x4000  }
0x21f: {  	[sflag:s4] =	ssyncset.done $0x0  }
0x220: {  	s0 =	rddreg [dreg:$0x1b];
	[sflag:s4] =	ssyncadd.s32 $0xFFFFC000  }
0x221: {  	[tilespmem:s23], [sflag:$0x3] =	stream.linear.gather [hbm4b:s0+s2], $0x200, $0x38;
	[tilespmem:$0x1CE00] =	vst v63  }
0x222: {  	_ =	swait.ge [sflag:s22], $0x200  }
0x223: {  	[sflag:s22] =	ssyncset.done $0x0  }
0x224: {  	[sflag:s22] =	ssyncadd.s32 $0xFFFFFE00  }
0x225: {  	[tilespmem:s15], [sflag:$0x1] =	stream.indirect.gather [hbm4b:s3+s23], $0x20, s23, s23, $0xb8;
	[tilespmem:$0x1CE00] =	vst v63  }
0x226: {  	_ =	swait.ge [sflag:s18], $0x4000  }
0x227: {  	[sflag:s18] =	ssyncset.done $0x0  }
0x228: {  	s0 =	rddreg [dreg:$0x1c];
	[sflag:s18] =	ssyncadd.s32 $0xFFFFC000  }
0x229: {  	[hbm4b:s0+s2] =	stream.linear.scatter [tilespmem:s14], [sflag:$0x2], $0x4000, $0x38;
	[tilespmem:$0x1CE00] =	vst v63  }
0x22a: {  	_ =	swait.ge [sflag:s4], $0x4000  }
0x22b: {  	[sflag:s4] =	ssyncset.done $0x0  }
0x22c: {  	s0 =	rddreg [dreg:$0x1d];
	[sflag:s4] =	ssyncadd.s32 $0xFFFFC000  }
0x22d: {  	[tilespmem:s29], [sflag:$0x3] =	stream.linear.gather [hbm4b:s0+s2], $0x200, $0x38;
	[tilespmem:$0x1CE00] =	vst v63  }
0x22e: {  	_ =	swait.ge [sflag:s22], $0x200  }
0x22f: {  	[sflag:s22] =	ssyncset.done $0x0  }
0x230: {  	[sflag:s22] =	ssyncadd.s32 $0xFFFFFE00  }
0x231: {  	[tilespmem:s14], [sflag:$0x1] =	stream.indirect.gather [hbm4b:s3+s23], $0x20, s29, s23, $0xb8;
	[tilespmem:$0x1CE00] =	vst v63  }
0x232: {  	_ =	swait.ge [sflag:s18], $0x4000  }
0x233: {  	[sflag:s18] =	ssyncset.done $0x0  }
0x234: {  	s0 =	rddreg [dreg:$0x1e];
	[sflag:s18] =	ssyncadd.s32 $0xFFFFC000  }
0x235: {  	[hbm4b:s0+s2] =	stream.linear.scatter [tilespmem:s13], [sflag:$0x2], $0x4000, $0x38;
	[tilespmem:$0x1CE00] =	vst v63  }
0x236: {  	_ =	swait.ge [sflag:s4], $0x4000  }
0x237: {  	[sflag:s4] =	ssyncset.done $0x0  }
0x238: {  	s0 =	rddreg [dreg:$0x1f];
	[sflag:s4] =	ssyncadd.s32 $0xFFFFC000  }
0x239: {  	[tilespmem:s28], [sflag:$0x3] =	stream.linear.gather [hbm4b:s0+s2], $0x200, $0x38;
	[tilespmem:$0x1CE00] =	vst v63  }
0x23a: {  	_ =	swait.ge [sflag:s22], $0x200  }
0x23b: {  	[sflag:s22] =	ssyncset.done $0x0  }
0x23c: {  	[sflag:s22] =	ssyncadd.s32 $0xFFFFFE00  }
0x23d: {  	[tilespmem:s13], [sflag:$0x1] =	stream.indirect.gather [hbm4b:s3+s23], $0x20, s28, s23, $0xb8;
	[tilespmem:$0x1CE00] =	vst v63  }
0x23e: {  	_ =	swait.ge [sflag:s18], $0x4000  }
0x23f: {  	s0 =	sld [smem:$0x7F2]  }
0x240: {  	[sflag:s18] =	ssyncset.done $0x0  }
0x241: {  	[sflag:s18] =	ssyncadd.s32 $0xFFFFC000  }
0x242: {  	[hbm4b:s0+s2] =	stream.linear.scatter [tilespmem:s10], [sflag:$0x2], $0x4000, $0x38;
	[tilespmem:$0x1CE00] =	vst v63  }
0x243: {  	_ =	swait.ge [sflag:s4], $0x4000  }
0x244: {  	s0 =	sld [smem:$0x7F3]  }
0x245: {  	[sflag:s4] =	ssyncset.done $0x0  }
0x246: {  	[sflag:s4] =	ssyncadd.s32 $0xFFFFC000  }
0x247: {  	[tilespmem:s24], [sflag:$0x3] =	stream.linear.gather [hbm4b:s0+s2], $0x200, $0x38;
	[tilespmem:$0x1CE00] =	vst v63  }
0x248: {  	_ =	swait.ge [sflag:s22], $0x200  }
0x249: {  	[sflag:s22] =	ssyncset.done $0x0  }
0x24a: {  	[sflag:s22] =	ssyncadd.s32 $0xFFFFFE00  }
0x24b: {  	[tilespmem:s10], [sflag:$0x1] =	stream.indirect.gather [hbm4b:s3+s23], $0x20, s24, s23, $0xb8;
	[tilespmem:$0x1CE00] =	vst v63  }
0x24c: {  	_ =	swait.ge [sflag:s18], $0x4000  }
0x24d: {  	s0 =	sld [smem:$0x7F4]  }
0x24e: {  	[sflag:s18] =	ssyncset.done $0x0  }
0x24f: {  	[sflag:s18] =	ssyncadd.s32 $0xFFFFC000  }
0x250: {  	[hbm4b:s0+s2] =	stream.linear.scatter [tilespmem:s26], [sflag:$0x2], $0x4000, $0x38;
	[tilespmem:$0x1CE00] =	vst v63  }
0x251: {  	_ =	swait.ge [sflag:s4], $0x4000  }
0x252: {  	s0 =	sld [smem:$0x7F5]  }
0x253: {  	[sflag:s4] =	ssyncset.done $0x0  }
0x254: {  	[sflag:s4] =	ssyncadd.s32 $0xFFFFC000  }
0x255: {  	[tilespmem:s31], [sflag:$0x3] =	stream.linear.gather [hbm4b:s0+s2], $0x200, $0x38;
	[tilespmem:$0x1CE00] =	vst v63  }
0x256: {  	_ =	swait.ge [sflag:s22], $0x200  }
0x257: {  	[sflag:s22] =	ssyncset.done $0x0  }
0x258: {  	[sflag:s22] =	ssyncadd.s32 $0xFFFFFE00  }
0x259: {  	[tilespmem:s26], [sflag:$0x1] =	stream.indirect.gather [hbm4b:s3+s23], $0x20, s31, s23, $0xb8;
	[tilespmem:$0x1CE00] =	vst v63  }
0x25a: {  	_ =	swait.ge [sflag:s18], $0x4000  }
0x25b: {  	s0 =	sld [smem:$0x7F6]  }
0x25c: {  	[sflag:s18] =	ssyncset.done $0x0  }
0x25d: {  	[sflag:s18] =	ssyncadd.s32 $0xFFFFC000  }
0x25e: {  	[hbm4b:s0+s2] =	stream.linear.scatter [tilespmem:s25], [sflag:$0x2], $0x4000, $0x38;
	[tilespmem:$0x1CE00] =	vst v63  }
0x25f: {  	_ =	swait.ge [sflag:s4], $0x4000  }
0x260: {  	s0 =	sld [smem:$0x7F7]  }
0x261: {  	[sflag:s4] =	ssyncset.done $0x0  }
0x262: {  	[sflag:s4] =	ssyncadd.s32 $0xFFFFC000  }
0x263: {  	[tilespmem:s30], [sflag:$0x3] =	stream.linear.gather [hbm4b:s0+s2], $0x200, $0x38;
	[tilespmem:$0x1CE00] =	vst v63  }
0x264: {  	_ =	swait.ge [sflag:s22], $0x200  }
0x265: {  	[sflag:s22] =	ssyncset.done $0x0  }
0x266: {  	[sflag:s22] =	ssyncadd.s32 $0xFFFFFE00  }
0x267: {  	[tilespmem:s25], [sflag:$0x1] =	stream.indirect.gather [hbm4b:s3+s23], $0x20, s30, s23, $0xb8;
	[tilespmem:$0x1CE00] =	vst v63  }
0x268: {  	_ =	swait.ge [sflag:s18], $0x4000  }
0x269: {  	s0 =	sld [smem:$0x7F8]  }
0x26a: {  	[sflag:s18] =	ssyncset.done $0x0  }
0x26b: {  	[sflag:s18] =	ssyncadd.s32 $0xFFFFC000  }
0x26c: {  	[hbm4b:s0+s2] =	stream.linear.scatter [tilespmem:s17], [sflag:$0x2], $0x4000, $0x38;
	[tilespmem:$0x1CE00] =	vst v63  }
0x26d: {  	_ =	swait.ge [sflag:s4], $0x4000  }
0x26e: {  	s0 =	sld [smem:$0x7F9]  }
0x26f: {  	[sflag:s4] =	ssyncset.done $0x0  }
0x270: {  	[sflag:s4] =	ssyncadd.s32 $0xFFFFC000  }
0x271: {  	[tilespmem:s2], [sflag:$0x3] =	stream.linear.gather [hbm4b:s0+s2], $0x200, $0x38;
	[tilespmem:$0x1CE00] =	vst v63  }
0x272: {  	_ =	swait.ge [sflag:s22], $0x200  }
0x273: {  	[sflag:s22] =	ssyncset.done $0x0  }
0x274: {  	[sflag:s22] =	ssyncadd.s32 $0xFFFFFE00  }
0x275: {  	[tilespmem:s17], [sflag:$0x1] =	stream.indirect.gather [hbm4b:s3+s23], $0x20, s2, s23, $0xb8;
	[tilespmem:$0x1CE00] =	vst v63  }
0x276: {  	_ =	swait.ge [sflag:s18], $0x4000  }
0x277: {  	s0 =	sld [smem:$0x7FA]  }
0x278: {  	[sflag:s18] =	ssyncset.done $0x0  }
0x279: {  	[sflag:s18] =	ssyncadd.s32 $0xFFFFC000  }
0x27a: {  	[hbm4b:s0+s2] =	stream.linear.scatter [tilespmem:s15], [sflag:$0x2], $0x4000, $0x38;
	[tilespmem:$0x1CE00] =	vst v63  }
0x27b: {  	_ =	swait.ge [sflag:s4], $0x4000  }
0x27c: {  	s0 =	sld [smem:$0x7FB]  }
0x27d: {  	[sflag:s4] =	ssyncset.done $0x0  }
0x27e: {  	[sflag:s4] =	ssyncadd.s32 $0xFFFFC000  }
0x27f: {  	[tilespmem:s23], [sflag:$0x3] =	stream.linear.gather [hbm4b:s0+s2], $0x200, $0x38;
	[tilespmem:$0x1CE00] =	vst v63  }
0x280: {  	_ =	swait.ge [sflag:s22], $0x200  }
0x281: {  	[sflag:s22] =	ssyncset.done $0x0  }
0x282: {  	[sflag:s22] =	ssyncadd.s32 $0xFFFFFE00  }
0x283: {  	[tilespmem:s15], [sflag:$0x1] =	stream.indirect.gather [hbm4b:s3+s23], $0x20, s23, s23, $0xb8;
	[tilespmem:$0x1CE00] =	vst v63  }
0x284: {  	_ =	swait.ge [sflag:s18], $0x4000  }
0x285: {  	s0 =	sld [smem:$0x7FC]  }
0x286: {  	[sflag:s18] =	ssyncset.done $0x0  }
0x287: {  	[sflag:s18] =	ssyncadd.s32 $0xFFFFC000  }
0x288: {  	[hbm4b:s0+s2] =	stream.linear.scatter [tilespmem:s14], [sflag:$0x2], $0x4000, $0x38;
	[tilespmem:$0x1CE00] =	vst v63  }
0x289: {  	_ =	swait.ge [sflag:s4], $0x4000  }
0x28a: {  	s0 =	sld [smem:$0x7FD]  }
0x28b: {  	[sflag:s4] =	ssyncset.done $0x0  }
0x28c: {  	[sflag:s4] =	ssyncadd.s32 $0xFFFFC000  }
0x28d: {  	[tilespmem:s29], [sflag:$0x3] =	stream.linear.gather [hbm4b:s0+s2], $0x200, $0x38;
	[tilespmem:$0x1CE00] =	vst v63  }
0x28e: {  	_ =	swait.ge [sflag:s22], $0x200  }
0x28f: {  	[sflag:s22] =	ssyncset.done $0x0  }
0x290: {  	[sflag:s22] =	ssyncadd.s32 $0xFFFFFE00  }
0x291: {  	[tilespmem:s14], [sflag:$0x1] =	stream.indirect.gather [hbm4b:s3+s23], $0x20, s29, s23, $0xb8;
	[tilespmem:$0x1CE00] =	vst v63  }
0x292: {  	_ =	swait.ge [sflag:s18], $0x4000  }
0x293: {  	[sflag:s18] =	ssyncset.done $0x0  }
0x294: {  	[sflag:s18] =	ssyncadd.s32 $0xFFFFC000  }
0x295: {  	[hbm4b:s21+s2] =	stream.linear.scatter [tilespmem:s13], [sflag:$0x2], $0x4000, $0x38;
	[tilespmem:$0x1CE00] =	vst v63  }
0x296: {  	_ =	swait.ge [sflag:s4], $0x4000  }
0x297: {  	[sflag:s4] =	ssyncset.done $0x0  }
0x298: {  	[sflag:s4] =	ssyncadd.s32 $0xFFFFC000  }
0x299: {  	[tilespmem:s28], [sflag:$0x3] =	stream.linear.gather [hbm4b:s20+s2], $0x200, $0x38;
	[tilespmem:$0x1CE00] =	vst v63  }
0x29a: {  	_ =	swait.ge [sflag:s22], $0x200  }
0x29b: {  	[sflag:s22] =	ssyncset.done $0x0  }
0x29c: {  	[sflag:s22] =	ssyncadd.s32 $0xFFFFFE00  }
0x29d: {  	[tilespmem:s13], [sflag:$0x1] =	stream.indirect.gather [hbm4b:s3+s23], $0x20, s28, s23, $0xb8;
	[tilespmem:$0x1CE00] =	vst v63  }
0x29e: {  	_ =	swait.ge [sflag:s18], $0x4000  }
0x29f: {  	[sflag:s18] =	ssyncset.done $0x0  }
0x2a0: {  	[sflag:s18] =	ssyncadd.s32 $0xFFFFC000  }
0x2a1: {  	[hbm4b:s19+s2] =	stream.linear.scatter [tilespmem:s10], [sflag:$0x2], $0x4000, $0x38;
	[tilespmem:$0x1CE00] =	vst v63  }
0x2a2: {  	_ =	swait.ge [sflag:s4], $0x4000  }
0x2a3: {  	[sflag:s4] =	ssyncset.done $0x0  }
0x2a4: {  	[sflag:s4] =	ssyncadd.s32 $0xFFFFC000  }
0x2a5: {  	[tilespmem:s24], [sflag:$0x3] =	stream.linear.gather [hbm4b:s16+s2], $0x200, $0x38;
	[tilespmem:$0x1CE00] =	vst v63  }
0x2a6: {  	_ =	swait.ge [sflag:s22], $0x200  }
0x2a7: {  	[sflag:s22] =	ssyncset.done $0x0  }
0x2a8: {  	[sflag:s22] =	ssyncadd.s32 $0xFFFFFE00  }
0x2a9: {  	[tilespmem:s10], [sflag:$0x1] =	stream.indirect.gather [hbm4b:s3+s23], $0x20, s24, s23, $0xb8;
	[tilespmem:$0x1CE00] =	vst v63  }
0x2aa: {  	_ =	swait.ge [sflag:s18], $0x4000  }
0x2ab: {  	[sflag:s18] =	ssyncset.done $0x0  }
0x2ac: {  	[sflag:s18] =	ssyncadd.s32 $0xFFFFC000  }
0x2ad: {  	[hbm4b:s11+s2] =	stream.linear.scatter [tilespmem:s26], [sflag:$0x2], $0x4000, $0x38;
	[tilespmem:$0x1CE00] =	vst v63  }
0x2ae: {  	_ =	swait.ge [sflag:s18], $0x4000  }
0x2af: {  	[sflag:s18] =	ssyncset.done $0x0  }
0x2b0: {  	[sflag:s18] =	ssyncadd.s32 $0xFFFFC000  }
0x2b1: {  	[hbm4b:s12+s2] =	stream.linear.scatter [tilespmem:s25], [sflag:$0x2], $0x4000, $0x38;
	[tilespmem:$0x1CE00] =	vst v63  }
0x2b2: {  	_ =	swait.ge [sflag:s18], $0x4000  }
0x2b3: {  	[sflag:s18] =	ssyncset.done $0x0  }
0x2b4: {  	[sflag:s18] =	ssyncadd.s32 $0xFFFFC000  }
0x2b5: {  	[hbm4b:s9+s2] =	stream.linear.scatter [tilespmem:s17], [sflag:$0x2], $0x4000, $0x38;
	[tilespmem:$0x1CE00] =	vst v63  }
0x2b6: {  	_ =	swait.ge [sflag:s18], $0x4000  }
0x2b7: {  	[sflag:s18] =	ssyncset.done $0x0  }
0x2b8: {  	[sflag:s18] =	ssyncadd.s32 $0xFFFFC000  }
0x2b9: {  	[hbm4b:s7+s2] =	stream.linear.scatter [tilespmem:s15], [sflag:$0x2], $0x4000, $0x38;
	[tilespmem:$0x1CE00] =	vst v63  }
0x2ba: {  	_ =	swait.ge [sflag:s18], $0x4000  }
0x2bb: {  	[sflag:s18] =	ssyncset.done $0x0  }
0x2bc: {  	[sflag:s18] =	ssyncadd.s32 $0xFFFFC000  }
0x2bd: {  	[hbm4b:s8+s2] =	stream.linear.scatter [tilespmem:s14], [sflag:$0x2], $0x4000, $0x38;
	[tilespmem:$0x1CE00] =	vst v63  }
0x2be: {  	_ =	swait.ge [sflag:s18], $0x4000  }
0x2bf: {  	[sflag:s18] =	ssyncset.done $0x0  }
0x2c0: {  	[sflag:s18] =	ssyncadd.s32 $0xFFFFC000  }
0x2c1: {  	[hbm4b:s6+s2] =	stream.linear.scatter [tilespmem:s13], [sflag:$0x2], $0x4000, $0x38;
	[tilespmem:$0x1CE00] =	vst v63  }
0x2c2: {  	_ =	swait.ge [sflag:s18], $0x4000  }
0x2c3: {  	[sflag:s18] =	ssyncset.done $0x0  }
0x2c4: {  	[sflag:s18] =	ssyncadd.s32 $0xFFFFC000  }
0x2c5: {  	[hbm4b:s5+s2] =	stream.linear.scatter [tilespmem:s10], [sflag:$0x2], $0x4000, $0x38;
	[tilespmem:$0x1CE00] =	vst v63  }
0x2c6: {  	_ =	swait.ge [sflag:s4], $0x4000  }
0x2c7: {  	[sflag:s4] =	ssyncset.done $0x0  }
0x2c8: {  	[sflag:s4] =	ssyncadd.s32 $0xFFFFC000  }
0x2c9: {  	_ =	swait.ge [sflag:s4], $0x4000  }
0x2ca: {  	[sflag:s4] =	ssyncset.done $0x0  }
0x2cb: {  	[sflag:s4] =	ssyncadd.s32 $0xFFFFC000  }
0x2cc: {  	_ =	swait.ge [sflag:s4], $0x4000  }
0x2cd: {  	[sflag:s4] =	ssyncset.done $0x0  }
0x2ce: {  	[sflag:s4] =	ssyncadd.s32 $0xFFFFC000  }
0x2cf: {  	_ =	swait.ge [sflag:s4], $0x4000  }
0x2d0: {  	[sflag:s4] =	ssyncset.done $0x0  }
0x2d1: {  	[sflag:s4] =	ssyncadd.s32 $0xFFFFC000  }
0x2d2: {  	_ =	swait.ge [sflag:s4], $0x4000  }
0x2d3: {  	[sflag:s4] =	ssyncset.done $0x0  }
0x2d4: {  	p1 =	sne.s32 s1, $0x1;
	[sflag:s4] =	ssyncadd.s32 $0xFFFFC000  }
.Ltmp2:
0x2d5: {  	_ =	swait.ge [sflag:s4], $0x4000;
	(pc) =	sbr.rel @p1 .LBB2_2-.Ltmp2, $4  }
0x2d6: {  	[sflag:s4] =	ssyncset.done $0x0  }
0x2d7: {  	[sflag:s4] =	ssyncadd.s32 $0xFFFFC000  }
0x2d8: {  	_ =	swait.ge [sflag:s4], $0x4000  }
0x2d9: {  	s1 =	sadd.s32 $0xFFFFFFFF, s1;
	s0 =	rddreg [dreg:$0x3];
	[sflag:s4] =	ssyncset.done $0x0  }
.LBB2_3:
0x2da: {  	[sflag:s4] =	ssyncadd.s32 @p0 $0xFFFFC000  }
0x2db: {  	[tilespmem:s2], [sflag:$0x3] =	stream.linear.gather [hbm4b:s0+s2], $0x200, $0x38;
	[tilespmem:$0x1CE00] =	vst v63  }
0x2dc: {  	_ =	swait.ge [sflag:s22], $0x200  }
0x2dd: {  	[sflag:s22] =	ssyncset.done $0x0  }
0x2de: {  	[sflag:s22] =	ssyncadd.s32 $0xFFFFFE00  }
0x2df: {  	[tilespmem:s17], [sflag:$0x1] =	stream.indirect.gather [hbm4b:s3+s23], $0x20, s2, s23, $0xb8;
	[tilespmem:$0x1CE00] =	vst v63  }
0x2e0: {  	s1 =	rddreg [dreg:$0x4]  }
0x2e1: {  	[tilespmem:s23], [sflag:$0x3] =	stream.linear.gather [hbm4b:s1+s2], $0x200, $0x38;
	[tilespmem:$0x1CE00] =	vst v63  }
0x2e2: {  	_ =	swait.ge [sflag:s22], $0x200  }
0x2e3: {  	[sflag:s22] =	ssyncset.done $0x0  }
0x2e4: {  	[sflag:s22] =	ssyncadd.s32 $0xFFFFFE00  }
0x2e5: {  	[tilespmem:s15], [sflag:$0x1] =	stream.indirect.gather [hbm4b:s3+s23], $0x20, s23, s23, $0xb8;
	[tilespmem:$0x1CE00] =	vst v63  }
0x2e6: {  	s1 =	rddreg [dreg:$0x5]  }
0x2e7: {  	[tilespmem:s29], [sflag:$0x3] =	stream.linear.gather [hbm4b:s1+s2], $0x200, $0x38;
	[tilespmem:$0x1CE00] =	vst v63  }
0x2e8: {  	_ =	swait.ge [sflag:s22], $0x200  }
0x2e9: {  	[sflag:s22] =	ssyncset.done $0x0  }
0x2ea: {  	[sflag:s22] =	ssyncadd.s32 $0xFFFFFE00  }
0x2eb: {  	[tilespmem:s14], [sflag:$0x1] =	stream.indirect.gather [hbm4b:s3+s23], $0x20, s29, s23, $0xb8;
	[tilespmem:$0x1CE00] =	vst v63  }
0x2ec: {  	s1 =	rddreg [dreg:$0x6]  }
0x2ed: {  	[tilespmem:s28], [sflag:$0x3] =	stream.linear.gather [hbm4b:s1+s2], $0x200, $0x38;
	[tilespmem:$0x1CE00] =	vst v63  }
0x2ee: {  	_ =	swait.ge [sflag:s22], $0x200  }
0x2ef: {  	[sflag:s22] =	ssyncset.done $0x0  }
0x2f0: {  	[sflag:s22] =	ssyncadd.s32 $0xFFFFFE00  }
0x2f1: {  	[tilespmem:s13], [sflag:$0x1] =	stream.indirect.gather [hbm4b:s3+s23], $0x20, s28, s23, $0xb8;
	[tilespmem:$0x1CE00] =	vst v63  }
0x2f2: {  	s1 =	rddreg [dreg:$0x7]  }
0x2f3: {  	[tilespmem:s24], [sflag:$0x3] =	stream.linear.gather [hbm4b:s1+s2], $0x200, $0x38;
	[tilespmem:$0x1CE00] =	vst v63  }
0x2f4: {  	_ =	swait.ge [sflag:s22], $0x200  }
0x2f5: {  	[sflag:s22] =	ssyncset.done $0x0  }
0x2f6: {  	[sflag:s22] =	ssyncadd.s32 $0xFFFFFE00  }
0x2f7: {  	[tilespmem:s10], [sflag:$0x1] =	stream.indirect.gather [hbm4b:s3+s23], $0x20, s24, s23, $0xb8;
	[tilespmem:$0x1CE00] =	vst v63  }
0x2f8: {  	s1 =	rddreg [dreg:$0x8]  }
0x2f9: {  	[tilespmem:s31], [sflag:$0x3] =	stream.linear.gather [hbm4b:s1+s2], $0x200, $0x38;
	[tilespmem:$0x1CE00] =	vst v63  }
0x2fa: {  	_ =	swait.ge [sflag:s22], $0x200  }
0x2fb: {  	[sflag:s22] =	ssyncset.done $0x0  }
0x2fc: {  	[sflag:s22] =	ssyncadd.s32 $0xFFFFFE00  }
0x2fd: {  	[tilespmem:s26], [sflag:$0x1] =	stream.indirect.gather [hbm4b:s3+s23], $0x20, s31, s23, $0xb8;
	[tilespmem:$0x1CE00] =	vst v63  }
0x2fe: {  	s1 =	rddreg [dreg:$0x9]  }
0x2ff: {  	[tilespmem:s30], [sflag:$0x3] =	stream.linear.gather [hbm4b:s1+s2], $0x200, $0x38;
	[tilespmem:$0x1CE00] =	vst v63  }
0x300: {  	_ =	swait.ge [sflag:s22], $0x200  }
0x301: {  	[sflag:s22] =	ssyncset.done $0x0  }
0x302: {  	[sflag:s22] =	ssyncadd.s32 $0xFFFFFE00  }
0x303: {  	[tilespmem:s25], [sflag:$0x1] =	stream.indirect.gather [hbm4b:s3+s23], $0x20, s30, s23, $0xb8;
	[tilespmem:$0x1CE00] =	vst v63  }
0x304: {  	_ =	swait.ge [sflag:s18], $0x4000  }
0x305: {  	[sflag:s18] =	ssyncset.done $0x0  }
0x306: {  	s1 =	rddreg [dreg:$0xa];
	[sflag:s18] =	ssyncadd.s32 $0xFFFFC000  }
0x307: {  	[hbm4b:s1+s2] =	stream.linear.scatter [tilespmem:s17], [sflag:$0x2], $0x4000, $0x38;
	[tilespmem:$0x1CE00] =	vst v63  }
0x308: {  	_ =	swait.ge [sflag:s4], $0x4000  }
0x309: {  	[sflag:s4] =	ssyncset.done $0x0  }
0x30a: {  	s1 =	rddreg [dreg:$0xb];
	[sflag:s4] =	ssyncadd.s32 $0xFFFFC000  }
0x30b: {  	[tilespmem:s2], [sflag:$0x3] =	stream.linear.gather [hbm4b:s1+s2], $0x200, $0x38;
	[tilespmem:$0x1CE00] =	vst v63  }
0x30c: {  	_ =	swait.ge [sflag:s22], $0x200  }
0x30d: {  	[sflag:s22] =	ssyncset.done $0x0  }
0x30e: {  	[sflag:s22] =	ssyncadd.s32 $0xFFFFFE00  }
0x30f: {  	[tilespmem:s17], [sflag:$0x1] =	stream.indirect.gather [hbm4b:s3+s23], $0x20, s2, s23, $0xb8;
	[tilespmem:$0x1CE00] =	vst v63  }
0x310: {  	_ =	swait.ge [sflag:s18], $0x4000  }
0x311: {  	[sflag:s18] =	ssyncset.done $0x0  }
0x312: {  	s1 =	rddreg [dreg:$0xc];
	[sflag:s18] =	ssyncadd.s32 $0xFFFFC000  }
0x313: {  	[hbm4b:s1+s2] =	stream.linear.scatter [tilespmem:s15], [sflag:$0x2], $0x4000, $0x38;
	[tilespmem:$0x1CE00] =	vst v63  }
0x314: {  	_ =	swait.ge [sflag:s4], $0x4000  }
0x315: {  	[sflag:s4] =	ssyncset.done $0x0  }
0x316: {  	s1 =	rddreg [dreg:$0xd];
	[sflag:s4] =	ssyncadd.s32 $0xFFFFC000  }
0x317: {  	[tilespmem:s23], [sflag:$0x3] =	stream.linear.gather [hbm4b:s1+s2], $0x200, $0x38;
	[tilespmem:$0x1CE00] =	vst v63  }
0x318: {  	_ =	swait.ge [sflag:s22], $0x200  }
0x319: {  	[sflag:s22] =	ssyncset.done $0x0  }
0x31a: {  	[sflag:s22] =	ssyncadd.s32 $0xFFFFFE00  }
0x31b: {  	[tilespmem:s15], [sflag:$0x1] =	stream.indirect.gather [hbm4b:s3+s23], $0x20, s23, s23, $0xb8;
	[tilespmem:$0x1CE00] =	vst v63  }
0x31c: {  	_ =	swait.ge [sflag:s18], $0x4000  }
0x31d: {  	[sflag:s18] =	ssyncset.done $0x0  }
0x31e: {  	s1 =	rddreg [dreg:$0xe];
	[sflag:s18] =	ssyncadd.s32 $0xFFFFC000  }
0x31f: {  	[hbm4b:s1+s2] =	stream.linear.scatter [tilespmem:s14], [sflag:$0x2], $0x4000, $0x38;
	[tilespmem:$0x1CE00] =	vst v63  }
0x320: {  	_ =	swait.ge [sflag:s4], $0x4000  }
0x321: {  	[sflag:s4] =	ssyncset.done $0x0  }
0x322: {  	s1 =	rddreg [dreg:$0xf];
	[sflag:s4] =	ssyncadd.s32 $0xFFFFC000  }
0x323: {  	[tilespmem:s29], [sflag:$0x3] =	stream.linear.gather [hbm4b:s1+s2], $0x200, $0x38;
	[tilespmem:$0x1CE00] =	vst v63  }
0x324: {  	_ =	swait.ge [sflag:s22], $0x200  }
0x325: {  	[sflag:s22] =	ssyncset.done $0x0  }
0x326: {  	[sflag:s22] =	ssyncadd.s32 $0xFFFFFE00  }
0x327: {  	[tilespmem:s14], [sflag:$0x1] =	stream.indirect.gather [hbm4b:s3+s23], $0x20, s29, s23, $0xb8;
	[tilespmem:$0x1CE00] =	vst v63  }
0x328: {  	_ =	swait.ge [sflag:s18], $0x4000  }
0x329: {  	[sflag:s18] =	ssyncset.done $0x0  }
0x32a: {  	s1 =	rddreg [dreg:$0x10];
	[sflag:s18] =	ssyncadd.s32 $0xFFFFC000  }
0x32b: {  	[hbm4b:s1+s2] =	stream.linear.scatter [tilespmem:s13], [sflag:$0x2], $0x4000, $0x38;
	[tilespmem:$0x1CE00] =	vst v63  }
0x32c: {  	_ =	swait.ge [sflag:s4], $0x4000  }
0x32d: {  	[sflag:s4] =	ssyncset.done $0x0  }
0x32e: {  	s1 =	rddreg [dreg:$0x11];
	[sflag:s4] =	ssyncadd.s32 $0xFFFFC000  }
0x32f: {  	[tilespmem:s28], [sflag:$0x3] =	stream.linear.gather [hbm4b:s1+s2], $0x200, $0x38;
	[tilespmem:$0x1CE00] =	vst v63  }
0x330: {  	_ =	swait.ge [sflag:s22], $0x200  }
0x331: {  	[sflag:s22] =	ssyncset.done $0x0  }
0x332: {  	[sflag:s22] =	ssyncadd.s32 $0xFFFFFE00  }
0x333: {  	[tilespmem:s13], [sflag:$0x1] =	stream.indirect.gather [hbm4b:s3+s23], $0x20, s28, s23, $0xb8;
	[tilespmem:$0x1CE00] =	vst v63  }
0x334: {  	_ =	swait.ge [sflag:s18], $0x4000  }
0x335: {  	[sflag:s18] =	ssyncset.done $0x0  }
0x336: {  	s1 =	rddreg [dreg:$0x12];
	[sflag:s18] =	ssyncadd.s32 $0xFFFFC000  }
0x337: {  	[hbm4b:s1+s2] =	stream.linear.scatter [tilespmem:s10], [sflag:$0x2], $0x4000, $0x38;
	[tilespmem:$0x1CE00] =	vst v63  }
0x338: {  	_ =	swait.ge [sflag:s4], $0x4000  }
0x339: {  	[sflag:s4] =	ssyncset.done $0x0  }
0x33a: {  	s1 =	rddreg [dreg:$0x13];
	[sflag:s4] =	ssyncadd.s32 $0xFFFFC000  }
0x33b: {  	[tilespmem:s24], [sflag:$0x3] =	stream.linear.gather [hbm4b:s1+s2], $0x200, $0x38;
	[tilespmem:$0x1CE00] =	vst v63  }
0x33c: {  	_ =	swait.ge [sflag:s22], $0x200  }
0x33d: {  	[sflag:s22] =	ssyncset.done $0x0  }
0x33e: {  	[sflag:s22] =	ssyncadd.s32 $0xFFFFFE00  }
0x33f: {  	[tilespmem:s10], [sflag:$0x1] =	stream.indirect.gather [hbm4b:s3+s23], $0x20, s24, s23, $0xb8;
	[tilespmem:$0x1CE00] =	vst v63  }
0x340: {  	_ =	swait.ge [sflag:s18], $0x4000  }
0x341: {  	[sflag:s18] =	ssyncset.done $0x0  }
0x342: {  	s1 =	rddreg [dreg:$0x14];
	[sflag:s18] =	ssyncadd.s32 $0xFFFFC000  }
0x343: {  	[hbm4b:s1+s2] =	stream.linear.scatter [tilespmem:s26], [sflag:$0x2], $0x4000, $0x38;
	[tilespmem:$0x1CE00] =	vst v63  }
0x344: {  	_ =	swait.ge [sflag:s4], $0x4000  }
0x345: {  	[sflag:s4] =	ssyncset.done $0x0  }
0x346: {  	s1 =	rddreg [dreg:$0x15];
	[sflag:s4] =	ssyncadd.s32 $0xFFFFC000  }
0x347: {  	[tilespmem:s31], [sflag:$0x3] =	stream.linear.gather [hbm4b:s1+s2], $0x200, $0x38;
	[tilespmem:$0x1CE00] =	vst v63  }
0x348: {  	_ =	swait.ge [sflag:s22], $0x200  }
0x349: {  	[sflag:s22] =	ssyncset.done $0x0  }
0x34a: {  	[sflag:s22] =	ssyncadd.s32 $0xFFFFFE00  }
0x34b: {  	[tilespmem:s26], [sflag:$0x1] =	stream.indirect.gather [hbm4b:s3+s23], $0x20, s31, s23, $0xb8;
	[tilespmem:$0x1CE00] =	vst v63  }
0x34c: {  	_ =	swait.ge [sflag:s18], $0x4000  }
0x34d: {  	[sflag:s18] =	ssyncset.done $0x0  }
0x34e: {  	s1 =	rddreg [dreg:$0x16];
	[sflag:s18] =	ssyncadd.s32 $0xFFFFC000  }
0x34f: {  	[hbm4b:s1+s2] =	stream.linear.scatter [tilespmem:s25], [sflag:$0x2], $0x4000, $0x38;
	[tilespmem:$0x1CE00] =	vst v63  }
0x350: {  	_ =	swait.ge [sflag:s4], $0x4000  }
0x351: {  	[sflag:s4] =	ssyncset.done $0x0  }
0x352: {  	s1 =	rddreg [dreg:$0x17];
	[sflag:s4] =	ssyncadd.s32 $0xFFFFC000  }
0x353: {  	[tilespmem:s30], [sflag:$0x3] =	stream.linear.gather [hbm4b:s1+s2], $0x200, $0x38;
	[tilespmem:$0x1CE00] =	vst v63  }
0x354: {  	_ =	swait.ge [sflag:s22], $0x200  }
0x355: {  	[sflag:s22] =	ssyncset.done $0x0  }
0x356: {  	[sflag:s22] =	ssyncadd.s32 $0xFFFFFE00  }
0x357: {  	[tilespmem:s25], [sflag:$0x1] =	stream.indirect.gather [hbm4b:s3+s23], $0x20, s30, s23, $0xb8;
	[tilespmem:$0x1CE00] =	vst v63  }
0x358: {  	_ =	swait.ge [sflag:s18], $0x4000  }
0x359: {  	[sflag:s18] =	ssyncset.done $0x0  }
0x35a: {  	s1 =	rddreg [dreg:$0x18];
	[sflag:s18] =	ssyncadd.s32 $0xFFFFC000  }
0x35b: {  	[hbm4b:s1+s2] =	stream.linear.scatter [tilespmem:s17], [sflag:$0x2], $0x4000, $0x38;
	[tilespmem:$0x1CE00] =	vst v63  }
0x35c: {  	_ =	swait.ge [sflag:s4], $0x4000  }
0x35d: {  	[sflag:s4] =	ssyncset.done $0x0  }
0x35e: {  	s1 =	rddreg [dreg:$0x19];
	[sflag:s4] =	ssyncadd.s32 $0xFFFFC000  }
0x35f: {  	[tilespmem:s2], [sflag:$0x3] =	stream.linear.gather [hbm4b:s1+s2], $0x200, $0x38;
	[tilespmem:$0x1CE00] =	vst v63  }
0x360: {  	_ =	swait.ge [sflag:s22], $0x200  }
0x361: {  	[sflag:s22] =	ssyncset.done $0x0  }
0x362: {  	[sflag:s22] =	ssyncadd.s32 $0xFFFFFE00  }
0x363: {  	[tilespmem:s17], [sflag:$0x1] =	stream.indirect.gather [hbm4b:s3+s23], $0x20, s2, s23, $0xb8;
	[tilespmem:$0x1CE00] =	vst v63  }
0x364: {  	_ =	swait.ge [sflag:s18], $0x4000  }
0x365: {  	[sflag:s18] =	ssyncset.done $0x0  }
0x366: {  	s1 =	rddreg [dreg:$0x1a];
	[sflag:s18] =	ssyncadd.s32 $0xFFFFC000  }
0x367: {  	[hbm4b:s1+s2] =	stream.linear.scatter [tilespmem:s15], [sflag:$0x2], $0x4000, $0x38;
	[tilespmem:$0x1CE00] =	vst v63  }
0x368: {  	_ =	swait.ge [sflag:s4], $0x4000  }
0x369: {  	[sflag:s4] =	ssyncset.done $0x0  }
0x36a: {  	s1 =	rddreg [dreg:$0x1b];
	[sflag:s4] =	ssyncadd.s32 $0xFFFFC000  }
0x36b: {  	[tilespmem:s23], [sflag:$0x3] =	stream.linear.gather [hbm4b:s1+s2], $0x200, $0x38;
	[tilespmem:$0x1CE00] =	vst v63  }
0x36c: {  	_ =	swait.ge [sflag:s22], $0x200  }
0x36d: {  	[sflag:s22] =	ssyncset.done $0x0  }
0x36e: {  	[sflag:s22] =	ssyncadd.s32 $0xFFFFFE00  }
0x36f: {  	[tilespmem:s15], [sflag:$0x1] =	stream.indirect.gather [hbm4b:s3+s23], $0x20, s23, s23, $0xb8;
	[tilespmem:$0x1CE00] =	vst v63  }
0x370: {  	_ =	swait.ge [sflag:s18], $0x4000  }
0x371: {  	[sflag:s18] =	ssyncset.done $0x0  }
0x372: {  	s1 =	rddreg [dreg:$0x1c];
	[sflag:s18] =	ssyncadd.s32 $0xFFFFC000  }
0x373: {  	[hbm4b:s1+s2] =	stream.linear.scatter [tilespmem:s14], [sflag:$0x2], $0x4000, $0x38;
	[tilespmem:$0x1CE00] =	vst v63  }
0x374: {  	_ =	swait.ge [sflag:s4], $0x4000  }
0x375: {  	[sflag:s4] =	ssyncset.done $0x0  }
0x376: {  	s1 =	rddreg [dreg:$0x1d];
	[sflag:s4] =	ssyncadd.s32 $0xFFFFC000  }
0x377: {  	[tilespmem:s29], [sflag:$0x3] =	stream.linear.gather [hbm4b:s1+s2], $0x200, $0x38;
	[tilespmem:$0x1CE00] =	vst v63  }
0x378: {  	_ =	swait.ge [sflag:s22], $0x200  }
0x379: {  	[sflag:s22] =	ssyncset.done $0x0  }
0x37a: {  	[sflag:s22] =	ssyncadd.s32 $0xFFFFFE00  }
0x37b: {  	[tilespmem:s14], [sflag:$0x1] =	stream.indirect.gather [hbm4b:s3+s23], $0x20, s29, s23, $0xb8;
	[tilespmem:$0x1CE00] =	vst v63  }
0x37c: {  	_ =	swait.ge [sflag:s18], $0x4000  }
0x37d: {  	[sflag:s18] =	ssyncset.done $0x0  }
0x37e: {  	s1 =	rddreg [dreg:$0x1e];
	[sflag:s18] =	ssyncadd.s32 $0xFFFFC000  }
0x37f: {  	[hbm4b:s1+s2] =	stream.linear.scatter [tilespmem:s13], [sflag:$0x2], $0x4000, $0x38;
	[tilespmem:$0x1CE00] =	vst v63  }
0x380: {  	_ =	swait.ge [sflag:s4], $0x4000  }
0x381: {  	[sflag:s4] =	ssyncset.done $0x0  }
0x382: {  	s1 =	rddreg [dreg:$0x1f];
	[sflag:s4] =	ssyncadd.s32 $0xFFFFC000  }
0x383: {  	[tilespmem:s28], [sflag:$0x3] =	stream.linear.gather [hbm4b:s1+s2], $0x200, $0x38;
	[tilespmem:$0x1CE00] =	vst v63  }
0x384: {  	_ =	swait.ge [sflag:s22], $0x200  }
0x385: {  	[sflag:s22] =	ssyncset.done $0x0  }
0x386: {  	[sflag:s22] =	ssyncadd.s32 $0xFFFFFE00  }
0x387: {  	[tilespmem:s13], [sflag:$0x1] =	stream.indirect.gather [hbm4b:s3+s23], $0x20, s28, s23, $0xb8;
	[tilespmem:$0x1CE00] =	vst v63  }
0x388: {  	_ =	swait.ge [sflag:s18], $0x4000  }
0x389: {  	s1 =	sld [smem:$0x7F2]  }
0x38a: {  	[sflag:s18] =	ssyncset.done $0x0  }
0x38b: {  	[sflag:s18] =	ssyncadd.s32 $0xFFFFC000  }
0x38c: {  	[hbm4b:s1+s2] =	stream.linear.scatter [tilespmem:s10], [sflag:$0x2], $0x4000, $0x38;
	[tilespmem:$0x1CE00] =	vst v63  }
0x38d: {  	_ =	swait.ge [sflag:s4], $0x4000  }
0x38e: {  	s1 =	sld [smem:$0x7F3]  }
0x38f: {  	[sflag:s4] =	ssyncset.done $0x0  }
0x390: {  	[sflag:s4] =	ssyncadd.s32 $0xFFFFC000  }
0x391: {  	[tilespmem:s24], [sflag:$0x3] =	stream.linear.gather [hbm4b:s1+s2], $0x200, $0x38;
	[tilespmem:$0x1CE00] =	vst v63  }
0x392: {  	_ =	swait.ge [sflag:s22], $0x200  }
0x393: {  	[sflag:s22] =	ssyncset.done $0x0  }
0x394: {  	[sflag:s22] =	ssyncadd.s32 $0xFFFFFE00  }
0x395: {  	[tilespmem:s10], [sflag:$0x1] =	stream.indirect.gather [hbm4b:s3+s23], $0x20, s24, s23, $0xb8;
	[tilespmem:$0x1CE00] =	vst v63  }
0x396: {  	_ =	swait.ge [sflag:s18], $0x4000  }
0x397: {  	s1 =	sld [smem:$0x7F4]  }
0x398: {  	[sflag:s18] =	ssyncset.done $0x0  }
0x399: {  	[sflag:s18] =	ssyncadd.s32 $0xFFFFC000  }
0x39a: {  	[hbm4b:s1+s2] =	stream.linear.scatter [tilespmem:s26], [sflag:$0x2], $0x4000, $0x38;
	[tilespmem:$0x1CE00] =	vst v63  }
0x39b: {  	_ =	swait.ge [sflag:s4], $0x4000  }
0x39c: {  	s1 =	sld [smem:$0x7F5]  }
0x39d: {  	[sflag:s4] =	ssyncset.done $0x0  }
0x39e: {  	[sflag:s4] =	ssyncadd.s32 $0xFFFFC000  }
0x39f: {  	[tilespmem:s31], [sflag:$0x3] =	stream.linear.gather [hbm4b:s1+s2], $0x200, $0x38;
	[tilespmem:$0x1CE00] =	vst v63  }
0x3a0: {  	_ =	swait.ge [sflag:s22], $0x200  }
0x3a1: {  	[sflag:s22] =	ssyncset.done $0x0  }
0x3a2: {  	[sflag:s22] =	ssyncadd.s32 $0xFFFFFE00  }
0x3a3: {  	[tilespmem:s26], [sflag:$0x1] =	stream.indirect.gather [hbm4b:s3+s23], $0x20, s31, s23, $0xb8;
	[tilespmem:$0x1CE00] =	vst v63  }
0x3a4: {  	_ =	swait.ge [sflag:s18], $0x4000  }
0x3a5: {  	s31 =	sld [smem:$0x7F6]  }
0x3a6: {  	[sflag:s18] =	ssyncset.done $0x0  }
0x3a7: {  	[sflag:s18] =	ssyncadd.s32 $0xFFFFC000  }
0x3a8: {  	[hbm4b:s31+s2] =	stream.linear.scatter [tilespmem:s25], [sflag:$0x2], $0x4000, $0x38;
	[tilespmem:$0x1CE00] =	vst v63  }
0x3a9: {  	_ =	swait.ge [sflag:s4], $0x4000  }
0x3aa: {  	s1 =	sld [smem:$0x7F7]  }
0x3ab: {  	[sflag:s4] =	ssyncset.done $0x0  }
0x3ac: {  	[sflag:s4] =	ssyncadd.s32 $0xFFFFC000  }
0x3ad: {  	[tilespmem:s30], [sflag:$0x3] =	stream.linear.gather [hbm4b:s1+s2], $0x200, $0x38;
	[tilespmem:$0x1CE00] =	vst v63  }
0x3ae: {  	_ =	swait.ge [sflag:s22], $0x200  }
0x3af: {  	[sflag:s22] =	ssyncset.done $0x0  }
0x3b0: {  	[sflag:s22] =	ssyncadd.s32 $0xFFFFFE00  }
0x3b1: {  	[tilespmem:s25], [sflag:$0x1] =	stream.indirect.gather [hbm4b:s3+s23], $0x20, s30, s23, $0xb8;
	[tilespmem:$0x1CE00] =	vst v63  }
0x3b2: {  	_ =	swait.ge [sflag:s18], $0x4000  }
0x3b3: {  	s31 =	sld [smem:$0x7F8]  }
0x3b4: {  	[sflag:s18] =	ssyncset.done $0x0  }
0x3b5: {  	[sflag:s18] =	ssyncadd.s32 $0xFFFFC000  }
0x3b6: {  	[hbm4b:s31+s2] =	stream.linear.scatter [tilespmem:s17], [sflag:$0x2], $0x4000, $0x38;
	[tilespmem:$0x1CE00] =	vst v63  }
0x3b7: {  	_ =	swait.ge [sflag:s4], $0x4000  }
0x3b8: {  	s1 =	sld [smem:$0x7F9]  }
0x3b9: {  	[sflag:s4] =	ssyncset.done $0x0  }
0x3ba: {  	[sflag:s4] =	ssyncadd.s32 $0xFFFFC000  }
0x3bb: {  	[tilespmem:s2], [sflag:$0x3] =	stream.linear.gather [hbm4b:s1+s2], $0x200, $0x38;
	[tilespmem:$0x1CE00] =	vst v63  }
0x3bc: {  	_ =	swait.ge [sflag:s22], $0x200  }
0x3bd: {  	[sflag:s22] =	ssyncset.done $0x0  }
0x3be: {  	[sflag:s22] =	ssyncadd.s32 $0xFFFFFE00  }
0x3bf: {  	[tilespmem:s17], [sflag:$0x1] =	stream.indirect.gather [hbm4b:s3+s23], $0x20, s2, s23, $0xb8;
	[tilespmem:$0x1CE00] =	vst v63  }
0x3c0: {  	_ =	swait.ge [sflag:s18], $0x4000  }
0x3c1: {  	s30 =	sld [smem:$0x7FA]  }
0x3c2: {  	[sflag:s18] =	ssyncset.done $0x0  }
0x3c3: {  	[sflag:s18] =	ssyncadd.s32 $0xFFFFC000  }
0x3c4: {  	[hbm4b:s30+s2] =	stream.linear.scatter [tilespmem:s15], [sflag:$0x2], $0x4000, $0x38;
	[tilespmem:$0x1CE00] =	vst v63  }
0x3c5: {  	_ =	swait.ge [sflag:s4], $0x4000  }
0x3c6: {  	s31 =	sld [smem:$0x7FB]  }
0x3c7: {  	[sflag:s4] =	ssyncset.done $0x0  }
0x3c8: {  	[sflag:s4] =	ssyncadd.s32 $0xFFFFC000  }
0x3c9: {  	[tilespmem:s23], [sflag:$0x3] =	stream.linear.gather [hbm4b:s31+s2], $0x200, $0x38;
	[tilespmem:$0x1CE00] =	vst v63  }
0x3ca: {  	_ =	swait.ge [sflag:s22], $0x200  }
0x3cb: {  	[sflag:s22] =	ssyncset.done $0x0  }
0x3cc: {  	[sflag:s22] =	ssyncadd.s32 $0xFFFFFE00  }
0x3cd: {  	[tilespmem:s15], [sflag:$0x1] =	stream.indirect.gather [hbm4b:s3+s23], $0x20, s23, s23, $0xb8;
	[tilespmem:$0x1CE00] =	vst v63  }
0x3ce: {  	_ =	swait.ge [sflag:s18], $0x4000  }
0x3cf: {  	s1 =	sld [smem:$0x7FC]  }
0x3d0: {  	[sflag:s18] =	ssyncset.done $0x0  }
0x3d1: {  	[sflag:s18] =	ssyncadd.s32 $0xFFFFC000  }
0x3d2: {  	[hbm4b:s1+s2] =	stream.linear.scatter [tilespmem:s14], [sflag:$0x2], $0x4000, $0x38;
	[tilespmem:$0x1CE00] =	vst v63  }
0x3d3: {  	_ =	swait.ge [sflag:s4], $0x4000  }
0x3d4: {  	s30 =	sld [smem:$0x7FD]  }
0x3d5: {  	[sflag:s4] =	ssyncset.done $0x0  }
0x3d6: {  	[sflag:s4] =	ssyncadd.s32 $0xFFFFC000  }
0x3d7: {  	[tilespmem:s29], [sflag:$0x3] =	stream.linear.gather [hbm4b:s30+s2], $0x200, $0x38;
	[tilespmem:$0x1CE00] =	vst v63  }
0x3d8: {  	_ =	swait.ge [sflag:s22], $0x200  }
0x3d9: {  	[sflag:s22] =	ssyncset.done $0x0  }
0x3da: {  	[sflag:s22] =	ssyncadd.s32 $0xFFFFFE00  }
0x3db: {  	[tilespmem:s14], [sflag:$0x1] =	stream.indirect.gather [hbm4b:s3+s23], $0x20, s29, s23, $0xb8;
	[tilespmem:$0x1CE00] =	vst v63  }
0x3dc: {  	_ =	swait.ge [sflag:s18], $0x4000  }
0x3dd: {  	[sflag:s18] =	ssyncset.done $0x0  }
0x3de: {  	[sflag:s18] =	ssyncadd.s32 $0xFFFFC000  }
0x3df: {  	[hbm4b:s21+s2] =	stream.linear.scatter [tilespmem:s13], [sflag:$0x2], $0x4000, $0x38;
	[tilespmem:$0x1CE00] =	vst v63  }
0x3e0: {  	_ =	swait.ge [sflag:s4], $0x4000  }
0x3e1: {  	[sflag:s4] =	ssyncset.done $0x0  }
0x3e2: {  	[sflag:s4] =	ssyncadd.s32 $0xFFFFC000  }
0x3e3: {  	[tilespmem:s28], [sflag:$0x3] =	stream.linear.gather [hbm4b:s20+s2], $0x200, $0x38;
	[tilespmem:$0x1CE00] =	vst v63  }
0x3e4: {  	_ =	swait.ge [sflag:s22], $0x200  }
0x3e5: {  	[sflag:s22] =	ssyncset.done $0x0  }
0x3e6: {  	[sflag:s22] =	ssyncadd.s32 $0xFFFFFE00  }
0x3e7: {  	[tilespmem:s13], [sflag:$0x1] =	stream.indirect.gather [hbm4b:s3+s23], $0x20, s28, s23, $0xb8;
	[tilespmem:$0x1CE00] =	vst v63  }
0x3e8: {  	_ =	swait.ge [sflag:s18], $0x4000  }
0x3e9: {  	[sflag:s18] =	ssyncset.done $0x0  }
0x3ea: {  	[sflag:s18] =	ssyncadd.s32 $0xFFFFC000  }
0x3eb: {  	[hbm4b:s19+s2] =	stream.linear.scatter [tilespmem:s10], [sflag:$0x2], $0x4000, $0x38;
	[tilespmem:$0x1CE00] =	vst v63  }
0x3ec: {  	_ =	swait.ge [sflag:s4], $0x4000  }
0x3ed: {  	[sflag:s4] =	ssyncset.done $0x0  }
0x3ee: {  	[sflag:s4] =	ssyncadd.s32 $0xFFFFC000  }
0x3ef: {  	[tilespmem:s24], [sflag:$0x3] =	stream.linear.gather [hbm4b:s16+s2], $0x200, $0x38;
	[tilespmem:$0x1CE00] =	vst v63  }
0x3f0: {  	_ =	swait.ge [sflag:s22], $0x200  }
0x3f1: {  	[sflag:s22] =	ssyncset.done $0x0  }
0x3f2: {  	[sflag:s22] =	ssyncadd.s32 $0xFFFFFE00  }
0x3f3: {  	[tilespmem:s10], [sflag:$0x1] =	stream.indirect.gather [hbm4b:s3+s23], $0x20, s24, s23, $0xb8;
	[tilespmem:$0x1CE00] =	vst v63  }
0x3f4: {  	_ =	swait.ge [sflag:s18], $0x4000  }
0x3f5: {  	[sflag:s18] =	ssyncset.done $0x0  }
0x3f6: {  	[sflag:s18] =	ssyncadd.s32 $0xFFFFC000  }
0x3f7: {  	[hbm4b:s11+s2] =	stream.linear.scatter [tilespmem:s26], [sflag:$0x2], $0x4000, $0x38;
	[tilespmem:$0x1CE00] =	vst v63  }
0x3f8: {  	_ =	swait.ge [sflag:s18], $0x4000  }
0x3f9: {  	[sflag:s18] =	ssyncset.done $0x0  }
0x3fa: {  	[sflag:s18] =	ssyncadd.s32 $0xFFFFC000  }
0x3fb: {  	[hbm4b:s12+s2] =	stream.linear.scatter [tilespmem:s25], [sflag:$0x2], $0x4000, $0x38;
	[tilespmem:$0x1CE00] =	vst v63  }
0x3fc: {  	_ =	swait.ge [sflag:s18], $0x4000  }
0x3fd: {  	[sflag:s18] =	ssyncset.done $0x0  }
0x3fe: {  	[sflag:s18] =	ssyncadd.s32 $0xFFFFC000  }
0x3ff: {  	[hbm4b:s9+s2] =	stream.linear.scatter [tilespmem:s17], [sflag:$0x2], $0x4000, $0x38;
	[tilespmem:$0x1CE00] =	vst v63  }
0x400: {  	_ =	swait.ge [sflag:s18], $0x4000  }
0x401: {  	[sflag:s18] =	ssyncset.done $0x0  }
0x402: {  	[sflag:s18] =	ssyncadd.s32 $0xFFFFC000  }
0x403: {  	[hbm4b:s7+s2] =	stream.linear.scatter [tilespmem:s15], [sflag:$0x2], $0x4000, $0x38;
	[tilespmem:$0x1CE00] =	vst v63  }
0x404: {  	_ =	swait.ge [sflag:s18], $0x4000  }
0x405: {  	[sflag:s18] =	ssyncset.done $0x0  }
0x406: {  	[sflag:s18] =	ssyncadd.s32 $0xFFFFC000  }
0x407: {  	[hbm4b:s8+s2] =	stream.linear.scatter [tilespmem:s14], [sflag:$0x2], $0x4000, $0x38;
	[tilespmem:$0x1CE00] =	vst v63  }
0x408: {  	_ =	swait.ge [sflag:s18], $0x4000  }
0x409: {  	[sflag:s18] =	ssyncset.done $0x0  }
0x40a: {  	[sflag:s18] =	ssyncadd.s32 $0xFFFFC000  }
0x40b: {  	[hbm4b:s6+s2] =	stream.linear.scatter [tilespmem:s13], [sflag:$0x2], $0x4000, $0x38;
	[tilespmem:$0x1CE00] =	vst v63  }
0x40c: {  	_ =	swait.ge [sflag:s18], $0x4000  }
0x40d: {  	[sflag:s18] =	ssyncset.done $0x0  }
0x40e: {  	[sflag:s18] =	ssyncadd.s32 $0xFFFFC000  }
0x40f: {  	[hbm4b:s5+s2] =	stream.linear.scatter [tilespmem:s10], [sflag:$0x2], $0x4000, $0x38;
	[tilespmem:$0x1CE00] =	vst v63  }
0x410: {  	_ =	swait.ge [sflag:s4], $0x4000  }
0x411: {  	[sflag:s4] =	ssyncset.done $0x0  }
0x412: {  	[sflag:s4] =	ssyncadd.s32 $0xFFFFC000  }
0x413: {  	_ =	swait.ge [sflag:s4], $0x4000  }
0x414: {  	[sflag:s4] =	ssyncset.done $0x0  }
0x415: {  	[sflag:s4] =	ssyncadd.s32 $0xFFFFC000  }
0x416: {  	_ =	swait.ge [sflag:s4], $0x4000  }
0x417: {  	[sflag:s4] =	ssyncset.done $0x0  }
0x418: {  	[sflag:s4] =	ssyncadd.s32 $0xFFFFC000  }
0x419: {  	_ =	swait.ge [sflag:s4], $0x4000  }
0x41a: {  	[sflag:s4] =	ssyncset.done $0x0  }
0x41b: {  	[sflag:s4] =	ssyncadd.s32 $0xFFFFC000  }
0x41c: {  	_ =	swait.ge [sflag:s4], $0x4000  }
0x41d: {  	[sflag:s4] =	ssyncset.done $0x0  }
0x41e: {  	[sflag:s4] =	ssyncadd.s32 $0xFFFFC000  }
0x41f: {  	_ =	swait.ge [sflag:s4], $0x4000  }
0x420: {  	[sflag:s4] =	ssyncset.done $0x0  }
0x421: {  	[sflag:s4] =	ssyncadd.s32 $0xFFFFC000  }
0x422: {  	_ =	swait.ge [sflag:s4], $0x4000  }
0x423: {  	[sflag:s4] =	ssyncset.done $0x0  }
0x424: {  	[sflag:s4] =	ssyncadd.s32 $0xFFFFC000  }
0x425: {  	_ =	sfence.sel $0x180000  }
0x426: {  	[bflag:$0x0] =	sbarrier.arrive $0xFFFF  }
0x427: {  	_ =	strace $0x90000047  }
0x428: {  	s31 =	stileid.u32;
	[bflag:$0x2] =	sbarrier.arrive $0xFFFF  }
0x429: {  	p0 =	sne.s32 s31, $0x0;
	s0 =	rddreg [dreg:$0x2]  }
0x42a: {  	s0 =	sadd.s32 @!p0 $0x100000, s0  }
0x42b: {  	[sflag:s0] =	ssyncadd.tile.s32 @!p0 $0x1;
	_ =	shalt  }
.Lfunc_end2:
_tile_overlayer_lowered:
.L_overlay_start_2:
0x42c: {  	(tag) =	ssettag $0x2  }
0x42d: {  	s0 =	rddreg [dreg:$0x0];
	s2 =	stileid.u32  }
0x42e: {  	s1 =	rddreg [dreg:$0x1];
	p0 =	sne.s32 s2, $0x0  }
0x42f: {  	s3 =	rddreg [dreg:$0x2];
	[bflag:$0x3] =	sbarrier.arrive $0xFFFF;
	s2 =	simm.s32 @!p0 $0x1C03  }
0x430: {  	[timem:s3], [sflag:s2] =	dma.local @!p0 [hbm:s0], s1  }
0x431: {  	s0 =	simm.s32 @!p0 $0x3  }
0x432: {  	_ =	swait.ge @!p0 [sflag:s0], s1  }
0x433: {  	s1 =	ssub.s32 @!p0 $0x0, s1;
	[sflag:s0] =	ssyncset.done @!p0 $0x0  }
0x434: {  	[sflag:s0] =	ssyncadd.s32 @!p0 s1  }
0x435: {  	[bflag:$0x3] =	sbarrier.arrive $0xFFFF  }
0x436: {  	_ =	shalt  }

// kernel: sparse-core-data-format-call.cloned.1.call-start
scs
called_computation_lowered:
.L_overlay_start_0:
0x0: {  	s2 =	sld [smem:$0x3FD9]  }
0x1: {  	s3 =	sld [smem:$0x3FFE];
	_ =	sdelay $0x1  }
0x2: {  	s1 =	srdreg.scid  }
0x3: {  	s0 =	sand.u32 $0x1, s1  }
0x4: {  	s18 =	sshll.u32 s0, $0xA;
	s2 =	sadd.s32 s3, s2  }
0x5: {  	s2 =	sadd.s32 s2, s18  }
0x6: {  	[smem:$0x3FC6] =	sst s2  }
0x7: {  	_ = 	snop  }
0x8: {  	s2 =	sld [smem:$0x3FD0];
	(tm) =	ssettm $0x1  }
0x9: {  	s19 =	sld [smem:$0x3FFB];
	_ =	sdelay $0x3  }
0xa: {  	_ =	strace s19  }
0xb: {  	s3 =	sld [smem:$0x3FFC];
	_ =	sdelay $0x3  }
0xc: {  	_ =	strace s3  }
0xd: {  	s3 =	sld [smem:$0x3FFD];
	_ =	sdelay $0x3  }
0xe: {  	_ =	strace s3  }
0xf: {  	_ =	strace $0x8FFFFFFF  }
0x10: {  	s20 =	sld [smem:$0x3FDB];
	_ =	sdelay $0x1  }
0x11: {  	s4 =	simm.s32 $_scs_section_size  }
0x12: {  	s5 =	simm.s32 $_size__tile_overlayer_lowered;
	s6 =	simm.s32 $_tile_overlayer_lowered  }
0x13: {  	s23 =	simm.s32 $0x1BFF;
	s22 =	sshll.u32 s6, $0x1;
	s3 =	sadd.s32 s4, s20  }
0x14: {  	s7 =	simm.s32 $0x0;
	s21 =	sshll.u32 s5, $0x1;
	s5 =	sadd.s32 s22, s3  }
0x15: {  	[timem:s7], [sflag:s23] =	dma.local [hbm:s5], s21  }
0x16: {  	_ =	swait.ge [sflag:s23], s21  }
0x17: {  	s4 =	ssub.s32 $0x0, s21;
	[sflag:s23] =	ssyncset.done $0x0  }
0x18: {  	[sflag:s23] =	ssyncadd.s32 s4;
	_ =	sdelay $0x1  }
0x19: {  	s24 =	simm.s32 $0x1B8B  }
0x1a: {  	_ =	swait.ge [sflag:s24], $0x1  }
0x1b: {  	[sflag:s24] =	ssyncset.done $0x0  }
0x1c: {  	s26 =	simm.s32 $0x1B8E;
	s25 =	sld [smem:$0x3FFE];
	[sflag:s24] =	ssyncadd.s32 $0xFFFFFFFF  }
0x1d: {  	s27 =	simm.s32 $execute0_lowered;
	[smem:$0x3FD2] =	sst s26  }
0x1e: {  	s5 =	sshll.u32 s27, $0x1;
	_ =	strace $0x80000049;
	[dreg:$0x1] =	wrdreg $0xFFFFFFFF  }
0x1f: {  	s28 =	simm.s32 $_size_execute0_lowered;
	s3 =	sadd.s32 s3, s5;
	[dreg:$0x0] =	wrdreg $0x0  }
0x20: {  	s5 =	sshll.u32 s28, $0x1;
	[dreg:$0x2] =	wrdreg s3  }
0x21: {  	[dreg:$0x3] =	wrdreg s5  }
0x22: {  	[dreg:$0x4] =	wrdreg $0xC0  }
0x23: {  	_ =	task [dreg:s7], $0x5FFFF  }
0x24: {  	[dreg:$0x1] =	wrdreg $0xFFFFFFFF  }
0x25: {  	[dreg:$0x0] =	wrdreg $0x60  }
0x26: {  	[dreg:$0x2] =	wrdreg s25  }
0x27: {  	[dreg:$0x3] =	wrdreg s2  }
0x28: {  	[dreg:$0x4] =	wrdreg $0x9  }
0x29: {  	_ =	task.clear_ibuf [dreg:s7], $0x5FFFF;
	_ =	strace $0x90000049  }
0x2a: {  	s29 =	simm.s32 $0x9;
	_ =	strace $0x8000004B  }
0x2b: {  	_ =	swait.ge [sflag:s29], $0x1  }
0x2c: {  	[sflag:s29] =	ssyncadd.s32 $0xFFFFFFFF  }
0x2d: {  	_ =	strace $0x9000004B  }
0x2e: {  	_ =	sfence  }
0x2f: {  	s30 =	sld [smem:$0x0];
	_ =	sdelay $0x2  }
0x30: {  	s31 =	sshll.u32 s1, $0xD;
	s1 =	sshrl.u32 s1, $0x2  }
0x31: {  	s3 =	sand.u32 $0x4000, s31;
	s1 =	sadd.s32 s1, s30  }
0x32: {  	s0 =	sor.u32 s3, s0;
	s1 =	sshll.u32 s1, $0x11  }
0x33: {  	s0 =	sor.u32 s1, s0  }
0x34: {  	s0 =	sadd.s32 $0x8F2B, s0  }
0x35: {  	[sflag:s0] =	ssyncadd.remote.s32 $0x1  }
0x36: {  	_ =	sfence.sel $0xFFFF  }
0x37: {  	[dreg:$0x0] =	wrdreg $0xFFFFFFFF;
	(pc) =	sbr.abs _section_cstart, $3  }
0x38: {  	[dreg:$0x1] =	wrdreg $0xFFFFFFFF  }
0x39: {  	_ =	task.clear_ibuf [dreg:s7], $0x2FFFF;
	_ =	strace $0x9FFFFFFF  }
0x3a: {  	(tm) =	ssettm $0x7FFFFFFF  }
0x3b: {  	_ =	shalt  }
tec
execute0_lowered:
.L_overlay_start_1:
0x0: {  	(tag) =	ssettag $0x1  }
0x1: {  	s0 =	srdreg.scid  }
0x2: {  	s1 =	sshll.u32 s0, $0x4  }
0x3: {  	s0 =	stileid.u32;
	s1 =	sand.u32 $0x10, s1  }
0x4: {  	s1 =	sor.u32 s0, s1  }
0x5: {  	s6 =	rddreg [dreg:$0x0];
	s4 =	simm.s32 $0x1;
	s2 =	sshll.u32 s1, $0x7  }
0x6: {  	s7 =	simm.s32 $0x2;
	s12 =	simm.s32 $0x0;
	s1 =	ssub.s32 $0x4000, s2  }
0x7: {  	s8 =	simm.s32 $0x20000;
	s13 =	simm.s32 $0x0;
	s3 =	sand.u32 $0xF80, s1  }
0x8: {  	s9 =	simm.s32 $0x0;
	s5 =	sshrl.u32 s1, $0xC;
	p0 =	sne.s32 s3, $0x0  }
.Ltmp0:
0x9: {  	s1 =	rddreg [dreg:$0x2];
	s4 =	simm.s32 @!p0 $0x0;
	(pc) =	sbr.rel .LBB1_1-.Ltmp0, $4  }
0xa: {  	s11 =	simm.s32 $0x0;
	s3 =	rddreg [dreg:$0x1];
	s5 =	sadd.s32 s4, s5  }
0xb: {  	_ =	strace $0x8000004A;
	s4 =	simm.s32 $0x1;
	s5 =	smul.u32 $0x1A, s5  }
0xc: {  	s6 =	sadd.s32 $0xA00, s6;
	s10 =	smov.u32 s2;
	[sflag:s4] =	ssyncpa.u1 $0x0  }
0xd: {  	p0 =	por $0x0, $0x0;
	[sflag:s7] =	ssyncpa.u1 $0x0;
	s7 =	sor.u32 $0x1, s5  }
.LBB1_4:
0xe: {  	s16 =	sshll.u32 s13, $0x3;
	s17 =	sand.u32 $0x78, s13  }
0xf: {  	s30 =	sand.u32 $0xF800, s13;
	s12 =	sshll.u32 s12, $0x10;
	s16 =	sand.u32 $0x3C00, s16  }
0x10: {  	s31 =	sand.u32 $0x7, s13;
	s16 =	sor.u32 s17, s16;
	s17 =	sadd.s32 s3, s30  }
0x11: {  	s13 =	sshll.u32 s31, $0x12;
	s16 =	sshrl.u32 s16, $0x3;
	s12 =	sadd.s32 s12, s17  }
0x12: {  	[tilespmem:s15+$0x0 ss:$0x81] =	vst.msk $0xffff, v0;
	s13 =	sor.u32 $0x400, s13;
	s12 =	sadd.s32 s16, s12  }
0x13: {  	[hbm4b:s12+s13] =	stream.strided.scatter [tilespmem:s14], [sflag:$0x2], $0x1000, s8, s13, $0x20;
	[tilespmem:$0x4040] =	vst v63  }
.LBB1_5:
0x14: {  	s14 =	sadd.s32 $0x1, s9  }
0x15: {  	s12 =	sadd.s32 $0x1000, s10;
	s16 =	smov.u32 s10;
	p2 =	sgt.s32 s14, $0x19  }
0x16: {  	s16 =	smov.u32 @p2 s12  }
0x17: {  	s14 =	simm.s32 @p2 $0x0;
	p2 =	sgt.s32 s16, $0x3FFF  }
0x18: {  	s16 =	smov.u32 @p2 s2;
	p2 =	sne.s32 s11, s7  }
.Ltmp1:
0x19: {  	p1 =	slt.u32 s11, $0x2;
	(pc) =	sbr.rel @!p2 .LBB1_6-.Ltmp1, $4  }
0x1a: {  	s15 =	simm.s32 @!p1 $0x2  }
0x1b: {  	s13 =	smov.u32 s10;
	p0 =	por !p0, !p0;
	_ =	swait.ge @!p1 [sflag:s15], $0x1000  }
0x1c: {  	s12 =	smov.u32 s9;
	[sflag:s15] =	ssyncset.done @!p1 $0x0;
	s9 =	smov.u32 s14  }
0x1d: {  	s11 =	sadd.s32 $0x1, s11;
	[sflag:s15] =	ssyncadd.s32 @!p1 $0xFFFFF000;
	s10 =	smov.u32 s16  }
.LBB1_1:
0x1e: {  	p1 =	sge.u32 s11, s5  }
0x1f: {  	s31 =	sadd.s32 $0xFFFFFFFF, s11;
	s14 =	sxor.u32 @!p1 $0xFFFFFFFF, s11  }
0x20: {  	s15 =	sshll.u32 @!p1 s10, $0x9;
	s16 =	sshll.u32 @!p1 s9, $0x4;
	s17 =	simm.s32 @!p1 $0x1000  }
0x21: {  	s14 =	sshll.u32 @!p1 s14, $0xC;
	s16 =	sand.u32 @!p1 $0x1F0, s16;
	s15 =	sadd.s32 @!p1 s6, s15  }
0x22: {  	s14 =	sand.u32 @!p1 $0x1000, s14;
	s15 =	sadd.s32 @!p1 s16, s15;
	s16 =	simm.s32 @!p1 $0x20  }
0x23: {  	[tilespmem:s14], [sflag:$0x1] =	stream.strided.gather @!p1 [hbm4b:s15+s16], $0x1000, s17, s16, $0x38;
	[tilespmem:$0x4040] =	vst v63  }
0x24: {  	p1 =	sge.u32 s31, s5  }
.Ltmp2:
0x25: {  	_ = 	snop;
	(pc) =	sbr.rel @p1 .LBB1_5-.Ltmp2, $1  }
0x26: {  	_ =	sdelay $0x3  }
0x27: {  	s14 =	simm.s32 $0x1  }
0x28: {  	_ =	swait.ge [sflag:s4], $0x1000;
	s14 =	simm.s32 @!p0 $0x0  }
0x29: {  	[sflag:s4] =	ssyncset.done $0x0;
	s15 =	sshll.u32 s14, $0xC  }
0x2a: {  	[sflag:s4] =	ssyncadd.s32 $0xFFFFF000;
	s18 =	sor.u32 $0x10, s15  }
0x2b: {  	s14 =	smul.u32 $0x4080, s14;
	v1 =	vld [tilespmem:s18+$0x0]  }
0x2c: {  	s30 =	sand.u32 $0x1, s11;
	v0 =	vld [tilespmem:s18+$0xFFFFFFF0]  }
0x2d: {  	s15 =	smul.u32 $0x4080, s30;
	s14 =	sshrl.u32 s14, $0x2  }
0x2e: {  	s16 =	sor.u32 $0x2000, s14  }
0x2f: {  	s31 =	sshrl.u32 s15, $0x2;
	s15 =	sadd.s32 $0x0, s16  }
0x30: {  	s17 =	simm.s32 $0x4;
	s18 =	sadd.s32 $0x20, s18;
	s14 =	sor.u32 $0x2000, s31;
	[tilespmem:s15+$0x810 ss:$0x81] =	vst.msk $0xffff, v1  }
.LBB1_3:
0x31: {  	v1 =	vld [tilespmem:s18+$0x0];
	p1 =	sne.s32 s17, $0x1FC;
	[tilespmem:s15+$0x0 ss:$0x81] =	vst.msk $0xffff, v0;
	s15 =	smov.u32 s17;
	s17 =	sadd.s32 $0x4, s17  }
.Ltmp3:
0x32: {  	v0 =	vld [tilespmem:s18+$0xFFFFFFF0];
	(pc) =	sbr.rel @p1 .LBB1_3-.Ltmp3, $4  }
0x33: {  	_ = 	snop  }
0x34: {  	s15 =	sshra.s32 s15, $0x2  }
0x35: {  	s15 =	sadd.s32 s15, s16  }
0x36: {  	s18 =	sadd.s32 $0x20, s18;
	[tilespmem:s15+$0x810 ss:$0x81] =	vst.msk $0xffff, v1  }
.Ltmp4:
0x37: {  	_ = 	snop;
	(pc) =	sbr.rel .LBB1_4-.Ltmp4, $1  }
0x38: {  	_ =	sdelay $0x3  }
.LBB1_6:
0x39: {  	_ =	sfence.sel $0x180000  }
0x3a: {  	s2 =	simm.s32 $0x1;
	[bflag:$0x0] =	sbarrier.arrive $0xFFFF  }
0x3b: {  	s31 =	simm.s32 $0x2;
	[sflag:s2] =	ssyncpa.u1 $0x1  }
0x3c: {  	[sflag:s31] =	ssyncpa.u1 $0x1  }
0x3d: {  	p0 =	sne.s32 s0, $0x0;
	_ =	strace $0x9000004A  }
0x3e: {  	s0 =	sadd.s32 @!p0 $0x100000, s1;
	[bflag:$0x2] =	sbarrier.arrive $0xFFFF  }
0x3f: {  	[sflag:s0] =	ssyncadd.tile.s32 @!p0 $0x1;
	_ =	shalt  }
.Lfunc_end1:
_tile_overlayer_lowered:
.L_overlay_start_2:
0x40: {  	(tag) =	ssettag $0x2  }
0x41: {  	s0 =	rddreg [dreg:$0x0];
	s2 =	stileid.u32  }
0x42: {  	s1 =	rddreg [dreg:$0x1];
	p0 =	sne.s32 s2, $0x0  }
0x43: {  	s3 =	rddreg [dreg:$0x2];
	[bflag:$0x3] =	sbarrier.arrive $0xFFFF;
	s2 =	simm.s32 @!p0 $0x1C01  }
0x44: {  	[timem:s3], [sflag:s2] =	dma.local @!p0 [hbm:s0], s1  }
0x45: {  	s0 =	simm.s32 @!p0 $0x1  }
0x46: {  	_ =	swait.ge @!p0 [sflag:s0], s1  }
0x47: {  	s1 =	ssub.s32 @!p0 $0x0, s1;
	[sflag:s0] =	ssyncset.done @!p0 $0x0  }
0x48: {  	[sflag:s0] =	ssyncadd.s32 @!p0 s1  }
0x49: {  	[bflag:$0x3] =	sbarrier.arrive $0xFFFF  }
0x4a: {  	_ =	shalt  }

</sc_bundles>
